<compile_context>
chip_gen: v7x
topology: tpu7x:2x2x1
jax: 0.10.2.dev20260603
libtpu: 0.0.44.dev20260713+nightly
codegen_flags: <defaults>
</compile_context>

<pallas_src>
import jax
import jax.numpy as jnp
from jax import lax
from jax.experimental import pallas as pl
from jax.experimental.pallas import tpu as pltpu
from jax.experimental.pallas import tpu_sc as plsc

N = 10000
E = 160000
D_IN = 256
D_H = 512
NG = 16

NT = 16
NPAD = 10240
RPT = NPAD // NT
K = 128
STEPS = 80
EPT = K * STEPS
EPAD = NT * EPT
RB = 256
GRID = NPAD // RB


def _sc_agg_body(y, pidxr, zinit, out, pidx, sb0, sb1, db, rows0, rows1,
                 aggsh, sg0, sg1):
    c = lax.axis_index("c")
    s = lax.axis_index("s")
    r0 = s * RPT
    T = STEPS // 2
    pltpu.sync_copy(pidxr.at[s], pidx)

    def unpack_src(j, buf):
        for i in range(K // 16):
            v = pidx[j, pl.ds(16 * i, 16)]
            buf[pl.ds(16 * i, 16)] = jnp.bitwise_and(v, 0xFFFF)

    def unpack_dst(j, buf):
        for i in range(K // 16):
            v = pidx[j, pl.ds(16 * i, 16)]
            buf[pl.ds(16 * i, 16)] = lax.shift_right_logical(v, 16)

    q = c
    pltpu.sync_copy(zinit.at[pl.ds(r0, RPT)], aggsh.at[pl.ds(r0, RPT)])
    plsc.subcore_barrier()

    unpack_src(0, sb0)
    pltpu.async_copy(y.at[q].at[sb0], rows0, sg0)
    unpack_src(1, sb1)
    pltpu.async_copy(y.at[q].at[sb1], rows1, sg1)

    def step2(t, carry):
        j0 = 2 * t
        more = t + 1 < T
        unpack_dst(j0, db)
        pltpu.make_async_copy(y.at[q].at[sb0], rows0, sg0).wait()
        pltpu.sync_copy(rows0, aggsh.at[db], add=True)

        @pl.when(more)
        def _():
            unpack_src(j0 + 2, sb0)
            pltpu.async_copy(y.at[q].at[sb0], rows0, sg0)
        unpack_dst(j0 + 1, db)
        pltpu.make_async_copy(y.at[q].at[sb1], rows1, sg1).wait()
        pltpu.sync_copy(rows1, aggsh.at[db], add=True)

        @pl.when(more)
        def _():
            unpack_src(j0 + 3, sb1)
            pltpu.async_copy(y.at[q].at[sb1], rows1, sg1)
        return carry
    lax.fori_loop(0, T, step2, 0)
    plsc.subcore_barrier()
    pltpu.sync_copy(aggsh.at[pl.ds(r0, RPT)], out.at[q, pl.ds(r0, RPT)])


S2 = STEPS // 2


def _make_sc_agg0():
    mesh = plsc.VectorSubcoreMesh(core_axis_name="c", subcore_axis_name="s",
                                  num_cores=2, num_subcores=NT)
    out_type = [jax.ShapeDtypeStruct((2, NPAD, 2, 128), jnp.bfloat16)]
    scratch = [
        pltpu.VMEM((S2, K), jnp.int32),
        pltpu.VMEM((K,), jnp.int32),
        pltpu.VMEM((K,), jnp.int32),
        pltpu.VMEM((K,), jnp.int32),
        pltpu.VMEM((K, 2, 128), jnp.bfloat16),
        pltpu.VMEM((K, 2, 128), jnp.bfloat16),
        pltpu.VMEM_SHARED((NPAD, 2, 128), jnp.bfloat16),
        pltpu.SemaphoreType.DMA,
        pltpu.SemaphoreType.DMA,
    ]

    def body(y, pidxr, zinit, out, pidx, sb0, sb1, db, rows0, rows1,
             aggsh, sg0, sg1):
        c = lax.axis_index("c")
        s = lax.axis_index("s")
        r0 = s * RPT
        T = S2 // 2
        pltpu.sync_copy(pidxr.at[c * NT + s], pidx)

        def unpack_src(j, buf):
            for i in range(K // 16):
                v = pidx[j, pl.ds(16 * i, 16)]
                buf[pl.ds(16 * i, 16)] = jnp.bitwise_and(v, 0xFFFF)

        def unpack_dst(j, buf):
            for i in range(K // 16):
                v = pidx[j, pl.ds(16 * i, 16)]
                buf[pl.ds(16 * i, 16)] = lax.shift_right_logical(v, 16)

        pltpu.sync_copy(zinit.at[pl.ds(r0, RPT)], aggsh.at[pl.ds(r0, RPT)])
        plsc.subcore_barrier()

        unpack_src(0, sb0)
        pltpu.async_copy(y.at[sb0], rows0, sg0)
        unpack_src(1, sb1)
        pltpu.async_copy(y.at[sb1], rows1, sg1)

        def step2(t, carry):
            j0 = 2 * t
            more = t + 1 < T
            unpack_dst(j0, db)
            pltpu.make_async_copy(y.at[sb0], rows0, sg0).wait()
            pltpu.sync_copy(rows0, aggsh.at[db], add=True)

            @pl.when(more)
            def _():
                unpack_src(j0 + 2, sb0)
                pltpu.async_copy(y.at[sb0], rows0, sg0)
            unpack_dst(j0 + 1, db)
            pltpu.make_async_copy(y.at[sb1], rows1, sg1).wait()
            pltpu.sync_copy(rows1, aggsh.at[db], add=True)

            @pl.when(more)
            def _():
                unpack_src(j0 + 3, sb1)
                pltpu.async_copy(y.at[sb1], rows1, sg1)
            return carry
        lax.fori_loop(0, T, step2, 0)
        plsc.subcore_barrier()
        pltpu.sync_copy(aggsh.at[pl.ds(r0, RPT)], out.at[c, pl.ds(r0, RPT)])

    return pl.kernel(body, out_type=out_type, mesh=mesh,
                     scratch_types=scratch,
                     compiler_params=pltpu.CompilerParams(
                         use_tc_tiling_on_sc=False))


def _make_sc_agg_bf16():
    mesh = plsc.VectorSubcoreMesh(core_axis_name="c", subcore_axis_name="s",
                                  num_cores=2, num_subcores=NT)
    out_type = [jax.ShapeDtypeStruct((2, NPAD, 2, 128), jnp.bfloat16)]
    scratch = [
        pltpu.VMEM((STEPS, K), jnp.int32),
        pltpu.VMEM((K,), jnp.int32),
        pltpu.VMEM((K,), jnp.int32),
        pltpu.VMEM((K,), jnp.int32),
        pltpu.VMEM((K, 2, 128), jnp.bfloat16),
        pltpu.VMEM((K, 2, 128), jnp.bfloat16),
        pltpu.VMEM_SHARED((NPAD, 2, 128), jnp.bfloat16),
        pltpu.SemaphoreType.DMA,
        pltpu.SemaphoreType.DMA,
    ]

    def body(y, pidxr, zinit, out, pidx, sb0, sb1, db, rows0, rows1,
             aggsh, sg0, sg1):
        _sc_agg_body(y, pidxr, zinit, out, pidx, sb0, sb1, db, rows0, rows1,
                     aggsh, sg0, sg1)

    return pl.kernel(body, out_type=out_type, mesh=mesh,
                     scratch_types=scratch,
                     compiler_params=pltpu.CompilerParams(
                         use_tc_tiling_on_sc=False))


def _make_sc_cnt():
    mesh = plsc.VectorSubcoreMesh(core_axis_name="c", subcore_axis_name="s",
                                  num_cores=2, num_subcores=NT)
    out_type = [jax.ShapeDtypeStruct((2, NPAD, 128), jnp.float32)]
    scratch = [
        pltpu.VMEM((S2, K), jnp.int32),
        pltpu.VMEM((K, 128), jnp.float32),
        pltpu.VMEM_SHARED((NPAD, 128), jnp.float32),
        pltpu.SemaphoreType.DMA,
    ]

    def body(dstr, z128, ones_h, cnt_out, idx_d, ones_v, cntsh, sem):
        c = lax.axis_index("c")
        s = lax.axis_index("s")
        r0 = s * RPT
        pltpu.sync_copy(dstr.at[c * NT + s], idx_d)
        pltpu.sync_copy(ones_h, ones_v)
        pltpu.sync_copy(z128.at[pl.ds(r0, RPT)], cntsh.at[pl.ds(r0, RPT)])
        plsc.subcore_barrier()

        def step(j, carry):
            pltpu.async_copy(ones_v, cntsh.at[idx_d.at[j]], sem, add=True)
            return carry
        lax.fori_loop(0, S2, step, 0)

        def drain(j, carry):
            pltpu.make_async_copy(ones_v, cntsh.at[idx_d.at[j]], sem).wait()
            return carry
        lax.fori_loop(0, S2, drain, 0)
        plsc.subcore_barrier()
        pltpu.sync_copy(cntsh.at[pl.ds(r0, RPT)], cnt_out.at[c, pl.ds(r0, RPT)])

    return pl.kernel(body, out_type=out_type, mesh=mesh,
                     scratch_types=scratch)


_SC_AGG0 = _make_sc_agg0()
_SC_AGG_BF16 = _make_sc_agg_bf16()
_SC_CNT = _make_sc_cnt()


def _make_tc_layer(din, last, agg_bf16):
    nin = din // 128

    def body(*refs):
        if last:
            (agg_ref, cnt_ref, h_ref, wl_ref, b_ref, wr_ref, bt_ref,
             h_out, g_out) = refs
        else:
            (agg_ref, cnt_ref, h_ref, wl_ref, b_ref, wr_ref, a_ref,
             h_out, hch_out) = refs
        if agg_bf16:
            aggf = jnp.concatenate(
                [agg_ref[qq].reshape(RB, din // 2) for qq in range(2)],
                axis=1).astype(jnp.float32)
        else:
            aggf = (agg_ref[0].astype(jnp.float32)
                    + agg_ref[1].astype(jnp.float32)).reshape(RB, din)
        cnt = cnt_ref[0, :, 0:1] + cnt_ref[1, :, 0:1]
        mean = aggf * (1.0 / jnp.maximum(cnt, 1.0))
        out = (jnp.dot(mean, wl_ref[...], preferred_element_type=jnp.float32)
               + b_ref[...]
               + jnp.dot(h_ref[...], wr_ref[...],
                         preferred_element_type=jnp.float32))
        if not last:
            a = a_ref[...]
            out = jnp.where(out >= 0.0, out, a * out)
            h_out[...] = out
            for qq in range(2):
                hch_out[qq] = out[:, qq * 256:(qq + 1) * 256].reshape(
                    RB, 2, 128).astype(jnp.bfloat16)
        else:
            h_out[...] = out
            i = pl.program_id(0)

            @pl.when(i == 0)
            def _():
                g_out[...] = jnp.full((NG, D_H), -jnp.inf, jnp.float32)
            bt = bt_ref[...]
            loc = jnp.stack(
                [jnp.max(jnp.where(bt == gg, out, -jnp.inf), axis=0)
                 for gg in range(NG)], axis=0)
            g_out[...] = jnp.maximum(g_out[...], loc)

    agg_spec = pl.BlockSpec((2, RB, 2, 128), lambda i: (0, i, 0, 0))
    in_specs = [
        agg_spec,
        pl.BlockSpec((2, RB, 128), lambda i: (0, i, 0)),
        pl.BlockSpec((RB, din), lambda i: (i, 0)),
        pl.BlockSpec((din, D_H), lambda i: (0, 0)),
        pl.BlockSpec((1, D_H), lambda i: (0, 0)),
        pl.BlockSpec((din, D_H), lambda i: (0, 0)),
    ]
    if last:
        in_specs.append(pl.BlockSpec((RB, 1), lambda i: (i, 0)))
        out_specs = [
            pl.BlockSpec((RB, D_H), lambda i: (i, 0)),
            pl.BlockSpec((NG, D_H), lambda i: (0, 0)),
        ]
        out_shape = [
            jax.ShapeDtypeStruct((NPAD, D_H), jnp.float32),
            jax.ShapeDtypeStruct((NG, D_H), jnp.float32),
        ]
    else:
        in_specs.append(pl.BlockSpec((1, D_H), lambda i: (0, 0)))
        out_specs = [
            pl.BlockSpec((RB, D_H), lambda i: (i, 0)),
            pl.BlockSpec((2, RB, 2, 128), lambda i: (0, i, 0, 0)),
        ]
        out_shape = [
            jax.ShapeDtypeStruct((NPAD, D_H), jnp.float32),
            jax.ShapeDtypeStruct((2, NPAD, 2, 128), jnp.bfloat16),
        ]

    return pl.pallas_call(
        body,
        grid=(GRID,),
        in_specs=in_specs,
        out_specs=out_specs,
        out_shape=out_shape,
    )


_TC_L0 = _make_tc_layer(D_IN, last=False, agg_bf16=False)
_TC_L1 = _make_tc_layer(D_H, last=False, agg_bf16=True)
_TC_L2 = _make_tc_layer(D_H, last=True, agg_bf16=True)


@jax.jit
def kernel(x, edge_index, batch, W_l0, b_l0, W_r0, W_l1, b_l1, W_r1,
           W_l2, b_l2, W_r2, prelu_a):
    src, dst = edge_index[0], edge_index[1]
    pad_e = EPAD - E
    pad_i = jnp.arange(pad_e, dtype=jnp.int32)
    src_p = jnp.concatenate([src, pad_i % N])
    dst_p = jnp.concatenate([dst, N + (pad_i % (NPAD - N))])
    pidx_p = src_p | (dst_p << 16)
    pidx_r = pidx_p.reshape(EPT, NT).T.reshape(NT, STEPS, K)
    pidx_sp = pidx_p.reshape(EPAD // (2 * NT), 2 * NT).T.reshape(
        2 * NT, S2, K)
    dst_r = dst_p.reshape(EPAD // (2 * NT), 2 * NT).T.reshape(2 * NT, S2, K)

    x_pad = jnp.pad(x, ((0, NPAD - N), (0, 0)))
    x_ch = x_pad.reshape(NPAD, 2, 128).astype(jnp.bfloat16)
    z128 = jnp.zeros((NPAD, 128), jnp.float32)
    zb = jnp.zeros((NPAD, 2, 128), jnp.bfloat16)
    ones128 = jnp.ones((K, 128), jnp.float32)
    batch_p = jnp.pad(batch, (0, NPAD - N),
                      constant_values=NG).reshape(NPAD, 1)

    bl0 = b_l0.reshape(1, D_H)
    bl1 = b_l1.reshape(1, D_H)
    bl2 = b_l2.reshape(1, D_H)
    a_r = prelu_a.reshape(1, D_H)

    (cnt16,) = _SC_CNT(dst_r, z128, ones128)
    (agg0,) = _SC_AGG0(x_ch, pidx_sp, zb)
    h1, h1ch = _TC_L0(agg0, cnt16, x_pad, W_l0, bl0, W_r0, a_r)
    (agg1,) = _SC_AGG_BF16(h1ch, pidx_r, zb)
    h2, h2ch = _TC_L1(agg1, cnt16, h1, W_l1, bl1, W_r1, a_r)
    (agg2,) = _SC_AGG_BF16(h2ch, pidx_r, zb)
    h3, g = _TC_L2(agg2, cnt16, h2, W_l2, bl2, W_r2, batch_p)
    return h3[:N], g

# --- scband reference (transcript-rebuilt; emitter-appended) ---
"""Pipeline reference for scband-gconv-80736795230856 (READ-ONLY COPY).

The authoritative reference and input builder live on the scoring server;
editing this copy changes nothing except your own understanding.
"""

import jax, jax.numpy as jnp
import numpy as np

N = 10000
E = 160000
D_IN = 256
D_H = 512
NG = 16
NL = 3


def setup_inputs(seed: int = 0) -> dict:
    key = jax.random.key(seed)
    ks = jax.random.split(key, 16)
    x = jax.random.normal(ks[0], (N, D_IN), dtype=jnp.float32)
    edge_index = jax.random.randint(ks[1], (2, E), 0, N, dtype=jnp.int32)
    batch = jnp.sort(jax.random.randint(ks[2], (N,), 0, NG, dtype=jnp.int32))
    inp = {"x": x, "edge_index": edge_index, "batch": batch}
    dims = [(D_IN, D_H), (D_H, D_H), (D_H, D_H)]
    for i, (di, do) in enumerate(dims):
        s = 1.0 / np.sqrt(di)
        inp[f"W_l{i}"] = jax.random.uniform(ks[3 + 3 * i], (di, do), jnp.float32, -s, s)
        inp[f"b_l{i}"] = jax.random.uniform(ks[4 + 3 * i], (do,), jnp.float32, -s, s)
        inp[f"W_r{i}"] = jax.random.uniform(ks[5 + 3 * i], (di, do), jnp.float32, -s, s)
    inp["prelu_a"] = jnp.full((D_H,), 0.25, dtype=jnp.float32)
    return inp


def _sage_conv(x, src, dst, Wl, bl, Wr):
    # PyG SAGEConv (aggr='mean'): out = lin_l(mean_{j in N(i)} x_j) + lin_r(x_i)
    msgs = jnp.take(x, src, axis=0)
    agg = jax.ops.segment_sum(msgs, dst, num_segments=N)
    cnt = jax.ops.segment_sum(jnp.ones((src.shape[0],), jnp.float32), dst, num_segments=N)
    mean = agg / jnp.maximum(cnt, 1.0)[:, None]
    return mean @ Wl + bl + x @ Wr


def _prelu(h, a):
    return jnp.where(h >= 0, h, a * h)


def reference(x, edge_index, batch, W_l0, b_l0, W_r0, W_l1, b_l1, W_r1, W_l2, b_l2, W_r2, prelu_a):
    src, dst = edge_index[0], edge_index[1]
    Ws = [(W_l0, b_l0, W_r0), (W_l1, b_l1, W_r1), (W_l2, b_l2, W_r2)]
    h = x
    for i, (Wl, bl, Wr) in enumerate(Ws):
        h = _sage_conv(h, src, dst, Wl, bl, Wr)
        if i != NL - 1:
            h = _prelu(h, prelu_a)
            # dropout is inactive in eval mode (training=False)
    g = jax.ops.segment_max(h, batch, num_segments=NG)
    return (h, g)

if __name__ == "__main__":
    import jax
    _d = setup_inputs()
    print(jax.jit(kernel)(*tuple(_d.values())))

</pallas_src>

<mosaic_0001>
#map = affine_map<(d0, d1) -> (0, 0, 0)>
#map1 = affine_map<(d0, d1) -> (0, 0, 0, 0)>
module attributes {stable_mosaic.version = 14 : i64} {
  func.func @body(%arg0: i32, %arg1: i32, %arg2: memref<10240x2x128xbf16, #tpu.memory_space<hbm>>, %arg3: memref<32x40x128xi32, #tpu.memory_space<hbm>>, %arg4: memref<10240x2x128xbf16, #tpu.memory_space<hbm>>, %arg5: memref<2x10240x2x128xbf16, #tpu.memory_space<hbm>>, %arg6: memref<40x128xi32, #tpu.memory_space<vmem>>, %arg7: memref<128xi32, #tpu.memory_space<vmem>>, %arg8: memref<128xi32, #tpu.memory_space<vmem>>, %arg9: memref<128xi32, #tpu.memory_space<vmem>>, %arg10: memref<128x2x128xbf16, #tpu.memory_space<vmem>>, %arg11: memref<128x2x128xbf16, #tpu.memory_space<vmem>>, %arg12: memref<10240x2x128xbf16, #tpu.memory_space<vmem_shared>>, %arg13: memref<!tpu.dma_semaphore, #tpu.memory_space<semaphore_mem>>, %arg14: memref<!tpu.dma_semaphore, #tpu.memory_space<semaphore_mem>>) attributes {dimension_semantics = [#tpu.dimension_semantics<core_parallel>, #tpu.dimension_semantics<subcore_parallel>], iteration_bounds = array<i64: 2, 16>, scalar_prefetch = 0 : i64, scratch_operands = 9 : i64, tpu.core_type = #tpu.core_type<sc_vector_subcore>, window_params = [{transform_indices = #map}, {transform_indices = #map}, {transform_indices = #map}, {transform_indices = #map1}]} {
    %mul3A = arith.constant 640 : i32
    %mul3A_0 = arith.muli %arg1, %mul3A : i32
    %mul3A_1 = arith.constant 16 : i32
    %mul3A_2 = arith.muli %arg0, %mul3A_1 : i32
    %add3A = arith.addi %mul3A_2, %arg1 : i32
    "tpu.region"() ({
      %run_scoped3A = tpu.sem_alloc : memref<!tpu.dma_semaphore, #tpu.memory_space<semaphore_mem>>
      %dma_start3A_205 = arith.constant 0 : i32
      %dma_start3A_206 = arith.constant 0 : i32
      %dma_start3A_207 = tpu.memref_slice %arg3[%add3A, %dma_start3A_205, %dma_start3A_206] : memref<32x40x128xi32, #tpu.memory_space<hbm>> -> memref<1x40x128xi32, #tpu.memory_space<hbm>>
      %dma_start3A_208 = tpu.memref_squeeze %dma_start3A_207 : memref<1x40x128xi32, #tpu.memory_space<hbm>> -> memref<40x128xi32, #tpu.memory_space<hbm>>
      %dma_start3A_209 = arith.constant 0 : i32
      %dma_start3A_210 = arith.constant 0 : i32
      %dma_start3A_211 = tpu.memref_slice %arg3[%add3A, %dma_start3A_209, %dma_start3A_210] : memref<32x40x128xi32, #tpu.memory_space<hbm>> -> memref<1x40x128xi32, #tpu.memory_space<hbm>>
      %dma_start3A_212 = tpu.memref_squeeze %dma_start3A_211 : memref<1x40x128xi32, #tpu.memory_space<hbm>> -> memref<40x128xi32, #tpu.memory_space<hbm>>
      tpu.enqueue_dma source(%dma_start3A_212 : memref<40x128xi32, #tpu.memory_space<hbm>>) target(%arg6 : memref<40x128xi32, #tpu.memory_space<vmem>>) target_semaphore(%run_scoped3A : memref<!tpu.dma_semaphore, #tpu.memory_space<semaphore_mem>>)
      %dma_wait3A = arith.constant 0 : i32
      %dma_wait3A_213 = arith.constant 0 : i32
      %dma_wait3A_214 = tpu.memref_slice %arg3[%add3A, %dma_wait3A, %dma_wait3A_213] : memref<32x40x128xi32, #tpu.memory_space<hbm>> -> memref<1x40x128xi32, #tpu.memory_space<hbm>>
      %dma_wait3A_215 = tpu.memref_squeeze %dma_wait3A_214 : memref<1x40x128xi32, #tpu.memory_space<hbm>> -> memref<40x128xi32, #tpu.memory_space<hbm>>
      %dma_wait3A_216 = arith.constant 0 : i32
      %dma_wait3A_217 = arith.constant 0 : i32
      %dma_wait3A_218 = tpu.memref_slice %arg3[%add3A, %dma_wait3A_216, %dma_wait3A_217] : memref<32x40x128xi32, #tpu.memory_space<hbm>> -> memref<1x40x128xi32, #tpu.memory_space<hbm>>
      %dma_wait3A_219 = tpu.memref_squeeze %dma_wait3A_218 : memref<1x40x128xi32, #tpu.memory_space<hbm>> -> memref<40x128xi32, #tpu.memory_space<hbm>>
      tpu.wait_dma2 semaphore(%run_scoped3A : memref<!tpu.dma_semaphore, #tpu.memory_space<semaphore_mem>>) src(%dma_wait3A_219 : memref<40x128xi32, #tpu.memory_space<hbm>>) dst(%arg6 : memref<40x128xi32, #tpu.memory_space<vmem>>)
      tpu.yield
    }) : () -> ()
    "tpu.region"() ({
      %run_scoped3A = tpu.sem_alloc : memref<!tpu.dma_semaphore, #tpu.memory_space<semaphore_mem>>
      %dma_start3A_205 = arith.constant 0 : i32
      %dma_start3A_206 = arith.constant 0 : i32
      %dma_start3A_207 = tpu.memref_slice %arg12[%mul3A_0, %dma_start3A_205, %dma_start3A_206] : memref<10240x2x128xbf16, #tpu.memory_space<vmem_shared>> -> memref<640x2x128xbf16, #tpu.memory_space<vmem_shared>>
      %dma_start3A_208 = arith.constant 0 : i32
      %dma_start3A_209 = arith.constant 0 : i32
      %dma_start3A_210 = tpu.memref_slice %arg4[%mul3A_0, %dma_start3A_208, %dma_start3A_209] : memref<10240x2x128xbf16, #tpu.memory_space<hbm>> -> memref<640x2x128xbf16, #tpu.memory_space<hbm>>
      tpu.enqueue_dma source(%dma_start3A_210 : memref<640x2x128xbf16, #tpu.memory_space<hbm>>) target(%dma_start3A_207 : memref<640x2x128xbf16, #tpu.memory_space<vmem_shared>>) target_semaphore(%run_scoped3A : memref<!tpu.dma_semaphore, #tpu.memory_space<semaphore_mem>>)
      %dma_wait3A = arith.constant 0 : i32
      %dma_wait3A_211 = arith.constant 0 : i32
      %dma_wait3A_212 = tpu.memref_slice %arg12[%mul3A_0, %dma_wait3A, %dma_wait3A_211] : memref<10240x2x128xbf16, #tpu.memory_space<vmem_shared>> -> memref<640x2x128xbf16, #tpu.memory_space<vmem_shared>>
      %dma_wait3A_213 = arith.constant 0 : i32
      %dma_wait3A_214 = arith.constant 0 : i32
      %dma_wait3A_215 = tpu.memref_slice %arg4[%mul3A_0, %dma_wait3A_213, %dma_wait3A_214] : memref<10240x2x128xbf16, #tpu.memory_space<hbm>> -> memref<640x2x128xbf16, #tpu.memory_space<hbm>>
      tpu.wait_dma2 semaphore(%run_scoped3A : memref<!tpu.dma_semaphore, #tpu.memory_space<semaphore_mem>>) src(%dma_wait3A_215 : memref<640x2x128xbf16, #tpu.memory_space<hbm>>) dst(%dma_wait3A_212 : memref<640x2x128xbf16, #tpu.memory_space<vmem_shared>>)
      tpu.yield
    }) : () -> ()
    %barrier3A = arith.constant 0 : index
    tpu.barrier barrier_id(%barrier3A)
    %get3A = arith.constant 0 : i32
    %get3A_3 = arith.index_cast %get3A : i32 to index
    %get3A_4 = arith.constant 0 : index
    %get3A_5 = tpu.vector_load %arg6[%get3A_3, %get3A_4] {strides = array<i32>} : memref<40x128xi32, #tpu.memory_space<vmem>>, vector<1x16xi32>,
    %get3A_6 = vector.shape_cast %get3A_5 : vector<1x16xi32> to vector<16xi32>
    %and3A = arith.constant 65535 : i32
    %and3A_7 = vector.broadcast %and3A : i32 to vector<16xi32>
    %and3A_8 = arith.andi %get3A_6, %and3A_7 : vector<16xi32>
    %swap3A = arith.constant 0 : index
    %swap3A_9 = tpu.vector_load %arg7[%swap3A] {strides = array<i32>} : memref<128xi32, #tpu.memory_space<vmem>>, vector<16xi32>,
    %swap3A_10 = vector.shape_cast %swap3A_9 : vector<16xi32> to vector<16xi32>
    %swap3A_11 = vector.shape_cast %and3A_8 : vector<16xi32> to vector<16xi32>
    tpu.vector_store %arg7[%swap3A], %swap3A_11 {strides = array<i32>} : memref<128xi32, #tpu.memory_space<vmem>>, vector<16xi32>,
    %get3A_12 = arith.constant 0 : i32
    %get3A_13 = arith.index_cast %get3A_12 : i32 to index
    %get3A_14 = arith.constant 16 : index
    %get3A_15 = tpu.vector_load %arg6[%get3A_13, %get3A_14] {strides = array<i32>} : memref<40x128xi32, #tpu.memory_space<vmem>>, vector<1x16xi32>,
    %get3A_16 = vector.shape_cast %get3A_15 : vector<1x16xi32> to vector<16xi32>
    %and3A_17 = arith.constant 65535 : i32
    %and3A_18 = vector.broadcast %and3A_17 : i32 to vector<16xi32>
    %and3A_19 = arith.andi %get3A_16, %and3A_18 : vector<16xi32>
    %swap3A_20 = arith.constant 16 : index
    %swap3A_21 = tpu.vector_load %arg7[%swap3A_20] {strides = array<i32>} : memref<128xi32, #tpu.memory_space<vmem>>, vector<16xi32>,
    %swap3A_22 = vector.shape_cast %swap3A_21 : vector<16xi32> to vector<16xi32>
    %swap3A_23 = vector.shape_cast %and3A_19 : vector<16xi32> to vector<16xi32>
    tpu.vector_store %arg7[%swap3A_20], %swap3A_23 {strides = array<i32>} : memref<128xi32, #tpu.memory_space<vmem>>, vector<16xi32>,
    %get3A_24 = arith.constant 0 : i32
    %get3A_25 = arith.index_cast %get3A_24 : i32 to index
    %get3A_26 = arith.constant 32 : index
    %get3A_27 = tpu.vector_load %arg6[%get3A_25, %get3A_26] {strides = array<i32>} : memref<40x128xi32, #tpu.memory_space<vmem>>, vector<1x16xi32>,
    %get3A_28 = vector.shape_cast %get3A_27 : vector<1x16xi32> to vector<16xi32>
    %and3A_29 = arith.constant 65535 : i32
    %and3A_30 = vector.broadcast %and3A_29 : i32 to vector<16xi32>
    %and3A_31 = arith.andi %get3A_28, %and3A_30 : vector<16xi32>
    %swap3A_32 = arith.constant 32 : index
    %swap3A_33 = tpu.vector_load %arg7[%swap3A_32] {strides = array<i32>} : memref<128xi32, #tpu.memory_space<vmem>>, vector<16xi32>,
    %swap3A_34 = vector.shape_cast %swap3A_33 : vector<16xi32> to vector<16xi32>
    %swap3A_35 = vector.shape_cast %and3A_31 : vector<16xi32> to vector<16xi32>
    tpu.vector_store %arg7[%swap3A_32], %swap3A_35 {strides = array<i32>} : memref<128xi32, #tpu.memory_space<vmem>>, vector<16xi32>,
    %get3A_36 = arith.constant 0 : i32
    %get3A_37 = arith.index_cast %get3A_36 : i32 to index
    %get3A_38 = arith.constant 48 : index
    %get3A_39 = tpu.vector_load %arg6[%get3A_37, %get3A_38] {strides = array<i32>} : memref<40x128xi32, #tpu.memory_space<vmem>>, vector<1x16xi32>,
    %get3A_40 = vector.shape_cast %get3A_39 : vector<1x16xi32> to vector<16xi32>
    %and3A_41 = arith.constant 65535 : i32
    %and3A_42 = vector.broadcast %and3A_41 : i32 to vector<16xi32>
    %and3A_43 = arith.andi %get3A_40, %and3A_42 : vector<16xi32>
    %swap3A_44 = arith.constant 48 : index
    %swap3A_45 = tpu.vector_load %arg7[%swap3A_44] {strides = array<i32>} : memref<128xi32, #tpu.memory_space<vmem>>, vector<16xi32>,
    %swap3A_46 = vector.shape_cast %swap3A_45 : vector<16xi32> to vector<16xi32>
    %swap3A_47 = vector.shape_cast %and3A_43 : vector<16xi32> to vector<16xi32>
    tpu.vector_store %arg7[%swap3A_44], %swap3A_47 {strides = array<i32>} : memref<128xi32, #tpu.memory_space<vmem>>, vector<16xi32>,
    %get3A_48 = arith.constant 0 : i32
    %get3A_49 = arith.index_cast %get3A_48 : i32 to index
    %get3A_50 = arith.constant 64 : index
    %get3A_51 = tpu.vector_load %arg6[%get3A_49, %get3A_50] {strides = array<i32>} : memref<40x128xi32, #tpu.memory_space<vmem>>, vector<1x16xi32>,
    %get3A_52 = vector.shape_cast %get3A_51 : vector<1x16xi32> to vector<16xi32>
    %and3A_53 = arith.constant 65535 : i32
    %and3A_54 = vector.broadcast %and3A_53 : i32 to vector<16xi32>
    %and3A_55 = arith.andi %get3A_52, %and3A_54 : vector<16xi32>
    %swap3A_56 = arith.constant 64 : index
    %swap3A_57 = tpu.vector_load %arg7[%swap3A_56] {strides = array<i32>} : memref<128xi32, #tpu.memory_space<vmem>>, vector<16xi32>,
    %swap3A_58 = vector.shape_cast %swap3A_57 : vector<16xi32> to vector<16xi32>
    %swap3A_59 = vector.shape_cast %and3A_55 : vector<16xi32> to vector<16xi32>
    tpu.vector_store %arg7[%swap3A_56], %swap3A_59 {strides = array<i32>} : memref<128xi32, #tpu.memory_space<vmem>>, vector<16xi32>,
    %get3A_60 = arith.constant 0 : i32
    %get3A_61 = arith.index_cast %get3A_60 : i32 to index
    %get3A_62 = arith.constant 80 : index
    %get3A_63 = tpu.vector_load %arg6[%get3A_61, %get3A_62] {strides = array<i32>} : memref<40x128xi32, #tpu.memory_space<vmem>>, vector<1x16xi32>,
    %get3A_64 = vector.shape_cast %get3A_63 : vector<1x16xi32> to vector<16xi32>
    %and3A_65 = arith.constant 65535 : i32
    %and3A_66 = vector.broadcast %and3A_65 : i32 to vector<16xi32>
    %and3A_67 = arith.andi %get3A_64, %and3A_66 : vector<16xi32>
    %swap3A_68 = arith.constant 80 : index
    %swap3A_69 = tpu.vector_load %arg7[%swap3A_68] {strides = array<i32>} : memref<128xi32, #tpu.memory_space<vmem>>, vector<16xi32>,
    %swap3A_70 = vector.shape_cast %swap3A_69 : vector<16xi32> to vector<16xi32>
    %swap3A_71 = vector.shape_cast %and3A_67 : vector<16xi32> to vector<16xi32>
    tpu.vector_store %arg7[%swap3A_68], %swap3A_71 {strides = array<i32>} : memref<128xi32, #tpu.memory_space<vmem>>, vector<16xi32>,
    %get3A_72 = arith.constant 0 : i32
    %get3A_73 = arith.index_cast %get3A_72 : i32 to index
    %get3A_74 = arith.constant 96 : index
    %get3A_75 = tpu.vector_load %arg6[%get3A_73, %get3A_74] {strides = array<i32>} : memref<40x128xi32, #tpu.memory_space<vmem>>, vector<1x16xi32>,
    %get3A_76 = vector.shape_cast %get3A_75 : vector<1x16xi32> to vector<16xi32>
    %and3A_77 = arith.constant 65535 : i32
    %and3A_78 = vector.broadcast %and3A_77 : i32 to vector<16xi32>
    %and3A_79 = arith.andi %get3A_76, %and3A_78 : vector<16xi32>
    %swap3A_80 = arith.constant 96 : index
    %swap3A_81 = tpu.vector_load %arg7[%swap3A_80] {strides = array<i32>} : memref<128xi32, #tpu.memory_space<vmem>>, vector<16xi32>,
    %swap3A_82 = vector.shape_cast %swap3A_81 : vector<16xi32> to vector<16xi32>
    %swap3A_83 = vector.shape_cast %and3A_79 : vector<16xi32> to vector<16xi32>
    tpu.vector_store %arg7[%swap3A_80], %swap3A_83 {strides = array<i32>} : memref<128xi32, #tpu.memory_space<vmem>>, vector<16xi32>,
    %get3A_84 = arith.constant 0 : i32
    %get3A_85 = arith.index_cast %get3A_84 : i32 to index
    %get3A_86 = arith.constant 112 : index
    %get3A_87 = tpu.vector_load %arg6[%get3A_85, %get3A_86] {strides = array<i32>} : memref<40x128xi32, #tpu.memory_space<vmem>>, vector<1x16xi32>,
    %get3A_88 = vector.shape_cast %get3A_87 : vector<1x16xi32> to vector<16xi32>
    %and3A_89 = arith.constant 65535 : i32
    %and3A_90 = vector.broadcast %and3A_89 : i32 to vector<16xi32>
    %and3A_91 = arith.andi %get3A_88, %and3A_90 : vector<16xi32>
    %swap3A_92 = arith.constant 112 : index
    %swap3A_93 = tpu.vector_load %arg7[%swap3A_92] {strides = array<i32>} : memref<128xi32, #tpu.memory_space<vmem>>, vector<16xi32>,
    %swap3A_94 = vector.shape_cast %swap3A_93 : vector<16xi32> to vector<16xi32>
    %swap3A_95 = vector.shape_cast %and3A_91 : vector<16xi32> to vector<16xi32>
    tpu.vector_store %arg7[%swap3A_92], %swap3A_95 {strides = array<i32>} : memref<128xi32, #tpu.memory_space<vmem>>, vector<16xi32>,
    %dma_start3A = arith.constant 0 : i32
    %dma_start3A_96 = arith.constant 0 : i32
    %dma_start3A_97 = arith.constant 0 : i32
    %dma_start3A_98 = tpu.memref_slice %arg2[%dma_start3A, %dma_start3A_96, %dma_start3A_97] : memref<10240x2x128xbf16, #tpu.memory_space<hbm>> -> memref<10240x2x128xbf16, #tpu.memory_space<hbm>>
    tpu.enqueue_indirect_dma source(%dma_start3A_98 : memref<10240x2x128xbf16, #tpu.memory_space<hbm>>) target(%arg10 : memref<128x2x128xbf16, #tpu.memory_space<vmem>>) offsets(%arg7 : memref<128xi32, #tpu.memory_space<vmem>>) semaphore(%arg13 : memref<!tpu.dma_semaphore, #tpu.memory_space<semaphore_mem>>)
    %get3A_99 = arith.constant 1 : i32
    %get3A_100 = arith.index_cast %get3A_99 : i32 to index
    %get3A_101 = arith.constant 0 : index
    %get3A_102 = tpu.vector_load %arg6[%get3A_100, %get3A_101] {strides = array<i32>} : memref<40x128xi32, #tpu.memory_space<vmem>>, vector<1x16xi32>,
    %get3A_103 = vector.shape_cast %get3A_102 : vector<1x16xi32> to vector<16xi32>
    %and3A_104 = arith.constant 65535 : i32
    %and3A_105 = vector.broadcast %and3A_104 : i32 to vector<16xi32>
    %and3A_106 = arith.andi %get3A_103, %and3A_105 : vector<16xi32>
    %swap3A_107 = arith.constant 0 : index
    %swap3A_108 = tpu.vector_load %arg8[%swap3A_107] {strides = array<i32>} : memref<128xi32, #tpu.memory_space<vmem>>, vector<16xi32>,
    %swap3A_109 = vector.shape_cast %swap3A_108 : vector<16xi32> to vector<16xi32>
    %swap3A_110 = vector.shape_cast %and3A_106 : vector<16xi32> to vector<16xi32>
    tpu.vector_store %arg8[%swap3A_107], %swap3A_110 {strides = array<i32>} : memref<128xi32, #tpu.memory_space<vmem>>, vector<16xi32>,
    %get3A_111 = arith.constant 1 : i32
    %get3A_112 = arith.index_cast %get3A_111 : i32 to index
    %get3A_113 = arith.constant 16 : index
    %get3A_114 = tpu.vector_load %arg6[%get3A_112, %get3A_113] {strides = array<i32>} : memref<40x128xi32, #tpu.memory_space<vmem>>, vector<1x16xi32>,
    %get3A_115 = vector.shape_cast %get3A_114 : vector<1x16xi32> to vector<16xi32>
    %and3A_116 = arith.constant 65535 : i32
    %and3A_117 = vector.broadcast %and3A_116 : i32 to vector<16xi32>
    %and3A_118 = arith.andi %get3A_115, %and3A_117 : vector<16xi32>
    %swap3A_119 = arith.constant 16 : index
    %swap3A_120 = tpu.vector_load %arg8[%swap3A_119] {strides = array<i32>} : memref<128xi32, #tpu.memory_space<vmem>>, vector<16xi32>,
    %swap3A_121 = vector.shape_cast %swap3A_120 : vector<16xi32> to vector<16xi32>
    %swap3A_122 = vector.shape_cast %and3A_118 : vector<16xi32> to vector<16xi32>
    tpu.vector_store %arg8[%swap3A_119], %swap3A_122 {strides = array<i32>} : memref<128xi32, #tpu.memory_space<vmem>>, vector<16xi32>,
    %get3A_123 = arith.constant 1 : i32
    %get3A_124 = arith.index_cast %get3A_123 : i32 to index
    %get3A_125 = arith.constant 32 : index
    %get3A_126 = tpu.vector_load %arg6[%get3A_124, %get3A_125] {strides = array<i32>} : memref<40x128xi32, #tpu.memory_space<vmem>>, vector<1x16xi32>,
    %get3A_127 = vector.shape_cast %get3A_126 : vector<1x16xi32> to vector<16xi32>
    %and3A_128 = arith.constant 65535 : i32
    %and3A_129 = vector.broadcast %and3A_128 : i32 to vector<16xi32>
    %and3A_130 = arith.andi %get3A_127, %and3A_129 : vector<16xi32>
    %swap3A_131 = arith.constant 32 : index
    %swap3A_132 = tpu.vector_load %arg8[%swap3A_131] {strides = array<i32>} : memref<128xi32, #tpu.memory_space<vmem>>, vector<16xi32>,
    %swap3A_133 = vector.shape_cast %swap3A_132 : vector<16xi32> to vector<16xi32>
    %swap3A_134 = vector.shape_cast %and3A_130 : vector<16xi32> to vector<16xi32>
    tpu.vector_store %arg8[%swap3A_131], %swap3A_134 {strides = array<i32>} : memref<128xi32, #tpu.memory_space<vmem>>, vector<16xi32>,
    %get3A_135 = arith.constant 1 : i32
    %get3A_136 = arith.index_cast %get3A_135 : i32 to index
    %get3A_137 = arith.constant 48 : index
    %get3A_138 = tpu.vector_load %arg6[%get3A_136, %get3A_137] {strides = array<i32>} : memref<40x128xi32, #tpu.memory_space<vmem>>, vector<1x16xi32>,
    %get3A_139 = vector.shape_cast %get3A_138 : vector<1x16xi32> to vector<16xi32>
    %and3A_140 = arith.constant 65535 : i32
    %and3A_141 = vector.broadcast %and3A_140 : i32 to vector<16xi32>
    %and3A_142 = arith.andi %get3A_139, %and3A_141 : vector<16xi32>
    %swap3A_143 = arith.constant 48 : index
    %swap3A_144 = tpu.vector_load %arg8[%swap3A_143] {strides = array<i32>} : memref<128xi32, #tpu.memory_space<vmem>>, vector<16xi32>,
    %swap3A_145 = vector.shape_cast %swap3A_144 : vector<16xi32> to vector<16xi32>
    %swap3A_146 = vector.shape_cast %and3A_142 : vector<16xi32> to vector<16xi32>
    tpu.vector_store %arg8[%swap3A_143], %swap3A_146 {strides = array<i32>} : memref<128xi32, #tpu.memory_space<vmem>>, vector<16xi32>,
    %get3A_147 = arith.constant 1 : i32
    %get3A_148 = arith.index_cast %get3A_147 : i32 to index
    %get3A_149 = arith.constant 64 : index
    %get3A_150 = tpu.vector_load %arg6[%get3A_148, %get3A_149] {strides = array<i32>} : memref<40x128xi32, #tpu.memory_space<vmem>>, vector<1x16xi32>,
    %get3A_151 = vector.shape_cast %get3A_150 : vector<1x16xi32> to vector<16xi32>
    %and3A_152 = arith.constant 65535 : i32
    %and3A_153 = vector.broadcast %and3A_152 : i32 to vector<16xi32>
    %and3A_154 = arith.andi %get3A_151, %and3A_153 : vector<16xi32>
    %swap3A_155 = arith.constant 64 : index
    %swap3A_156 = tpu.vector_load %arg8[%swap3A_155] {strides = array<i32>} : memref<128xi32, #tpu.memory_space<vmem>>, vector<16xi32>,
    %swap3A_157 = vector.shape_cast %swap3A_156 : vector<16xi32> to vector<16xi32>
    %swap3A_158 = vector.shape_cast %and3A_154 : vector<16xi32> to vector<16xi32>
    tpu.vector_store %arg8[%swap3A_155], %swap3A_158 {strides = array<i32>} : memref<128xi32, #tpu.memory_space<vmem>>, vector<16xi32>,
    %get3A_159 = arith.constant 1 : i32
    %get3A_160 = arith.index_cast %get3A_159 : i32 to index
    %get3A_161 = arith.constant 80 : index
    %get3A_162 = tpu.vector_load %arg6[%get3A_160, %get3A_161] {strides = array<i32>} : memref<40x128xi32, #tpu.memory_space<vmem>>, vector<1x16xi32>,
    %get3A_163 = vector.shape_cast %get3A_162 : vector<1x16xi32> to vector<16xi32>
    %and3A_164 = arith.constant 65535 : i32
    %and3A_165 = vector.broadcast %and3A_164 : i32 to vector<16xi32>
    %and3A_166 = arith.andi %get3A_163, %and3A_165 : vector<16xi32>
    %swap3A_167 = arith.constant 80 : index
    %swap3A_168 = tpu.vector_load %arg8[%swap3A_167] {strides = array<i32>} : memref<128xi32, #tpu.memory_space<vmem>>, vector<16xi32>,
    %swap3A_169 = vector.shape_cast %swap3A_168 : vector<16xi32> to vector<16xi32>
    %swap3A_170 = vector.shape_cast %and3A_166 : vector<16xi32> to vector<16xi32>
    tpu.vector_store %arg8[%swap3A_167], %swap3A_170 {strides = array<i32>} : memref<128xi32, #tpu.memory_space<vmem>>, vector<16xi32>,
    %get3A_171 = arith.constant 1 : i32
    %get3A_172 = arith.index_cast %get3A_171 : i32 to index
    %get3A_173 = arith.constant 96 : index
    %get3A_174 = tpu.vector_load %arg6[%get3A_172, %get3A_173] {strides = array<i32>} : memref<40x128xi32, #tpu.memory_space<vmem>>, vector<1x16xi32>,
    %get3A_175 = vector.shape_cast %get3A_174 : vector<1x16xi32> to vector<16xi32>
    %and3A_176 = arith.constant 65535 : i32
    %and3A_177 = vector.broadcast %and3A_176 : i32 to vector<16xi32>
    %and3A_178 = arith.andi %get3A_175, %and3A_177 : vector<16xi32>
    %swap3A_179 = arith.constant 96 : index
    %swap3A_180 = tpu.vector_load %arg8[%swap3A_179] {strides = array<i32>} : memref<128xi32, #tpu.memory_space<vmem>>, vector<16xi32>,
    %swap3A_181 = vector.shape_cast %swap3A_180 : vector<16xi32> to vector<16xi32>
    %swap3A_182 = vector.shape_cast %and3A_178 : vector<16xi32> to vector<16xi32>
    tpu.vector_store %arg8[%swap3A_179], %swap3A_182 {strides = array<i32>} : memref<128xi32, #tpu.memory_space<vmem>>, vector<16xi32>,
    %get3A_183 = arith.constant 1 : i32
    %get3A_184 = arith.index_cast %get3A_183 : i32 to index
    %get3A_185 = arith.constant 112 : index
    %get3A_186 = tpu.vector_load %arg6[%get3A_184, %get3A_185] {strides = array<i32>} : memref<40x128xi32, #tpu.memory_space<vmem>>, vector<1x16xi32>,
    %get3A_187 = vector.shape_cast %get3A_186 : vector<1x16xi32> to vector<16xi32>
    %and3A_188 = arith.constant 65535 : i32
    %and3A_189 = vector.broadcast %and3A_188 : i32 to vector<16xi32>
    %and3A_190 = arith.andi %get3A_187, %and3A_189 : vector<16xi32>
    %swap3A_191 = arith.constant 112 : index
    %swap3A_192 = tpu.vector_load %arg8[%swap3A_191] {strides = array<i32>} : memref<128xi32, #tpu.memory_space<vmem>>, vector<16xi32>,
    %swap3A_193 = vector.shape_cast %swap3A_192 : vector<16xi32> to vector<16xi32>
    %swap3A_194 = vector.shape_cast %and3A_190 : vector<16xi32> to vector<16xi32>
    tpu.vector_store %arg8[%swap3A_191], %swap3A_194 {strides = array<i32>} : memref<128xi32, #tpu.memory_space<vmem>>, vector<16xi32>,
    %dma_start3A_195 = arith.constant 0 : i32
    %dma_start3A_196 = arith.constant 0 : i32
    %dma_start3A_197 = arith.constant 0 : i32
    %dma_start3A_198 = tpu.memref_slice %arg2[%dma_start3A_195, %dma_start3A_196, %dma_start3A_197] : memref<10240x2x128xbf16, #tpu.memory_space<hbm>> -> memref<10240x2x128xbf16, #tpu.memory_space<hbm>>
    tpu.enqueue_indirect_dma source(%dma_start3A_198 : memref<10240x2x128xbf16, #tpu.memory_space<hbm>>) target(%arg11 : memref<128x2x128xbf16, #tpu.memory_space<vmem>>) offsets(%arg8 : memref<128xi32, #tpu.memory_space<vmem>>) semaphore(%arg14 : memref<!tpu.dma_semaphore, #tpu.memory_space<semaphore_mem>>)
    %scan3A = arith.constant 0 : i32
    %scan3A_199 = arith.constant 0 : i32
    %scan3A_200 = arith.constant 20 : i32
    %scan3A_201 = arith.addi %scan3A_199, %scan3A_200 : i32
    %scan3A_202 = arith.constant 1 : i32
    scf.for %scan3A_205 = %scan3A_199 to %scan3A_201 step %scan3A_202  : i32 {
      %mul3A_206 = arith.constant 2 : i32
      %mul3A_207 = arith.muli %mul3A_206, %scan3A_205 : i32
      %add3A_208 = arith.constant 1 : i32
      %add3A_209 = arith.addi %scan3A_205, %add3A_208 : i32
      %lt3A = arith.constant 20 : i32
      %lt3A_210 = arith.cmpi slt, %add3A_209, %lt3A : i32
      %get3A_211 = arith.index_cast %mul3A_207 : i32 to index
      %get3A_212 = arith.constant 0 : index
      %get3A_213 = tpu.vector_load %arg6[%get3A_211, %get3A_212] {strides = array<i32>} : memref<40x128xi32, #tpu.memory_space<vmem>>, vector<1x16xi32>,
      %get3A_214 = vector.shape_cast %get3A_213 : vector<1x16xi32> to vector<16xi32>
      %shift_right_logical3A = arith.constant 16 : i32
      %shift_right_logical3A_215 = vector.broadcast %shift_right_logical3A : i32 to vector<16xi32>
      %shift_right_logical3A_216 = arith.shrui %get3A_214, %shift_right_logical3A_215 : vector<16xi32>
      %swap3A_217 = arith.constant 0 : index
      %swap3A_218 = tpu.vector_load %arg9[%swap3A_217] {strides = array<i32>} : memref<128xi32, #tpu.memory_space<vmem>>, vector<16xi32>,
      %swap3A_219 = vector.shape_cast %swap3A_218 : vector<16xi32> to vector<16xi32>
      %swap3A_220 = vector.shape_cast %shift_right_logical3A_216 : vector<16xi32> to vector<16xi32>
      tpu.vector_store %arg9[%swap3A_217], %swap3A_220 {strides = array<i32>} : memref<128xi32, #tpu.memory_space<vmem>>, vector<16xi32>,
      %get3A_221 = arith.index_cast %mul3A_207 : i32 to index
      %get3A_222 = arith.constant 16 : index
      %get3A_223 = tpu.vector_load %arg6[%get3A_221, %get3A_222] {strides = array<i32>} : memref<40x128xi32, #tpu.memory_space<vmem>>, vector<1x16xi32>,
      %get3A_224 = vector.shape_cast %get3A_223 : vector<1x16xi32> to vector<16xi32>
      %shift_right_logical3A_225 = arith.constant 16 : i32
      %shift_right_logical3A_226 = vector.broadcast %shift_right_logical3A_225 : i32 to vector<16xi32>
      %shift_right_logical3A_227 = arith.shrui %get3A_224, %shift_right_logical3A_226 : vector<16xi32>
      %swap3A_228 = arith.constant 16 : index
      %swap3A_229 = tpu.vector_load %arg9[%swap3A_228] {strides = array<i32>} : memref<128xi32, #tpu.memory_space<vmem>>, vector<16xi32>,
      %swap3A_230 = vector.shape_cast %swap3A_229 : vector<16xi32> to vector<16xi32>
      %swap3A_231 = vector.shape_cast %shift_right_logical3A_227 : vector<16xi32> to vector<16xi32>
      tpu.vector_store %arg9[%swap3A_228], %swap3A_231 {strides = array<i32>} : memref<128xi32, #tpu.memory_space<vmem>>, vector<16xi32>,
      %get3A_232 = arith.index_cast %mul3A_207 : i32 to index
      %get3A_233 = arith.constant 32 : index
      %get3A_234 = tpu.vector_load %arg6[%get3A_232, %get3A_233] {strides = array<i32>} : memref<40x128xi32, #tpu.memory_space<vmem>>, vector<1x16xi32>,
      %get3A_235 = vector.shape_cast %get3A_234 : vector<1x16xi32> to vector<16xi32>
      %shift_right_logical3A_236 = arith.constant 16 : i32
      %shift_right_logical3A_237 = vector.broadcast %shift_right_logical3A_236 : i32 to vector<16xi32>
      %shift_right_logical3A_238 = arith.shrui %get3A_235, %shift_right_logical3A_237 : vector<16xi32>
      %swap3A_239 = arith.constant 32 : index
      %swap3A_240 = tpu.vector_load %arg9[%swap3A_239] {strides = array<i32>} : memref<128xi32, #tpu.memory_space<vmem>>, vector<16xi32>,
      %swap3A_241 = vector.shape_cast %swap3A_240 : vector<16xi32> to vector<16xi32>
      %swap3A_242 = vector.shape_cast %shift_right_logical3A_238 : vector<16xi32> to vector<16xi32>
      tpu.vector_store %arg9[%swap3A_239], %swap3A_242 {strides = array<i32>} : memref<128xi32, #tpu.memory_space<vmem>>, vector<16xi32>,
      %get3A_243 = arith.index_cast %mul3A_207 : i32 to index
      %get3A_244 = arith.constant 48 : index
      %get3A_245 = tpu.vector_load %arg6[%get3A_243, %get3A_244] {strides = array<i32>} : memref<40x128xi32, #tpu.memory_space<vmem>>, vector<1x16xi32>,
      %get3A_246 = vector.shape_cast %get3A_245 : vector<1x16xi32> to vector<16xi32>
      %shift_right_logical3A_247 = arith.constant 16 : i32
      %shift_right_logical3A_248 = vector.broadcast %shift_right_logical3A_247 : i32 to vector<16xi32>
      %shift_right_logical3A_249 = arith.shrui %get3A_246, %shift_right_logical3A_248 : vector<16xi32>
      %swap3A_250 = arith.constant 48 : index
      %swap3A_251 = tpu.vector_load %arg9[%swap3A_250] {strides = array<i32>} : memref<128xi32, #tpu.memory_space<vmem>>, vector<16xi32>,
      %swap3A_252 = vector.shape_cast %swap3A_251 : vector<16xi32> to vector<16xi32>
      %swap3A_253 = vector.shape_cast %shift_right_logical3A_249 : vector<16xi32> to vector<16xi32>
      tpu.vector_store %arg9[%swap3A_250], %swap3A_253 {strides = array<i32>} : memref<128xi32, #tpu.memory_space<vmem>>, vector<16xi32>,
      %get3A_254 = arith.index_cast %mul3A_207 : i32 to index
      %get3A_255 = arith.constant 64 : index
      %get3A_256 = tpu.vector_load %arg6[%get3A_254, %get3A_255] {strides = array<i32>} : memref<40x128xi32, #tpu.memory_space<vmem>>, vector<1x16xi32>,
      %get3A_257 = vector.shape_cast %get3A_256 : vector<1x16xi32> to vector<16xi32>
      %shift_right_logical3A_258 = arith.constant 16 : i32
      %shift_right_logical3A_259 = vector.broadcast %shift_right_logical3A_258 : i32 to vector<16xi32>
      %shift_right_logical3A_260 = arith.shrui %get3A_257, %shift_right_logical3A_259 : vector<16xi32>
      %swap3A_261 = arith.constant 64 : index
      %swap3A_262 = tpu.vector_load %arg9[%swap3A_261] {strides = array<i32>} : memref<128xi32, #tpu.memory_space<vmem>>, vector<16xi32>,
      %swap3A_263 = vector.shape_cast %swap3A_262 : vector<16xi32> to vector<16xi32>
      %swap3A_264 = vector.shape_cast %shift_right_logical3A_260 : vector<16xi32> to vector<16xi32>
      tpu.vector_store %arg9[%swap3A_261], %swap3A_264 {strides = array<i32>} : memref<128xi32, #tpu.memory_space<vmem>>, vector<16xi32>,
      %get3A_265 = arith.index_cast %mul3A_207 : i32 to index
      %get3A_266 = arith.constant 80 : index
      %get3A_267 = tpu.vector_load %arg6[%get3A_265, %get3A_266] {strides = array<i32>} : memref<40x128xi32, #tpu.memory_space<vmem>>, vector<1x16xi32>,
      %get3A_268 = vector.shape_cast %get3A_267 : vector<1x16xi32> to vector<16xi32>
      %shift_right_logical3A_269 = arith.constant 16 : i32
      %shift_right_logical3A_270 = vector.broadcast %shift_right_logical3A_269 : i32 to vector<16xi32>
      %shift_right_logical3A_271 = arith.shrui %get3A_268, %shift_right_logical3A_270 : vector<16xi32>
      %swap3A_272 = arith.constant 80 : index
      %swap3A_273 = tpu.vector_load %arg9[%swap3A_272] {strides = array<i32>} : memref<128xi32, #tpu.memory_space<vmem>>, vector<16xi32>,
      %swap3A_274 = vector.shape_cast %swap3A_273 : vector<16xi32> to vector<16xi32>
      %swap3A_275 = vector.shape_cast %shift_right_logical3A_271 : vector<16xi32> to vector<16xi32>
      tpu.vector_store %arg9[%swap3A_272], %swap3A_275 {strides = array<i32>} : memref<128xi32, #tpu.memory_space<vmem>>, vector<16xi32>,
      %get3A_276 = arith.index_cast %mul3A_207 : i32 to index
      %get3A_277 = arith.constant 96 : index
      %get3A_278 = tpu.vector_load %arg6[%get3A_276, %get3A_277] {strides = array<i32>} : memref<40x128xi32, #tpu.memory_space<vmem>>, vector<1x16xi32>,
      %get3A_279 = vector.shape_cast %get3A_278 : vector<1x16xi32> to vector<16xi32>
      %shift_right_logical3A_280 = arith.constant 16 : i32
      %shift_right_logical3A_281 = vector.broadcast %shift_right_logical3A_280 : i32 to vector<16xi32>
      %shift_right_logical3A_282 = arith.shrui %get3A_279, %shift_right_logical3A_281 : vector<16xi32>
      %swap3A_283 = arith.constant 96 : index
      %swap3A_284 = tpu.vector_load %arg9[%swap3A_283] {strides = array<i32>} : memref<128xi32, #tpu.memory_space<vmem>>, vector<16xi32>,
      %swap3A_285 = vector.shape_cast %swap3A_284 : vector<16xi32> to vector<16xi32>
      %swap3A_286 = vector.shape_cast %shift_right_logical3A_282 : vector<16xi32> to vector<16xi32>
      tpu.vector_store %arg9[%swap3A_283], %swap3A_286 {strides = array<i32>} : memref<128xi32, #tpu.memory_space<vmem>>, vector<16xi32>,
      %get3A_287 = arith.index_cast %mul3A_207 : i32 to index
      %get3A_288 = arith.constant 112 : index
      %get3A_289 = tpu.vector_load %arg6[%get3A_287, %get3A_288] {strides = array<i32>} : memref<40x128xi32, #tpu.memory_space<vmem>>, vector<1x16xi32>,
      %get3A_290 = vector.shape_cast %get3A_289 : vector<1x16xi32> to vector<16xi32>
      %shift_right_logical3A_291 = arith.constant 16 : i32
      %shift_right_logical3A_292 = vector.broadcast %shift_right_logical3A_291 : i32 to vector<16xi32>
      %shift_right_logical3A_293 = arith.shrui %get3A_290, %shift_right_logical3A_292 : vector<16xi32>
      %swap3A_294 = arith.constant 112 : index
      %swap3A_295 = tpu.vector_load %arg9[%swap3A_294] {strides = array<i32>} : memref<128xi32, #tpu.memory_space<vmem>>, vector<16xi32>,
      %swap3A_296 = vector.shape_cast %swap3A_295 : vector<16xi32> to vector<16xi32>
      %swap3A_297 = vector.shape_cast %shift_right_logical3A_293 : vector<16xi32> to vector<16xi32>
      tpu.vector_store %arg9[%swap3A_294], %swap3A_297 {strides = array<i32>} : memref<128xi32, #tpu.memory_space<vmem>>, vector<16xi32>,
      %dma_wait3A = arith.constant 0 : i32
      %dma_wait3A_298 = arith.constant 0 : i32
      %dma_wait3A_299 = arith.constant 0 : i32
      %dma_wait3A_300 = tpu.memref_slice %arg2[%dma_wait3A, %dma_wait3A_298, %dma_wait3A_299] : memref<10240x2x128xbf16, #tpu.memory_space<hbm>> -> memref<10240x2x128xbf16, #tpu.memory_space<hbm>>
      tpu.wait_indirect_dma semaphore(%arg13 : memref<!tpu.dma_semaphore, #tpu.memory_space<semaphore_mem>>) src(%dma_wait3A_300 : memref<10240x2x128xbf16, #tpu.memory_space<hbm>>) dst(%arg10 : memref<128x2x128xbf16, #tpu.memory_space<vmem>>)
      "tpu.region"() ({
        %run_scoped3A = tpu.sem_alloc : memref<!tpu.dma_semaphore, #tpu.memory_space<semaphore_mem>>
        %dma_start3A_399 = arith.constant 0 : i32
        %dma_start3A_400 = arith.constant 0 : i32
        %dma_start3A_401 = arith.constant 0 : i32
        %dma_start3A_402 = tpu.memref_slice %arg12[%dma_start3A_399, %dma_start3A_400, %dma_start3A_401] : memref<10240x2x128xbf16, #tpu.memory_space<vmem_shared>> -> memref<10240x2x128xbf16, #tpu.memory_space<vmem_shared>>
        tpu.enqueue_indirect_dma source(%arg10 : memref<128x2x128xbf16, #tpu.memory_space<vmem>>) target(%dma_start3A_402 : memref<10240x2x128xbf16, #tpu.memory_space<vmem_shared>>) offsets(%arg9 : memref<128xi32, #tpu.memory_space<vmem>>) semaphore(%run_scoped3A : memref<!tpu.dma_semaphore, #tpu.memory_space<semaphore_mem>>) {add = true}
        %dma_wait3A_403 = arith.constant 0 : i32
        %dma_wait3A_404 = arith.constant 0 : i32
        %dma_wait3A_405 = arith.constant 0 : i32
        %dma_wait3A_406 = tpu.memref_slice %arg12[%dma_wait3A_403, %dma_wait3A_404, %dma_wait3A_405] : memref<10240x2x128xbf16, #tpu.memory_space<vmem_shared>> -> memref<10240x2x128xbf16, #tpu.memory_space<vmem_shared>>
        tpu.wait_indirect_dma semaphore(%run_scoped3A : memref<!tpu.dma_semaphore, #tpu.memory_space<semaphore_mem>>) src(%arg10 : memref<128x2x128xbf16, #tpu.memory_space<vmem>>) dst(%dma_wait3A_406 : memref<10240x2x128xbf16, #tpu.memory_space<vmem_shared>>)
        tpu.yield
      }) : () -> ()
      %convert_element_type3A = arith.extui %lt3A_210 : i1 to i32
      %cond3A = arith.constant 0 : i32
      %cond3A_301 = arith.cmpi ne, %convert_element_type3A, %cond3A : i32
      scf.if %cond3A_301 {
        %add3A_399 = arith.constant 2 : i32
        %add3A_400 = arith.addi %mul3A_207, %add3A_399 : i32
        %get3A_401 = arith.index_cast %add3A_400 : i32 to index
        %get3A_402 = arith.constant 0 : index
        %get3A_403 = tpu.vector_load %arg6[%get3A_401, %get3A_402] {strides = array<i32>} : memref<40x128xi32, #tpu.memory_space<vmem>>, vector<1x16xi32>,
        %get3A_404 = vector.shape_cast %get3A_403 : vector<1x16xi32> to vector<16xi32>
        %and3A_405 = arith.constant 65535 : i32
        %and3A_406 = vector.broadcast %and3A_405 : i32 to vector<16xi32>
        %and3A_407 = arith.andi %get3A_404, %and3A_406 : vector<16xi32>
        %swap3A_408 = arith.constant 0 : index
        %swap3A_409 = tpu.vector_load %arg7[%swap3A_408] {strides = array<i32>} : memref<128xi32, #tpu.memory_space<vmem>>, vector<16xi32>,
        %swap3A_410 = vector.shape_cast %swap3A_409 : vector<16xi32> to vector<16xi32>
        %swap3A_411 = vector.shape_cast %and3A_407 : vector<16xi32> to vector<16xi32>
        tpu.vector_store %arg7[%swap3A_408], %swap3A_411 {strides = array<i32>} : memref<128xi32, #tpu.memory_space<vmem>>, vector<16xi32>,
        %get3A_412 = arith.index_cast %add3A_400 : i32 to index
        %get3A_413 = arith.constant 16 : index
        %get3A_414 = tpu.vector_load %arg6[%get3A_412, %get3A_413] {strides = array<i32>} : memref<40x128xi32, #tpu.memory_space<vmem>>, vector<1x16xi32>,
        %get3A_415 = vector.shape_cast %get3A_414 : vector<1x16xi32> to vector<16xi32>
        %and3A_416 = arith.constant 65535 : i32
        %and3A_417 = vector.broadcast %and3A_416 : i32 to vector<16xi32>
        %and3A_418 = arith.andi %get3A_415, %and3A_417 : vector<16xi32>
        %swap3A_419 = arith.constant 16 : index
        %swap3A_420 = tpu.vector_load %arg7[%swap3A_419] {strides = array<i32>} : memref<128xi32, #tpu.memory_space<vmem>>, vector<16xi32>,
        %swap3A_421 = vector.shape_cast %swap3A_420 : vector<16xi32> to vector<16xi32>
        %swap3A_422 = vector.shape_cast %and3A_418 : vector<16xi32> to vector<16xi32>
        tpu.vector_store %arg7[%swap3A_419], %swap3A_422 {strides = array<i32>} : memref<128xi32, #tpu.memory_space<vmem>>, vector<16xi32>,
        %get3A_423 = arith.index_cast %add3A_400 : i32 to index
        %get3A_424 = arith.constant 32 : index
        %get3A_425 = tpu.vector_load %arg6[%get3A_423, %get3A_424] {strides = array<i32>} : memref<40x128xi32, #tpu.memory_space<vmem>>, vector<1x16xi32>,
        %get3A_426 = vector.shape_cast %get3A_425 : vector<1x16xi32> to vector<16xi32>
        %and3A_427 = arith.constant 65535 : i32
        %and3A_428 = vector.broadcast %and3A_427 : i32 to vector<16xi32>
        %and3A_429 = arith.andi %get3A_426, %and3A_428 : vector<16xi32>
        %swap3A_430 = arith.constant 32 : index
        %swap3A_431 = tpu.vector_load %arg7[%swap3A_430] {strides = array<i32>} : memref<128xi32, #tpu.memory_space<vmem>>, vector<16xi32>,
        %swap3A_432 = vector.shape_cast %swap3A_431 : vector<16xi32> to vector<16xi32>
        %swap3A_433 = vector.shape_cast %and3A_429 : vector<16xi32> to vector<16xi32>
        tpu.vector_store %arg7[%swap3A_430], %swap3A_433 {strides = array<i32>} : memref<128xi32, #tpu.memory_space<vmem>>, vector<16xi32>,
        %get3A_434 = arith.index_cast %add3A_400 : i32 to index
        %get3A_435 = arith.constant 48 : index
        %get3A_436 = tpu.vector_load %arg6[%get3A_434, %get3A_435] {strides = array<i32>} : memref<40x128xi32, #tpu.memory_space<vmem>>, vector<1x16xi32>,
        %get3A_437 = vector.shape_cast %get3A_436 : vector<1x16xi32> to vector<16xi32>
        %and3A_438 = arith.constant 65535 : i32
        %and3A_439 = vector.broadcast %and3A_438 : i32 to vector<16xi32>
        %and3A_440 = arith.andi %get3A_437, %and3A_439 : vector<16xi32>
        %swap3A_441 = arith.constant 48 : index
        %swap3A_442 = tpu.vector_load %arg7[%swap3A_441] {strides = array<i32>} : memref<128xi32, #tpu.memory_space<vmem>>, vector<16xi32>,
        %swap3A_443 = vector.shape_cast %swap3A_442 : vector<16xi32> to vector<16xi32>
        %swap3A_444 = vector.shape_cast %and3A_440 : vector<16xi32> to vector<16xi32>
        tpu.vector_store %arg7[%swap3A_441], %swap3A_444 {strides = array<i32>} : memref<128xi32, #tpu.memory_space<vmem>>, vector<16xi32>,
        %get3A_445 = arith.index_cast %add3A_400 : i32 to index
        %get3A_446 = arith.constant 64 : index
        %get3A_447 = tpu.vector_load %arg6[%get3A_445, %get3A_446] {strides = array<i32>} : memref<40x128xi32, #tpu.memory_space<vmem>>, vector<1x16xi32>,
        %get3A_448 = vector.shape_cast %get3A_447 : vector<1x16xi32> to vector<16xi32>
        %and3A_449 = arith.constant 65535 : i32
        %and3A_450 = vector.broadcast %and3A_449 : i32 to vector<16xi32>
        %and3A_451 = arith.andi %get3A_448, %and3A_450 : vector<16xi32>
        %swap3A_452 = arith.constant 64 : index
        %swap3A_453 = tpu.vector_load %arg7[%swap3A_452] {strides = array<i32>} : memref<128xi32, #tpu.memory_space<vmem>>, vector<16xi32>,
        %swap3A_454 = vector.shape_cast %swap3A_453 : vector<16xi32> to vector<16xi32>
        %swap3A_455 = vector.shape_cast %and3A_451 : vector<16xi32> to vector<16xi32>
        tpu.vector_store %arg7[%swap3A_452], %swap3A_455 {strides = array<i32>} : memref<128xi32, #tpu.memory_space<vmem>>, vector<16xi32>,
        %get3A_456 = arith.index_cast %add3A_400 : i32 to index
        %get3A_457 = arith.constant 80 : index
        %get3A_458 = tpu.vector_load %arg6[%get3A_456, %get3A_457] {strides = array<i32>} : memref<40x128xi32, #tpu.memory_space<vmem>>, vector<1x16xi32>,
        %get3A_459 = vector.shape_cast %get3A_458 : vector<1x16xi32> to vector<16xi32>
        %and3A_460 = arith.constant 65535 : i32
        %and3A_461 = vector.broadcast %and3A_460 : i32 to vector<16xi32>
        %and3A_462 = arith.andi %get3A_459, %and3A_461 : vector<16xi32>
        %swap3A_463 = arith.constant 80 : index
        %swap3A_464 = tpu.vector_load %arg7[%swap3A_463] {strides = array<i32>} : memref<128xi32, #tpu.memory_space<vmem>>, vector<16xi32>,
        %swap3A_465 = vector.shape_cast %swap3A_464 : vector<16xi32> to vector<16xi32>
        %swap3A_466 = vector.shape_cast %and3A_462 : vector<16xi32> to vector<16xi32>
        tpu.vector_store %arg7[%swap3A_463], %swap3A_466 {strides = array<i32>} : memref<128xi32, #tpu.memory_space<vmem>>, vector<16xi32>,
        %get3A_467 = arith.index_cast %add3A_400 : i32 to index
        %get3A_468 = arith.constant 96 : index
        %get3A_469 = tpu.vector_load %arg6[%get3A_467, %get3A_468] {strides = array<i32>} : memref<40x128xi32, #tpu.memory_space<vmem>>, vector<1x16xi32>,
        %get3A_470 = vector.shape_cast %get3A_469 : vector<1x16xi32> to vector<16xi32>
        %and3A_471 = arith.constant 65535 : i32
        %and3A_472 = vector.broadcast %and3A_471 : i32 to vector<16xi32>
        %and3A_473 = arith.andi %get3A_470, %and3A_472 : vector<16xi32>
        %swap3A_474 = arith.constant 96 : index
        %swap3A_475 = tpu.vector_load %arg7[%swap3A_474] {strides = array<i32>} : memref<128xi32, #tpu.memory_space<vmem>>, vector<16xi32>,
        %swap3A_476 = vector.shape_cast %swap3A_475 : vector<16xi32> to vector<16xi32>
        %swap3A_477 = vector.shape_cast %and3A_473 : vector<16xi32> to vector<16xi32>
        tpu.vector_store %arg7[%swap3A_474], %swap3A_477 {strides = array<i32>} : memref<128xi32, #tpu.memory_space<vmem>>, vector<16xi32>,
        %get3A_478 = arith.index_cast %add3A_400 : i32 to index
        %get3A_479 = arith.constant 112 : index
        %get3A_480 = tpu.vector_load %arg6[%get3A_478, %get3A_479] {strides = array<i32>} : memref<40x128xi32, #tpu.memory_space<vmem>>, vector<1x16xi32>,
        %get3A_481 = vector.shape_cast %get3A_480 : vector<1x16xi32> to vector<16xi32>
        %and3A_482 = arith.constant 65535 : i32
        %and3A_483 = vector.broadcast %and3A_482 : i32 to vector<16xi32>
        %and3A_484 = arith.andi %get3A_481, %and3A_483 : vector<16xi32>
        %swap3A_485 = arith.constant 112 : index
        %swap3A_486 = tpu.vector_load %arg7[%swap3A_485] {strides = array<i32>} : memref<128xi32, #tpu.memory_space<vmem>>, vector<16xi32>,
        %swap3A_487 = vector.shape_cast %swap3A_486 : vector<16xi32> to vector<16xi32>
        %swap3A_488 = vector.shape_cast %and3A_484 : vector<16xi32> to vector<16xi32>
        tpu.vector_store %arg7[%swap3A_485], %swap3A_488 {strides = array<i32>} : memref<128xi32, #tpu.memory_space<vmem>>, vector<16xi32>,
        %dma_start3A_489 = arith.constant 0 : i32
        %dma_start3A_490 = arith.constant 0 : i32
        %dma_start3A_491 = arith.constant 0 : i32
        %dma_start3A_492 = tpu.memref_slice %arg2[%dma_start3A_489, %dma_start3A_490, %dma_start3A_491] : memref<10240x2x128xbf16, #tpu.memory_space<hbm>> -> memref<10240x2x128xbf16, #tpu.memory_space<hbm>>
        tpu.enqueue_indirect_dma source(%dma_start3A_492 : memref<10240x2x128xbf16, #tpu.memory_space<hbm>>) target(%arg10 : memref<128x2x128xbf16, #tpu.memory_space<vmem>>) offsets(%arg7 : memref<128xi32, #tpu.memory_space<vmem>>) semaphore(%arg13 : memref<!tpu.dma_semaphore, #tpu.memory_space<semaphore_mem>>)
      } else {
      }
      %add3A_302 = arith.constant 1 : i32
      %add3A_303 = arith.addi %mul3A_207, %add3A_302 : i32
      %get3A_304 = arith.index_cast %add3A_303 : i32 to index
      %get3A_305 = arith.constant 0 : index
      %get3A_306 = tpu.vector_load %arg6[%get3A_304, %get3A_305] {strides = array<i32>} : memref<40x128xi32, #tpu.memory_space<vmem>>, vector<1x16xi32>,
      %get3A_307 = vector.shape_cast %get3A_306 : vector<1x16xi32> to vector<16xi32>
      %shift_right_logical3A_308 = arith.constant 16 : i32
      %shift_right_logical3A_309 = vector.broadcast %shift_right_logical3A_308 : i32 to vector<16xi32>
      %shift_right_logical3A_310 = arith.shrui %get3A_307, %shift_right_logical3A_309 : vector<16xi32>
      %swap3A_311 = arith.constant 0 : index
      %swap3A_312 = tpu.vector_load %arg9[%swap3A_311] {strides = array<i32>} : memref<128xi32, #tpu.memory_space<vmem>>, vector<16xi32>,
      %swap3A_313 = vector.shape_cast %swap3A_312 : vector<16xi32> to vector<16xi32>
      %swap3A_314 = vector.shape_cast %shift_right_logical3A_310 : vector<16xi32> to vector<16xi32>
      tpu.vector_store %arg9[%swap3A_311], %swap3A_314 {strides = array<i32>} : memref<128xi32, #tpu.memory_space<vmem>>, vector<16xi32>,
      %get3A_315 = arith.index_cast %add3A_303 : i32 to index
      %get3A_316 = arith.constant 16 : index
      %get3A_317 = tpu.vector_load %arg6[%get3A_315, %get3A_316] {strides = array<i32>} : memref<40x128xi32, #tpu.memory_space<vmem>>, vector<1x16xi32>,
      %get3A_318 = vector.shape_cast %get3A_317 : vector<1x16xi32> to vector<16xi32>
      %shift_right_logical3A_319 = arith.constant 16 : i32
      %shift_right_logical3A_320 = vector.broadcast %shift_right_logical3A_319 : i32 to vector<16xi32>
      %shift_right_logical3A_321 = arith.shrui %get3A_318, %shift_right_logical3A_320 : vector<16xi32>
      %swap3A_322 = arith.constant 16 : index
      %swap3A_323 = tpu.vector_load %arg9[%swap3A_322] {strides = array<i32>} : memref<128xi32, #tpu.memory_space<vmem>>, vector<16xi32>,
      %swap3A_324 = vector.shape_cast %swap3A_323 : vector<16xi32> to vector<16xi32>
      %swap3A_325 = vector.shape_cast %shift_right_logical3A_321 : vector<16xi32> to vector<16xi32>
      tpu.vector_store %arg9[%swap3A_322], %swap3A_325 {strides = array<i32>} : memref<128xi32, #tpu.memory_space<vmem>>, vector<16xi32>,
      %get3A_326 = arith.index_cast %add3A_303 : i32 to index
      %get3A_327 = arith.constant 32 : index
      %get3A_328 = tpu.vector_load %arg6[%get3A_326, %get3A_327] {strides = array<i32>} : memref<40x128xi32, #tpu.memory_space<vmem>>, vector<1x16xi32>,
      %get3A_329 = vector.shape_cast %get3A_328 : vector<1x16xi32> to vector<16xi32>
      %shift_right_logical3A_330 = arith.constant 16 : i32
      %shift_right_logical3A_331 = vector.broadcast %shift_right_logical3A_330 : i32 to vector<16xi32>
      %shift_right_logical3A_332 = arith.shrui %get3A_329, %shift_right_logical3A_331 : vector<16xi32>
      %swap3A_333 = arith.constant 32 : index
      %swap3A_334 = tpu.vector_load %arg9[%swap3A_333] {strides = array<i32>} : memref<128xi32, #tpu.memory_space<vmem>>, vector<16xi32>,
      %swap3A_335 = vector.shape_cast %swap3A_334 : vector<16xi32> to vector<16xi32>
      %swap3A_336 = vector.shape_cast %shift_right_logical3A_332 : vector<16xi32> to vector<16xi32>
      tpu.vector_store %arg9[%swap3A_333], %swap3A_336 {strides = array<i32>} : memref<128xi32, #tpu.memory_space<vmem>>, vector<16xi32>,
      %get3A_337 = arith.index_cast %add3A_303 : i32 to index
      %get3A_338 = arith.constant 48 : index
      %get3A_339 = tpu.vector_load %arg6[%get3A_337, %get3A_338] {strides = array<i32>} : memref<40x128xi32, #tpu.memory_space<vmem>>, vector<1x16xi32>,
      %get3A_340 = vector.shape_cast %get3A_339 : vector<1x16xi32> to vector<16xi32>
      %shift_right_logical3A_341 = arith.constant 16 : i32
      %shift_right_logical3A_342 = vector.broadcast %shift_right_logical3A_341 : i32 to vector<16xi32>
      %shift_right_logical3A_343 = arith.shrui %get3A_340, %shift_right_logical3A_342 : vector<16xi32>
      %swap3A_344 = arith.constant 48 : index
      %swap3A_345 = tpu.vector_load %arg9[%swap3A_344] {strides = array<i32>} : memref<128xi32, #tpu.memory_space<vmem>>, vector<16xi32>,
      %swap3A_346 = vector.shape_cast %swap3A_345 : vector<16xi32> to vector<16xi32>
      %swap3A_347 = vector.shape_cast %shift_right_logical3A_343 : vector<16xi32> to vector<16xi32>
      tpu.vector_store %arg9[%swap3A_344], %swap3A_347 {strides = array<i32>} : memref<128xi32, #tpu.memory_space<vmem>>, vector<16xi32>,
      %get3A_348 = arith.index_cast %add3A_303 : i32 to index
      %get3A_349 = arith.constant 64 : index
      %get3A_350 = tpu.vector_load %arg6[%get3A_348, %get3A_349] {strides = array<i32>} : memref<40x128xi32, #tpu.memory_space<vmem>>, vector<1x16xi32>,
      %get3A_351 = vector.shape_cast %get3A_350 : vector<1x16xi32> to vector<16xi32>
      %shift_right_logical3A_352 = arith.constant 16 : i32
      %shift_right_logical3A_353 = vector.broadcast %shift_right_logical3A_352 : i32 to vector<16xi32>
      %shift_right_logical3A_354 = arith.shrui %get3A_351, %shift_right_logical3A_353 : vector<16xi32>
      %swap3A_355 = arith.constant 64 : index
      %swap3A_356 = tpu.vector_load %arg9[%swap3A_355] {strides = array<i32>} : memref<128xi32, #tpu.memory_space<vmem>>, vector<16xi32>,
      %swap3A_357 = vector.shape_cast %swap3A_356 : vector<16xi32> to vector<16xi32>
      %swap3A_358 = vector.shape_cast %shift_right_logical3A_354 : vector<16xi32> to vector<16xi32>
      tpu.vector_store %arg9[%swap3A_355], %swap3A_358 {strides = array<i32>} : memref<128xi32, #tpu.memory_space<vmem>>, vector<16xi32>,
      %get3A_359 = arith.index_cast %add3A_303 : i32 to index
      %get3A_360 = arith.constant 80 : index
      %get3A_361 = tpu.vector_load %arg6[%get3A_359, %get3A_360] {strides = array<i32>} : memref<40x128xi32, #tpu.memory_space<vmem>>, vector<1x16xi32>,
      %get3A_362 = vector.shape_cast %get3A_361 : vector<1x16xi32> to vector<16xi32>
      %shift_right_logical3A_363 = arith.constant 16 : i32
      %shift_right_logical3A_364 = vector.broadcast %shift_right_logical3A_363 : i32 to vector<16xi32>
      %shift_right_logical3A_365 = arith.shrui %get3A_362, %shift_right_logical3A_364 : vector<16xi32>
      %swap3A_366 = arith.constant 80 : index
      %swap3A_367 = tpu.vector_load %arg9[%swap3A_366] {strides = array<i32>} : memref<128xi32, #tpu.memory_space<vmem>>, vector<16xi32>,
      %swap3A_368 = vector.shape_cast %swap3A_367 : vector<16xi32> to vector<16xi32>
      %swap3A_369 = vector.shape_cast %shift_right_logical3A_365 : vector<16xi32> to vector<16xi32>
      tpu.vector_store %arg9[%swap3A_366], %swap3A_369 {strides = array<i32>} : memref<128xi32, #tpu.memory_space<vmem>>, vector<16xi32>,
      %get3A_370 = arith.index_cast %add3A_303 : i32 to index
      %get3A_371 = arith.constant 96 : index
      %get3A_372 = tpu.vector_load %arg6[%get3A_370, %get3A_371] {strides = array<i32>} : memref<40x128xi32, #tpu.memory_space<vmem>>, vector<1x16xi32>,
      %get3A_373 = vector.shape_cast %get3A_372 : vector<1x16xi32> to vector<16xi32>
      %shift_right_logical3A_374 = arith.constant 16 : i32
      %shift_right_logical3A_375 = vector.broadcast %shift_right_logical3A_374 : i32 to vector<16xi32>
      %shift_right_logical3A_376 = arith.shrui %get3A_373, %shift_right_logical3A_375 : vector<16xi32>
      %swap3A_377 = arith.constant 96 : index
      %swap3A_378 = tpu.vector_load %arg9[%swap3A_377] {strides = array<i32>} : memref<128xi32, #tpu.memory_space<vmem>>, vector<16xi32>,
      %swap3A_379 = vector.shape_cast %swap3A_378 : vector<16xi32> to vector<16xi32>
      %swap3A_380 = vector.shape_cast %shift_right_logical3A_376 : vector<16xi32> to vector<16xi32>
      tpu.vector_store %arg9[%swap3A_377], %swap3A_380 {strides = array<i32>} : memref<128xi32, #tpu.memory_space<vmem>>, vector<16xi32>,
      %get3A_381 = arith.index_cast %add3A_303 : i32 to index
      %get3A_382 = arith.constant 112 : index
      %get3A_383 = tpu.vector_load %arg6[%get3A_381, %get3A_382] {strides = array<i32>} : memref<40x128xi32, #tpu.memory_space<vmem>>, vector<1x16xi32>,
      %get3A_384 = vector.shape_cast %get3A_383 : vector<1x16xi32> to vector<16xi32>
      %shift_right_logical3A_385 = arith.constant 16 : i32
      %shift_right_logical3A_386 = vector.broadcast %shift_right_logical3A_385 : i32 to vector<16xi32>
      %shift_right_logical3A_387 = arith.shrui %get3A_384, %shift_right_logical3A_386 : vector<16xi32>
      %swap3A_388 = arith.constant 112 : index
      %swap3A_389 = tpu.vector_load %arg9[%swap3A_388] {strides = array<i32>} : memref<128xi32, #tpu.memory_space<vmem>>, vector<16xi32>,
      %swap3A_390 = vector.shape_cast %swap3A_389 : vector<16xi32> to vector<16xi32>
      %swap3A_391 = vector.shape_cast %shift_right_logical3A_387 : vector<16xi32> to vector<16xi32>
      tpu.vector_store %arg9[%swap3A_388], %swap3A_391 {strides = array<i32>} : memref<128xi32, #tpu.memory_space<vmem>>, vector<16xi32>,
      %dma_wait3A_392 = arith.constant 0 : i32
      %dma_wait3A_393 = arith.constant 0 : i32
      %dma_wait3A_394 = arith.constant 0 : i32
      %dma_wait3A_395 = tpu.memref_slice %arg2[%dma_wait3A_392, %dma_wait3A_393, %dma_wait3A_394] : memref<10240x2x128xbf16, #tpu.memory_space<hbm>> -> memref<10240x2x128xbf16, #tpu.memory_space<hbm>>
      tpu.wait_indirect_dma semaphore(%arg14 : memref<!tpu.dma_semaphore, #tpu.memory_space<semaphore_mem>>) src(%dma_wait3A_395 : memref<10240x2x128xbf16, #tpu.memory_space<hbm>>) dst(%arg11 : memref<128x2x128xbf16, #tpu.memory_space<vmem>>)
      "tpu.region"() ({
        %run_scoped3A = tpu.sem_alloc : memref<!tpu.dma_semaphore, #tpu.memory_space<semaphore_mem>>
        %dma_start3A_399 = arith.constant 0 : i32
        %dma_start3A_400 = arith.constant 0 : i32
        %dma_start3A_401 = arith.constant 0 : i32
        %dma_start3A_402 = tpu.memref_slice %arg12[%dma_start3A_399, %dma_start3A_400, %dma_start3A_401] : memref<10240x2x128xbf16, #tpu.memory_space<vmem_shared>> -> memref<10240x2x128xbf16, #tpu.memory_space<vmem_shared>>
        tpu.enqueue_indirect_dma source(%arg11 : memref<128x2x128xbf16, #tpu.memory_space<vmem>>) target(%dma_start3A_402 : memref<10240x2x128xbf16, #tpu.memory_space<vmem_shared>>) offsets(%arg9 : memref<128xi32, #tpu.memory_space<vmem>>) semaphore(%run_scoped3A : memref<!tpu.dma_semaphore, #tpu.memory_space<semaphore_mem>>) {add = true}
        %dma_wait3A_403 = arith.constant 0 : i32
        %dma_wait3A_404 = arith.constant 0 : i32
        %dma_wait3A_405 = arith.constant 0 : i32
        %dma_wait3A_406 = tpu.memref_slice %arg12[%dma_wait3A_403, %dma_wait3A_404, %dma_wait3A_405] : memref<10240x2x128xbf16, #tpu.memory_space<vmem_shared>> -> memref<10240x2x128xbf16, #tpu.memory_space<vmem_shared>>
        tpu.wait_indirect_dma semaphore(%run_scoped3A : memref<!tpu.dma_semaphore, #tpu.memory_space<semaphore_mem>>) src(%arg11 : memref<128x2x128xbf16, #tpu.memory_space<vmem>>) dst(%dma_wait3A_406 : memref<10240x2x128xbf16, #tpu.memory_space<vmem_shared>>)
        tpu.yield
      }) : () -> ()
      %convert_element_type3A_396 = arith.extui %lt3A_210 : i1 to i32
      %cond3A_397 = arith.constant 0 : i32
      %cond3A_398 = arith.cmpi ne, %convert_element_type3A_396, %cond3A_397 : i32
      scf.if %cond3A_398 {
        %add3A_399 = arith.constant 3 : i32
        %add3A_400 = arith.addi %mul3A_207, %add3A_399 : i32
        %get3A_401 = arith.index_cast %add3A_400 : i32 to index
        %get3A_402 = arith.constant 0 : index
        %get3A_403 = tpu.vector_load %arg6[%get3A_401, %get3A_402] {strides = array<i32>} : memref<40x128xi32, #tpu.memory_space<vmem>>, vector<1x16xi32>,
        %get3A_404 = vector.shape_cast %get3A_403 : vector<1x16xi32> to vector<16xi32>
        %and3A_405 = arith.constant 65535 : i32
        %and3A_406 = vector.broadcast %and3A_405 : i32 to vector<16xi32>
        %and3A_407 = arith.andi %get3A_404, %and3A_406 : vector<16xi32>
        %swap3A_408 = arith.constant 0 : index
        %swap3A_409 = tpu.vector_load %arg8[%swap3A_408] {strides = array<i32>} : memref<128xi32, #tpu.memory_space<vmem>>, vector<16xi32>,
        %swap3A_410 = vector.shape_cast %swap3A_409 : vector<16xi32> to vector<16xi32>
        %swap3A_411 = vector.shape_cast %and3A_407 : vector<16xi32> to vector<16xi32>
        tpu.vector_store %arg8[%swap3A_408], %swap3A_411 {strides = array<i32>} : memref<128xi32, #tpu.memory_space<vmem>>, vector<16xi32>,
        %get3A_412 = arith.index_cast %add3A_400 : i32 to index
        %get3A_413 = arith.constant 16 : index
        %get3A_414 = tpu.vector_load %arg6[%get3A_412, %get3A_413] {strides = array<i32>} : memref<40x128xi32, #tpu.memory_space<vmem>>, vector<1x16xi32>,
        %get3A_415 = vector.shape_cast %get3A_414 : vector<1x16xi32> to vector<16xi32>
        %and3A_416 = arith.constant 65535 : i32
        %and3A_417 = vector.broadcast %and3A_416 : i32 to vector<16xi32>
        %and3A_418 = arith.andi %get3A_415, %and3A_417 : vector<16xi32>
        %swap3A_419 = arith.constant 16 : index
        %swap3A_420 = tpu.vector_load %arg8[%swap3A_419] {strides = array<i32>} : memref<128xi32, #tpu.memory_space<vmem>>, vector<16xi32>,
        %swap3A_421 = vector.shape_cast %swap3A_420 : vector<16xi32> to vector<16xi32>
        %swap3A_422 = vector.shape_cast %and3A_418 : vector<16xi32> to vector<16xi32>
        tpu.vector_store %arg8[%swap3A_419], %swap3A_422 {strides = array<i32>} : memref<128xi32, #tpu.memory_space<vmem>>, vector<16xi32>,
        %get3A_423 = arith.index_cast %add3A_400 : i32 to index
        %get3A_424 = arith.constant 32 : index
        %get3A_425 = tpu.vector_load %arg6[%get3A_423, %get3A_424] {strides = array<i32>} : memref<40x128xi32, #tpu.memory_space<vmem>>, vector<1x16xi32>,
        %get3A_426 = vector.shape_cast %get3A_425 : vector<1x16xi32> to vector<16xi32>
        %and3A_427 = arith.constant 65535 : i32
        %and3A_428 = vector.broadcast %and3A_427 : i32 to vector<16xi32>
        %and3A_429 = arith.andi %get3A_426, %and3A_428 : vector<16xi32>
        %swap3A_430 = arith.constant 32 : index
        %swap3A_431 = tpu.vector_load %arg8[%swap3A_430] {strides = array<i32>} : memref<128xi32, #tpu.memory_space<vmem>>, vector<16xi32>,
        %swap3A_432 = vector.shape_cast %swap3A_431 : vector<16xi32> to vector<16xi32>
        %swap3A_433 = vector.shape_cast %and3A_429 : vector<16xi32> to vector<16xi32>
        tpu.vector_store %arg8[%swap3A_430], %swap3A_433 {strides = array<i32>} : memref<128xi32, #tpu.memory_space<vmem>>, vector<16xi32>,
        %get3A_434 = arith.index_cast %add3A_400 : i32 to index
        %get3A_435 = arith.constant 48 : index
        %get3A_436 = tpu.vector_load %arg6[%get3A_434, %get3A_435] {strides = array<i32>} : memref<40x128xi32, #tpu.memory_space<vmem>>, vector<1x16xi32>,
        %get3A_437 = vector.shape_cast %get3A_436 : vector<1x16xi32> to vector<16xi32>
        %and3A_438 = arith.constant 65535 : i32
        %and3A_439 = vector.broadcast %and3A_438 : i32 to vector<16xi32>
        %and3A_440 = arith.andi %get3A_437, %and3A_439 : vector<16xi32>
        %swap3A_441 = arith.constant 48 : index
        %swap3A_442 = tpu.vector_load %arg8[%swap3A_441] {strides = array<i32>} : memref<128xi32, #tpu.memory_space<vmem>>, vector<16xi32>,
        %swap3A_443 = vector.shape_cast %swap3A_442 : vector<16xi32> to vector<16xi32>
        %swap3A_444 = vector.shape_cast %and3A_440 : vector<16xi32> to vector<16xi32>
        tpu.vector_store %arg8[%swap3A_441], %swap3A_444 {strides = array<i32>} : memref<128xi32, #tpu.memory_space<vmem>>, vector<16xi32>,
        %get3A_445 = arith.index_cast %add3A_400 : i32 to index
        %get3A_446 = arith.constant 64 : index
        %get3A_447 = tpu.vector_load %arg6[%get3A_445, %get3A_446] {strides = array<i32>} : memref<40x128xi32, #tpu.memory_space<vmem>>, vector<1x16xi32>,
        %get3A_448 = vector.shape_cast %get3A_447 : vector<1x16xi32> to vector<16xi32>
        %and3A_449 = arith.constant 65535 : i32
        %and3A_450 = vector.broadcast %and3A_449 : i32 to vector<16xi32>
        %and3A_451 = arith.andi %get3A_448, %and3A_450 : vector<16xi32>
        %swap3A_452 = arith.constant 64 : index
        %swap3A_453 = tpu.vector_load %arg8[%swap3A_452] {strides = array<i32>} : memref<128xi32, #tpu.memory_space<vmem>>, vector<16xi32>,
        %swap3A_454 = vector.shape_cast %swap3A_453 : vector<16xi32> to vector<16xi32>
        %swap3A_455 = vector.shape_cast %and3A_451 : vector<16xi32> to vector<16xi32>
        tpu.vector_store %arg8[%swap3A_452], %swap3A_455 {strides = array<i32>} : memref<128xi32, #tpu.memory_space<vmem>>, vector<16xi32>,
        %get3A_456 = arith.index_cast %add3A_400 : i32 to index
        %get3A_457 = arith.constant 80 : index
        %get3A_458 = tpu.vector_load %arg6[%get3A_456, %get3A_457] {strides = array<i32>} : memref<40x128xi32, #tpu.memory_space<vmem>>, vector<1x16xi32>,
        %get3A_459 = vector.shape_cast %get3A_458 : vector<1x16xi32> to vector<16xi32>
        %and3A_460 = arith.constant 65535 : i32
        %and3A_461 = vector.broadcast %and3A_460 : i32 to vector<16xi32>
        %and3A_462 = arith.andi %get3A_459, %and3A_461 : vector<16xi32>
        %swap3A_463 = arith.constant 80 : index
        %swap3A_464 = tpu.vector_load %arg8[%swap3A_463] {strides = array<i32>} : memref<128xi32, #tpu.memory_space<vmem>>, vector<16xi32>,
        %swap3A_465 = vector.shape_cast %swap3A_464 : vector<16xi32> to vector<16xi32>
        %swap3A_466 = vector.shape_cast %and3A_462 : vector<16xi32> to vector<16xi32>
        tpu.vector_store %arg8[%swap3A_463], %swap3A_466 {strides = array<i32>} : memref<128xi32, #tpu.memory_space<vmem>>, vector<16xi32>,
        %get3A_467 = arith.index_cast %add3A_400 : i32 to index
        %get3A_468 = arith.constant 96 : index
        %get3A_469 = tpu.vector_load %arg6[%get3A_467, %get3A_468] {strides = array<i32>} : memref<40x128xi32, #tpu.memory_space<vmem>>, vector<1x16xi32>,
        %get3A_470 = vector.shape_cast %get3A_469 : vector<1x16xi32> to vector<16xi32>
        %and3A_471 = arith.constant 65535 : i32
        %and3A_472 = vector.broadcast %and3A_471 : i32 to vector<16xi32>
        %and3A_473 = arith.andi %get3A_470, %and3A_472 : vector<16xi32>
        %swap3A_474 = arith.constant 96 : index
        %swap3A_475 = tpu.vector_load %arg8[%swap3A_474] {strides = array<i32>} : memref<128xi32, #tpu.memory_space<vmem>>, vector<16xi32>,
        %swap3A_476 = vector.shape_cast %swap3A_475 : vector<16xi32> to vector<16xi32>
        %swap3A_477 = vector.shape_cast %and3A_473 : vector<16xi32> to vector<16xi32>
        tpu.vector_store %arg8[%swap3A_474], %swap3A_477 {strides = array<i32>} : memref<128xi32, #tpu.memory_space<vmem>>, vector<16xi32>,
        %get3A_478 = arith.index_cast %add3A_400 : i32 to index
        %get3A_479 = arith.constant 112 : index
        %get3A_480 = tpu.vector_load %arg6[%get3A_478, %get3A_479] {strides = array<i32>} : memref<40x128xi32, #tpu.memory_space<vmem>>, vector<1x16xi32>,
        %get3A_481 = vector.shape_cast %get3A_480 : vector<1x16xi32> to vector<16xi32>
        %and3A_482 = arith.constant 65535 : i32
        %and3A_483 = vector.broadcast %and3A_482 : i32 to vector<16xi32>
        %and3A_484 = arith.andi %get3A_481, %and3A_483 : vector<16xi32>
        %swap3A_485 = arith.constant 112 : index
        %swap3A_486 = tpu.vector_load %arg8[%swap3A_485] {strides = array<i32>} : memref<128xi32, #tpu.memory_space<vmem>>, vector<16xi32>,
        %swap3A_487 = vector.shape_cast %swap3A_486 : vector<16xi32> to vector<16xi32>
        %swap3A_488 = vector.shape_cast %and3A_484 : vector<16xi32> to vector<16xi32>
        tpu.vector_store %arg8[%swap3A_485], %swap3A_488 {strides = array<i32>} : memref<128xi32, #tpu.memory_space<vmem>>, vector<16xi32>,
        %dma_start3A_489 = arith.constant 0 : i32
        %dma_start3A_490 = arith.constant 0 : i32
        %dma_start3A_491 = arith.constant 0 : i32
        %dma_start3A_492 = tpu.memref_slice %arg2[%dma_start3A_489, %dma_start3A_490, %dma_start3A_491] : memref<10240x2x128xbf16, #tpu.memory_space<hbm>> -> memref<10240x2x128xbf16, #tpu.memory_space<hbm>>
        tpu.enqueue_indirect_dma source(%dma_start3A_492 : memref<10240x2x128xbf16, #tpu.memory_space<hbm>>) target(%arg11 : memref<128x2x128xbf16, #tpu.memory_space<vmem>>) offsets(%arg8 : memref<128xi32, #tpu.memory_space<vmem>>) semaphore(%arg14 : memref<!tpu.dma_semaphore, #tpu.memory_space<semaphore_mem>>)
      } else {
      }
    }
    %scan3A_203 = arith.constant 20 : i32
    %barrier3A_204 = arith.constant 0 : index
    tpu.barrier barrier_id(%barrier3A_204)
    "tpu.region"() ({
      %run_scoped3A = tpu.sem_alloc : memref<!tpu.dma_semaphore, #tpu.memory_space<semaphore_mem>>
      %dma_start3A_205 = arith.constant 0 : i32
      %dma_start3A_206 = arith.constant 0 : i32
      %dma_start3A_207 = tpu.memref_slice %arg5[%arg0, %mul3A_0, %dma_start3A_205, %dma_start3A_206] : memref<2x10240x2x128xbf16, #tpu.memory_space<hbm>> -> memref<1x640x2x128xbf16, #tpu.memory_space<hbm>>
      %dma_start3A_208 = tpu.memref_squeeze %dma_start3A_207 : memref<1x640x2x128xbf16, #tpu.memory_space<hbm>> -> memref<640x2x128xbf16, #tpu.memory_space<hbm>>
      %dma_start3A_209 = arith.constant 0 : i32
      %dma_start3A_210 = arith.constant 0 : i32
      %dma_start3A_211 = tpu.memref_slice %arg12[%mul3A_0, %dma_start3A_209, %dma_start3A_210] : memref<10240x2x128xbf16, #tpu.memory_space<vmem_shared>> -> memref<640x2x128xbf16, #tpu.memory_space<vmem_shared>>
      tpu.enqueue_dma source(%dma_start3A_211 : memref<640x2x128xbf16, #tpu.memory_space<vmem_shared>>) target(%dma_start3A_208 : memref<640x2x128xbf16, #tpu.memory_space<hbm>>) target_semaphore(%run_scoped3A : memref<!tpu.dma_semaphore, #tpu.memory_space<semaphore_mem>>)
      %dma_wait3A = arith.constant 0 : i32
      %dma_wait3A_212 = arith.constant 0 : i32
      %dma_wait3A_213 = tpu.memref_slice %arg5[%arg0, %mul3A_0, %dma_wait3A, %dma_wait3A_212] : memref<2x10240x2x128xbf16, #tpu.memory_space<hbm>> -> memref<1x640x2x128xbf16, #tpu.memory_space<hbm>>
      %dma_wait3A_214 = tpu.memref_squeeze %dma_wait3A_213 : memref<1x640x2x128xbf16, #tpu.memory_space<hbm>> -> memref<640x2x128xbf16, #tpu.memory_space<hbm>>
      %dma_wait3A_215 = arith.constant 0 : i32
      %dma_wait3A_216 = arith.constant 0 : i32
      %dma_wait3A_217 = tpu.memref_slice %arg12[%mul3A_0, %dma_wait3A_215, %dma_wait3A_216] : memref<10240x2x128xbf16, #tpu.memory_space<vmem_shared>> -> memref<640x2x128xbf16, #tpu.memory_space<vmem_shared>>
      tpu.wait_dma2 semaphore(%run_scoped3A : memref<!tpu.dma_semaphore, #tpu.memory_space<semaphore_mem>>) src(%dma_wait3A_217 : memref<640x2x128xbf16, #tpu.memory_space<vmem_shared>>) dst(%dma_wait3A_214 : memref<640x2x128xbf16, #tpu.memory_space<hbm>>)
      tpu.yield
    }) : () -> ()
    return
  }
}

#map = affine_map<(d0, d1) -> (0, 0, 0)>
#map1 = affine_map<(d0, d1) -> (0, 0)>
module attributes {stable_mosaic.version = 14 : i64} {
  func.func @body(%arg0: i32, %arg1: i32, %arg2: memref<32x40x128xi32, #tpu.memory_space<hbm>>, %arg3: memref<10240x128xf32, #tpu.memory_space<hbm>>, %arg4: memref<128x128xf32, #tpu.memory_space<hbm>>, %arg5: memref<2x10240x128xf32, #tpu.memory_space<hbm>>, %arg6: memref<40x128xi32, #tpu.memory_space<vmem>>, %arg7: memref<128x128xf32, #tpu.memory_space<vmem>>, %arg8: memref<10240x128xf32, #tpu.memory_space<vmem_shared>>, %arg9: memref<!tpu.dma_semaphore, #tpu.memory_space<semaphore_mem>>) attributes {dimension_semantics = [#tpu.dimension_semantics<core_parallel>, #tpu.dimension_semantics<subcore_parallel>], iteration_bounds = array<i64: 2, 16>, scalar_prefetch = 0 : i64, scratch_operands = 4 : i64, tpu.core_type = #tpu.core_type<sc_vector_subcore>, window_params = [{transform_indices = #map}, {transform_indices = #map1}, {transform_indices = #map1}, {transform_indices = #map}]} {
    %mul3A = arith.constant 640 : i32
    %mul3A_0 = arith.muli %arg1, %mul3A : i32
    %mul3A_1 = arith.constant 16 : i32
    %mul3A_2 = arith.muli %arg0, %mul3A_1 : i32
    %add3A = arith.addi %mul3A_2, %arg1 : i32
    "tpu.region"() ({
      %run_scoped3A = tpu.sem_alloc : memref<!tpu.dma_semaphore, #tpu.memory_space<semaphore_mem>>
      %dma_start3A = arith.constant 0 : i32
      %dma_start3A_15 = arith.constant 0 : i32
      %dma_start3A_16 = tpu.memref_slice %arg2[%add3A, %dma_start3A, %dma_start3A_15] : memref<32x40x128xi32, #tpu.memory_space<hbm>> -> memref<1x40x128xi32, #tpu.memory_space<hbm>>
      %dma_start3A_17 = tpu.memref_squeeze %dma_start3A_16 : memref<1x40x128xi32, #tpu.memory_space<hbm>> -> memref<40x128xi32, #tpu.memory_space<hbm>>
      %dma_start3A_18 = arith.constant 0 : i32
      %dma_start3A_19 = arith.constant 0 : i32
      %dma_start3A_20 = tpu.memref_slice %arg2[%add3A, %dma_start3A_18, %dma_start3A_19] : memref<32x40x128xi32, #tpu.memory_space<hbm>> -> memref<1x40x128xi32, #tpu.memory_space<hbm>>
      %dma_start3A_21 = tpu.memref_squeeze %dma_start3A_20 : memref<1x40x128xi32, #tpu.memory_space<hbm>> -> memref<40x128xi32, #tpu.memory_space<hbm>>
      tpu.enqueue_dma source(%dma_start3A_21 : memref<40x128xi32, #tpu.memory_space<hbm>>) target(%arg6 : memref<40x128xi32, #tpu.memory_space<vmem>>) target_semaphore(%run_scoped3A : memref<!tpu.dma_semaphore, #tpu.memory_space<semaphore_mem>>)
      %dma_wait3A = arith.constant 0 : i32
      %dma_wait3A_22 = arith.constant 0 : i32
      %dma_wait3A_23 = tpu.memref_slice %arg2[%add3A, %dma_wait3A, %dma_wait3A_22] : memref<32x40x128xi32, #tpu.memory_space<hbm>> -> memref<1x40x128xi32, #tpu.memory_space<hbm>>
      %dma_wait3A_24 = tpu.memref_squeeze %dma_wait3A_23 : memref<1x40x128xi32, #tpu.memory_space<hbm>> -> memref<40x128xi32, #tpu.memory_space<hbm>>
      %dma_wait3A_25 = arith.constant 0 : i32
      %dma_wait3A_26 = arith.constant 0 : i32
      %dma_wait3A_27 = tpu.memref_slice %arg2[%add3A, %dma_wait3A_25, %dma_wait3A_26] : memref<32x40x128xi32, #tpu.memory_space<hbm>> -> memref<1x40x128xi32, #tpu.memory_space<hbm>>
      %dma_wait3A_28 = tpu.memref_squeeze %dma_wait3A_27 : memref<1x40x128xi32, #tpu.memory_space<hbm>> -> memref<40x128xi32, #tpu.memory_space<hbm>>
      tpu.wait_dma2 semaphore(%run_scoped3A : memref<!tpu.dma_semaphore, #tpu.memory_space<semaphore_mem>>) src(%dma_wait3A_28 : memref<40x128xi32, #tpu.memory_space<hbm>>) dst(%arg6 : memref<40x128xi32, #tpu.memory_space<vmem>>)
      tpu.yield
    }) : () -> ()
    "tpu.region"() ({
      %run_scoped3A = tpu.sem_alloc : memref<!tpu.dma_semaphore, #tpu.memory_space<semaphore_mem>>
      tpu.enqueue_dma source(%arg4 : memref<128x128xf32, #tpu.memory_space<hbm>>) target(%arg7 : memref<128x128xf32, #tpu.memory_space<vmem>>) target_semaphore(%run_scoped3A : memref<!tpu.dma_semaphore, #tpu.memory_space<semaphore_mem>>)
      tpu.wait_dma2 semaphore(%run_scoped3A : memref<!tpu.dma_semaphore, #tpu.memory_space<semaphore_mem>>) src(%arg4 : memref<128x128xf32, #tpu.memory_space<hbm>>) dst(%arg7 : memref<128x128xf32, #tpu.memory_space<vmem>>)
      tpu.yield
    }) : () -> ()
    "tpu.region"() ({
      %run_scoped3A = tpu.sem_alloc : memref<!tpu.dma_semaphore, #tpu.memory_space<semaphore_mem>>
      %dma_start3A = arith.constant 0 : i32
      %dma_start3A_15 = tpu.memref_slice %arg8[%mul3A_0, %dma_start3A] : memref<10240x128xf32, #tpu.memory_space<vmem_shared>> -> memref<640x128xf32, #tpu.memory_space<vmem_shared>>
      %dma_start3A_16 = arith.constant 0 : i32
      %dma_start3A_17 = tpu.memref_slice %arg3[%mul3A_0, %dma_start3A_16] : memref<10240x128xf32, #tpu.memory_space<hbm>> -> memref<640x128xf32, #tpu.memory_space<hbm>>
      tpu.enqueue_dma source(%dma_start3A_17 : memref<640x128xf32, #tpu.memory_space<hbm>>) target(%dma_start3A_15 : memref<640x128xf32, #tpu.memory_space<vmem_shared>>) target_semaphore(%run_scoped3A : memref<!tpu.dma_semaphore, #tpu.memory_space<semaphore_mem>>)
      %dma_wait3A = arith.constant 0 : i32
      %dma_wait3A_18 = tpu.memref_slice %arg8[%mul3A_0, %dma_wait3A] : memref<10240x128xf32, #tpu.memory_space<vmem_shared>> -> memref<640x128xf32, #tpu.memory_space<vmem_shared>>
      %dma_wait3A_19 = arith.constant 0 : i32
      %dma_wait3A_20 = tpu.memref_slice %arg3[%mul3A_0, %dma_wait3A_19] : memref<10240x128xf32, #tpu.memory_space<hbm>> -> memref<640x128xf32, #tpu.memory_space<hbm>>
      tpu.wait_dma2 semaphore(%run_scoped3A : memref<!tpu.dma_semaphore, #tpu.memory_space<semaphore_mem>>) src(%dma_wait3A_20 : memref<640x128xf32, #tpu.memory_space<hbm>>) dst(%dma_wait3A_18 : memref<640x128xf32, #tpu.memory_space<vmem_shared>>)
      tpu.yield
    }) : () -> ()
    %barrier3A = arith.constant 0 : index
    tpu.barrier barrier_id(%barrier3A)
    %scan3A = arith.constant 0 : i32
    %scan3A_3 = arith.constant 0 : i32
    %scan3A_4 = arith.constant 40 : i32
    %scan3A_5 = arith.addi %scan3A_3, %scan3A_4 : i32
    %scan3A_6 = arith.constant 1 : i32
    scf.for %scan3A_15 = %scan3A_3 to %scan3A_5 step %scan3A_6  : i32 {
      %dma_start3A = arith.constant 0 : i32
      %dma_start3A_16 = tpu.memref_slice %arg6[%scan3A_15, %dma_start3A] : memref<40x128xi32, #tpu.memory_space<vmem>> -> memref<1x128xi32, #tpu.memory_space<vmem>>
      %dma_start3A_17 = tpu.memref_squeeze %dma_start3A_16 : memref<1x128xi32, #tpu.memory_space<vmem>> -> memref<128xi32, #tpu.memory_space<vmem>>
      %dma_start3A_18 = arith.constant 0 : i32
      %dma_start3A_19 = arith.constant 0 : i32
      %dma_start3A_20 = tpu.memref_slice %arg8[%dma_start3A_18, %dma_start3A_19] : memref<10240x128xf32, #tpu.memory_space<vmem_shared>> -> memref<10240x128xf32, #tpu.memory_space<vmem_shared>>
      tpu.enqueue_indirect_dma source(%arg7 : memref<128x128xf32, #tpu.memory_space<vmem>>) target(%dma_start3A_20 : memref<10240x128xf32, #tpu.memory_space<vmem_shared>>) offsets(%dma_start3A_17 : memref<128xi32, #tpu.memory_space<vmem>>) semaphore(%arg9 : memref<!tpu.dma_semaphore, #tpu.memory_space<semaphore_mem>>) {add = true}
    }
    %scan3A_7 = arith.constant 40 : i32
    %scan3A_8 = arith.constant 0 : i32
    %scan3A_9 = arith.constant 0 : i32
    %scan3A_10 = arith.constant 40 : i32
    %scan3A_11 = arith.addi %scan3A_9, %scan3A_10 : i32
    %scan3A_12 = arith.constant 1 : i32
    scf.for %scan3A_15 = %scan3A_9 to %scan3A_11 step %scan3A_12  : i32 {
      %dma_wait3A = arith.constant 0 : i32
      %dma_wait3A_16 = tpu.memref_slice %arg6[%scan3A_15, %dma_wait3A] : memref<40x128xi32, #tpu.memory_space<vmem>> -> memref<1x128xi32, #tpu.memory_space<vmem>>
      %dma_wait3A_17 = tpu.memref_squeeze %dma_wait3A_16 : memref<1x128xi32, #tpu.memory_space<vmem>> -> memref<128xi32, #tpu.memory_space<vmem>>
      %dma_wait3A_18 = arith.constant 0 : i32
      %dma_wait3A_19 = arith.constant 0 : i32
      %dma_wait3A_20 = tpu.memref_slice %arg8[%dma_wait3A_18, %dma_wait3A_19] : memref<10240x128xf32, #tpu.memory_space<vmem_shared>> -> memref<10240x128xf32, #tpu.memory_space<vmem_shared>>
      tpu.wait_indirect_dma semaphore(%arg9 : memref<!tpu.dma_semaphore, #tpu.memory_space<semaphore_mem>>) src(%arg7 : memref<128x128xf32, #tpu.memory_space<vmem>>) dst(%dma_wait3A_20 : memref<10240x128xf32, #tpu.memory_space<vmem_shared>>)
    }
    %scan3A_13 = arith.constant 40 : i32
    %barrier3A_14 = arith.constant 0 : index
    tpu.barrier barrier_id(%barrier3A_14)
    "tpu.region"() ({
      %run_scoped3A = tpu.sem_alloc : memref<!tpu.dma_semaphore, #tpu.memory_space<semaphore_mem>>
      %dma_start3A = arith.constant 0 : i32
      %dma_start3A_15 = tpu.memref_slice %arg5[%arg0, %mul3A_0, %dma_start3A] : memref<2x10240x128xf32, #tpu.memory_space<hbm>> -> memref<1x640x128xf32, #tpu.memory_space<hbm>>
      %dma_start3A_16 = tpu.memref_squeeze %dma_start3A_15 : memref<1x640x128xf32, #tpu.memory_space<hbm>> -> memref<640x128xf32, #tpu.memory_space<hbm>>
      %dma_start3A_17 = arith.constant 0 : i32
      %dma_start3A_18 = tpu.memref_slice %arg8[%mul3A_0, %dma_start3A_17] : memref<10240x128xf32, #tpu.memory_space<vmem_shared>> -> memref<640x128xf32, #tpu.memory_space<vmem_shared>>
      tpu.enqueue_dma source(%dma_start3A_18 : memref<640x128xf32, #tpu.memory_space<vmem_shared>>) target(%dma_start3A_16 : memref<640x128xf32, #tpu.memory_space<hbm>>) target_semaphore(%run_scoped3A : memref<!tpu.dma_semaphore, #tpu.memory_space<semaphore_mem>>)
      %dma_wait3A = arith.constant 0 : i32
      %dma_wait3A_19 = tpu.memref_slice %arg5[%arg0, %mul3A_0, %dma_wait3A] : memref<2x10240x128xf32, #tpu.memory_space<hbm>> -> memref<1x640x128xf32, #tpu.memory_space<hbm>>
      %dma_wait3A_20 = tpu.memref_squeeze %dma_wait3A_19 : memref<1x640x128xf32, #tpu.memory_space<hbm>> -> memref<640x128xf32, #tpu.memory_space<hbm>>
      %dma_wait3A_21 = arith.constant 0 : i32
      %dma_wait3A_22 = tpu.memref_slice %arg8[%mul3A_0, %dma_wait3A_21] : memref<10240x128xf32, #tpu.memory_space<vmem_shared>> -> memref<640x128xf32, #tpu.memory_space<vmem_shared>>
      tpu.wait_dma2 semaphore(%run_scoped3A : memref<!tpu.dma_semaphore, #tpu.memory_space<semaphore_mem>>) src(%dma_wait3A_22 : memref<640x128xf32, #tpu.memory_space<vmem_shared>>) dst(%dma_wait3A_20 : memref<640x128xf32, #tpu.memory_space<hbm>>)
      tpu.yield
    }) : () -> ()
    return
  }
}

#map = affine_map<(d0, d1) -> (0, 0, 0, 0)>
#map1 = affine_map<(d0, d1) -> (0, 0, 0)>
module attributes {stable_mosaic.version = 14 : i64} {
  func.func @body(%arg0: i32, %arg1: i32, %arg2: memref<2x10240x2x128xbf16, #tpu.memory_space<hbm>>, %arg3: memref<16x80x128xi32, #tpu.memory_space<hbm>>, %arg4: memref<10240x2x128xbf16, #tpu.memory_space<hbm>>, %arg5: memref<2x10240x2x128xbf16, #tpu.memory_space<hbm>>, %arg6: memref<80x128xi32, #tpu.memory_space<vmem>>, %arg7: memref<128xi32, #tpu.memory_space<vmem>>, %arg8: memref<128xi32, #tpu.memory_space<vmem>>, %arg9: memref<128xi32, #tpu.memory_space<vmem>>, %arg10: memref<128x2x128xbf16, #tpu.memory_space<vmem>>, %arg11: memref<128x2x128xbf16, #tpu.memory_space<vmem>>, %arg12: memref<10240x2x128xbf16, #tpu.memory_space<vmem_shared>>, %arg13: memref<!tpu.dma_semaphore, #tpu.memory_space<semaphore_mem>>, %arg14: memref<!tpu.dma_semaphore, #tpu.memory_space<semaphore_mem>>) attributes {dimension_semantics = [#tpu.dimension_semantics<core_parallel>, #tpu.dimension_semantics<subcore_parallel>], iteration_bounds = array<i64: 2, 16>, scalar_prefetch = 0 : i64, scratch_operands = 9 : i64, tpu.core_type = #tpu.core_type<sc_vector_subcore>, window_params = [{transform_indices = #map}, {transform_indices = #map1}, {transform_indices = #map1}, {transform_indices = #map}]} {
    %mul3A = arith.constant 640 : i32
    %mul3A_0 = arith.muli %arg1, %mul3A : i32
    "tpu.region"() ({
      %run_scoped3A = tpu.sem_alloc : memref<!tpu.dma_semaphore, #tpu.memory_space<semaphore_mem>>
      %dma_start3A_213 = arith.constant 0 : i32
      %dma_start3A_214 = arith.constant 0 : i32
      %dma_start3A_215 = tpu.memref_slice %arg3[%arg1, %dma_start3A_213, %dma_start3A_214] : memref<16x80x128xi32, #tpu.memory_space<hbm>> -> memref<1x80x128xi32, #tpu.memory_space<hbm>>
      %dma_start3A_216 = tpu.memref_squeeze %dma_start3A_215 : memref<1x80x128xi32, #tpu.memory_space<hbm>> -> memref<80x128xi32, #tpu.memory_space<hbm>>
      %dma_start3A_217 = arith.constant 0 : i32
      %dma_start3A_218 = arith.constant 0 : i32
      %dma_start3A_219 = tpu.memref_slice %arg3[%arg1, %dma_start3A_217, %dma_start3A_218] : memref<16x80x128xi32, #tpu.memory_space<hbm>> -> memref<1x80x128xi32, #tpu.memory_space<hbm>>
      %dma_start3A_220 = tpu.memref_squeeze %dma_start3A_219 : memref<1x80x128xi32, #tpu.memory_space<hbm>> -> memref<80x128xi32, #tpu.memory_space<hbm>>
      tpu.enqueue_dma source(%dma_start3A_220 : memref<80x128xi32, #tpu.memory_space<hbm>>) target(%arg6 : memref<80x128xi32, #tpu.memory_space<vmem>>) target_semaphore(%run_scoped3A : memref<!tpu.dma_semaphore, #tpu.memory_space<semaphore_mem>>)
      %dma_wait3A = arith.constant 0 : i32
      %dma_wait3A_221 = arith.constant 0 : i32
      %dma_wait3A_222 = tpu.memref_slice %arg3[%arg1, %dma_wait3A, %dma_wait3A_221] : memref<16x80x128xi32, #tpu.memory_space<hbm>> -> memref<1x80x128xi32, #tpu.memory_space<hbm>>
      %dma_wait3A_223 = tpu.memref_squeeze %dma_wait3A_222 : memref<1x80x128xi32, #tpu.memory_space<hbm>> -> memref<80x128xi32, #tpu.memory_space<hbm>>
      %dma_wait3A_224 = arith.constant 0 : i32
      %dma_wait3A_225 = arith.constant 0 : i32
      %dma_wait3A_226 = tpu.memref_slice %arg3[%arg1, %dma_wait3A_224, %dma_wait3A_225] : memref<16x80x128xi32, #tpu.memory_space<hbm>> -> memref<1x80x128xi32, #tpu.memory_space<hbm>>
      %dma_wait3A_227 = tpu.memref_squeeze %dma_wait3A_226 : memref<1x80x128xi32, #tpu.memory_space<hbm>> -> memref<80x128xi32, #tpu.memory_space<hbm>>
      tpu.wait_dma2 semaphore(%run_scoped3A : memref<!tpu.dma_semaphore, #tpu.memory_space<semaphore_mem>>) src(%dma_wait3A_227 : memref<80x128xi32, #tpu.memory_space<hbm>>) dst(%arg6 : memref<80x128xi32, #tpu.memory_space<vmem>>)
      tpu.yield
    }) : () -> ()
    "tpu.region"() ({
      %run_scoped3A = tpu.sem_alloc : memref<!tpu.dma_semaphore, #tpu.memory_space<semaphore_mem>>
      %dma_start3A_213 = arith.constant 0 : i32
      %dma_start3A_214 = arith.constant 0 : i32
      %dma_start3A_215 = tpu.memref_slice %arg12[%mul3A_0, %dma_start3A_213, %dma_start3A_214] : memref<10240x2x128xbf16, #tpu.memory_space<vmem_shared>> -> memref<640x2x128xbf16, #tpu.memory_space<vmem_shared>>
      %dma_start3A_216 = arith.constant 0 : i32
      %dma_start3A_217 = arith.constant 0 : i32
      %dma_start3A_218 = tpu.memref_slice %arg4[%mul3A_0, %dma_start3A_216, %dma_start3A_217] : memref<10240x2x128xbf16, #tpu.memory_space<hbm>> -> memref<640x2x128xbf16, #tpu.memory_space<hbm>>
      tpu.enqueue_dma source(%dma_start3A_218 : memref<640x2x128xbf16, #tpu.memory_space<hbm>>) target(%dma_start3A_215 : memref<640x2x128xbf16, #tpu.memory_space<vmem_shared>>) target_semaphore(%run_scoped3A : memref<!tpu.dma_semaphore, #tpu.memory_space<semaphore_mem>>)
      %dma_wait3A = arith.constant 0 : i32
      %dma_wait3A_219 = arith.constant 0 : i32
      %dma_wait3A_220 = tpu.memref_slice %arg12[%mul3A_0, %dma_wait3A, %dma_wait3A_219] : memref<10240x2x128xbf16, #tpu.memory_space<vmem_shared>> -> memref<640x2x128xbf16, #tpu.memory_space<vmem_shared>>
      %dma_wait3A_221 = arith.constant 0 : i32
      %dma_wait3A_222 = arith.constant 0 : i32
      %dma_wait3A_223 = tpu.memref_slice %arg4[%mul3A_0, %dma_wait3A_221, %dma_wait3A_222] : memref<10240x2x128xbf16, #tpu.memory_space<hbm>> -> memref<640x2x128xbf16, #tpu.memory_space<hbm>>
      tpu.wait_dma2 semaphore(%run_scoped3A : memref<!tpu.dma_semaphore, #tpu.memory_space<semaphore_mem>>) src(%dma_wait3A_223 : memref<640x2x128xbf16, #tpu.memory_space<hbm>>) dst(%dma_wait3A_220 : memref<640x2x128xbf16, #tpu.memory_space<vmem_shared>>)
      tpu.yield
    }) : () -> ()
    %barrier3A = arith.constant 0 : index
    tpu.barrier barrier_id(%barrier3A)
    %get3A = arith.constant 0 : i32
    %get3A_1 = arith.index_cast %get3A : i32 to index
    %get3A_2 = arith.constant 0 : index
    %get3A_3 = tpu.vector_load %arg6[%get3A_1, %get3A_2] {strides = array<i32>} : memref<80x128xi32, #tpu.memory_space<vmem>>, vector<1x16xi32>,
    %get3A_4 = vector.shape_cast %get3A_3 : vector<1x16xi32> to vector<16xi32>
    %and3A = arith.constant 65535 : i32
    %and3A_5 = vector.broadcast %and3A : i32 to vector<16xi32>
    %and3A_6 = arith.andi %get3A_4, %and3A_5 : vector<16xi32>
    %swap3A = arith.constant 0 : index
    %swap3A_7 = tpu.vector_load %arg7[%swap3A] {strides = array<i32>} : memref<128xi32, #tpu.memory_space<vmem>>, vector<16xi32>,
    %swap3A_8 = vector.shape_cast %swap3A_7 : vector<16xi32> to vector<16xi32>
    %swap3A_9 = vector.shape_cast %and3A_6 : vector<16xi32> to vector<16xi32>
    tpu.vector_store %arg7[%swap3A], %swap3A_9 {strides = array<i32>} : memref<128xi32, #tpu.memory_space<vmem>>, vector<16xi32>,
    %get3A_10 = arith.constant 0 : i32
    %get3A_11 = arith.index_cast %get3A_10 : i32 to index
    %get3A_12 = arith.constant 16 : index
    %get3A_13 = tpu.vector_load %arg6[%get3A_11, %get3A_12] {strides = array<i32>} : memref<80x128xi32, #tpu.memory_space<vmem>>, vector<1x16xi32>,
    %get3A_14 = vector.shape_cast %get3A_13 : vector<1x16xi32> to vector<16xi32>
    %and3A_15 = arith.constant 65535 : i32
    %and3A_16 = vector.broadcast %and3A_15 : i32 to vector<16xi32>
    %and3A_17 = arith.andi %get3A_14, %and3A_16 : vector<16xi32>
    %swap3A_18 = arith.constant 16 : index
    %swap3A_19 = tpu.vector_load %arg7[%swap3A_18] {strides = array<i32>} : memref<128xi32, #tpu.memory_space<vmem>>, vector<16xi32>,
    %swap3A_20 = vector.shape_cast %swap3A_19 : vector<16xi32> to vector<16xi32>
    %swap3A_21 = vector.shape_cast %and3A_17 : vector<16xi32> to vector<16xi32>
    tpu.vector_store %arg7[%swap3A_18], %swap3A_21 {strides = array<i32>} : memref<128xi32, #tpu.memory_space<vmem>>, vector<16xi32>,
    %get3A_22 = arith.constant 0 : i32
    %get3A_23 = arith.index_cast %get3A_22 : i32 to index
    %get3A_24 = arith.constant 32 : index
    %get3A_25 = tpu.vector_load %arg6[%get3A_23, %get3A_24] {strides = array<i32>} : memref<80x128xi32, #tpu.memory_space<vmem>>, vector<1x16xi32>,
    %get3A_26 = vector.shape_cast %get3A_25 : vector<1x16xi32> to vector<16xi32>
    %and3A_27 = arith.constant 65535 : i32
    %and3A_28 = vector.broadcast %and3A_27 : i32 to vector<16xi32>
    %and3A_29 = arith.andi %get3A_26, %and3A_28 : vector<16xi32>
    %swap3A_30 = arith.constant 32 : index
    %swap3A_31 = tpu.vector_load %arg7[%swap3A_30] {strides = array<i32>} : memref<128xi32, #tpu.memory_space<vmem>>, vector<16xi32>,
    %swap3A_32 = vector.shape_cast %swap3A_31 : vector<16xi32> to vector<16xi32>
    %swap3A_33 = vector.shape_cast %and3A_29 : vector<16xi32> to vector<16xi32>
    tpu.vector_store %arg7[%swap3A_30], %swap3A_33 {strides = array<i32>} : memref<128xi32, #tpu.memory_space<vmem>>, vector<16xi32>,
    %get3A_34 = arith.constant 0 : i32
    %get3A_35 = arith.index_cast %get3A_34 : i32 to index
    %get3A_36 = arith.constant 48 : index
    %get3A_37 = tpu.vector_load %arg6[%get3A_35, %get3A_36] {strides = array<i32>} : memref<80x128xi32, #tpu.memory_space<vmem>>, vector<1x16xi32>,
    %get3A_38 = vector.shape_cast %get3A_37 : vector<1x16xi32> to vector<16xi32>
    %and3A_39 = arith.constant 65535 : i32
    %and3A_40 = vector.broadcast %and3A_39 : i32 to vector<16xi32>
    %and3A_41 = arith.andi %get3A_38, %and3A_40 : vector<16xi32>
    %swap3A_42 = arith.constant 48 : index
    %swap3A_43 = tpu.vector_load %arg7[%swap3A_42] {strides = array<i32>} : memref<128xi32, #tpu.memory_space<vmem>>, vector<16xi32>,
    %swap3A_44 = vector.shape_cast %swap3A_43 : vector<16xi32> to vector<16xi32>
    %swap3A_45 = vector.shape_cast %and3A_41 : vector<16xi32> to vector<16xi32>
    tpu.vector_store %arg7[%swap3A_42], %swap3A_45 {strides = array<i32>} : memref<128xi32, #tpu.memory_space<vmem>>, vector<16xi32>,
    %get3A_46 = arith.constant 0 : i32
    %get3A_47 = arith.index_cast %get3A_46 : i32 to index
    %get3A_48 = arith.constant 64 : index
    %get3A_49 = tpu.vector_load %arg6[%get3A_47, %get3A_48] {strides = array<i32>} : memref<80x128xi32, #tpu.memory_space<vmem>>, vector<1x16xi32>,
    %get3A_50 = vector.shape_cast %get3A_49 : vector<1x16xi32> to vector<16xi32>
    %and3A_51 = arith.constant 65535 : i32
    %and3A_52 = vector.broadcast %and3A_51 : i32 to vector<16xi32>
    %and3A_53 = arith.andi %get3A_50, %and3A_52 : vector<16xi32>
    %swap3A_54 = arith.constant 64 : index
    %swap3A_55 = tpu.vector_load %arg7[%swap3A_54] {strides = array<i32>} : memref<128xi32, #tpu.memory_space<vmem>>, vector<16xi32>,
    %swap3A_56 = vector.shape_cast %swap3A_55 : vector<16xi32> to vector<16xi32>
    %swap3A_57 = vector.shape_cast %and3A_53 : vector<16xi32> to vector<16xi32>
    tpu.vector_store %arg7[%swap3A_54], %swap3A_57 {strides = array<i32>} : memref<128xi32, #tpu.memory_space<vmem>>, vector<16xi32>,
    %get3A_58 = arith.constant 0 : i32
    %get3A_59 = arith.index_cast %get3A_58 : i32 to index
    %get3A_60 = arith.constant 80 : index
    %get3A_61 = tpu.vector_load %arg6[%get3A_59, %get3A_60] {strides = array<i32>} : memref<80x128xi32, #tpu.memory_space<vmem>>, vector<1x16xi32>,
    %get3A_62 = vector.shape_cast %get3A_61 : vector<1x16xi32> to vector<16xi32>
    %and3A_63 = arith.constant 65535 : i32
    %and3A_64 = vector.broadcast %and3A_63 : i32 to vector<16xi32>
    %and3A_65 = arith.andi %get3A_62, %and3A_64 : vector<16xi32>
    %swap3A_66 = arith.constant 80 : index
    %swap3A_67 = tpu.vector_load %arg7[%swap3A_66] {strides = array<i32>} : memref<128xi32, #tpu.memory_space<vmem>>, vector<16xi32>,
    %swap3A_68 = vector.shape_cast %swap3A_67 : vector<16xi32> to vector<16xi32>
    %swap3A_69 = vector.shape_cast %and3A_65 : vector<16xi32> to vector<16xi32>
    tpu.vector_store %arg7[%swap3A_66], %swap3A_69 {strides = array<i32>} : memref<128xi32, #tpu.memory_space<vmem>>, vector<16xi32>,
    %get3A_70 = arith.constant 0 : i32
    %get3A_71 = arith.index_cast %get3A_70 : i32 to index
    %get3A_72 = arith.constant 96 : index
    %get3A_73 = tpu.vector_load %arg6[%get3A_71, %get3A_72] {strides = array<i32>} : memref<80x128xi32, #tpu.memory_space<vmem>>, vector<1x16xi32>,
    %get3A_74 = vector.shape_cast %get3A_73 : vector<1x16xi32> to vector<16xi32>
    %and3A_75 = arith.constant 65535 : i32
    %and3A_76 = vector.broadcast %and3A_75 : i32 to vector<16xi32>
    %and3A_77 = arith.andi %get3A_74, %and3A_76 : vector<16xi32>
    %swap3A_78 = arith.constant 96 : index
    %swap3A_79 = tpu.vector_load %arg7[%swap3A_78] {strides = array<i32>} : memref<128xi32, #tpu.memory_space<vmem>>, vector<16xi32>,
    %swap3A_80 = vector.shape_cast %swap3A_79 : vector<16xi32> to vector<16xi32>
    %swap3A_81 = vector.shape_cast %and3A_77 : vector<16xi32> to vector<16xi32>
    tpu.vector_store %arg7[%swap3A_78], %swap3A_81 {strides = array<i32>} : memref<128xi32, #tpu.memory_space<vmem>>, vector<16xi32>,
    %get3A_82 = arith.constant 0 : i32
    %get3A_83 = arith.index_cast %get3A_82 : i32 to index
    %get3A_84 = arith.constant 112 : index
    %get3A_85 = tpu.vector_load %arg6[%get3A_83, %get3A_84] {strides = array<i32>} : memref<80x128xi32, #tpu.memory_space<vmem>>, vector<1x16xi32>,
    %get3A_86 = vector.shape_cast %get3A_85 : vector<1x16xi32> to vector<16xi32>
    %and3A_87 = arith.constant 65535 : i32
    %and3A_88 = vector.broadcast %and3A_87 : i32 to vector<16xi32>
    %and3A_89 = arith.andi %get3A_86, %and3A_88 : vector<16xi32>
    %swap3A_90 = arith.constant 112 : index
    %swap3A_91 = tpu.vector_load %arg7[%swap3A_90] {strides = array<i32>} : memref<128xi32, #tpu.memory_space<vmem>>, vector<16xi32>,
    %swap3A_92 = vector.shape_cast %swap3A_91 : vector<16xi32> to vector<16xi32>
    %swap3A_93 = vector.shape_cast %and3A_89 : vector<16xi32> to vector<16xi32>
    tpu.vector_store %arg7[%swap3A_90], %swap3A_93 {strides = array<i32>} : memref<128xi32, #tpu.memory_space<vmem>>, vector<16xi32>,
    %dma_start3A = arith.constant 0 : i32
    %dma_start3A_94 = arith.constant 0 : i32
    %dma_start3A_95 = arith.constant 0 : i32
    %dma_start3A_96 = tpu.memref_slice %arg2[%arg0, %dma_start3A, %dma_start3A_94, %dma_start3A_95] : memref<2x10240x2x128xbf16, #tpu.memory_space<hbm>> -> memref<1x10240x2x128xbf16, #tpu.memory_space<hbm>>
    %dma_start3A_97 = tpu.memref_squeeze %dma_start3A_96 : memref<1x10240x2x128xbf16, #tpu.memory_space<hbm>> -> memref<10240x2x128xbf16, #tpu.memory_space<hbm>>
    %dma_start3A_98 = arith.constant 0 : i32
    %dma_start3A_99 = arith.constant 0 : i32
    %dma_start3A_100 = arith.constant 0 : i32
    %dma_start3A_101 = tpu.memref_slice %dma_start3A_97[%dma_start3A_98, %dma_start3A_99, %dma_start3A_100] : memref<10240x2x128xbf16, #tpu.memory_space<hbm>> -> memref<10240x2x128xbf16, #tpu.memory_space<hbm>>
    tpu.enqueue_indirect_dma source(%dma_start3A_101 : memref<10240x2x128xbf16, #tpu.memory_space<hbm>>) target(%arg10 : memref<128x2x128xbf16, #tpu.memory_space<vmem>>) offsets(%arg7 : memref<128xi32, #tpu.memory_space<vmem>>) semaphore(%arg13 : memref<!tpu.dma_semaphore, #tpu.memory_space<semaphore_mem>>)
    %get3A_102 = arith.constant 1 : i32
    %get3A_103 = arith.index_cast %get3A_102 : i32 to index
    %get3A_104 = arith.constant 0 : index
    %get3A_105 = tpu.vector_load %arg6[%get3A_103, %get3A_104] {strides = array<i32>} : memref<80x128xi32, #tpu.memory_space<vmem>>, vector<1x16xi32>,
    %get3A_106 = vector.shape_cast %get3A_105 : vector<1x16xi32> to vector<16xi32>
    %and3A_107 = arith.constant 65535 : i32
    %and3A_108 = vector.broadcast %and3A_107 : i32 to vector<16xi32>
    %and3A_109 = arith.andi %get3A_106, %and3A_108 : vector<16xi32>
    %swap3A_110 = arith.constant 0 : index
    %swap3A_111 = tpu.vector_load %arg8[%swap3A_110] {strides = array<i32>} : memref<128xi32, #tpu.memory_space<vmem>>, vector<16xi32>,
    %swap3A_112 = vector.shape_cast %swap3A_111 : vector<16xi32> to vector<16xi32>
    %swap3A_113 = vector.shape_cast %and3A_109 : vector<16xi32> to vector<16xi32>
    tpu.vector_store %arg8[%swap3A_110], %swap3A_113 {strides = array<i32>} : memref<128xi32, #tpu.memory_space<vmem>>, vector<16xi32>,
    %get3A_114 = arith.constant 1 : i32
    %get3A_115 = arith.index_cast %get3A_114 : i32 to index
    %get3A_116 = arith.constant 16 : index
    %get3A_117 = tpu.vector_load %arg6[%get3A_115, %get3A_116] {strides = array<i32>} : memref<80x128xi32, #tpu.memory_space<vmem>>, vector<1x16xi32>,
    %get3A_118 = vector.shape_cast %get3A_117 : vector<1x16xi32> to vector<16xi32>
    %and3A_119 = arith.constant 65535 : i32
    %and3A_120 = vector.broadcast %and3A_119 : i32 to vector<16xi32>
    %and3A_121 = arith.andi %get3A_118, %and3A_120 : vector<16xi32>
    %swap3A_122 = arith.constant 16 : index
    %swap3A_123 = tpu.vector_load %arg8[%swap3A_122] {strides = array<i32>} : memref<128xi32, #tpu.memory_space<vmem>>, vector<16xi32>,
    %swap3A_124 = vector.shape_cast %swap3A_123 : vector<16xi32> to vector<16xi32>
    %swap3A_125 = vector.shape_cast %and3A_121 : vector<16xi32> to vector<16xi32>
    tpu.vector_store %arg8[%swap3A_122], %swap3A_125 {strides = array<i32>} : memref<128xi32, #tpu.memory_space<vmem>>, vector<16xi32>,
    %get3A_126 = arith.constant 1 : i32
    %get3A_127 = arith.index_cast %get3A_126 : i32 to index
    %get3A_128 = arith.constant 32 : index
    %get3A_129 = tpu.vector_load %arg6[%get3A_127, %get3A_128] {strides = array<i32>} : memref<80x128xi32, #tpu.memory_space<vmem>>, vector<1x16xi32>,
    %get3A_130 = vector.shape_cast %get3A_129 : vector<1x16xi32> to vector<16xi32>
    %and3A_131 = arith.constant 65535 : i32
    %and3A_132 = vector.broadcast %and3A_131 : i32 to vector<16xi32>
    %and3A_133 = arith.andi %get3A_130, %and3A_132 : vector<16xi32>
    %swap3A_134 = arith.constant 32 : index
    %swap3A_135 = tpu.vector_load %arg8[%swap3A_134] {strides = array<i32>} : memref<128xi32, #tpu.memory_space<vmem>>, vector<16xi32>,
    %swap3A_136 = vector.shape_cast %swap3A_135 : vector<16xi32> to vector<16xi32>
    %swap3A_137 = vector.shape_cast %and3A_133 : vector<16xi32> to vector<16xi32>
    tpu.vector_store %arg8[%swap3A_134], %swap3A_137 {strides = array<i32>} : memref<128xi32, #tpu.memory_space<vmem>>, vector<16xi32>,
    %get3A_138 = arith.constant 1 : i32
    %get3A_139 = arith.index_cast %get3A_138 : i32 to index
    %get3A_140 = arith.constant 48 : index
    %get3A_141 = tpu.vector_load %arg6[%get3A_139, %get3A_140] {strides = array<i32>} : memref<80x128xi32, #tpu.memory_space<vmem>>, vector<1x16xi32>,
    %get3A_142 = vector.shape_cast %get3A_141 : vector<1x16xi32> to vector<16xi32>
    %and3A_143 = arith.constant 65535 : i32
    %and3A_144 = vector.broadcast %and3A_143 : i32 to vector<16xi32>
    %and3A_145 = arith.andi %get3A_142, %and3A_144 : vector<16xi32>
    %swap3A_146 = arith.constant 48 : index
    %swap3A_147 = tpu.vector_load %arg8[%swap3A_146] {strides = array<i32>} : memref<128xi32, #tpu.memory_space<vmem>>, vector<16xi32>,
    %swap3A_148 = vector.shape_cast %swap3A_147 : vector<16xi32> to vector<16xi32>
    %swap3A_149 = vector.shape_cast %and3A_145 : vector<16xi32> to vector<16xi32>
    tpu.vector_store %arg8[%swap3A_146], %swap3A_149 {strides = array<i32>} : memref<128xi32, #tpu.memory_space<vmem>>, vector<16xi32>,
    %get3A_150 = arith.constant 1 : i32
    %get3A_151 = arith.index_cast %get3A_150 : i32 to index
    %get3A_152 = arith.constant 64 : index
    %get3A_153 = tpu.vector_load %arg6[%get3A_151, %get3A_152] {strides = array<i32>} : memref<80x128xi32, #tpu.memory_space<vmem>>, vector<1x16xi32>,
    %get3A_154 = vector.shape_cast %get3A_153 : vector<1x16xi32> to vector<16xi32>
    %and3A_155 = arith.constant 65535 : i32
    %and3A_156 = vector.broadcast %and3A_155 : i32 to vector<16xi32>
    %and3A_157 = arith.andi %get3A_154, %and3A_156 : vector<16xi32>
    %swap3A_158 = arith.constant 64 : index
    %swap3A_159 = tpu.vector_load %arg8[%swap3A_158] {strides = array<i32>} : memref<128xi32, #tpu.memory_space<vmem>>, vector<16xi32>,
    %swap3A_160 = vector.shape_cast %swap3A_159 : vector<16xi32> to vector<16xi32>
    %swap3A_161 = vector.shape_cast %and3A_157 : vector<16xi32> to vector<16xi32>
    tpu.vector_store %arg8[%swap3A_158], %swap3A_161 {strides = array<i32>} : memref<128xi32, #tpu.memory_space<vmem>>, vector<16xi32>,
    %get3A_162 = arith.constant 1 : i32
    %get3A_163 = arith.index_cast %get3A_162 : i32 to index
    %get3A_164 = arith.constant 80 : index
    %get3A_165 = tpu.vector_load %arg6[%get3A_163, %get3A_164] {strides = array<i32>} : memref<80x128xi32, #tpu.memory_space<vmem>>, vector<1x16xi32>,
    %get3A_166 = vector.shape_cast %get3A_165 : vector<1x16xi32> to vector<16xi32>
    %and3A_167 = arith.constant 65535 : i32
    %and3A_168 = vector.broadcast %and3A_167 : i32 to vector<16xi32>
    %and3A_169 = arith.andi %get3A_166, %and3A_168 : vector<16xi32>
    %swap3A_170 = arith.constant 80 : index
    %swap3A_171 = tpu.vector_load %arg8[%swap3A_170] {strides = array<i32>} : memref<128xi32, #tpu.memory_space<vmem>>, vector<16xi32>,
    %swap3A_172 = vector.shape_cast %swap3A_171 : vector<16xi32> to vector<16xi32>
    %swap3A_173 = vector.shape_cast %and3A_169 : vector<16xi32> to vector<16xi32>
    tpu.vector_store %arg8[%swap3A_170], %swap3A_173 {strides = array<i32>} : memref<128xi32, #tpu.memory_space<vmem>>, vector<16xi32>,
    %get3A_174 = arith.constant 1 : i32
    %get3A_175 = arith.index_cast %get3A_174 : i32 to index
    %get3A_176 = arith.constant 96 : index
    %get3A_177 = tpu.vector_load %arg6[%get3A_175, %get3A_176] {strides = array<i32>} : memref<80x128xi32, #tpu.memory_space<vmem>>, vector<1x16xi32>,
    %get3A_178 = vector.shape_cast %get3A_177 : vector<1x16xi32> to vector<16xi32>
    %and3A_179 = arith.constant 65535 : i32
    %and3A_180 = vector.broadcast %and3A_179 : i32 to vector<16xi32>
    %and3A_181 = arith.andi %get3A_178, %and3A_180 : vector<16xi32>
    %swap3A_182 = arith.constant 96 : index
    %swap3A_183 = tpu.vector_load %arg8[%swap3A_182] {strides = array<i32>} : memref<128xi32, #tpu.memory_space<vmem>>, vector<16xi32>,
    %swap3A_184 = vector.shape_cast %swap3A_183 : vector<16xi32> to vector<16xi32>
    %swap3A_185 = vector.shape_cast %and3A_181 : vector<16xi32> to vector<16xi32>
    tpu.vector_store %arg8[%swap3A_182], %swap3A_185 {strides = array<i32>} : memref<128xi32, #tpu.memory_space<vmem>>, vector<16xi32>,
    %get3A_186 = arith.constant 1 : i32
    %get3A_187 = arith.index_cast %get3A_186 : i32 to index
    %get3A_188 = arith.constant 112 : index
    %get3A_189 = tpu.vector_load %arg6[%get3A_187, %get3A_188] {strides = array<i32>} : memref<80x128xi32, #tpu.memory_space<vmem>>, vector<1x16xi32>,
    %get3A_190 = vector.shape_cast %get3A_189 : vector<1x16xi32> to vector<16xi32>
    %and3A_191 = arith.constant 65535 : i32
    %and3A_192 = vector.broadcast %and3A_191 : i32 to vector<16xi32>
    %and3A_193 = arith.andi %get3A_190, %and3A_192 : vector<16xi32>
    %swap3A_194 = arith.constant 112 : index
    %swap3A_195 = tpu.vector_load %arg8[%swap3A_194] {strides = array<i32>} : memref<128xi32, #tpu.memory_space<vmem>>, vector<16xi32>,
    %swap3A_196 = vector.shape_cast %swap3A_195 : vector<16xi32> to vector<16xi32>
    %swap3A_197 = vector.shape_cast %and3A_193 : vector<16xi32> to vector<16xi32>
    tpu.vector_store %arg8[%swap3A_194], %swap3A_197 {strides = array<i32>} : memref<128xi32, #tpu.memory_space<vmem>>, vector<16xi32>,
    %dma_start3A_198 = arith.constant 0 : i32
    %dma_start3A_199 = arith.constant 0 : i32
    %dma_start3A_200 = arith.constant 0 : i32
    %dma_start3A_201 = tpu.memref_slice %arg2[%arg0, %dma_start3A_198, %dma_start3A_199, %dma_start3A_200] : memref<2x10240x2x128xbf16, #tpu.memory_space<hbm>> -> memref<1x10240x2x128xbf16, #tpu.memory_space<hbm>>
    %dma_start3A_202 = tpu.memref_squeeze %dma_start3A_201 : memref<1x10240x2x128xbf16, #tpu.memory_space<hbm>> -> memref<10240x2x128xbf16, #tpu.memory_space<hbm>>
    %dma_start3A_203 = arith.constant 0 : i32
    %dma_start3A_204 = arith.constant 0 : i32
    %dma_start3A_205 = arith.constant 0 : i32
    %dma_start3A_206 = tpu.memref_slice %dma_start3A_202[%dma_start3A_203, %dma_start3A_204, %dma_start3A_205] : memref<10240x2x128xbf16, #tpu.memory_space<hbm>> -> memref<10240x2x128xbf16, #tpu.memory_space<hbm>>
    tpu.enqueue_indirect_dma source(%dma_start3A_206 : memref<10240x2x128xbf16, #tpu.memory_space<hbm>>) target(%arg11 : memref<128x2x128xbf16, #tpu.memory_space<vmem>>) offsets(%arg8 : memref<128xi32, #tpu.memory_space<vmem>>) semaphore(%arg14 : memref<!tpu.dma_semaphore, #tpu.memory_space<semaphore_mem>>)
    %scan3A = arith.constant 0 : i32
    %scan3A_207 = arith.constant 0 : i32
    %scan3A_208 = arith.constant 40 : i32
    %scan3A_209 = arith.addi %scan3A_207, %scan3A_208 : i32
    %scan3A_210 = arith.constant 1 : i32
    scf.for %scan3A_213 = %scan3A_207 to %scan3A_209 step %scan3A_210  : i32 {
      %mul3A_214 = arith.constant 2 : i32
      %mul3A_215 = arith.muli %mul3A_214, %scan3A_213 : i32
      %add3A = arith.constant 1 : i32
      %add3A_216 = arith.addi %scan3A_213, %add3A : i32
      %lt3A = arith.constant 40 : i32
      %lt3A_217 = arith.cmpi slt, %add3A_216, %lt3A : i32
      %get3A_218 = arith.index_cast %mul3A_215 : i32 to index
      %get3A_219 = arith.constant 0 : index
      %get3A_220 = tpu.vector_load %arg6[%get3A_218, %get3A_219] {strides = array<i32>} : memref<80x128xi32, #tpu.memory_space<vmem>>, vector<1x16xi32>,
      %get3A_221 = vector.shape_cast %get3A_220 : vector<1x16xi32> to vector<16xi32>
      %shift_right_logical3A = arith.constant 16 : i32
      %shift_right_logical3A_222 = vector.broadcast %shift_right_logical3A : i32 to vector<16xi32>
      %shift_right_logical3A_223 = arith.shrui %get3A_221, %shift_right_logical3A_222 : vector<16xi32>
      %swap3A_224 = arith.constant 0 : index
      %swap3A_225 = tpu.vector_load %arg9[%swap3A_224] {strides = array<i32>} : memref<128xi32, #tpu.memory_space<vmem>>, vector<16xi32>,
      %swap3A_226 = vector.shape_cast %swap3A_225 : vector<16xi32> to vector<16xi32>
      %swap3A_227 = vector.shape_cast %shift_right_logical3A_223 : vector<16xi32> to vector<16xi32>
      tpu.vector_store %arg9[%swap3A_224], %swap3A_227 {strides = array<i32>} : memref<128xi32, #tpu.memory_space<vmem>>, vector<16xi32>,
      %get3A_228 = arith.index_cast %mul3A_215 : i32 to index
      %get3A_229 = arith.constant 16 : index
      %get3A_230 = tpu.vector_load %arg6[%get3A_228, %get3A_229] {strides = array<i32>} : memref<80x128xi32, #tpu.memory_space<vmem>>, vector<1x16xi32>,
      %get3A_231 = vector.shape_cast %get3A_230 : vector<1x16xi32> to vector<16xi32>
      %shift_right_logical3A_232 = arith.constant 16 : i32
      %shift_right_logical3A_233 = vector.broadcast %shift_right_logical3A_232 : i32 to vector<16xi32>
      %shift_right_logical3A_234 = arith.shrui %get3A_231, %shift_right_logical3A_233 : vector<16xi32>
      %swap3A_235 = arith.constant 16 : index
      %swap3A_236 = tpu.vector_load %arg9[%swap3A_235] {strides = array<i32>} : memref<128xi32, #tpu.memory_space<vmem>>, vector<16xi32>,
      %swap3A_237 = vector.shape_cast %swap3A_236 : vector<16xi32> to vector<16xi32>
      %swap3A_238 = vector.shape_cast %shift_right_logical3A_234 : vector<16xi32> to vector<16xi32>
      tpu.vector_store %arg9[%swap3A_235], %swap3A_238 {strides = array<i32>} : memref<128xi32, #tpu.memory_space<vmem>>, vector<16xi32>,
      %get3A_239 = arith.index_cast %mul3A_215 : i32 to index
      %get3A_240 = arith.constant 32 : index
      %get3A_241 = tpu.vector_load %arg6[%get3A_239, %get3A_240] {strides = array<i32>} : memref<80x128xi32, #tpu.memory_space<vmem>>, vector<1x16xi32>,
      %get3A_242 = vector.shape_cast %get3A_241 : vector<1x16xi32> to vector<16xi32>
      %shift_right_logical3A_243 = arith.constant 16 : i32
      %shift_right_logical3A_244 = vector.broadcast %shift_right_logical3A_243 : i32 to vector<16xi32>
      %shift_right_logical3A_245 = arith.shrui %get3A_242, %shift_right_logical3A_244 : vector<16xi32>
      %swap3A_246 = arith.constant 32 : index
      %swap3A_247 = tpu.vector_load %arg9[%swap3A_246] {strides = array<i32>} : memref<128xi32, #tpu.memory_space<vmem>>, vector<16xi32>,
      %swap3A_248 = vector.shape_cast %swap3A_247 : vector<16xi32> to vector<16xi32>
      %swap3A_249 = vector.shape_cast %shift_right_logical3A_245 : vector<16xi32> to vector<16xi32>
      tpu.vector_store %arg9[%swap3A_246], %swap3A_249 {strides = array<i32>} : memref<128xi32, #tpu.memory_space<vmem>>, vector<16xi32>,
      %get3A_250 = arith.index_cast %mul3A_215 : i32 to index
      %get3A_251 = arith.constant 48 : index
      %get3A_252 = tpu.vector_load %arg6[%get3A_250, %get3A_251] {strides = array<i32>} : memref<80x128xi32, #tpu.memory_space<vmem>>, vector<1x16xi32>,
      %get3A_253 = vector.shape_cast %get3A_252 : vector<1x16xi32> to vector<16xi32>
      %shift_right_logical3A_254 = arith.constant 16 : i32
      %shift_right_logical3A_255 = vector.broadcast %shift_right_logical3A_254 : i32 to vector<16xi32>
      %shift_right_logical3A_256 = arith.shrui %get3A_253, %shift_right_logical3A_255 : vector<16xi32>
      %swap3A_257 = arith.constant 48 : index
      %swap3A_258 = tpu.vector_load %arg9[%swap3A_257] {strides = array<i32>} : memref<128xi32, #tpu.memory_space<vmem>>, vector<16xi32>,
      %swap3A_259 = vector.shape_cast %swap3A_258 : vector<16xi32> to vector<16xi32>
      %swap3A_260 = vector.shape_cast %shift_right_logical3A_256 : vector<16xi32> to vector<16xi32>
      tpu.vector_store %arg9[%swap3A_257], %swap3A_260 {strides = array<i32>} : memref<128xi32, #tpu.memory_space<vmem>>, vector<16xi32>,
      %get3A_261 = arith.index_cast %mul3A_215 : i32 to index
      %get3A_262 = arith.constant 64 : index
      %get3A_263 = tpu.vector_load %arg6[%get3A_261, %get3A_262] {strides = array<i32>} : memref<80x128xi32, #tpu.memory_space<vmem>>, vector<1x16xi32>,
      %get3A_264 = vector.shape_cast %get3A_263 : vector<1x16xi32> to vector<16xi32>
      %shift_right_logical3A_265 = arith.constant 16 : i32
      %shift_right_logical3A_266 = vector.broadcast %shift_right_logical3A_265 : i32 to vector<16xi32>
      %shift_right_logical3A_267 = arith.shrui %get3A_264, %shift_right_logical3A_266 : vector<16xi32>
      %swap3A_268 = arith.constant 64 : index
      %swap3A_269 = tpu.vector_load %arg9[%swap3A_268] {strides = array<i32>} : memref<128xi32, #tpu.memory_space<vmem>>, vector<16xi32>,
      %swap3A_270 = vector.shape_cast %swap3A_269 : vector<16xi32> to vector<16xi32>
      %swap3A_271 = vector.shape_cast %shift_right_logical3A_267 : vector<16xi32> to vector<16xi32>
      tpu.vector_store %arg9[%swap3A_268], %swap3A_271 {strides = array<i32>} : memref<128xi32, #tpu.memory_space<vmem>>, vector<16xi32>,
      %get3A_272 = arith.index_cast %mul3A_215 : i32 to index
      %get3A_273 = arith.constant 80 : index
      %get3A_274 = tpu.vector_load %arg6[%get3A_272, %get3A_273] {strides = array<i32>} : memref<80x128xi32, #tpu.memory_space<vmem>>, vector<1x16xi32>,
      %get3A_275 = vector.shape_cast %get3A_274 : vector<1x16xi32> to vector<16xi32>
      %shift_right_logical3A_276 = arith.constant 16 : i32
      %shift_right_logical3A_277 = vector.broadcast %shift_right_logical3A_276 : i32 to vector<16xi32>
      %shift_right_logical3A_278 = arith.shrui %get3A_275, %shift_right_logical3A_277 : vector<16xi32>
      %swap3A_279 = arith.constant 80 : index
      %swap3A_280 = tpu.vector_load %arg9[%swap3A_279] {strides = array<i32>} : memref<128xi32, #tpu.memory_space<vmem>>, vector<16xi32>,
      %swap3A_281 = vector.shape_cast %swap3A_280 : vector<16xi32> to vector<16xi32>
      %swap3A_282 = vector.shape_cast %shift_right_logical3A_278 : vector<16xi32> to vector<16xi32>
      tpu.vector_store %arg9[%swap3A_279], %swap3A_282 {strides = array<i32>} : memref<128xi32, #tpu.memory_space<vmem>>, vector<16xi32>,
      %get3A_283 = arith.index_cast %mul3A_215 : i32 to index
      %get3A_284 = arith.constant 96 : index
      %get3A_285 = tpu.vector_load %arg6[%get3A_283, %get3A_284] {strides = array<i32>} : memref<80x128xi32, #tpu.memory_space<vmem>>, vector<1x16xi32>,
      %get3A_286 = vector.shape_cast %get3A_285 : vector<1x16xi32> to vector<16xi32>
      %shift_right_logical3A_287 = arith.constant 16 : i32
      %shift_right_logical3A_288 = vector.broadcast %shift_right_logical3A_287 : i32 to vector<16xi32>
      %shift_right_logical3A_289 = arith.shrui %get3A_286, %shift_right_logical3A_288 : vector<16xi32>
      %swap3A_290 = arith.constant 96 : index
      %swap3A_291 = tpu.vector_load %arg9[%swap3A_290] {strides = array<i32>} : memref<128xi32, #tpu.memory_space<vmem>>, vector<16xi32>,
      %swap3A_292 = vector.shape_cast %swap3A_291 : vector<16xi32> to vector<16xi32>
      %swap3A_293 = vector.shape_cast %shift_right_logical3A_289 : vector<16xi32> to vector<16xi32>
      tpu.vector_store %arg9[%swap3A_290], %swap3A_293 {strides = array<i32>} : memref<128xi32, #tpu.memory_space<vmem>>, vector<16xi32>,
      %get3A_294 = arith.index_cast %mul3A_215 : i32 to index
      %get3A_295 = arith.constant 112 : index
      %get3A_296 = tpu.vector_load %arg6[%get3A_294, %get3A_295] {strides = array<i32>} : memref<80x128xi32, #tpu.memory_space<vmem>>, vector<1x16xi32>,
      %get3A_297 = vector.shape_cast %get3A_296 : vector<1x16xi32> to vector<16xi32>
      %shift_right_logical3A_298 = arith.constant 16 : i32
      %shift_right_logical3A_299 = vector.broadcast %shift_right_logical3A_298 : i32 to vector<16xi32>
      %shift_right_logical3A_300 = arith.shrui %get3A_297, %shift_right_logical3A_299 : vector<16xi32>
      %swap3A_301 = arith.constant 112 : index
      %swap3A_302 = tpu.vector_load %arg9[%swap3A_301] {strides = array<i32>} : memref<128xi32, #tpu.memory_space<vmem>>, vector<16xi32>,
      %swap3A_303 = vector.shape_cast %swap3A_302 : vector<16xi32> to vector<16xi32>
      %swap3A_304 = vector.shape_cast %shift_right_logical3A_300 : vector<16xi32> to vector<16xi32>
      tpu.vector_store %arg9[%swap3A_301], %swap3A_304 {strides = array<i32>} : memref<128xi32, #tpu.memory_space<vmem>>, vector<16xi32>,
      %dma_wait3A = arith.constant 0 : i32
      %dma_wait3A_305 = arith.constant 0 : i32
      %dma_wait3A_306 = arith.constant 0 : i32
      %dma_wait3A_307 = tpu.memref_slice %arg2[%arg0, %dma_wait3A, %dma_wait3A_305, %dma_wait3A_306] : memref<2x10240x2x128xbf16, #tpu.memory_space<hbm>> -> memref<1x10240x2x128xbf16, #tpu.memory_space<hbm>>
      %dma_wait3A_308 = tpu.memref_squeeze %dma_wait3A_307 : memref<1x10240x2x128xbf16, #tpu.memory_space<hbm>> -> memref<10240x2x128xbf16, #tpu.memory_space<hbm>>
      %dma_wait3A_309 = arith.constant 0 : i32
      %dma_wait3A_310 = arith.constant 0 : i32
      %dma_wait3A_311 = arith.constant 0 : i32
      %dma_wait3A_312 = tpu.memref_slice %dma_wait3A_308[%dma_wait3A_309, %dma_wait3A_310, %dma_wait3A_311] : memref<10240x2x128xbf16, #tpu.memory_space<hbm>> -> memref<10240x2x128xbf16, #tpu.memory_space<hbm>>
      tpu.wait_indirect_dma semaphore(%arg13 : memref<!tpu.dma_semaphore, #tpu.memory_space<semaphore_mem>>) src(%dma_wait3A_312 : memref<10240x2x128xbf16, #tpu.memory_space<hbm>>) dst(%arg10 : memref<128x2x128xbf16, #tpu.memory_space<vmem>>)
      "tpu.region"() ({
        %run_scoped3A = tpu.sem_alloc : memref<!tpu.dma_semaphore, #tpu.memory_space<semaphore_mem>>
        %dma_start3A_416 = arith.constant 0 : i32
        %dma_start3A_417 = arith.constant 0 : i32
        %dma_start3A_418 = arith.constant 0 : i32
        %dma_start3A_419 = tpu.memref_slice %arg12[%dma_start3A_416, %dma_start3A_417, %dma_start3A_418] : memref<10240x2x128xbf16, #tpu.memory_space<vmem_shared>> -> memref<10240x2x128xbf16, #tpu.memory_space<vmem_shared>>
        tpu.enqueue_indirect_dma source(%arg10 : memref<128x2x128xbf16, #tpu.memory_space<vmem>>) target(%dma_start3A_419 : memref<10240x2x128xbf16, #tpu.memory_space<vmem_shared>>) offsets(%arg9 : memref<128xi32, #tpu.memory_space<vmem>>) semaphore(%run_scoped3A : memref<!tpu.dma_semaphore, #tpu.memory_space<semaphore_mem>>) {add = true}
        %dma_wait3A_420 = arith.constant 0 : i32
        %dma_wait3A_421 = arith.constant 0 : i32
        %dma_wait3A_422 = arith.constant 0 : i32
        %dma_wait3A_423 = tpu.memref_slice %arg12[%dma_wait3A_420, %dma_wait3A_421, %dma_wait3A_422] : memref<10240x2x128xbf16, #tpu.memory_space<vmem_shared>> -> memref<10240x2x128xbf16, #tpu.memory_space<vmem_shared>>
        tpu.wait_indirect_dma semaphore(%run_scoped3A : memref<!tpu.dma_semaphore, #tpu.memory_space<semaphore_mem>>) src(%arg10 : memref<128x2x128xbf16, #tpu.memory_space<vmem>>) dst(%dma_wait3A_423 : memref<10240x2x128xbf16, #tpu.memory_space<vmem_shared>>)
        tpu.yield
      }) : () -> ()
      %convert_element_type3A = arith.extui %lt3A_217 : i1 to i32
      %cond3A = arith.constant 0 : i32
      %cond3A_313 = arith.cmpi ne, %convert_element_type3A, %cond3A : i32
      scf.if %cond3A_313 {
        %add3A_416 = arith.constant 2 : i32
        %add3A_417 = arith.addi %mul3A_215, %add3A_416 : i32
        %get3A_418 = arith.index_cast %add3A_417 : i32 to index
        %get3A_419 = arith.constant 0 : index
        %get3A_420 = tpu.vector_load %arg6[%get3A_418, %get3A_419] {strides = array<i32>} : memref<80x128xi32, #tpu.memory_space<vmem>>, vector<1x16xi32>,
        %get3A_421 = vector.shape_cast %get3A_420 : vector<1x16xi32> to vector<16xi32>
        %and3A_422 = arith.constant 65535 : i32
        %and3A_423 = vector.broadcast %and3A_422 : i32 to vector<16xi32>
        %and3A_424 = arith.andi %get3A_421, %and3A_423 : vector<16xi32>
        %swap3A_425 = arith.constant 0 : index
        %swap3A_426 = tpu.vector_load %arg7[%swap3A_425] {strides = array<i32>} : memref<128xi32, #tpu.memory_space<vmem>>, vector<16xi32>,
        %swap3A_427 = vector.shape_cast %swap3A_426 : vector<16xi32> to vector<16xi32>
        %swap3A_428 = vector.shape_cast %and3A_424 : vector<16xi32> to vector<16xi32>
        tpu.vector_store %arg7[%swap3A_425], %swap3A_428 {strides = array<i32>} : memref<128xi32, #tpu.memory_space<vmem>>, vector<16xi32>,
        %get3A_429 = arith.index_cast %add3A_417 : i32 to index
        %get3A_430 = arith.constant 16 : index
        %get3A_431 = tpu.vector_load %arg6[%get3A_429, %get3A_430] {strides = array<i32>} : memref<80x128xi32, #tpu.memory_space<vmem>>, vector<1x16xi32>,
        %get3A_432 = vector.shape_cast %get3A_431 : vector<1x16xi32> to vector<16xi32>
        %and3A_433 = arith.constant 65535 : i32
        %and3A_434 = vector.broadcast %and3A_433 : i32 to vector<16xi32>
        %and3A_435 = arith.andi %get3A_432, %and3A_434 : vector<16xi32>
        %swap3A_436 = arith.constant 16 : index
        %swap3A_437 = tpu.vector_load %arg7[%swap3A_436] {strides = array<i32>} : memref<128xi32, #tpu.memory_space<vmem>>, vector<16xi32>,
        %swap3A_438 = vector.shape_cast %swap3A_437 : vector<16xi32> to vector<16xi32>
        %swap3A_439 = vector.shape_cast %and3A_435 : vector<16xi32> to vector<16xi32>
        tpu.vector_store %arg7[%swap3A_436], %swap3A_439 {strides = array<i32>} : memref<128xi32, #tpu.memory_space<vmem>>, vector<16xi32>,
        %get3A_440 = arith.index_cast %add3A_417 : i32 to index
        %get3A_441 = arith.constant 32 : index
        %get3A_442 = tpu.vector_load %arg6[%get3A_440, %get3A_441] {strides = array<i32>} : memref<80x128xi32, #tpu.memory_space<vmem>>, vector<1x16xi32>,
        %get3A_443 = vector.shape_cast %get3A_442 : vector<1x16xi32> to vector<16xi32>
        %and3A_444 = arith.constant 65535 : i32
        %and3A_445 = vector.broadcast %and3A_444 : i32 to vector<16xi32>
        %and3A_446 = arith.andi %get3A_443, %and3A_445 : vector<16xi32>
        %swap3A_447 = arith.constant 32 : index
        %swap3A_448 = tpu.vector_load %arg7[%swap3A_447] {strides = array<i32>} : memref<128xi32, #tpu.memory_space<vmem>>, vector<16xi32>,
        %swap3A_449 = vector.shape_cast %swap3A_448 : vector<16xi32> to vector<16xi32>
        %swap3A_450 = vector.shape_cast %and3A_446 : vector<16xi32> to vector<16xi32>
        tpu.vector_store %arg7[%swap3A_447], %swap3A_450 {strides = array<i32>} : memref<128xi32, #tpu.memory_space<vmem>>, vector<16xi32>,
        %get3A_451 = arith.index_cast %add3A_417 : i32 to index
        %get3A_452 = arith.constant 48 : index
        %get3A_453 = tpu.vector_load %arg6[%get3A_451, %get3A_452] {strides = array<i32>} : memref<80x128xi32, #tpu.memory_space<vmem>>, vector<1x16xi32>,
        %get3A_454 = vector.shape_cast %get3A_453 : vector<1x16xi32> to vector<16xi32>
        %and3A_455 = arith.constant 65535 : i32
        %and3A_456 = vector.broadcast %and3A_455 : i32 to vector<16xi32>
        %and3A_457 = arith.andi %get3A_454, %and3A_456 : vector<16xi32>
        %swap3A_458 = arith.constant 48 : index
        %swap3A_459 = tpu.vector_load %arg7[%swap3A_458] {strides = array<i32>} : memref<128xi32, #tpu.memory_space<vmem>>, vector<16xi32>,
        %swap3A_460 = vector.shape_cast %swap3A_459 : vector<16xi32> to vector<16xi32>
        %swap3A_461 = vector.shape_cast %and3A_457 : vector<16xi32> to vector<16xi32>
        tpu.vector_store %arg7[%swap3A_458], %swap3A_461 {strides = array<i32>} : memref<128xi32, #tpu.memory_space<vmem>>, vector<16xi32>,
        %get3A_462 = arith.index_cast %add3A_417 : i32 to index
        %get3A_463 = arith.constant 64 : index
        %get3A_464 = tpu.vector_load %arg6[%get3A_462, %get3A_463] {strides = array<i32>} : memref<80x128xi32, #tpu.memory_space<vmem>>, vector<1x16xi32>,
        %get3A_465 = vector.shape_cast %get3A_464 : vector<1x16xi32> to vector<16xi32>
        %and3A_466 = arith.constant 65535 : i32
        %and3A_467 = vector.broadcast %and3A_466 : i32 to vector<16xi32>
        %and3A_468 = arith.andi %get3A_465, %and3A_467 : vector<16xi32>
        %swap3A_469 = arith.constant 64 : index
        %swap3A_470 = tpu.vector_load %arg7[%swap3A_469] {strides = array<i32>} : memref<128xi32, #tpu.memory_space<vmem>>, vector<16xi32>,
        %swap3A_471 = vector.shape_cast %swap3A_470 : vector<16xi32> to vector<16xi32>
        %swap3A_472 = vector.shape_cast %and3A_468 : vector<16xi32> to vector<16xi32>
        tpu.vector_store %arg7[%swap3A_469], %swap3A_472 {strides = array<i32>} : memref<128xi32, #tpu.memory_space<vmem>>, vector<16xi32>,
        %get3A_473 = arith.index_cast %add3A_417 : i32 to index
        %get3A_474 = arith.constant 80 : index
        %get3A_475 = tpu.vector_load %arg6[%get3A_473, %get3A_474] {strides = array<i32>} : memref<80x128xi32, #tpu.memory_space<vmem>>, vector<1x16xi32>,
        %get3A_476 = vector.shape_cast %get3A_475 : vector<1x16xi32> to vector<16xi32>
        %and3A_477 = arith.constant 65535 : i32
        %and3A_478 = vector.broadcast %and3A_477 : i32 to vector<16xi32>
        %and3A_479 = arith.andi %get3A_476, %and3A_478 : vector<16xi32>
        %swap3A_480 = arith.constant 80 : index
        %swap3A_481 = tpu.vector_load %arg7[%swap3A_480] {strides = array<i32>} : memref<128xi32, #tpu.memory_space<vmem>>, vector<16xi32>,
        %swap3A_482 = vector.shape_cast %swap3A_481 : vector<16xi32> to vector<16xi32>
        %swap3A_483 = vector.shape_cast %and3A_479 : vector<16xi32> to vector<16xi32>
        tpu.vector_store %arg7[%swap3A_480], %swap3A_483 {strides = array<i32>} : memref<128xi32, #tpu.memory_space<vmem>>, vector<16xi32>,
        %get3A_484 = arith.index_cast %add3A_417 : i32 to index
        %get3A_485 = arith.constant 96 : index
        %get3A_486 = tpu.vector_load %arg6[%get3A_484, %get3A_485] {strides = array<i32>} : memref<80x128xi32, #tpu.memory_space<vmem>>, vector<1x16xi32>,
        %get3A_487 = vector.shape_cast %get3A_486 : vector<1x16xi32> to vector<16xi32>
        %and3A_488 = arith.constant 65535 : i32
        %and3A_489 = vector.broadcast %and3A_488 : i32 to vector<16xi32>
        %and3A_490 = arith.andi %get3A_487, %and3A_489 : vector<16xi32>
        %swap3A_491 = arith.constant 96 : index
        %swap3A_492 = tpu.vector_load %arg7[%swap3A_491] {strides = array<i32>} : memref<128xi32, #tpu.memory_space<vmem>>, vector<16xi32>,
        %swap3A_493 = vector.shape_cast %swap3A_492 : vector<16xi32> to vector<16xi32>
        %swap3A_494 = vector.shape_cast %and3A_490 : vector<16xi32> to vector<16xi32>
        tpu.vector_store %arg7[%swap3A_491], %swap3A_494 {strides = array<i32>} : memref<128xi32, #tpu.memory_space<vmem>>, vector<16xi32>,
        %get3A_495 = arith.index_cast %add3A_417 : i32 to index
        %get3A_496 = arith.constant 112 : index
        %get3A_497 = tpu.vector_load %arg6[%get3A_495, %get3A_496] {strides = array<i32>} : memref<80x128xi32, #tpu.memory_space<vmem>>, vector<1x16xi32>,
        %get3A_498 = vector.shape_cast %get3A_497 : vector<1x16xi32> to vector<16xi32>
        %and3A_499 = arith.constant 65535 : i32
        %and3A_500 = vector.broadcast %and3A_499 : i32 to vector<16xi32>
        %and3A_501 = arith.andi %get3A_498, %and3A_500 : vector<16xi32>
        %swap3A_502 = arith.constant 112 : index
        %swap3A_503 = tpu.vector_load %arg7[%swap3A_502] {strides = array<i32>} : memref<128xi32, #tpu.memory_space<vmem>>, vector<16xi32>,
        %swap3A_504 = vector.shape_cast %swap3A_503 : vector<16xi32> to vector<16xi32>
        %swap3A_505 = vector.shape_cast %and3A_501 : vector<16xi32> to vector<16xi32>
        tpu.vector_store %arg7[%swap3A_502], %swap3A_505 {strides = array<i32>} : memref<128xi32, #tpu.memory_space<vmem>>, vector<16xi32>,
        %dma_start3A_506 = arith.constant 0 : i32
        %dma_start3A_507 = arith.constant 0 : i32
        %dma_start3A_508 = arith.constant 0 : i32
        %dma_start3A_509 = tpu.memref_slice %arg2[%arg0, %dma_start3A_506, %dma_start3A_507, %dma_start3A_508] : memref<2x10240x2x128xbf16, #tpu.memory_space<hbm>> -> memref<1x10240x2x128xbf16, #tpu.memory_space<hbm>>
        %dma_start3A_510 = tpu.memref_squeeze %dma_start3A_509 : memref<1x10240x2x128xbf16, #tpu.memory_space<hbm>> -> memref<10240x2x128xbf16, #tpu.memory_space<hbm>>
        %dma_start3A_511 = arith.constant 0 : i32
        %dma_start3A_512 = arith.constant 0 : i32
        %dma_start3A_513 = arith.constant 0 : i32
        %dma_start3A_514 = tpu.memref_slice %dma_start3A_510[%dma_start3A_511, %dma_start3A_512, %dma_start3A_513] : memref<10240x2x128xbf16, #tpu.memory_space<hbm>> -> memref<10240x2x128xbf16, #tpu.memory_space<hbm>>
        tpu.enqueue_indirect_dma source(%dma_start3A_514 : memref<10240x2x128xbf16, #tpu.memory_space<hbm>>) target(%arg10 : memref<128x2x128xbf16, #tpu.memory_space<vmem>>) offsets(%arg7 : memref<128xi32, #tpu.memory_space<vmem>>) semaphore(%arg13 : memref<!tpu.dma_semaphore, #tpu.memory_space<semaphore_mem>>)
      } else {
      }
      %add3A_314 = arith.constant 1 : i32
      %add3A_315 = arith.addi %mul3A_215, %add3A_314 : i32
      %get3A_316 = arith.index_cast %add3A_315 : i32 to index
      %get3A_317 = arith.constant 0 : index
      %get3A_318 = tpu.vector_load %arg6[%get3A_316, %get3A_317] {strides = array<i32>} : memref<80x128xi32, #tpu.memory_space<vmem>>, vector<1x16xi32>,
      %get3A_319 = vector.shape_cast %get3A_318 : vector<1x16xi32> to vector<16xi32>
      %shift_right_logical3A_320 = arith.constant 16 : i32
      %shift_right_logical3A_321 = vector.broadcast %shift_right_logical3A_320 : i32 to vector<16xi32>
      %shift_right_logical3A_322 = arith.shrui %get3A_319, %shift_right_logical3A_321 : vector<16xi32>
      %swap3A_323 = arith.constant 0 : index
      %swap3A_324 = tpu.vector_load %arg9[%swap3A_323] {strides = array<i32>} : memref<128xi32, #tpu.memory_space<vmem>>, vector<16xi32>,
      %swap3A_325 = vector.shape_cast %swap3A_324 : vector<16xi32> to vector<16xi32>
      %swap3A_326 = vector.shape_cast %shift_right_logical3A_322 : vector<16xi32> to vector<16xi32>
      tpu.vector_store %arg9[%swap3A_323], %swap3A_326 {strides = array<i32>} : memref<128xi32, #tpu.memory_space<vmem>>, vector<16xi32>,
      %get3A_327 = arith.index_cast %add3A_315 : i32 to index
      %get3A_328 = arith.constant 16 : index
      %get3A_329 = tpu.vector_load %arg6[%get3A_327, %get3A_328] {strides = array<i32>} : memref<80x128xi32, #tpu.memory_space<vmem>>, vector<1x16xi32>,
      %get3A_330 = vector.shape_cast %get3A_329 : vector<1x16xi32> to vector<16xi32>
      %shift_right_logical3A_331 = arith.constant 16 : i32
      %shift_right_logical3A_332 = vector.broadcast %shift_right_logical3A_331 : i32 to vector<16xi32>
      %shift_right_logical3A_333 = arith.shrui %get3A_330, %shift_right_logical3A_332 : vector<16xi32>
      %swap3A_334 = arith.constant 16 : index
      %swap3A_335 = tpu.vector_load %arg9[%swap3A_334] {strides = array<i32>} : memref<128xi32, #tpu.memory_space<vmem>>, vector<16xi32>,
      %swap3A_336 = vector.shape_cast %swap3A_335 : vector<16xi32> to vector<16xi32>
      %swap3A_337 = vector.shape_cast %shift_right_logical3A_333 : vector<16xi32> to vector<16xi32>
      tpu.vector_store %arg9[%swap3A_334], %swap3A_337 {strides = array<i32>} : memref<128xi32, #tpu.memory_space<vmem>>, vector<16xi32>,
      %get3A_338 = arith.index_cast %add3A_315 : i32 to index
      %get3A_339 = arith.constant 32 : index
      %get3A_340 = tpu.vector_load %arg6[%get3A_338, %get3A_339] {strides = array<i32>} : memref<80x128xi32, #tpu.memory_space<vmem>>, vector<1x16xi32>,
      %get3A_341 = vector.shape_cast %get3A_340 : vector<1x16xi32> to vector<16xi32>
      %shift_right_logical3A_342 = arith.constant 16 : i32
      %shift_right_logical3A_343 = vector.broadcast %shift_right_logical3A_342 : i32 to vector<16xi32>
      %shift_right_logical3A_344 = arith.shrui %get3A_341, %shift_right_logical3A_343 : vector<16xi32>
      %swap3A_345 = arith.constant 32 : index
      %swap3A_346 = tpu.vector_load %arg9[%swap3A_345] {strides = array<i32>} : memref<128xi32, #tpu.memory_space<vmem>>, vector<16xi32>,
      %swap3A_347 = vector.shape_cast %swap3A_346 : vector<16xi32> to vector<16xi32>
      %swap3A_348 = vector.shape_cast %shift_right_logical3A_344 : vector<16xi32> to vector<16xi32>
      tpu.vector_store %arg9[%swap3A_345], %swap3A_348 {strides = array<i32>} : memref<128xi32, #tpu.memory_space<vmem>>, vector<16xi32>,
      %get3A_349 = arith.index_cast %add3A_315 : i32 to index
      %get3A_350 = arith.constant 48 : index
      %get3A_351 = tpu.vector_load %arg6[%get3A_349, %get3A_350] {strides = array<i32>} : memref<80x128xi32, #tpu.memory_space<vmem>>, vector<1x16xi32>,
      %get3A_352 = vector.shape_cast %get3A_351 : vector<1x16xi32> to vector<16xi32>
      %shift_right_logical3A_353 = arith.constant 16 : i32
      %shift_right_logical3A_354 = vector.broadcast %shift_right_logical3A_353 : i32 to vector<16xi32>
      %shift_right_logical3A_355 = arith.shrui %get3A_352, %shift_right_logical3A_354 : vector<16xi32>
      %swap3A_356 = arith.constant 48 : index
      %swap3A_357 = tpu.vector_load %arg9[%swap3A_356] {strides = array<i32>} : memref<128xi32, #tpu.memory_space<vmem>>, vector<16xi32>,
      %swap3A_358 = vector.shape_cast %swap3A_357 : vector<16xi32> to vector<16xi32>
      %swap3A_359 = vector.shape_cast %shift_right_logical3A_355 : vector<16xi32> to vector<16xi32>
      tpu.vector_store %arg9[%swap3A_356], %swap3A_359 {strides = array<i32>} : memref<128xi32, #tpu.memory_space<vmem>>, vector<16xi32>,
      %get3A_360 = arith.index_cast %add3A_315 : i32 to index
      %get3A_361 = arith.constant 64 : index
      %get3A_362 = tpu.vector_load %arg6[%get3A_360, %get3A_361] {strides = array<i32>} : memref<80x128xi32, #tpu.memory_space<vmem>>, vector<1x16xi32>,
      %get3A_363 = vector.shape_cast %get3A_362 : vector<1x16xi32> to vector<16xi32>
      %shift_right_logical3A_364 = arith.constant 16 : i32
      %shift_right_logical3A_365 = vector.broadcast %shift_right_logical3A_364 : i32 to vector<16xi32>
      %shift_right_logical3A_366 = arith.shrui %get3A_363, %shift_right_logical3A_365 : vector<16xi32>
      %swap3A_367 = arith.constant 64 : index
      %swap3A_368 = tpu.vector_load %arg9[%swap3A_367] {strides = array<i32>} : memref<128xi32, #tpu.memory_space<vmem>>, vector<16xi32>,
      %swap3A_369 = vector.shape_cast %swap3A_368 : vector<16xi32> to vector<16xi32>
      %swap3A_370 = vector.shape_cast %shift_right_logical3A_366 : vector<16xi32> to vector<16xi32>
      tpu.vector_store %arg9[%swap3A_367], %swap3A_370 {strides = array<i32>} : memref<128xi32, #tpu.memory_space<vmem>>, vector<16xi32>,
      %get3A_371 = arith.index_cast %add3A_315 : i32 to index
      %get3A_372 = arith.constant 80 : index
      %get3A_373 = tpu.vector_load %arg6[%get3A_371, %get3A_372] {strides = array<i32>} : memref<80x128xi32, #tpu.memory_space<vmem>>, vector<1x16xi32>,
      %get3A_374 = vector.shape_cast %get3A_373 : vector<1x16xi32> to vector<16xi32>
      %shift_right_logical3A_375 = arith.constant 16 : i32
      %shift_right_logical3A_376 = vector.broadcast %shift_right_logical3A_375 : i32 to vector<16xi32>
      %shift_right_logical3A_377 = arith.shrui %get3A_374, %shift_right_logical3A_376 : vector<16xi32>
      %swap3A_378 = arith.constant 80 : index
      %swap3A_379 = tpu.vector_load %arg9[%swap3A_378] {strides = array<i32>} : memref<128xi32, #tpu.memory_space<vmem>>, vector<16xi32>,
      %swap3A_380 = vector.shape_cast %swap3A_379 : vector<16xi32> to vector<16xi32>
      %swap3A_381 = vector.shape_cast %shift_right_logical3A_377 : vector<16xi32> to vector<16xi32>
      tpu.vector_store %arg9[%swap3A_378], %swap3A_381 {strides = array<i32>} : memref<128xi32, #tpu.memory_space<vmem>>, vector<16xi32>,
      %get3A_382 = arith.index_cast %add3A_315 : i32 to index
      %get3A_383 = arith.constant 96 : index
      %get3A_384 = tpu.vector_load %arg6[%get3A_382, %get3A_383] {strides = array<i32>} : memref<80x128xi32, #tpu.memory_space<vmem>>, vector<1x16xi32>,
      %get3A_385 = vector.shape_cast %get3A_384 : vector<1x16xi32> to vector<16xi32>
      %shift_right_logical3A_386 = arith.constant 16 : i32
      %shift_right_logical3A_387 = vector.broadcast %shift_right_logical3A_386 : i32 to vector<16xi32>
      %shift_right_logical3A_388 = arith.shrui %get3A_385, %shift_right_logical3A_387 : vector<16xi32>
      %swap3A_389 = arith.constant 96 : index
      %swap3A_390 = tpu.vector_load %arg9[%swap3A_389] {strides = array<i32>} : memref<128xi32, #tpu.memory_space<vmem>>, vector<16xi32>,
      %swap3A_391 = vector.shape_cast %swap3A_390 : vector<16xi32> to vector<16xi32>
      %swap3A_392 = vector.shape_cast %shift_right_logical3A_388 : vector<16xi32> to vector<16xi32>
      tpu.vector_store %arg9[%swap3A_389], %swap3A_392 {strides = array<i32>} : memref<128xi32, #tpu.memory_space<vmem>>, vector<16xi32>,
      %get3A_393 = arith.index_cast %add3A_315 : i32 to index
      %get3A_394 = arith.constant 112 : index
      %get3A_395 = tpu.vector_load %arg6[%get3A_393, %get3A_394] {strides = array<i32>} : memref<80x128xi32, #tpu.memory_space<vmem>>, vector<1x16xi32>,
      %get3A_396 = vector.shape_cast %get3A_395 : vector<1x16xi32> to vector<16xi32>
      %shift_right_logical3A_397 = arith.constant 16 : i32
      %shift_right_logical3A_398 = vector.broadcast %shift_right_logical3A_397 : i32 to vector<16xi32>
      %shift_right_logical3A_399 = arith.shrui %get3A_396, %shift_right_logical3A_398 : vector<16xi32>
      %swap3A_400 = arith.constant 112 : index
      %swap3A_401 = tpu.vector_load %arg9[%swap3A_400] {strides = array<i32>} : memref<128xi32, #tpu.memory_space<vmem>>, vector<16xi32>,
      %swap3A_402 = vector.shape_cast %swap3A_401 : vector<16xi32> to vector<16xi32>
      %swap3A_403 = vector.shape_cast %shift_right_logical3A_399 : vector<16xi32> to vector<16xi32>
      tpu.vector_store %arg9[%swap3A_400], %swap3A_403 {strides = array<i32>} : memref<128xi32, #tpu.memory_space<vmem>>, vector<16xi32>,
      %dma_wait3A_404 = arith.constant 0 : i32
      %dma_wait3A_405 = arith.constant 0 : i32
      %dma_wait3A_406 = arith.constant 0 : i32
      %dma_wait3A_407 = tpu.memref_slice %arg2[%arg0, %dma_wait3A_404, %dma_wait3A_405, %dma_wait3A_406] : memref<2x10240x2x128xbf16, #tpu.memory_space<hbm>> -> memref<1x10240x2x128xbf16, #tpu.memory_space<hbm>>
      %dma_wait3A_408 = tpu.memref_squeeze %dma_wait3A_407 : memref<1x10240x2x128xbf16, #tpu.memory_space<hbm>> -> memref<10240x2x128xbf16, #tpu.memory_space<hbm>>
      %dma_wait3A_409 = arith.constant 0 : i32
      %dma_wait3A_410 = arith.constant 0 : i32
      %dma_wait3A_411 = arith.constant 0 : i32
      %dma_wait3A_412 = tpu.memref_slice %dma_wait3A_408[%dma_wait3A_409, %dma_wait3A_410, %dma_wait3A_411] : memref<10240x2x128xbf16, #tpu.memory_space<hbm>> -> memref<10240x2x128xbf16, #tpu.memory_space<hbm>>
      tpu.wait_indirect_dma semaphore(%arg14 : memref<!tpu.dma_semaphore, #tpu.memory_space<semaphore_mem>>) src(%dma_wait3A_412 : memref<10240x2x128xbf16, #tpu.memory_space<hbm>>) dst(%arg11 : memref<128x2x128xbf16, #tpu.memory_space<vmem>>)
      "tpu.region"() ({
        %run_scoped3A = tpu.sem_alloc : memref<!tpu.dma_semaphore, #tpu.memory_space<semaphore_mem>>
        %dma_start3A_416 = arith.constant 0 : i32
        %dma_start3A_417 = arith.constant 0 : i32
        %dma_start3A_418 = arith.constant 0 : i32
        %dma_start3A_419 = tpu.memref_slice %arg12[%dma_start3A_416, %dma_start3A_417, %dma_start3A_418] : memref<10240x2x128xbf16, #tpu.memory_space<vmem_shared>> -> memref<10240x2x128xbf16, #tpu.memory_space<vmem_shared>>
        tpu.enqueue_indirect_dma source(%arg11 : memref<128x2x128xbf16, #tpu.memory_space<vmem>>) target(%dma_start3A_419 : memref<10240x2x128xbf16, #tpu.memory_space<vmem_shared>>) offsets(%arg9 : memref<128xi32, #tpu.memory_space<vmem>>) semaphore(%run_scoped3A : memref<!tpu.dma_semaphore, #tpu.memory_space<semaphore_mem>>) {add = true}
        %dma_wait3A_420 = arith.constant 0 : i32
        %dma_wait3A_421 = arith.constant 0 : i32
        %dma_wait3A_422 = arith.constant 0 : i32
        %dma_wait3A_423 = tpu.memref_slice %arg12[%dma_wait3A_420, %dma_wait3A_421, %dma_wait3A_422] : memref<10240x2x128xbf16, #tpu.memory_space<vmem_shared>> -> memref<10240x2x128xbf16, #tpu.memory_space<vmem_shared>>
        tpu.wait_indirect_dma semaphore(%run_scoped3A : memref<!tpu.dma_semaphore, #tpu.memory_space<semaphore_mem>>) src(%arg11 : memref<128x2x128xbf16, #tpu.memory_space<vmem>>) dst(%dma_wait3A_423 : memref<10240x2x128xbf16, #tpu.memory_space<vmem_shared>>)
        tpu.yield
      }) : () -> ()
      %convert_element_type3A_413 = arith.extui %lt3A_217 : i1 to i32
      %cond3A_414 = arith.constant 0 : i32
      %cond3A_415 = arith.cmpi ne, %convert_element_type3A_413, %cond3A_414 : i32
      scf.if %cond3A_415 {
        %add3A_416 = arith.constant 3 : i32
        %add3A_417 = arith.addi %mul3A_215, %add3A_416 : i32
        %get3A_418 = arith.index_cast %add3A_417 : i32 to index
        %get3A_419 = arith.constant 0 : index
        %get3A_420 = tpu.vector_load %arg6[%get3A_418, %get3A_419] {strides = array<i32>} : memref<80x128xi32, #tpu.memory_space<vmem>>, vector<1x16xi32>,
        %get3A_421 = vector.shape_cast %get3A_420 : vector<1x16xi32> to vector<16xi32>
        %and3A_422 = arith.constant 65535 : i32
        %and3A_423 = vector.broadcast %and3A_422 : i32 to vector<16xi32>
        %and3A_424 = arith.andi %get3A_421, %and3A_423 : vector<16xi32>
        %swap3A_425 = arith.constant 0 : index
        %swap3A_426 = tpu.vector_load %arg8[%swap3A_425] {strides = array<i32>} : memref<128xi32, #tpu.memory_space<vmem>>, vector<16xi32>,
        %swap3A_427 = vector.shape_cast %swap3A_426 : vector<16xi32> to vector<16xi32>
        %swap3A_428 = vector.shape_cast %and3A_424 : vector<16xi32> to vector<16xi32>
        tpu.vector_store %arg8[%swap3A_425], %swap3A_428 {strides = array<i32>} : memref<128xi32, #tpu.memory_space<vmem>>, vector<16xi32>,
        %get3A_429 = arith.index_cast %add3A_417 : i32 to index
        %get3A_430 = arith.constant 16 : index
        %get3A_431 = tpu.vector_load %arg6[%get3A_429, %get3A_430] {strides = array<i32>} : memref<80x128xi32, #tpu.memory_space<vmem>>, vector<1x16xi32>,
        %get3A_432 = vector.shape_cast %get3A_431 : vector<1x16xi32> to vector<16xi32>
        %and3A_433 = arith.constant 65535 : i32
        %and3A_434 = vector.broadcast %and3A_433 : i32 to vector<16xi32>
        %and3A_435 = arith.andi %get3A_432, %and3A_434 : vector<16xi32>
        %swap3A_436 = arith.constant 16 : index
        %swap3A_437 = tpu.vector_load %arg8[%swap3A_436] {strides = array<i32>} : memref<128xi32, #tpu.memory_space<vmem>>, vector<16xi32>,
        %swap3A_438 = vector.shape_cast %swap3A_437 : vector<16xi32> to vector<16xi32>
        %swap3A_439 = vector.shape_cast %and3A_435 : vector<16xi32> to vector<16xi32>
        tpu.vector_store %arg8[%swap3A_436], %swap3A_439 {strides = array<i32>} : memref<128xi32, #tpu.memory_space<vmem>>, vector<16xi32>,
        %get3A_440 = arith.index_cast %add3A_417 : i32 to index
        %get3A_441 = arith.constant 32 : index
        %get3A_442 = tpu.vector_load %arg6[%get3A_440, %get3A_441] {strides = array<i32>} : memref<80x128xi32, #tpu.memory_space<vmem>>, vector<1x16xi32>,
        %get3A_443 = vector.shape_cast %get3A_442 : vector<1x16xi32> to vector<16xi32>
        %and3A_444 = arith.constant 65535 : i32
        %and3A_445 = vector.broadcast %and3A_444 : i32 to vector<16xi32>
        %and3A_446 = arith.andi %get3A_443, %and3A_445 : vector<16xi32>
        %swap3A_447 = arith.constant 32 : index
        %swap3A_448 = tpu.vector_load %arg8[%swap3A_447] {strides = array<i32>} : memref<128xi32, #tpu.memory_space<vmem>>, vector<16xi32>,
        %swap3A_449 = vector.shape_cast %swap3A_448 : vector<16xi32> to vector<16xi32>
        %swap3A_450 = vector.shape_cast %and3A_446 : vector<16xi32> to vector<16xi32>
        tpu.vector_store %arg8[%swap3A_447], %swap3A_450 {strides = array<i32>} : memref<128xi32, #tpu.memory_space<vmem>>, vector<16xi32>,
        %get3A_451 = arith.index_cast %add3A_417 : i32 to index
        %get3A_452 = arith.constant 48 : index
        %get3A_453 = tpu.vector_load %arg6[%get3A_451, %get3A_452] {strides = array<i32>} : memref<80x128xi32, #tpu.memory_space<vmem>>, vector<1x16xi32>,
        %get3A_454 = vector.shape_cast %get3A_453 : vector<1x16xi32> to vector<16xi32>
        %and3A_455 = arith.constant 65535 : i32
        %and3A_456 = vector.broadcast %and3A_455 : i32 to vector<16xi32>
        %and3A_457 = arith.andi %get3A_454, %and3A_456 : vector<16xi32>
        %swap3A_458 = arith.constant 48 : index
        %swap3A_459 = tpu.vector_load %arg8[%swap3A_458] {strides = array<i32>} : memref<128xi32, #tpu.memory_space<vmem>>, vector<16xi32>,
        %swap3A_460 = vector.shape_cast %swap3A_459 : vector<16xi32> to vector<16xi32>
        %swap3A_461 = vector.shape_cast %and3A_457 : vector<16xi32> to vector<16xi32>
        tpu.vector_store %arg8[%swap3A_458], %swap3A_461 {strides = array<i32>} : memref<128xi32, #tpu.memory_space<vmem>>, vector<16xi32>,
        %get3A_462 = arith.index_cast %add3A_417 : i32 to index
        %get3A_463 = arith.constant 64 : index
        %get3A_464 = tpu.vector_load %arg6[%get3A_462, %get3A_463] {strides = array<i32>} : memref<80x128xi32, #tpu.memory_space<vmem>>, vector<1x16xi32>,
        %get3A_465 = vector.shape_cast %get3A_464 : vector<1x16xi32> to vector<16xi32>
        %and3A_466 = arith.constant 65535 : i32
        %and3A_467 = vector.broadcast %and3A_466 : i32 to vector<16xi32>
        %and3A_468 = arith.andi %get3A_465, %and3A_467 : vector<16xi32>
        %swap3A_469 = arith.constant 64 : index
        %swap3A_470 = tpu.vector_load %arg8[%swap3A_469] {strides = array<i32>} : memref<128xi32, #tpu.memory_space<vmem>>, vector<16xi32>,
        %swap3A_471 = vector.shape_cast %swap3A_470 : vector<16xi32> to vector<16xi32>
        %swap3A_472 = vector.shape_cast %and3A_468 : vector<16xi32> to vector<16xi32>
        tpu.vector_store %arg8[%swap3A_469], %swap3A_472 {strides = array<i32>} : memref<128xi32, #tpu.memory_space<vmem>>, vector<16xi32>,
        %get3A_473 = arith.index_cast %add3A_417 : i32 to index
        %get3A_474 = arith.constant 80 : index
        %get3A_475 = tpu.vector_load %arg6[%get3A_473, %get3A_474] {strides = array<i32>} : memref<80x128xi32, #tpu.memory_space<vmem>>, vector<1x16xi32>,
        %get3A_476 = vector.shape_cast %get3A_475 : vector<1x16xi32> to vector<16xi32>
        %and3A_477 = arith.constant 65535 : i32
        %and3A_478 = vector.broadcast %and3A_477 : i32 to vector<16xi32>
        %and3A_479 = arith.andi %get3A_476, %and3A_478 : vector<16xi32>
        %swap3A_480 = arith.constant 80 : index
        %swap3A_481 = tpu.vector_load %arg8[%swap3A_480] {strides = array<i32>} : memref<128xi32, #tpu.memory_space<vmem>>, vector<16xi32>,
        %swap3A_482 = vector.shape_cast %swap3A_481 : vector<16xi32> to vector<16xi32>
        %swap3A_483 = vector.shape_cast %and3A_479 : vector<16xi32> to vector<16xi32>
        tpu.vector_store %arg8[%swap3A_480], %swap3A_483 {strides = array<i32>} : memref<128xi32, #tpu.memory_space<vmem>>, vector<16xi32>,
        %get3A_484 = arith.index_cast %add3A_417 : i32 to index
        %get3A_485 = arith.constant 96 : index
        %get3A_486 = tpu.vector_load %arg6[%get3A_484, %get3A_485] {strides = array<i32>} : memref<80x128xi32, #tpu.memory_space<vmem>>, vector<1x16xi32>,
        %get3A_487 = vector.shape_cast %get3A_486 : vector<1x16xi32> to vector<16xi32>
        %and3A_488 = arith.constant 65535 : i32
        %and3A_489 = vector.broadcast %and3A_488 : i32 to vector<16xi32>
        %and3A_490 = arith.andi %get3A_487, %and3A_489 : vector<16xi32>
        %swap3A_491 = arith.constant 96 : index
        %swap3A_492 = tpu.vector_load %arg8[%swap3A_491] {strides = array<i32>} : memref<128xi32, #tpu.memory_space<vmem>>, vector<16xi32>,
        %swap3A_493 = vector.shape_cast %swap3A_492 : vector<16xi32> to vector<16xi32>
        %swap3A_494 = vector.shape_cast %and3A_490 : vector<16xi32> to vector<16xi32>
        tpu.vector_store %arg8[%swap3A_491], %swap3A_494 {strides = array<i32>} : memref<128xi32, #tpu.memory_space<vmem>>, vector<16xi32>,
        %get3A_495 = arith.index_cast %add3A_417 : i32 to index
        %get3A_496 = arith.constant 112 : index
        %get3A_497 = tpu.vector_load %arg6[%get3A_495, %get3A_496] {strides = array<i32>} : memref<80x128xi32, #tpu.memory_space<vmem>>, vector<1x16xi32>,
        %get3A_498 = vector.shape_cast %get3A_497 : vector<1x16xi32> to vector<16xi32>
        %and3A_499 = arith.constant 65535 : i32
        %and3A_500 = vector.broadcast %and3A_499 : i32 to vector<16xi32>
        %and3A_501 = arith.andi %get3A_498, %and3A_500 : vector<16xi32>
        %swap3A_502 = arith.constant 112 : index
        %swap3A_503 = tpu.vector_load %arg8[%swap3A_502] {strides = array<i32>} : memref<128xi32, #tpu.memory_space<vmem>>, vector<16xi32>,
        %swap3A_504 = vector.shape_cast %swap3A_503 : vector<16xi32> to vector<16xi32>
        %swap3A_505 = vector.shape_cast %and3A_501 : vector<16xi32> to vector<16xi32>
        tpu.vector_store %arg8[%swap3A_502], %swap3A_505 {strides = array<i32>} : memref<128xi32, #tpu.memory_space<vmem>>, vector<16xi32>,
        %dma_start3A_506 = arith.constant 0 : i32
        %dma_start3A_507 = arith.constant 0 : i32
        %dma_start3A_508 = arith.constant 0 : i32
        %dma_start3A_509 = tpu.memref_slice %arg2[%arg0, %dma_start3A_506, %dma_start3A_507, %dma_start3A_508] : memref<2x10240x2x128xbf16, #tpu.memory_space<hbm>> -> memref<1x10240x2x128xbf16, #tpu.memory_space<hbm>>
        %dma_start3A_510 = tpu.memref_squeeze %dma_start3A_509 : memref<1x10240x2x128xbf16, #tpu.memory_space<hbm>> -> memref<10240x2x128xbf16, #tpu.memory_space<hbm>>
        %dma_start3A_511 = arith.constant 0 : i32
        %dma_start3A_512 = arith.constant 0 : i32
        %dma_start3A_513 = arith.constant 0 : i32
        %dma_start3A_514 = tpu.memref_slice %dma_start3A_510[%dma_start3A_511, %dma_start3A_512, %dma_start3A_513] : memref<10240x2x128xbf16, #tpu.memory_space<hbm>> -> memref<10240x2x128xbf16, #tpu.memory_space<hbm>>
        tpu.enqueue_indirect_dma source(%dma_start3A_514 : memref<10240x2x128xbf16, #tpu.memory_space<hbm>>) target(%arg11 : memref<128x2x128xbf16, #tpu.memory_space<vmem>>) offsets(%arg8 : memref<128xi32, #tpu.memory_space<vmem>>) semaphore(%arg14 : memref<!tpu.dma_semaphore, #tpu.memory_space<semaphore_mem>>)
      } else {
      }
    }
    %scan3A_211 = arith.constant 40 : i32
    %barrier3A_212 = arith.constant 0 : index
    tpu.barrier barrier_id(%barrier3A_212)
    "tpu.region"() ({
      %run_scoped3A = tpu.sem_alloc : memref<!tpu.dma_semaphore, #tpu.memory_space<semaphore_mem>>
      %dma_start3A_213 = arith.constant 0 : i32
      %dma_start3A_214 = arith.constant 0 : i32
      %dma_start3A_215 = tpu.memref_slice %arg5[%arg0, %mul3A_0, %dma_start3A_213, %dma_start3A_214] : memref<2x10240x2x128xbf16, #tpu.memory_space<hbm>> -> memref<1x640x2x128xbf16, #tpu.memory_space<hbm>>
      %dma_start3A_216 = tpu.memref_squeeze %dma_start3A_215 : memref<1x640x2x128xbf16, #tpu.memory_space<hbm>> -> memref<640x2x128xbf16, #tpu.memory_space<hbm>>
      %dma_start3A_217 = arith.constant 0 : i32
      %dma_start3A_218 = arith.constant 0 : i32
      %dma_start3A_219 = tpu.memref_slice %arg12[%mul3A_0, %dma_start3A_217, %dma_start3A_218] : memref<10240x2x128xbf16, #tpu.memory_space<vmem_shared>> -> memref<640x2x128xbf16, #tpu.memory_space<vmem_shared>>
      tpu.enqueue_dma source(%dma_start3A_219 : memref<640x2x128xbf16, #tpu.memory_space<vmem_shared>>) target(%dma_start3A_216 : memref<640x2x128xbf16, #tpu.memory_space<hbm>>) target_semaphore(%run_scoped3A : memref<!tpu.dma_semaphore, #tpu.memory_space<semaphore_mem>>)
      %dma_wait3A = arith.constant 0 : i32
      %dma_wait3A_220 = arith.constant 0 : i32
      %dma_wait3A_221 = tpu.memref_slice %arg5[%arg0, %mul3A_0, %dma_wait3A, %dma_wait3A_220] : memref<2x10240x2x128xbf16, #tpu.memory_space<hbm>> -> memref<1x640x2x128xbf16, #tpu.memory_space<hbm>>
      %dma_wait3A_222 = tpu.memref_squeeze %dma_wait3A_221 : memref<1x640x2x128xbf16, #tpu.memory_space<hbm>> -> memref<640x2x128xbf16, #tpu.memory_space<hbm>>
      %dma_wait3A_223 = arith.constant 0 : i32
      %dma_wait3A_224 = arith.constant 0 : i32
      %dma_wait3A_225 = tpu.memref_slice %arg12[%mul3A_0, %dma_wait3A_223, %dma_wait3A_224] : memref<10240x2x128xbf16, #tpu.memory_space<vmem_shared>> -> memref<640x2x128xbf16, #tpu.memory_space<vmem_shared>>
      tpu.wait_dma2 semaphore(%run_scoped3A : memref<!tpu.dma_semaphore, #tpu.memory_space<semaphore_mem>>) src(%dma_wait3A_225 : memref<640x2x128xbf16, #tpu.memory_space<vmem_shared>>) dst(%dma_wait3A_222 : memref<640x2x128xbf16, #tpu.memory_space<hbm>>)
      tpu.yield
    }) : () -> ()
    return
  }
}

#map = affine_map<(d0, d1) -> (0, 0, 0, 0)>
#map1 = affine_map<(d0, d1) -> (0, 0, 0)>
module attributes {stable_mosaic.version = 14 : i64} {
  func.func @body(%arg0: i32, %arg1: i32, %arg2: memref<2x10240x2x128xbf16, #tpu.memory_space<hbm>>, %arg3: memref<16x80x128xi32, #tpu.memory_space<hbm>>, %arg4: memref<10240x2x128xbf16, #tpu.memory_space<hbm>>, %arg5: memref<2x10240x2x128xbf16, #tpu.memory_space<hbm>>, %arg6: memref<80x128xi32, #tpu.memory_space<vmem>>, %arg7: memref<128xi32, #tpu.memory_space<vmem>>, %arg8: memref<128xi32, #tpu.memory_space<vmem>>, %arg9: memref<128xi32, #tpu.memory_space<vmem>>, %arg10: memref<128x2x128xbf16, #tpu.memory_space<vmem>>, %arg11: memref<128x2x128xbf16, #tpu.memory_space<vmem>>, %arg12: memref<10240x2x128xbf16, #tpu.memory_space<vmem_shared>>, %arg13: memref<!tpu.dma_semaphore, #tpu.memory_space<semaphore_mem>>, %arg14: memref<!tpu.dma_semaphore, #tpu.memory_space<semaphore_mem>>) attributes {dimension_semantics = [#tpu.dimension_semantics<core_parallel>, #tpu.dimension_semantics<subcore_parallel>], iteration_bounds = array<i64: 2, 16>, scalar_prefetch = 0 : i64, scratch_operands = 9 : i64, tpu.core_type = #tpu.core_type<sc_vector_subcore>, window_params = [{transform_indices = #map}, {transform_indices = #map1}, {transform_indices = #map1}, {transform_indices = #map}]} {
    %mul3A = arith.constant 640 : i32
    %mul3A_0 = arith.muli %arg1, %mul3A : i32
    "tpu.region"() ({
      %run_scoped3A = tpu.sem_alloc : memref<!tpu.dma_semaphore, #tpu.memory_space<semaphore_mem>>
      %dma_start3A_213 = arith.constant 0 : i32
      %dma_start3A_214 = arith.constant 0 : i32
      %dma_start3A_215 = tpu.memref_slice %arg3[%arg1, %dma_start3A_213, %dma_start3A_214] : memref<16x80x128xi32, #tpu.memory_space<hbm>> -> memref<1x80x128xi32, #tpu.memory_space<hbm>>
      %dma_start3A_216 = tpu.memref_squeeze %dma_start3A_215 : memref<1x80x128xi32, #tpu.memory_space<hbm>> -> memref<80x128xi32, #tpu.memory_space<hbm>>
      %dma_start3A_217 = arith.constant 0 : i32
      %dma_start3A_218 = arith.constant 0 : i32
      %dma_start3A_219 = tpu.memref_slice %arg3[%arg1, %dma_start3A_217, %dma_start3A_218] : memref<16x80x128xi32, #tpu.memory_space<hbm>> -> memref<1x80x128xi32, #tpu.memory_space<hbm>>
      %dma_start3A_220 = tpu.memref_squeeze %dma_start3A_219 : memref<1x80x128xi32, #tpu.memory_space<hbm>> -> memref<80x128xi32, #tpu.memory_space<hbm>>
      tpu.enqueue_dma source(%dma_start3A_220 : memref<80x128xi32, #tpu.memory_space<hbm>>) target(%arg6 : memref<80x128xi32, #tpu.memory_space<vmem>>) target_semaphore(%run_scoped3A : memref<!tpu.dma_semaphore, #tpu.memory_space<semaphore_mem>>)
      %dma_wait3A = arith.constant 0 : i32
      %dma_wait3A_221 = arith.constant 0 : i32
      %dma_wait3A_222 = tpu.memref_slice %arg3[%arg1, %dma_wait3A, %dma_wait3A_221] : memref<16x80x128xi32, #tpu.memory_space<hbm>> -> memref<1x80x128xi32, #tpu.memory_space<hbm>>
      %dma_wait3A_223 = tpu.memref_squeeze %dma_wait3A_222 : memref<1x80x128xi32, #tpu.memory_space<hbm>> -> memref<80x128xi32, #tpu.memory_space<hbm>>
      %dma_wait3A_224 = arith.constant 0 : i32
      %dma_wait3A_225 = arith.constant 0 : i32
      %dma_wait3A_226 = tpu.memref_slice %arg3[%arg1, %dma_wait3A_224, %dma_wait3A_225] : memref<16x80x128xi32, #tpu.memory_space<hbm>> -> memref<1x80x128xi32, #tpu.memory_space<hbm>>
      %dma_wait3A_227 = tpu.memref_squeeze %dma_wait3A_226 : memref<1x80x128xi32, #tpu.memory_space<hbm>> -> memref<80x128xi32, #tpu.memory_space<hbm>>
      tpu.wait_dma2 semaphore(%run_scoped3A : memref<!tpu.dma_semaphore, #tpu.memory_space<semaphore_mem>>) src(%dma_wait3A_227 : memref<80x128xi32, #tpu.memory_space<hbm>>) dst(%arg6 : memref<80x128xi32, #tpu.memory_space<vmem>>)
      tpu.yield
    }) : () -> ()
    "tpu.region"() ({
      %run_scoped3A = tpu.sem_alloc : memref<!tpu.dma_semaphore, #tpu.memory_space<semaphore_mem>>
      %dma_start3A_213 = arith.constant 0 : i32
      %dma_start3A_214 = arith.constant 0 : i32
      %dma_start3A_215 = tpu.memref_slice %arg12[%mul3A_0, %dma_start3A_213, %dma_start3A_214] : memref<10240x2x128xbf16, #tpu.memory_space<vmem_shared>> -> memref<640x2x128xbf16, #tpu.memory_space<vmem_shared>>
      %dma_start3A_216 = arith.constant 0 : i32
      %dma_start3A_217 = arith.constant 0 : i32
      %dma_start3A_218 = tpu.memref_slice %arg4[%mul3A_0, %dma_start3A_216, %dma_start3A_217] : memref<10240x2x128xbf16, #tpu.memory_space<hbm>> -> memref<640x2x128xbf16, #tpu.memory_space<hbm>>
      tpu.enqueue_dma source(%dma_start3A_218 : memref<640x2x128xbf16, #tpu.memory_space<hbm>>) target(%dma_start3A_215 : memref<640x2x128xbf16, #tpu.memory_space<vmem_shared>>) target_semaphore(%run_scoped3A : memref<!tpu.dma_semaphore, #tpu.memory_space<semaphore_mem>>)
      %dma_wait3A = arith.constant 0 : i32
      %dma_wait3A_219 = arith.constant 0 : i32
      %dma_wait3A_220 = tpu.memref_slice %arg12[%mul3A_0, %dma_wait3A, %dma_wait3A_219] : memref<10240x2x128xbf16, #tpu.memory_space<vmem_shared>> -> memref<640x2x128xbf16, #tpu.memory_space<vmem_shared>>
      %dma_wait3A_221 = arith.constant 0 : i32
      %dma_wait3A_222 = arith.constant 0 : i32
      %dma_wait3A_223 = tpu.memref_slice %arg4[%mul3A_0, %dma_wait3A_221, %dma_wait3A_222] : memref<10240x2x128xbf16, #tpu.memory_space<hbm>> -> memref<640x2x128xbf16, #tpu.memory_space<hbm>>
      tpu.wait_dma2 semaphore(%run_scoped3A : memref<!tpu.dma_semaphore, #tpu.memory_space<semaphore_mem>>) src(%dma_wait3A_223 : memref<640x2x128xbf16, #tpu.memory_space<hbm>>) dst(%dma_wait3A_220 : memref<640x2x128xbf16, #tpu.memory_space<vmem_shared>>)
      tpu.yield
    }) : () -> ()
    %barrier3A = arith.constant 0 : index
    tpu.barrier barrier_id(%barrier3A)
    %get3A = arith.constant 0 : i32
    %get3A_1 = arith.index_cast %get3A : i32 to index
    %get3A_2 = arith.constant 0 : index
    %get3A_3 = tpu.vector_load %arg6[%get3A_1, %get3A_2] {strides = array<i32>} : memref<80x128xi32, #tpu.memory_space<vmem>>, vector<1x16xi32>,
    %get3A_4 = vector.shape_cast %get3A_3 : vector<1x16xi32> to vector<16xi32>
    %and3A = arith.constant 65535 : i32
    %and3A_5 = vector.broadcast %and3A : i32 to vector<16xi32>
    %and3A_6 = arith.andi %get3A_4, %and3A_5 : vector<16xi32>
    %swap3A = arith.constant 0 : index
    %swap3A_7 = tpu.vector_load %arg7[%swap3A] {strides = array<i32>} : memref<128xi32, #tpu.memory_space<vmem>>, vector<16xi32>,
    %swap3A_8 = vector.shape_cast %swap3A_7 : vector<16xi32> to vector<16xi32>
    %swap3A_9 = vector.shape_cast %and3A_6 : vector<16xi32> to vector<16xi32>
    tpu.vector_store %arg7[%swap3A], %swap3A_9 {strides = array<i32>} : memref<128xi32, #tpu.memory_space<vmem>>, vector<16xi32>,
    %get3A_10 = arith.constant 0 : i32
    %get3A_11 = arith.index_cast %get3A_10 : i32 to index
    %get3A_12 = arith.constant 16 : index
    %get3A_13 = tpu.vector_load %arg6[%get3A_11, %get3A_12] {strides = array<i32>} : memref<80x128xi32, #tpu.memory_space<vmem>>, vector<1x16xi32>,
    %get3A_14 = vector.shape_cast %get3A_13 : vector<1x16xi32> to vector<16xi32>
    %and3A_15 = arith.constant 65535 : i32
    %and3A_16 = vector.broadcast %and3A_15 : i32 to vector<16xi32>
    %and3A_17 = arith.andi %get3A_14, %and3A_16 : vector<16xi32>
    %swap3A_18 = arith.constant 16 : index
    %swap3A_19 = tpu.vector_load %arg7[%swap3A_18] {strides = array<i32>} : memref<128xi32, #tpu.memory_space<vmem>>, vector<16xi32>,
    %swap3A_20 = vector.shape_cast %swap3A_19 : vector<16xi32> to vector<16xi32>
    %swap3A_21 = vector.shape_cast %and3A_17 : vector<16xi32> to vector<16xi32>
    tpu.vector_store %arg7[%swap3A_18], %swap3A_21 {strides = array<i32>} : memref<128xi32, #tpu.memory_space<vmem>>, vector<16xi32>,
    %get3A_22 = arith.constant 0 : i32
    %get3A_23 = arith.index_cast %get3A_22 : i32 to index
    %get3A_24 = arith.constant 32 : index
    %get3A_25 = tpu.vector_load %arg6[%get3A_23, %get3A_24] {strides = array<i32>} : memref<80x128xi32, #tpu.memory_space<vmem>>, vector<1x16xi32>,
    %get3A_26 = vector.shape_cast %get3A_25 : vector<1x16xi32> to vector<16xi32>
    %and3A_27 = arith.constant 65535 : i32
    %and3A_28 = vector.broadcast %and3A_27 : i32 to vector<16xi32>
    %and3A_29 = arith.andi %get3A_26, %and3A_28 : vector<16xi32>
    %swap3A_30 = arith.constant 32 : index
    %swap3A_31 = tpu.vector_load %arg7[%swap3A_30] {strides = array<i32>} : memref<128xi32, #tpu.memory_space<vmem>>, vector<16xi32>,
    %swap3A_32 = vector.shape_cast %swap3A_31 : vector<16xi32> to vector<16xi32>
    %swap3A_33 = vector.shape_cast %and3A_29 : vector<16xi32> to vector<16xi32>
    tpu.vector_store %arg7[%swap3A_30], %swap3A_33 {strides = array<i32>} : memref<128xi32, #tpu.memory_space<vmem>>, vector<16xi32>,
    %get3A_34 = arith.constant 0 : i32
    %get3A_35 = arith.index_cast %get3A_34 : i32 to index
    %get3A_36 = arith.constant 48 : index
    %get3A_37 = tpu.vector_load %arg6[%get3A_35, %get3A_36] {strides = array<i32>} : memref<80x128xi32, #tpu.memory_space<vmem>>, vector<1x16xi32>,
    %get3A_38 = vector.shape_cast %get3A_37 : vector<1x16xi32> to vector<16xi32>
    %and3A_39 = arith.constant 65535 : i32
    %and3A_40 = vector.broadcast %and3A_39 : i32 to vector<16xi32>
    %and3A_41 = arith.andi %get3A_38, %and3A_40 : vector<16xi32>
    %swap3A_42 = arith.constant 48 : index
    %swap3A_43 = tpu.vector_load %arg7[%swap3A_42] {strides = array<i32>} : memref<128xi32, #tpu.memory_space<vmem>>, vector<16xi32>,
    %swap3A_44 = vector.shape_cast %swap3A_43 : vector<16xi32> to vector<16xi32>
    %swap3A_45 = vector.shape_cast %and3A_41 : vector<16xi32> to vector<16xi32>
    tpu.vector_store %arg7[%swap3A_42], %swap3A_45 {strides = array<i32>} : memref<128xi32, #tpu.memory_space<vmem>>, vector<16xi32>,
    %get3A_46 = arith.constant 0 : i32
    %get3A_47 = arith.index_cast %get3A_46 : i32 to index
    %get3A_48 = arith.constant 64 : index
    %get3A_49 = tpu.vector_load %arg6[%get3A_47, %get3A_48] {strides = array<i32>} : memref<80x128xi32, #tpu.memory_space<vmem>>, vector<1x16xi32>,
    %get3A_50 = vector.shape_cast %get3A_49 : vector<1x16xi32> to vector<16xi32>
    %and3A_51 = arith.constant 65535 : i32
    %and3A_52 = vector.broadcast %and3A_51 : i32 to vector<16xi32>
    %and3A_53 = arith.andi %get3A_50, %and3A_52 : vector<16xi32>
    %swap3A_54 = arith.constant 64 : index
    %swap3A_55 = tpu.vector_load %arg7[%swap3A_54] {strides = array<i32>} : memref<128xi32, #tpu.memory_space<vmem>>, vector<16xi32>,
    %swap3A_56 = vector.shape_cast %swap3A_55 : vector<16xi32> to vector<16xi32>
    %swap3A_57 = vector.shape_cast %and3A_53 : vector<16xi32> to vector<16xi32>
    tpu.vector_store %arg7[%swap3A_54], %swap3A_57 {strides = array<i32>} : memref<128xi32, #tpu.memory_space<vmem>>, vector<16xi32>,
    %get3A_58 = arith.constant 0 : i32
    %get3A_59 = arith.index_cast %get3A_58 : i32 to index
    %get3A_60 = arith.constant 80 : index
    %get3A_61 = tpu.vector_load %arg6[%get3A_59, %get3A_60] {strides = array<i32>} : memref<80x128xi32, #tpu.memory_space<vmem>>, vector<1x16xi32>,
    %get3A_62 = vector.shape_cast %get3A_61 : vector<1x16xi32> to vector<16xi32>
    %and3A_63 = arith.constant 65535 : i32
    %and3A_64 = vector.broadcast %and3A_63 : i32 to vector<16xi32>
    %and3A_65 = arith.andi %get3A_62, %and3A_64 : vector<16xi32>
    %swap3A_66 = arith.constant 80 : index
    %swap3A_67 = tpu.vector_load %arg7[%swap3A_66] {strides = array<i32>} : memref<128xi32, #tpu.memory_space<vmem>>, vector<16xi32>,
    %swap3A_68 = vector.shape_cast %swap3A_67 : vector<16xi32> to vector<16xi32>
    %swap3A_69 = vector.shape_cast %and3A_65 : vector<16xi32> to vector<16xi32>
    tpu.vector_store %arg7[%swap3A_66], %swap3A_69 {strides = array<i32>} : memref<128xi32, #tpu.memory_space<vmem>>, vector<16xi32>,
    %get3A_70 = arith.constant 0 : i32
    %get3A_71 = arith.index_cast %get3A_70 : i32 to index
    %get3A_72 = arith.constant 96 : index
    %get3A_73 = tpu.vector_load %arg6[%get3A_71, %get3A_72] {strides = array<i32>} : memref<80x128xi32, #tpu.memory_space<vmem>>, vector<1x16xi32>,
    %get3A_74 = vector.shape_cast %get3A_73 : vector<1x16xi32> to vector<16xi32>
    %and3A_75 = arith.constant 65535 : i32
    %and3A_76 = vector.broadcast %and3A_75 : i32 to vector<16xi32>
    %and3A_77 = arith.andi %get3A_74, %and3A_76 : vector<16xi32>
    %swap3A_78 = arith.constant 96 : index
    %swap3A_79 = tpu.vector_load %arg7[%swap3A_78] {strides = array<i32>} : memref<128xi32, #tpu.memory_space<vmem>>, vector<16xi32>,
    %swap3A_80 = vector.shape_cast %swap3A_79 : vector<16xi32> to vector<16xi32>
    %swap3A_81 = vector.shape_cast %and3A_77 : vector<16xi32> to vector<16xi32>
    tpu.vector_store %arg7[%swap3A_78], %swap3A_81 {strides = array<i32>} : memref<128xi32, #tpu.memory_space<vmem>>, vector<16xi32>,
    %get3A_82 = arith.constant 0 : i32
    %get3A_83 = arith.index_cast %get3A_82 : i32 to index
    %get3A_84 = arith.constant 112 : index
    %get3A_85 = tpu.vector_load %arg6[%get3A_83, %get3A_84] {strides = array<i32>} : memref<80x128xi32, #tpu.memory_space<vmem>>, vector<1x16xi32>,
    %get3A_86 = vector.shape_cast %get3A_85 : vector<1x16xi32> to vector<16xi32>
    %and3A_87 = arith.constant 65535 : i32
    %and3A_88 = vector.broadcast %and3A_87 : i32 to vector<16xi32>
    %and3A_89 = arith.andi %get3A_86, %and3A_88 : vector<16xi32>
    %swap3A_90 = arith.constant 112 : index
    %swap3A_91 = tpu.vector_load %arg7[%swap3A_90] {strides = array<i32>} : memref<128xi32, #tpu.memory_space<vmem>>, vector<16xi32>,
    %swap3A_92 = vector.shape_cast %swap3A_91 : vector<16xi32> to vector<16xi32>
    %swap3A_93 = vector.shape_cast %and3A_89 : vector<16xi32> to vector<16xi32>
    tpu.vector_store %arg7[%swap3A_90], %swap3A_93 {strides = array<i32>} : memref<128xi32, #tpu.memory_space<vmem>>, vector<16xi32>,
    %dma_start3A = arith.constant 0 : i32
    %dma_start3A_94 = arith.constant 0 : i32
    %dma_start3A_95 = arith.constant 0 : i32
    %dma_start3A_96 = tpu.memref_slice %arg2[%arg0, %dma_start3A, %dma_start3A_94, %dma_start3A_95] : memref<2x10240x2x128xbf16, #tpu.memory_space<hbm>> -> memref<1x10240x2x128xbf16, #tpu.memory_space<hbm>>
    %dma_start3A_97 = tpu.memref_squeeze %dma_start3A_96 : memref<1x10240x2x128xbf16, #tpu.memory_space<hbm>> -> memref<10240x2x128xbf16, #tpu.memory_space<hbm>>
    %dma_start3A_98 = arith.constant 0 : i32
    %dma_start3A_99 = arith.constant 0 : i32
    %dma_start3A_100 = arith.constant 0 : i32
    %dma_start3A_101 = tpu.memref_slice %dma_start3A_97[%dma_start3A_98, %dma_start3A_99, %dma_start3A_100] : memref<10240x2x128xbf16, #tpu.memory_space<hbm>> -> memref<10240x2x128xbf16, #tpu.memory_space<hbm>>
    tpu.enqueue_indirect_dma source(%dma_start3A_101 : memref<10240x2x128xbf16, #tpu.memory_space<hbm>>) target(%arg10 : memref<128x2x128xbf16, #tpu.memory_space<vmem>>) offsets(%arg7 : memref<128xi32, #tpu.memory_space<vmem>>) semaphore(%arg13 : memref<!tpu.dma_semaphore, #tpu.memory_space<semaphore_mem>>)
    %get3A_102 = arith.constant 1 : i32
    %get3A_103 = arith.index_cast %get3A_102 : i32 to index
    %get3A_104 = arith.constant 0 : index
    %get3A_105 = tpu.vector_load %arg6[%get3A_103, %get3A_104] {strides = array<i32>} : memref<80x128xi32, #tpu.memory_space<vmem>>, vector<1x16xi32>,
    %get3A_106 = vector.shape_cast %get3A_105 : vector<1x16xi32> to vector<16xi32>
    %and3A_107 = arith.constant 65535 : i32
    %and3A_108 = vector.broadcast %and3A_107 : i32 to vector<16xi32>
    %and3A_109 = arith.andi %get3A_106, %and3A_108 : vector<16xi32>
    %swap3A_110 = arith.constant 0 : index
    %swap3A_111 = tpu.vector_load %arg8[%swap3A_110] {strides = array<i32>} : memref<128xi32, #tpu.memory_space<vmem>>, vector<16xi32>,
    %swap3A_112 = vector.shape_cast %swap3A_111 : vector<16xi32> to vector<16xi32>
    %swap3A_113 = vector.shape_cast %and3A_109 : vector<16xi32> to vector<16xi32>
    tpu.vector_store %arg8[%swap3A_110], %swap3A_113 {strides = array<i32>} : memref<128xi32, #tpu.memory_space<vmem>>, vector<16xi32>,
    %get3A_114 = arith.constant 1 : i32
    %get3A_115 = arith.index_cast %get3A_114 : i32 to index
    %get3A_116 = arith.constant 16 : index
    %get3A_117 = tpu.vector_load %arg6[%get3A_115, %get3A_116] {strides = array<i32>} : memref<80x128xi32, #tpu.memory_space<vmem>>, vector<1x16xi32>,
    %get3A_118 = vector.shape_cast %get3A_117 : vector<1x16xi32> to vector<16xi32>
    %and3A_119 = arith.constant 65535 : i32
    %and3A_120 = vector.broadcast %and3A_119 : i32 to vector<16xi32>
    %and3A_121 = arith.andi %get3A_118, %and3A_120 : vector<16xi32>
    %swap3A_122 = arith.constant 16 : index
    %swap3A_123 = tpu.vector_load %arg8[%swap3A_122] {strides = array<i32>} : memref<128xi32, #tpu.memory_space<vmem>>, vector<16xi32>,
    %swap3A_124 = vector.shape_cast %swap3A_123 : vector<16xi32> to vector<16xi32>
    %swap3A_125 = vector.shape_cast %and3A_121 : vector<16xi32> to vector<16xi32>
    tpu.vector_store %arg8[%swap3A_122], %swap3A_125 {strides = array<i32>} : memref<128xi32, #tpu.memory_space<vmem>>, vector<16xi32>,
    %get3A_126 = arith.constant 1 : i32
    %get3A_127 = arith.index_cast %get3A_126 : i32 to index
    %get3A_128 = arith.constant 32 : index
    %get3A_129 = tpu.vector_load %arg6[%get3A_127, %get3A_128] {strides = array<i32>} : memref<80x128xi32, #tpu.memory_space<vmem>>, vector<1x16xi32>,
    %get3A_130 = vector.shape_cast %get3A_129 : vector<1x16xi32> to vector<16xi32>
    %and3A_131 = arith.constant 65535 : i32
    %and3A_132 = vector.broadcast %and3A_131 : i32 to vector<16xi32>
    %and3A_133 = arith.andi %get3A_130, %and3A_132 : vector<16xi32>
    %swap3A_134 = arith.constant 32 : index
    %swap3A_135 = tpu.vector_load %arg8[%swap3A_134] {strides = array<i32>} : memref<128xi32, #tpu.memory_space<vmem>>, vector<16xi32>,
    %swap3A_136 = vector.shape_cast %swap3A_135 : vector<16xi32> to vector<16xi32>
    %swap3A_137 = vector.shape_cast %and3A_133 : vector<16xi32> to vector<16xi32>
    tpu.vector_store %arg8[%swap3A_134], %swap3A_137 {strides = array<i32>} : memref<128xi32, #tpu.memory_space<vmem>>, vector<16xi32>,
    %get3A_138 = arith.constant 1 : i32
    %get3A_139 = arith.index_cast %get3A_138 : i32 to index
    %get3A_140 = arith.constant 48 : index
    %get3A_141 = tpu.vector_load %arg6[%get3A_139, %get3A_140] {strides = array<i32>} : memref<80x128xi32, #tpu.memory_space<vmem>>, vector<1x16xi32>,
    %get3A_142 = vector.shape_cast %get3A_141 : vector<1x16xi32> to vector<16xi32>
    %and3A_143 = arith.constant 65535 : i32
    %and3A_144 = vector.broadcast %and3A_143 : i32 to vector<16xi32>
    %and3A_145 = arith.andi %get3A_142, %and3A_144 : vector<16xi32>
    %swap3A_146 = arith.constant 48 : index
    %swap3A_147 = tpu.vector_load %arg8[%swap3A_146] {strides = array<i32>} : memref<128xi32, #tpu.memory_space<vmem>>, vector<16xi32>,
    %swap3A_148 = vector.shape_cast %swap3A_147 : vector<16xi32> to vector<16xi32>
    %swap3A_149 = vector.shape_cast %and3A_145 : vector<16xi32> to vector<16xi32>
    tpu.vector_store %arg8[%swap3A_146], %swap3A_149 {strides = array<i32>} : memref<128xi32, #tpu.memory_space<vmem>>, vector<16xi32>,
    %get3A_150 = arith.constant 1 : i32
    %get3A_151 = arith.index_cast %get3A_150 : i32 to index
    %get3A_152 = arith.constant 64 : index
    %get3A_153 = tpu.vector_load %arg6[%get3A_151, %get3A_152] {strides = array<i32>} : memref<80x128xi32, #tpu.memory_space<vmem>>, vector<1x16xi32>,
    %get3A_154 = vector.shape_cast %get3A_153 : vector<1x16xi32> to vector<16xi32>
    %and3A_155 = arith.constant 65535 : i32
    %and3A_156 = vector.broadcast %and3A_155 : i32 to vector<16xi32>
    %and3A_157 = arith.andi %get3A_154, %and3A_156 : vector<16xi32>
    %swap3A_158 = arith.constant 64 : index
    %swap3A_159 = tpu.vector_load %arg8[%swap3A_158] {strides = array<i32>} : memref<128xi32, #tpu.memory_space<vmem>>, vector<16xi32>,
    %swap3A_160 = vector.shape_cast %swap3A_159 : vector<16xi32> to vector<16xi32>
    %swap3A_161 = vector.shape_cast %and3A_157 : vector<16xi32> to vector<16xi32>
    tpu.vector_store %arg8[%swap3A_158], %swap3A_161 {strides = array<i32>} : memref<128xi32, #tpu.memory_space<vmem>>, vector<16xi32>,
    %get3A_162 = arith.constant 1 : i32
    %get3A_163 = arith.index_cast %get3A_162 : i32 to index
    %get3A_164 = arith.constant 80 : index
    %get3A_165 = tpu.vector_load %arg6[%get3A_163, %get3A_164] {strides = array<i32>} : memref<80x128xi32, #tpu.memory_space<vmem>>, vector<1x16xi32>,
    %get3A_166 = vector.shape_cast %get3A_165 : vector<1x16xi32> to vector<16xi32>
    %and3A_167 = arith.constant 65535 : i32
    %and3A_168 = vector.broadcast %and3A_167 : i32 to vector<16xi32>
    %and3A_169 = arith.andi %get3A_166, %and3A_168 : vector<16xi32>
    %swap3A_170 = arith.constant 80 : index
    %swap3A_171 = tpu.vector_load %arg8[%swap3A_170] {strides = array<i32>} : memref<128xi32, #tpu.memory_space<vmem>>, vector<16xi32>,
    %swap3A_172 = vector.shape_cast %swap3A_171 : vector<16xi32> to vector<16xi32>
    %swap3A_173 = vector.shape_cast %and3A_169 : vector<16xi32> to vector<16xi32>
    tpu.vector_store %arg8[%swap3A_170], %swap3A_173 {strides = array<i32>} : memref<128xi32, #tpu.memory_space<vmem>>, vector<16xi32>,
    %get3A_174 = arith.constant 1 : i32
    %get3A_175 = arith.index_cast %get3A_174 : i32 to index
    %get3A_176 = arith.constant 96 : index
    %get3A_177 = tpu.vector_load %arg6[%get3A_175, %get3A_176] {strides = array<i32>} : memref<80x128xi32, #tpu.memory_space<vmem>>, vector<1x16xi32>,
    %get3A_178 = vector.shape_cast %get3A_177 : vector<1x16xi32> to vector<16xi32>
    %and3A_179 = arith.constant 65535 : i32
    %and3A_180 = vector.broadcast %and3A_179 : i32 to vector<16xi32>
    %and3A_181 = arith.andi %get3A_178, %and3A_180 : vector<16xi32>
    %swap3A_182 = arith.constant 96 : index
    %swap3A_183 = tpu.vector_load %arg8[%swap3A_182] {strides = array<i32>} : memref<128xi32, #tpu.memory_space<vmem>>, vector<16xi32>,
    %swap3A_184 = vector.shape_cast %swap3A_183 : vector<16xi32> to vector<16xi32>
    %swap3A_185 = vector.shape_cast %and3A_181 : vector<16xi32> to vector<16xi32>
    tpu.vector_store %arg8[%swap3A_182], %swap3A_185 {strides = array<i32>} : memref<128xi32, #tpu.memory_space<vmem>>, vector<16xi32>,
    %get3A_186 = arith.constant 1 : i32
    %get3A_187 = arith.index_cast %get3A_186 : i32 to index
    %get3A_188 = arith.constant 112 : index
    %get3A_189 = tpu.vector_load %arg6[%get3A_187, %get3A_188] {strides = array<i32>} : memref<80x128xi32, #tpu.memory_space<vmem>>, vector<1x16xi32>,
    %get3A_190 = vector.shape_cast %get3A_189 : vector<1x16xi32> to vector<16xi32>
    %and3A_191 = arith.constant 65535 : i32
    %and3A_192 = vector.broadcast %and3A_191 : i32 to vector<16xi32>
    %and3A_193 = arith.andi %get3A_190, %and3A_192 : vector<16xi32>
    %swap3A_194 = arith.constant 112 : index
    %swap3A_195 = tpu.vector_load %arg8[%swap3A_194] {strides = array<i32>} : memref<128xi32, #tpu.memory_space<vmem>>, vector<16xi32>,
    %swap3A_196 = vector.shape_cast %swap3A_195 : vector<16xi32> to vector<16xi32>
    %swap3A_197 = vector.shape_cast %and3A_193 : vector<16xi32> to vector<16xi32>
    tpu.vector_store %arg8[%swap3A_194], %swap3A_197 {strides = array<i32>} : memref<128xi32, #tpu.memory_space<vmem>>, vector<16xi32>,
    %dma_start3A_198 = arith.constant 0 : i32
    %dma_start3A_199 = arith.constant 0 : i32
    %dma_start3A_200 = arith.constant 0 : i32
    %dma_start3A_201 = tpu.memref_slice %arg2[%arg0, %dma_start3A_198, %dma_start3A_199, %dma_start3A_200] : memref<2x10240x2x128xbf16, #tpu.memory_space<hbm>> -> memref<1x10240x2x128xbf16, #tpu.memory_space<hbm>>
    %dma_start3A_202 = tpu.memref_squeeze %dma_start3A_201 : memref<1x10240x2x128xbf16, #tpu.memory_space<hbm>> -> memref<10240x2x128xbf16, #tpu.memory_space<hbm>>
    %dma_start3A_203 = arith.constant 0 : i32
    %dma_start3A_204 = arith.constant 0 : i32
    %dma_start3A_205 = arith.constant 0 : i32
    %dma_start3A_206 = tpu.memref_slice %dma_start3A_202[%dma_start3A_203, %dma_start3A_204, %dma_start3A_205] : memref<10240x2x128xbf16, #tpu.memory_space<hbm>> -> memref<10240x2x128xbf16, #tpu.memory_space<hbm>>
    tpu.enqueue_indirect_dma source(%dma_start3A_206 : memref<10240x2x128xbf16, #tpu.memory_space<hbm>>) target(%arg11 : memref<128x2x128xbf16, #tpu.memory_space<vmem>>) offsets(%arg8 : memref<128xi32, #tpu.memory_space<vmem>>) semaphore(%arg14 : memref<!tpu.dma_semaphore, #tpu.memory_space<semaphore_mem>>)
    %scan3A = arith.constant 0 : i32
    %scan3A_207 = arith.constant 0 : i32
    %scan3A_208 = arith.constant 40 : i32
    %scan3A_209 = arith.addi %scan3A_207, %scan3A_208 : i32
    %scan3A_210 = arith.constant 1 : i32
    scf.for %scan3A_213 = %scan3A_207 to %scan3A_209 step %scan3A_210  : i32 {
      %mul3A_214 = arith.constant 2 : i32
      %mul3A_215 = arith.muli %mul3A_214, %scan3A_213 : i32
      %add3A = arith.constant 1 : i32
      %add3A_216 = arith.addi %scan3A_213, %add3A : i32
      %lt3A = arith.constant 40 : i32
      %lt3A_217 = arith.cmpi slt, %add3A_216, %lt3A : i32
      %get3A_218 = arith.index_cast %mul3A_215 : i32 to index
      %get3A_219 = arith.constant 0 : index
      %get3A_220 = tpu.vector_load %arg6[%get3A_218, %get3A_219] {strides = array<i32>} : memref<80x128xi32, #tpu.memory_space<vmem>>, vector<1x16xi32>,
      %get3A_221 = vector.shape_cast %get3A_220 : vector<1x16xi32> to vector<16xi32>
      %shift_right_logical3A = arith.constant 16 : i32
      %shift_right_logical3A_222 = vector.broadcast %shift_right_logical3A : i32 to vector<16xi32>
      %shift_right_logical3A_223 = arith.shrui %get3A_221, %shift_right_logical3A_222 : vector<16xi32>
      %swap3A_224 = arith.constant 0 : index
      %swap3A_225 = tpu.vector_load %arg9[%swap3A_224] {strides = array<i32>} : memref<128xi32, #tpu.memory_space<vmem>>, vector<16xi32>,
      %swap3A_226 = vector.shape_cast %swap3A_225 : vector<16xi32> to vector<16xi32>
      %swap3A_227 = vector.shape_cast %shift_right_logical3A_223 : vector<16xi32> to vector<16xi32>
      tpu.vector_store %arg9[%swap3A_224], %swap3A_227 {strides = array<i32>} : memref<128xi32, #tpu.memory_space<vmem>>, vector<16xi32>,
      %get3A_228 = arith.index_cast %mul3A_215 : i32 to index
      %get3A_229 = arith.constant 16 : index
      %get3A_230 = tpu.vector_load %arg6[%get3A_228, %get3A_229] {strides = array<i32>} : memref<80x128xi32, #tpu.memory_space<vmem>>, vector<1x16xi32>,
      %get3A_231 = vector.shape_cast %get3A_230 : vector<1x16xi32> to vector<16xi32>
      %shift_right_logical3A_232 = arith.constant 16 : i32
      %shift_right_logical3A_233 = vector.broadcast %shift_right_logical3A_232 : i32 to vector<16xi32>
      %shift_right_logical3A_234 = arith.shrui %get3A_231, %shift_right_logical3A_233 : vector<16xi32>
      %swap3A_235 = arith.constant 16 : index
      %swap3A_236 = tpu.vector_load %arg9[%swap3A_235] {strides = array<i32>} : memref<128xi32, #tpu.memory_space<vmem>>, vector<16xi32>,
      %swap3A_237 = vector.shape_cast %swap3A_236 : vector<16xi32> to vector<16xi32>
      %swap3A_238 = vector.shape_cast %shift_right_logical3A_234 : vector<16xi32> to vector<16xi32>
      tpu.vector_store %arg9[%swap3A_235], %swap3A_238 {strides = array<i32>} : memref<128xi32, #tpu.memory_space<vmem>>, vector<16xi32>,
      %get3A_239 = arith.index_cast %mul3A_215 : i32 to index
      %get3A_240 = arith.constant 32 : index
      %get3A_241 = tpu.vector_load %arg6[%get3A_239, %get3A_240] {strides = array<i32>} : memref<80x128xi32, #tpu.memory_space<vmem>>, vector<1x16xi32>,
      %get3A_242 = vector.shape_cast %get3A_241 : vector<1x16xi32> to vector<16xi32>
      %shift_right_logical3A_243 = arith.constant 16 : i32
      %shift_right_logical3A_244 = vector.broadcast %shift_right_logical3A_243 : i32 to vector<16xi32>
      %shift_right_logical3A_245 = arith.shrui %get3A_242, %shift_right_logical3A_244 : vector<16xi32>
      %swap3A_246 = arith.constant 32 : index
      %swap3A_247 = tpu.vector_load %arg9[%swap3A_246] {strides = array<i32>} : memref<128xi32, #tpu.memory_space<vmem>>, vector<16xi32>,
      %swap3A_248 = vector.shape_cast %swap3A_247 : vector<16xi32> to vector<16xi32>
      %swap3A_249 = vector.shape_cast %shift_right_logical3A_245 : vector<16xi32> to vector<16xi32>
      tpu.vector_store %arg9[%swap3A_246], %swap3A_249 {strides = array<i32>} : memref<128xi32, #tpu.memory_space<vmem>>, vector<16xi32>,
      %get3A_250 = arith.index_cast %mul3A_215 : i32 to index
      %get3A_251 = arith.constant 48 : index
      %get3A_252 = tpu.vector_load %arg6[%get3A_250, %get3A_251] {strides = array<i32>} : memref<80x128xi32, #tpu.memory_space<vmem>>, vector<1x16xi32>,
      %get3A_253 = vector.shape_cast %get3A_252 : vector<1x16xi32> to vector<16xi32>
      %shift_right_logical3A_254 = arith.constant 16 : i32
      %shift_right_logical3A_255 = vector.broadcast %shift_right_logical3A_254 : i32 to vector<16xi32>
      %shift_right_logical3A_256 = arith.shrui %get3A_253, %shift_right_logical3A_255 : vector<16xi32>
      %swap3A_257 = arith.constant 48 : index
      %swap3A_258 = tpu.vector_load %arg9[%swap3A_257] {strides = array<i32>} : memref<128xi32, #tpu.memory_space<vmem>>, vector<16xi32>,
      %swap3A_259 = vector.shape_cast %swap3A_258 : vector<16xi32> to vector<16xi32>
      %swap3A_260 = vector.shape_cast %shift_right_logical3A_256 : vector<16xi32> to vector<16xi32>
      tpu.vector_store %arg9[%swap3A_257], %swap3A_260 {strides = array<i32>} : memref<128xi32, #tpu.memory_space<vmem>>, vector<16xi32>,
      %get3A_261 = arith.index_cast %mul3A_215 : i32 to index
      %get3A_262 = arith.constant 64 : index
      %get3A_263 = tpu.vector_load %arg6[%get3A_261, %get3A_262] {strides = array<i32>} : memref<80x128xi32, #tpu.memory_space<vmem>>, vector<1x16xi32>,
      %get3A_264 = vector.shape_cast %get3A_263 : vector<1x16xi32> to vector<16xi32>
      %shift_right_logical3A_265 = arith.constant 16 : i32
      %shift_right_logical3A_266 = vector.broadcast %shift_right_logical3A_265 : i32 to vector<16xi32>
      %shift_right_logical3A_267 = arith.shrui %get3A_264, %shift_right_logical3A_266 : vector<16xi32>
      %swap3A_268 = arith.constant 64 : index
      %swap3A_269 = tpu.vector_load %arg9[%swap3A_268] {strides = array<i32>} : memref<128xi32, #tpu.memory_space<vmem>>, vector<16xi32>,
      %swap3A_270 = vector.shape_cast %swap3A_269 : vector<16xi32> to vector<16xi32>
      %swap3A_271 = vector.shape_cast %shift_right_logical3A_267 : vector<16xi32> to vector<16xi32>
      tpu.vector_store %arg9[%swap3A_268], %swap3A_271 {strides = array<i32>} : memref<128xi32, #tpu.memory_space<vmem>>, vector<16xi32>,
      %get3A_272 = arith.index_cast %mul3A_215 : i32 to index
      %get3A_273 = arith.constant 80 : index
      %get3A_274 = tpu.vector_load %arg6[%get3A_272, %get3A_273] {strides = array<i32>} : memref<80x128xi32, #tpu.memory_space<vmem>>, vector<1x16xi32>,
      %get3A_275 = vector.shape_cast %get3A_274 : vector<1x16xi32> to vector<16xi32>
      %shift_right_logical3A_276 = arith.constant 16 : i32
      %shift_right_logical3A_277 = vector.broadcast %shift_right_logical3A_276 : i32 to vector<16xi32>
      %shift_right_logical3A_278 = arith.shrui %get3A_275, %shift_right_logical3A_277 : vector<16xi32>
      %swap3A_279 = arith.constant 80 : index
      %swap3A_280 = tpu.vector_load %arg9[%swap3A_279] {strides = array<i32>} : memref<128xi32, #tpu.memory_space<vmem>>, vector<16xi32>,
      %swap3A_281 = vector.shape_cast %swap3A_280 : vector<16xi32> to vector<16xi32>
      %swap3A_282 = vector.shape_cast %shift_right_logical3A_278 : vector<16xi32> to vector<16xi32>
      tpu.vector_store %arg9[%swap3A_279], %swap3A_282 {strides = array<i32>} : memref<128xi32, #tpu.memory_space<vmem>>, vector<16xi32>,
      %get3A_283 = arith.index_cast %mul3A_215 : i32 to index
      %get3A_284 = arith.constant 96 : index
      %get3A_285 = tpu.vector_load %arg6[%get3A_283, %get3A_284] {strides = array<i32>} : memref<80x128xi32, #tpu.memory_space<vmem>>, vector<1x16xi32>,
      %get3A_286 = vector.shape_cast %get3A_285 : vector<1x16xi32> to vector<16xi32>
      %shift_right_logical3A_287 = arith.constant 16 : i32
      %shift_right_logical3A_288 = vector.broadcast %shift_right_logical3A_287 : i32 to vector<16xi32>
      %shift_right_logical3A_289 = arith.shrui %get3A_286, %shift_right_logical3A_288 : vector<16xi32>
      %swap3A_290 = arith.constant 96 : index
      %swap3A_291 = tpu.vector_load %arg9[%swap3A_290] {strides = array<i32>} : memref<128xi32, #tpu.memory_space<vmem>>, vector<16xi32>,
      %swap3A_292 = vector.shape_cast %swap3A_291 : vector<16xi32> to vector<16xi32>
      %swap3A_293 = vector.shape_cast %shift_right_logical3A_289 : vector<16xi32> to vector<16xi32>
      tpu.vector_store %arg9[%swap3A_290], %swap3A_293 {strides = array<i32>} : memref<128xi32, #tpu.memory_space<vmem>>, vector<16xi32>,
      %get3A_294 = arith.index_cast %mul3A_215 : i32 to index
      %get3A_295 = arith.constant 112 : index
      %get3A_296 = tpu.vector_load %arg6[%get3A_294, %get3A_295] {strides = array<i32>} : memref<80x128xi32, #tpu.memory_space<vmem>>, vector<1x16xi32>,
      %get3A_297 = vector.shape_cast %get3A_296 : vector<1x16xi32> to vector<16xi32>
      %shift_right_logical3A_298 = arith.constant 16 : i32
      %shift_right_logical3A_299 = vector.broadcast %shift_right_logical3A_298 : i32 to vector<16xi32>
      %shift_right_logical3A_300 = arith.shrui %get3A_297, %shift_right_logical3A_299 : vector<16xi32>
      %swap3A_301 = arith.constant 112 : index
      %swap3A_302 = tpu.vector_load %arg9[%swap3A_301] {strides = array<i32>} : memref<128xi32, #tpu.memory_space<vmem>>, vector<16xi32>,
      %swap3A_303 = vector.shape_cast %swap3A_302 : vector<16xi32> to vector<16xi32>
      %swap3A_304 = vector.shape_cast %shift_right_logical3A_300 : vector<16xi32> to vector<16xi32>
      tpu.vector_store %arg9[%swap3A_301], %swap3A_304 {strides = array<i32>} : memref<128xi32, #tpu.memory_space<vmem>>, vector<16xi32>,
      %dma_wait3A = arith.constant 0 : i32
      %dma_wait3A_305 = arith.constant 0 : i32
      %dma_wait3A_306 = arith.constant 0 : i32
      %dma_wait3A_307 = tpu.memref_slice %arg2[%arg0, %dma_wait3A, %dma_wait3A_305, %dma_wait3A_306] : memref<2x10240x2x128xbf16, #tpu.memory_space<hbm>> -> memref<1x10240x2x128xbf16, #tpu.memory_space<hbm>>
      %dma_wait3A_308 = tpu.memref_squeeze %dma_wait3A_307 : memref<1x10240x2x128xbf16, #tpu.memory_space<hbm>> -> memref<10240x2x128xbf16, #tpu.memory_space<hbm>>
      %dma_wait3A_309 = arith.constant 0 : i32
      %dma_wait3A_310 = arith.constant 0 : i32
      %dma_wait3A_311 = arith.constant 0 : i32
      %dma_wait3A_312 = tpu.memref_slice %dma_wait3A_308[%dma_wait3A_309, %dma_wait3A_310, %dma_wait3A_311] : memref<10240x2x128xbf16, #tpu.memory_space<hbm>> -> memref<10240x2x128xbf16, #tpu.memory_space<hbm>>
      tpu.wait_indirect_dma semaphore(%arg13 : memref<!tpu.dma_semaphore, #tpu.memory_space<semaphore_mem>>) src(%dma_wait3A_312 : memref<10240x2x128xbf16, #tpu.memory_space<hbm>>) dst(%arg10 : memref<128x2x128xbf16, #tpu.memory_space<vmem>>)
      "tpu.region"() ({
        %run_scoped3A = tpu.sem_alloc : memref<!tpu.dma_semaphore, #tpu.memory_space<semaphore_mem>>
        %dma_start3A_416 = arith.constant 0 : i32
        %dma_start3A_417 = arith.constant 0 : i32
        %dma_start3A_418 = arith.constant 0 : i32
        %dma_start3A_419 = tpu.memref_slice %arg12[%dma_start3A_416, %dma_start3A_417, %dma_start3A_418] : memref<10240x2x128xbf16, #tpu.memory_space<vmem_shared>> -> memref<10240x2x128xbf16, #tpu.memory_space<vmem_shared>>
        tpu.enqueue_indirect_dma source(%arg10 : memref<128x2x128xbf16, #tpu.memory_space<vmem>>) target(%dma_start3A_419 : memref<10240x2x128xbf16, #tpu.memory_space<vmem_shared>>) offsets(%arg9 : memref<128xi32, #tpu.memory_space<vmem>>) semaphore(%run_scoped3A : memref<!tpu.dma_semaphore, #tpu.memory_space<semaphore_mem>>) {add = true}
        %dma_wait3A_420 = arith.constant 0 : i32
        %dma_wait3A_421 = arith.constant 0 : i32
        %dma_wait3A_422 = arith.constant 0 : i32
        %dma_wait3A_423 = tpu.memref_slice %arg12[%dma_wait3A_420, %dma_wait3A_421, %dma_wait3A_422] : memref<10240x2x128xbf16, #tpu.memory_space<vmem_shared>> -> memref<10240x2x128xbf16, #tpu.memory_space<vmem_shared>>
        tpu.wait_indirect_dma semaphore(%run_scoped3A : memref<!tpu.dma_semaphore, #tpu.memory_space<semaphore_mem>>) src(%arg10 : memref<128x2x128xbf16, #tpu.memory_space<vmem>>) dst(%dma_wait3A_423 : memref<10240x2x128xbf16, #tpu.memory_space<vmem_shared>>)
        tpu.yield
      }) : () -> ()
      %convert_element_type3A = arith.extui %lt3A_217 : i1 to i32
      %cond3A = arith.constant 0 : i32
      %cond3A_313 = arith.cmpi ne, %convert_element_type3A, %cond3A : i32
      scf.if %cond3A_313 {
        %add3A_416 = arith.constant 2 : i32
        %add3A_417 = arith.addi %mul3A_215, %add3A_416 : i32
        %get3A_418 = arith.index_cast %add3A_417 : i32 to index
        %get3A_419 = arith.constant 0 : index
        %get3A_420 = tpu.vector_load %arg6[%get3A_418, %get3A_419] {strides = array<i32>} : memref<80x128xi32, #tpu.memory_space<vmem>>, vector<1x16xi32>,
        %get3A_421 = vector.shape_cast %get3A_420 : vector<1x16xi32> to vector<16xi32>
        %and3A_422 = arith.constant 65535 : i32
        %and3A_423 = vector.broadcast %and3A_422 : i32 to vector<16xi32>
        %and3A_424 = arith.andi %get3A_421, %and3A_423 : vector<16xi32>
        %swap3A_425 = arith.constant 0 : index
        %swap3A_426 = tpu.vector_load %arg7[%swap3A_425] {strides = array<i32>} : memref<128xi32, #tpu.memory_space<vmem>>, vector<16xi32>,
        %swap3A_427 = vector.shape_cast %swap3A_426 : vector<16xi32> to vector<16xi32>
        %swap3A_428 = vector.shape_cast %and3A_424 : vector<16xi32> to vector<16xi32>
        tpu.vector_store %arg7[%swap3A_425], %swap3A_428 {strides = array<i32>} : memref<128xi32, #tpu.memory_space<vmem>>, vector<16xi32>,
        %get3A_429 = arith.index_cast %add3A_417 : i32 to index
        %get3A_430 = arith.constant 16 : index
        %get3A_431 = tpu.vector_load %arg6[%get3A_429, %get3A_430] {strides = array<i32>} : memref<80x128xi32, #tpu.memory_space<vmem>>, vector<1x16xi32>,
        %get3A_432 = vector.shape_cast %get3A_431 : vector<1x16xi32> to vector<16xi32>
        %and3A_433 = arith.constant 65535 : i32
        %and3A_434 = vector.broadcast %and3A_433 : i32 to vector<16xi32>
        %and3A_435 = arith.andi %get3A_432, %and3A_434 : vector<16xi32>
        %swap3A_436 = arith.constant 16 : index
        %swap3A_437 = tpu.vector_load %arg7[%swap3A_436] {strides = array<i32>} : memref<128xi32, #tpu.memory_space<vmem>>, vector<16xi32>,
        %swap3A_438 = vector.shape_cast %swap3A_437 : vector<16xi32> to vector<16xi32>
        %swap3A_439 = vector.shape_cast %and3A_435 : vector<16xi32> to vector<16xi32>
        tpu.vector_store %arg7[%swap3A_436], %swap3A_439 {strides = array<i32>} : memref<128xi32, #tpu.memory_space<vmem>>, vector<16xi32>,
        %get3A_440 = arith.index_cast %add3A_417 : i32 to index
        %get3A_441 = arith.constant 32 : index
        %get3A_442 = tpu.vector_load %arg6[%get3A_440, %get3A_441] {strides = array<i32>} : memref<80x128xi32, #tpu.memory_space<vmem>>, vector<1x16xi32>,
        %get3A_443 = vector.shape_cast %get3A_442 : vector<1x16xi32> to vector<16xi32>
        %and3A_444 = arith.constant 65535 : i32
        %and3A_445 = vector.broadcast %and3A_444 : i32 to vector<16xi32>
        %and3A_446 = arith.andi %get3A_443, %and3A_445 : vector<16xi32>
        %swap3A_447 = arith.constant 32 : index
        %swap3A_448 = tpu.vector_load %arg7[%swap3A_447] {strides = array<i32>} : memref<128xi32, #tpu.memory_space<vmem>>, vector<16xi32>,
        %swap3A_449 = vector.shape_cast %swap3A_448 : vector<16xi32> to vector<16xi32>
        %swap3A_450 = vector.shape_cast %and3A_446 : vector<16xi32> to vector<16xi32>
        tpu.vector_store %arg7[%swap3A_447], %swap3A_450 {strides = array<i32>} : memref<128xi32, #tpu.memory_space<vmem>>, vector<16xi32>,
        %get3A_451 = arith.index_cast %add3A_417 : i32 to index
        %get3A_452 = arith.constant 48 : index
        %get3A_453 = tpu.vector_load %arg6[%get3A_451, %get3A_452] {strides = array<i32>} : memref<80x128xi32, #tpu.memory_space<vmem>>, vector<1x16xi32>,
        %get3A_454 = vector.shape_cast %get3A_453 : vector<1x16xi32> to vector<16xi32>
        %and3A_455 = arith.constant 65535 : i32
        %and3A_456 = vector.broadcast %and3A_455 : i32 to vector<16xi32>
        %and3A_457 = arith.andi %get3A_454, %and3A_456 : vector<16xi32>
        %swap3A_458 = arith.constant 48 : index
        %swap3A_459 = tpu.vector_load %arg7[%swap3A_458] {strides = array<i32>} : memref<128xi32, #tpu.memory_space<vmem>>, vector<16xi32>,
        %swap3A_460 = vector.shape_cast %swap3A_459 : vector<16xi32> to vector<16xi32>
        %swap3A_461 = vector.shape_cast %and3A_457 : vector<16xi32> to vector<16xi32>
        tpu.vector_store %arg7[%swap3A_458], %swap3A_461 {strides = array<i32>} : memref<128xi32, #tpu.memory_space<vmem>>, vector<16xi32>,
        %get3A_462 = arith.index_cast %add3A_417 : i32 to index
        %get3A_463 = arith.constant 64 : index
        %get3A_464 = tpu.vector_load %arg6[%get3A_462, %get3A_463] {strides = array<i32>} : memref<80x128xi32, #tpu.memory_space<vmem>>, vector<1x16xi32>,
        %get3A_465 = vector.shape_cast %get3A_464 : vector<1x16xi32> to vector<16xi32>
        %and3A_466 = arith.constant 65535 : i32
        %and3A_467 = vector.broadcast %and3A_466 : i32 to vector<16xi32>
        %and3A_468 = arith.andi %get3A_465, %and3A_467 : vector<16xi32>
        %swap3A_469 = arith.constant 64 : index
        %swap3A_470 = tpu.vector_load %arg7[%swap3A_469] {strides = array<i32>} : memref<128xi32, #tpu.memory_space<vmem>>, vector<16xi32>,
        %swap3A_471 = vector.shape_cast %swap3A_470 : vector<16xi32> to vector<16xi32>
        %swap3A_472 = vector.shape_cast %and3A_468 : vector<16xi32> to vector<16xi32>
        tpu.vector_store %arg7[%swap3A_469], %swap3A_472 {strides = array<i32>} : memref<128xi32, #tpu.memory_space<vmem>>, vector<16xi32>,
        %get3A_473 = arith.index_cast %add3A_417 : i32 to index
        %get3A_474 = arith.constant 80 : index
        %get3A_475 = tpu.vector_load %arg6[%get3A_473, %get3A_474] {strides = array<i32>} : memref<80x128xi32, #tpu.memory_space<vmem>>, vector<1x16xi32>,
        %get3A_476 = vector.shape_cast %get3A_475 : vector<1x16xi32> to vector<16xi32>
        %and3A_477 = arith.constant 65535 : i32
        %and3A_478 = vector.broadcast %and3A_477 : i32 to vector<16xi32>
        %and3A_479 = arith.andi %get3A_476, %and3A_478 : vector<16xi32>
        %swap3A_480 = arith.constant 80 : index
        %swap3A_481 = tpu.vector_load %arg7[%swap3A_480] {strides = array<i32>} : memref<128xi32, #tpu.memory_space<vmem>>, vector<16xi32>,
        %swap3A_482 = vector.shape_cast %swap3A_481 : vector<16xi32> to vector<16xi32>
        %swap3A_483 = vector.shape_cast %and3A_479 : vector<16xi32> to vector<16xi32>
        tpu.vector_store %arg7[%swap3A_480], %swap3A_483 {strides = array<i32>} : memref<128xi32, #tpu.memory_space<vmem>>, vector<16xi32>,
        %get3A_484 = arith.index_cast %add3A_417 : i32 to index
        %get3A_485 = arith.constant 96 : index
        %get3A_486 = tpu.vector_load %arg6[%get3A_484, %get3A_485] {strides = array<i32>} : memref<80x128xi32, #tpu.memory_space<vmem>>, vector<1x16xi32>,
        %get3A_487 = vector.shape_cast %get3A_486 : vector<1x16xi32> to vector<16xi32>
        %and3A_488 = arith.constant 65535 : i32
        %and3A_489 = vector.broadcast %and3A_488 : i32 to vector<16xi32>
        %and3A_490 = arith.andi %get3A_487, %and3A_489 : vector<16xi32>
        %swap3A_491 = arith.constant 96 : index
        %swap3A_492 = tpu.vector_load %arg7[%swap3A_491] {strides = array<i32>} : memref<128xi32, #tpu.memory_space<vmem>>, vector<16xi32>,
        %swap3A_493 = vector.shape_cast %swap3A_492 : vector<16xi32> to vector<16xi32>
        %swap3A_494 = vector.shape_cast %and3A_490 : vector<16xi32> to vector<16xi32>
        tpu.vector_store %arg7[%swap3A_491], %swap3A_494 {strides = array<i32>} : memref<128xi32, #tpu.memory_space<vmem>>, vector<16xi32>,
        %get3A_495 = arith.index_cast %add3A_417 : i32 to index
        %get3A_496 = arith.constant 112 : index
        %get3A_497 = tpu.vector_load %arg6[%get3A_495, %get3A_496] {strides = array<i32>} : memref<80x128xi32, #tpu.memory_space<vmem>>, vector<1x16xi32>,
        %get3A_498 = vector.shape_cast %get3A_497 : vector<1x16xi32> to vector<16xi32>
        %and3A_499 = arith.constant 65535 : i32
        %and3A_500 = vector.broadcast %and3A_499 : i32 to vector<16xi32>
        %and3A_501 = arith.andi %get3A_498, %and3A_500 : vector<16xi32>
        %swap3A_502 = arith.constant 112 : index
        %swap3A_503 = tpu.vector_load %arg7[%swap3A_502] {strides = array<i32>} : memref<128xi32, #tpu.memory_space<vmem>>, vector<16xi32>,
        %swap3A_504 = vector.shape_cast %swap3A_503 : vector<16xi32> to vector<16xi32>
        %swap3A_505 = vector.shape_cast %and3A_501 : vector<16xi32> to vector<16xi32>
        tpu.vector_store %arg7[%swap3A_502], %swap3A_505 {strides = array<i32>} : memref<128xi32, #tpu.memory_space<vmem>>, vector<16xi32>,
        %dma_start3A_506 = arith.constant 0 : i32
        %dma_start3A_507 = arith.constant 0 : i32
        %dma_start3A_508 = arith.constant 0 : i32
        %dma_start3A_509 = tpu.memref_slice %arg2[%arg0, %dma_start3A_506, %dma_start3A_507, %dma_start3A_508] : memref<2x10240x2x128xbf16, #tpu.memory_space<hbm>> -> memref<1x10240x2x128xbf16, #tpu.memory_space<hbm>>
        %dma_start3A_510 = tpu.memref_squeeze %dma_start3A_509 : memref<1x10240x2x128xbf16, #tpu.memory_space<hbm>> -> memref<10240x2x128xbf16, #tpu.memory_space<hbm>>
        %dma_start3A_511 = arith.constant 0 : i32
        %dma_start3A_512 = arith.constant 0 : i32
        %dma_start3A_513 = arith.constant 0 : i32
        %dma_start3A_514 = tpu.memref_slice %dma_start3A_510[%dma_start3A_511, %dma_start3A_512, %dma_start3A_513] : memref<10240x2x128xbf16, #tpu.memory_space<hbm>> -> memref<10240x2x128xbf16, #tpu.memory_space<hbm>>
        tpu.enqueue_indirect_dma source(%dma_start3A_514 : memref<10240x2x128xbf16, #tpu.memory_space<hbm>>) target(%arg10 : memref<128x2x128xbf16, #tpu.memory_space<vmem>>) offsets(%arg7 : memref<128xi32, #tpu.memory_space<vmem>>) semaphore(%arg13 : memref<!tpu.dma_semaphore, #tpu.memory_space<semaphore_mem>>)
      } else {
      }
      %add3A_314 = arith.constant 1 : i32
      %add3A_315 = arith.addi %mul3A_215, %add3A_314 : i32
      %get3A_316 = arith.index_cast %add3A_315 : i32 to index
      %get3A_317 = arith.constant 0 : index
      %get3A_318 = tpu.vector_load %arg6[%get3A_316, %get3A_317] {strides = array<i32>} : memref<80x128xi32, #tpu.memory_space<vmem>>, vector<1x16xi32>,
      %get3A_319 = vector.shape_cast %get3A_318 : vector<1x16xi32> to vector<16xi32>
      %shift_right_logical3A_320 = arith.constant 16 : i32
      %shift_right_logical3A_321 = vector.broadcast %shift_right_logical3A_320 : i32 to vector<16xi32>
      %shift_right_logical3A_322 = arith.shrui %get3A_319, %shift_right_logical3A_321 : vector<16xi32>
      %swap3A_323 = arith.constant 0 : index
      %swap3A_324 = tpu.vector_load %arg9[%swap3A_323] {strides = array<i32>} : memref<128xi32, #tpu.memory_space<vmem>>, vector<16xi32>,
      %swap3A_325 = vector.shape_cast %swap3A_324 : vector<16xi32> to vector<16xi32>
      %swap3A_326 = vector.shape_cast %shift_right_logical3A_322 : vector<16xi32> to vector<16xi32>
      tpu.vector_store %arg9[%swap3A_323], %swap3A_326 {strides = array<i32>} : memref<128xi32, #tpu.memory_space<vmem>>, vector<16xi32>,
      %get3A_327 = arith.index_cast %add3A_315 : i32 to index
      %get3A_328 = arith.constant 16 : index
      %get3A_329 = tpu.vector_load %arg6[%get3A_327, %get3A_328] {strides = array<i32>} : memref<80x128xi32, #tpu.memory_space<vmem>>, vector<1x16xi32>,
      %get3A_330 = vector.shape_cast %get3A_329 : vector<1x16xi32> to vector<16xi32>
      %shift_right_logical3A_331 = arith.constant 16 : i32
      %shift_right_logical3A_332 = vector.broadcast %shift_right_logical3A_331 : i32 to vector<16xi32>
      %shift_right_logical3A_333 = arith.shrui %get3A_330, %shift_right_logical3A_332 : vector<16xi32>
      %swap3A_334 = arith.constant 16 : index
      %swap3A_335 = tpu.vector_load %arg9[%swap3A_334] {strides = array<i32>} : memref<128xi32, #tpu.memory_space<vmem>>, vector<16xi32>,
      %swap3A_336 = vector.shape_cast %swap3A_335 : vector<16xi32> to vector<16xi32>
      %swap3A_337 = vector.shape_cast %shift_right_logical3A_333 : vector<16xi32> to vector<16xi32>
      tpu.vector_store %arg9[%swap3A_334], %swap3A_337 {strides = array<i32>} : memref<128xi32, #tpu.memory_space<vmem>>, vector<16xi32>,
      %get3A_338 = arith.index_cast %add3A_315 : i32 to index
      %get3A_339 = arith.constant 32 : index
      %get3A_340 = tpu.vector_load %arg6[%get3A_338, %get3A_339] {strides = array<i32>} : memref<80x128xi32, #tpu.memory_space<vmem>>, vector<1x16xi32>,
      %get3A_341 = vector.shape_cast %get3A_340 : vector<1x16xi32> to vector<16xi32>
      %shift_right_logical3A_342 = arith.constant 16 : i32
      %shift_right_logical3A_343 = vector.broadcast %shift_right_logical3A_342 : i32 to vector<16xi32>
      %shift_right_logical3A_344 = arith.shrui %get3A_341, %shift_right_logical3A_343 : vector<16xi32>
      %swap3A_345 = arith.constant 32 : index
      %swap3A_346 = tpu.vector_load %arg9[%swap3A_345] {strides = array<i32>} : memref<128xi32, #tpu.memory_space<vmem>>, vector<16xi32>,
      %swap3A_347 = vector.shape_cast %swap3A_346 : vector<16xi32> to vector<16xi32>
      %swap3A_348 = vector.shape_cast %shift_right_logical3A_344 : vector<16xi32> to vector<16xi32>
      tpu.vector_store %arg9[%swap3A_345], %swap3A_348 {strides = array<i32>} : memref<128xi32, #tpu.memory_space<vmem>>, vector<16xi32>,
      %get3A_349 = arith.index_cast %add3A_315 : i32 to index
      %get3A_350 = arith.constant 48 : index
      %get3A_351 = tpu.vector_load %arg6[%get3A_349, %get3A_350] {strides = array<i32>} : memref<80x128xi32, #tpu.memory_space<vmem>>, vector<1x16xi32>,
      %get3A_352 = vector.shape_cast %get3A_351 : vector<1x16xi32> to vector<16xi32>
      %shift_right_logical3A_353 = arith.constant 16 : i32
      %shift_right_logical3A_354 = vector.broadcast %shift_right_logical3A_353 : i32 to vector<16xi32>
      %shift_right_logical3A_355 = arith.shrui %get3A_352, %shift_right_logical3A_354 : vector<16xi32>
      %swap3A_356 = arith.constant 48 : index
      %swap3A_357 = tpu.vector_load %arg9[%swap3A_356] {strides = array<i32>} : memref<128xi32, #tpu.memory_space<vmem>>, vector<16xi32>,
      %swap3A_358 = vector.shape_cast %swap3A_357 : vector<16xi32> to vector<16xi32>
      %swap3A_359 = vector.shape_cast %shift_right_logical3A_355 : vector<16xi32> to vector<16xi32>
      tpu.vector_store %arg9[%swap3A_356], %swap3A_359 {strides = array<i32>} : memref<128xi32, #tpu.memory_space<vmem>>, vector<16xi32>,
      %get3A_360 = arith.index_cast %add3A_315 : i32 to index
      %get3A_361 = arith.constant 64 : index
      %get3A_362 = tpu.vector_load %arg6[%get3A_360, %get3A_361] {strides = array<i32>} : memref<80x128xi32, #tpu.memory_space<vmem>>, vector<1x16xi32>,
      %get3A_363 = vector.shape_cast %get3A_362 : vector<1x16xi32> to vector<16xi32>
      %shift_right_logical3A_364 = arith.constant 16 : i32
      %shift_right_logical3A_365 = vector.broadcast %shift_right_logical3A_364 : i32 to vector<16xi32>
      %shift_right_logical3A_366 = arith.shrui %get3A_363, %shift_right_logical3A_365 : vector<16xi32>
      %swap3A_367 = arith.constant 64 : index
      %swap3A_368 = tpu.vector_load %arg9[%swap3A_367] {strides = array<i32>} : memref<128xi32, #tpu.memory_space<vmem>>, vector<16xi32>,
      %swap3A_369 = vector.shape_cast %swap3A_368 : vector<16xi32> to vector<16xi32>
      %swap3A_370 = vector.shape_cast %shift_right_logical3A_366 : vector<16xi32> to vector<16xi32>
      tpu.vector_store %arg9[%swap3A_367], %swap3A_370 {strides = array<i32>} : memref<128xi32, #tpu.memory_space<vmem>>, vector<16xi32>,
      %get3A_371 = arith.index_cast %add3A_315 : i32 to index
      %get3A_372 = arith.constant 80 : index
      %get3A_373 = tpu.vector_load %arg6[%get3A_371, %get3A_372] {strides = array<i32>} : memref<80x128xi32, #tpu.memory_space<vmem>>, vector<1x16xi32>,
      %get3A_374 = vector.shape_cast %get3A_373 : vector<1x16xi32> to vector<16xi32>
      %shift_right_logical3A_375 = arith.constant 16 : i32
      %shift_right_logical3A_376 = vector.broadcast %shift_right_logical3A_375 : i32 to vector<16xi32>
      %shift_right_logical3A_377 = arith.shrui %get3A_374, %shift_right_logical3A_376 : vector<16xi32>
      %swap3A_378 = arith.constant 80 : index
      %swap3A_379 = tpu.vector_load %arg9[%swap3A_378] {strides = array<i32>} : memref<128xi32, #tpu.memory_space<vmem>>, vector<16xi32>,
      %swap3A_380 = vector.shape_cast %swap3A_379 : vector<16xi32> to vector<16xi32>
      %swap3A_381 = vector.shape_cast %shift_right_logical3A_377 : vector<16xi32> to vector<16xi32>
      tpu.vector_store %arg9[%swap3A_378], %swap3A_381 {strides = array<i32>} : memref<128xi32, #tpu.memory_space<vmem>>, vector<16xi32>,
      %get3A_382 = arith.index_cast %add3A_315 : i32 to index
      %get3A_383 = arith.constant 96 : index
      %get3A_384 = tpu.vector_load %arg6[%get3A_382, %get3A_383] {strides = array<i32>} : memref<80x128xi32, #tpu.memory_space<vmem>>, vector<1x16xi32>,
      %get3A_385 = vector.shape_cast %get3A_384 : vector<1x16xi32> to vector<16xi32>
      %shift_right_logical3A_386 = arith.constant 16 : i32
      %shift_right_logical3A_387 = vector.broadcast %shift_right_logical3A_386 : i32 to vector<16xi32>
      %shift_right_logical3A_388 = arith.shrui %get3A_385, %shift_right_logical3A_387 : vector<16xi32>
      %swap3A_389 = arith.constant 96 : index
      %swap3A_390 = tpu.vector_load %arg9[%swap3A_389] {strides = array<i32>} : memref<128xi32, #tpu.memory_space<vmem>>, vector<16xi32>,
      %swap3A_391 = vector.shape_cast %swap3A_390 : vector<16xi32> to vector<16xi32>
      %swap3A_392 = vector.shape_cast %shift_right_logical3A_388 : vector<16xi32> to vector<16xi32>
      tpu.vector_store %arg9[%swap3A_389], %swap3A_392 {strides = array<i32>} : memref<128xi32, #tpu.memory_space<vmem>>, vector<16xi32>,
      %get3A_393 = arith.index_cast %add3A_315 : i32 to index
      %get3A_394 = arith.constant 112 : index
      %get3A_395 = tpu.vector_load %arg6[%get3A_393, %get3A_394] {strides = array<i32>} : memref<80x128xi32, #tpu.memory_space<vmem>>, vector<1x16xi32>,
      %get3A_396 = vector.shape_cast %get3A_395 : vector<1x16xi32> to vector<16xi32>
      %shift_right_logical3A_397 = arith.constant 16 : i32
      %shift_right_logical3A_398 = vector.broadcast %shift_right_logical3A_397 : i32 to vector<16xi32>
      %shift_right_logical3A_399 = arith.shrui %get3A_396, %shift_right_logical3A_398 : vector<16xi32>
      %swap3A_400 = arith.constant 112 : index
      %swap3A_401 = tpu.vector_load %arg9[%swap3A_400] {strides = array<i32>} : memref<128xi32, #tpu.memory_space<vmem>>, vector<16xi32>,
      %swap3A_402 = vector.shape_cast %swap3A_401 : vector<16xi32> to vector<16xi32>
      %swap3A_403 = vector.shape_cast %shift_right_logical3A_399 : vector<16xi32> to vector<16xi32>
      tpu.vector_store %arg9[%swap3A_400], %swap3A_403 {strides = array<i32>} : memref<128xi32, #tpu.memory_space<vmem>>, vector<16xi32>,
      %dma_wait3A_404 = arith.constant 0 : i32
      %dma_wait3A_405 = arith.constant 0 : i32
      %dma_wait3A_406 = arith.constant 0 : i32
      %dma_wait3A_407 = tpu.memref_slice %arg2[%arg0, %dma_wait3A_404, %dma_wait3A_405, %dma_wait3A_406] : memref<2x10240x2x128xbf16, #tpu.memory_space<hbm>> -> memref<1x10240x2x128xbf16, #tpu.memory_space<hbm>>
      %dma_wait3A_408 = tpu.memref_squeeze %dma_wait3A_407 : memref<1x10240x2x128xbf16, #tpu.memory_space<hbm>> -> memref<10240x2x128xbf16, #tpu.memory_space<hbm>>
      %dma_wait3A_409 = arith.constant 0 : i32
      %dma_wait3A_410 = arith.constant 0 : i32
      %dma_wait3A_411 = arith.constant 0 : i32
      %dma_wait3A_412 = tpu.memref_slice %dma_wait3A_408[%dma_wait3A_409, %dma_wait3A_410, %dma_wait3A_411] : memref<10240x2x128xbf16, #tpu.memory_space<hbm>> -> memref<10240x2x128xbf16, #tpu.memory_space<hbm>>
      tpu.wait_indirect_dma semaphore(%arg14 : memref<!tpu.dma_semaphore, #tpu.memory_space<semaphore_mem>>) src(%dma_wait3A_412 : memref<10240x2x128xbf16, #tpu.memory_space<hbm>>) dst(%arg11 : memref<128x2x128xbf16, #tpu.memory_space<vmem>>)
      "tpu.region"() ({
        %run_scoped3A = tpu.sem_alloc : memref<!tpu.dma_semaphore, #tpu.memory_space<semaphore_mem>>
        %dma_start3A_416 = arith.constant 0 : i32
        %dma_start3A_417 = arith.constant 0 : i32
        %dma_start3A_418 = arith.constant 0 : i32
        %dma_start3A_419 = tpu.memref_slice %arg12[%dma_start3A_416, %dma_start3A_417, %dma_start3A_418] : memref<10240x2x128xbf16, #tpu.memory_space<vmem_shared>> -> memref<10240x2x128xbf16, #tpu.memory_space<vmem_shared>>
        tpu.enqueue_indirect_dma source(%arg11 : memref<128x2x128xbf16, #tpu.memory_space<vmem>>) target(%dma_start3A_419 : memref<10240x2x128xbf16, #tpu.memory_space<vmem_shared>>) offsets(%arg9 : memref<128xi32, #tpu.memory_space<vmem>>) semaphore(%run_scoped3A : memref<!tpu.dma_semaphore, #tpu.memory_space<semaphore_mem>>) {add = true}
        %dma_wait3A_420 = arith.constant 0 : i32
        %dma_wait3A_421 = arith.constant 0 : i32
        %dma_wait3A_422 = arith.constant 0 : i32
        %dma_wait3A_423 = tpu.memref_slice %arg12[%dma_wait3A_420, %dma_wait3A_421, %dma_wait3A_422] : memref<10240x2x128xbf16, #tpu.memory_space<vmem_shared>> -> memref<10240x2x128xbf16, #tpu.memory_space<vmem_shared>>
        tpu.wait_indirect_dma semaphore(%run_scoped3A : memref<!tpu.dma_semaphore, #tpu.memory_space<semaphore_mem>>) src(%arg11 : memref<128x2x128xbf16, #tpu.memory_space<vmem>>) dst(%dma_wait3A_423 : memref<10240x2x128xbf16, #tpu.memory_space<vmem_shared>>)
        tpu.yield
      }) : () -> ()
      %convert_element_type3A_413 = arith.extui %lt3A_217 : i1 to i32
      %cond3A_414 = arith.constant 0 : i32
      %cond3A_415 = arith.cmpi ne, %convert_element_type3A_413, %cond3A_414 : i32
      scf.if %cond3A_415 {
        %add3A_416 = arith.constant 3 : i32
        %add3A_417 = arith.addi %mul3A_215, %add3A_416 : i32
        %get3A_418 = arith.index_cast %add3A_417 : i32 to index
        %get3A_419 = arith.constant 0 : index
        %get3A_420 = tpu.vector_load %arg6[%get3A_418, %get3A_419] {strides = array<i32>} : memref<80x128xi32, #tpu.memory_space<vmem>>, vector<1x16xi32>,
        %get3A_421 = vector.shape_cast %get3A_420 : vector<1x16xi32> to vector<16xi32>
        %and3A_422 = arith.constant 65535 : i32
        %and3A_423 = vector.broadcast %and3A_422 : i32 to vector<16xi32>
        %and3A_424 = arith.andi %get3A_421, %and3A_423 : vector<16xi32>
        %swap3A_425 = arith.constant 0 : index
        %swap3A_426 = tpu.vector_load %arg8[%swap3A_425] {strides = array<i32>} : memref<128xi32, #tpu.memory_space<vmem>>, vector<16xi32>,
        %swap3A_427 = vector.shape_cast %swap3A_426 : vector<16xi32> to vector<16xi32>
        %swap3A_428 = vector.shape_cast %and3A_424 : vector<16xi32> to vector<16xi32>
        tpu.vector_store %arg8[%swap3A_425], %swap3A_428 {strides = array<i32>} : memref<128xi32, #tpu.memory_space<vmem>>, vector<16xi32>,
        %get3A_429 = arith.index_cast %add3A_417 : i32 to index
        %get3A_430 = arith.constant 16 : index
        %get3A_431 = tpu.vector_load %arg6[%get3A_429, %get3A_430] {strides = array<i32>} : memref<80x128xi32, #tpu.memory_space<vmem>>, vector<1x16xi32>,
        %get3A_432 = vector.shape_cast %get3A_431 : vector<1x16xi32> to vector<16xi32>
        %and3A_433 = arith.constant 65535 : i32
        %and3A_434 = vector.broadcast %and3A_433 : i32 to vector<16xi32>
        %and3A_435 = arith.andi %get3A_432, %and3A_434 : vector<16xi32>
        %swap3A_436 = arith.constant 16 : index
        %swap3A_437 = tpu.vector_load %arg8[%swap3A_436] {strides = array<i32>} : memref<128xi32, #tpu.memory_space<vmem>>, vector<16xi32>,
        %swap3A_438 = vector.shape_cast %swap3A_437 : vector<16xi32> to vector<16xi32>
        %swap3A_439 = vector.shape_cast %and3A_435 : vector<16xi32> to vector<16xi32>
        tpu.vector_store %arg8[%swap3A_436], %swap3A_439 {strides = array<i32>} : memref<128xi32, #tpu.memory_space<vmem>>, vector<16xi32>,
        %get3A_440 = arith.index_cast %add3A_417 : i32 to index
        %get3A_441 = arith.constant 32 : index
        %get3A_442 = tpu.vector_load %arg6[%get3A_440, %get3A_441] {strides = array<i32>} : memref<80x128xi32, #tpu.memory_space<vmem>>, vector<1x16xi32>,
        %get3A_443 = vector.shape_cast %get3A_442 : vector<1x16xi32> to vector<16xi32>
        %and3A_444 = arith.constant 65535 : i32
        %and3A_445 = vector.broadcast %and3A_444 : i32 to vector<16xi32>
        %and3A_446 = arith.andi %get3A_443, %and3A_445 : vector<16xi32>
        %swap3A_447 = arith.constant 32 : index
        %swap3A_448 = tpu.vector_load %arg8[%swap3A_447] {strides = array<i32>} : memref<128xi32, #tpu.memory_space<vmem>>, vector<16xi32>,
        %swap3A_449 = vector.shape_cast %swap3A_448 : vector<16xi32> to vector<16xi32>
        %swap3A_450 = vector.shape_cast %and3A_446 : vector<16xi32> to vector<16xi32>
        tpu.vector_store %arg8[%swap3A_447], %swap3A_450 {strides = array<i32>} : memref<128xi32, #tpu.memory_space<vmem>>, vector<16xi32>,
        %get3A_451 = arith.index_cast %add3A_417 : i32 to index
        %get3A_452 = arith.constant 48 : index
        %get3A_453 = tpu.vector_load %arg6[%get3A_451, %get3A_452] {strides = array<i32>} : memref<80x128xi32, #tpu.memory_space<vmem>>, vector<1x16xi32>,
        %get3A_454 = vector.shape_cast %get3A_453 : vector<1x16xi32> to vector<16xi32>
        %and3A_455 = arith.constant 65535 : i32
        %and3A_456 = vector.broadcast %and3A_455 : i32 to vector<16xi32>
        %and3A_457 = arith.andi %get3A_454, %and3A_456 : vector<16xi32>
        %swap3A_458 = arith.constant 48 : index
        %swap3A_459 = tpu.vector_load %arg8[%swap3A_458] {strides = array<i32>} : memref<128xi32, #tpu.memory_space<vmem>>, vector<16xi32>,
        %swap3A_460 = vector.shape_cast %swap3A_459 : vector<16xi32> to vector<16xi32>
        %swap3A_461 = vector.shape_cast %and3A_457 : vector<16xi32> to vector<16xi32>
        tpu.vector_store %arg8[%swap3A_458], %swap3A_461 {strides = array<i32>} : memref<128xi32, #tpu.memory_space<vmem>>, vector<16xi32>,
        %get3A_462 = arith.index_cast %add3A_417 : i32 to index
        %get3A_463 = arith.constant 64 : index
        %get3A_464 = tpu.vector_load %arg6[%get3A_462, %get3A_463] {strides = array<i32>} : memref<80x128xi32, #tpu.memory_space<vmem>>, vector<1x16xi32>,
        %get3A_465 = vector.shape_cast %get3A_464 : vector<1x16xi32> to vector<16xi32>
        %and3A_466 = arith.constant 65535 : i32
        %and3A_467 = vector.broadcast %and3A_466 : i32 to vector<16xi32>
        %and3A_468 = arith.andi %get3A_465, %and3A_467 : vector<16xi32>
        %swap3A_469 = arith.constant 64 : index
        %swap3A_470 = tpu.vector_load %arg8[%swap3A_469] {strides = array<i32>} : memref<128xi32, #tpu.memory_space<vmem>>, vector<16xi32>,
        %swap3A_471 = vector.shape_cast %swap3A_470 : vector<16xi32> to vector<16xi32>
        %swap3A_472 = vector.shape_cast %and3A_468 : vector<16xi32> to vector<16xi32>
        tpu.vector_store %arg8[%swap3A_469], %swap3A_472 {strides = array<i32>} : memref<128xi32, #tpu.memory_space<vmem>>, vector<16xi32>,
        %get3A_473 = arith.index_cast %add3A_417 : i32 to index
        %get3A_474 = arith.constant 80 : index
        %get3A_475 = tpu.vector_load %arg6[%get3A_473, %get3A_474] {strides = array<i32>} : memref<80x128xi32, #tpu.memory_space<vmem>>, vector<1x16xi32>,
        %get3A_476 = vector.shape_cast %get3A_475 : vector<1x16xi32> to vector<16xi32>
        %and3A_477 = arith.constant 65535 : i32
        %and3A_478 = vector.broadcast %and3A_477 : i32 to vector<16xi32>
        %and3A_479 = arith.andi %get3A_476, %and3A_478 : vector<16xi32>
        %swap3A_480 = arith.constant 80 : index
        %swap3A_481 = tpu.vector_load %arg8[%swap3A_480] {strides = array<i32>} : memref<128xi32, #tpu.memory_space<vmem>>, vector<16xi32>,
        %swap3A_482 = vector.shape_cast %swap3A_481 : vector<16xi32> to vector<16xi32>
        %swap3A_483 = vector.shape_cast %and3A_479 : vector<16xi32> to vector<16xi32>
        tpu.vector_store %arg8[%swap3A_480], %swap3A_483 {strides = array<i32>} : memref<128xi32, #tpu.memory_space<vmem>>, vector<16xi32>,
        %get3A_484 = arith.index_cast %add3A_417 : i32 to index
        %get3A_485 = arith.constant 96 : index
        %get3A_486 = tpu.vector_load %arg6[%get3A_484, %get3A_485] {strides = array<i32>} : memref<80x128xi32, #tpu.memory_space<vmem>>, vector<1x16xi32>,
        %get3A_487 = vector.shape_cast %get3A_486 : vector<1x16xi32> to vector<16xi32>
        %and3A_488 = arith.constant 65535 : i32
        %and3A_489 = vector.broadcast %and3A_488 : i32 to vector<16xi32>
        %and3A_490 = arith.andi %get3A_487, %and3A_489 : vector<16xi32>
        %swap3A_491 = arith.constant 96 : index
        %swap3A_492 = tpu.vector_load %arg8[%swap3A_491] {strides = array<i32>} : memref<128xi32, #tpu.memory_space<vmem>>, vector<16xi32>,
        %swap3A_493 = vector.shape_cast %swap3A_492 : vector<16xi32> to vector<16xi32>
        %swap3A_494 = vector.shape_cast %and3A_490 : vector<16xi32> to vector<16xi32>
        tpu.vector_store %arg8[%swap3A_491], %swap3A_494 {strides = array<i32>} : memref<128xi32, #tpu.memory_space<vmem>>, vector<16xi32>,
        %get3A_495 = arith.index_cast %add3A_417 : i32 to index
        %get3A_496 = arith.constant 112 : index
        %get3A_497 = tpu.vector_load %arg6[%get3A_495, %get3A_496] {strides = array<i32>} : memref<80x128xi32, #tpu.memory_space<vmem>>, vector<1x16xi32>,
        %get3A_498 = vector.shape_cast %get3A_497 : vector<1x16xi32> to vector<16xi32>
        %and3A_499 = arith.constant 65535 : i32
        %and3A_500 = vector.broadcast %and3A_499 : i32 to vector<16xi32>
        %and3A_501 = arith.andi %get3A_498, %and3A_500 : vector<16xi32>
        %swap3A_502 = arith.constant 112 : index
        %swap3A_503 = tpu.vector_load %arg8[%swap3A_502] {strides = array<i32>} : memref<128xi32, #tpu.memory_space<vmem>>, vector<16xi32>,
        %swap3A_504 = vector.shape_cast %swap3A_503 : vector<16xi32> to vector<16xi32>
        %swap3A_505 = vector.shape_cast %and3A_501 : vector<16xi32> to vector<16xi32>
        tpu.vector_store %arg8[%swap3A_502], %swap3A_505 {strides = array<i32>} : memref<128xi32, #tpu.memory_space<vmem>>, vector<16xi32>,
        %dma_start3A_506 = arith.constant 0 : i32
        %dma_start3A_507 = arith.constant 0 : i32
        %dma_start3A_508 = arith.constant 0 : i32
        %dma_start3A_509 = tpu.memref_slice %arg2[%arg0, %dma_start3A_506, %dma_start3A_507, %dma_start3A_508] : memref<2x10240x2x128xbf16, #tpu.memory_space<hbm>> -> memref<1x10240x2x128xbf16, #tpu.memory_space<hbm>>
        %dma_start3A_510 = tpu.memref_squeeze %dma_start3A_509 : memref<1x10240x2x128xbf16, #tpu.memory_space<hbm>> -> memref<10240x2x128xbf16, #tpu.memory_space<hbm>>
        %dma_start3A_511 = arith.constant 0 : i32
        %dma_start3A_512 = arith.constant 0 : i32
        %dma_start3A_513 = arith.constant 0 : i32
        %dma_start3A_514 = tpu.memref_slice %dma_start3A_510[%dma_start3A_511, %dma_start3A_512, %dma_start3A_513] : memref<10240x2x128xbf16, #tpu.memory_space<hbm>> -> memref<10240x2x128xbf16, #tpu.memory_space<hbm>>
        tpu.enqueue_indirect_dma source(%dma_start3A_514 : memref<10240x2x128xbf16, #tpu.memory_space<hbm>>) target(%arg11 : memref<128x2x128xbf16, #tpu.memory_space<vmem>>) offsets(%arg8 : memref<128xi32, #tpu.memory_space<vmem>>) semaphore(%arg14 : memref<!tpu.dma_semaphore, #tpu.memory_space<semaphore_mem>>)
      } else {
      }
    }
    %scan3A_211 = arith.constant 40 : i32
    %barrier3A_212 = arith.constant 0 : index
    tpu.barrier barrier_id(%barrier3A_212)
    "tpu.region"() ({
      %run_scoped3A = tpu.sem_alloc : memref<!tpu.dma_semaphore, #tpu.memory_space<semaphore_mem>>
      %dma_start3A_213 = arith.constant 0 : i32
      %dma_start3A_214 = arith.constant 0 : i32
      %dma_start3A_215 = tpu.memref_slice %arg5[%arg0, %mul3A_0, %dma_start3A_213, %dma_start3A_214] : memref<2x10240x2x128xbf16, #tpu.memory_space<hbm>> -> memref<1x640x2x128xbf16, #tpu.memory_space<hbm>>
      %dma_start3A_216 = tpu.memref_squeeze %dma_start3A_215 : memref<1x640x2x128xbf16, #tpu.memory_space<hbm>> -> memref<640x2x128xbf16, #tpu.memory_space<hbm>>
      %dma_start3A_217 = arith.constant 0 : i32
      %dma_start3A_218 = arith.constant 0 : i32
      %dma_start3A_219 = tpu.memref_slice %arg12[%mul3A_0, %dma_start3A_217, %dma_start3A_218] : memref<10240x2x128xbf16, #tpu.memory_space<vmem_shared>> -> memref<640x2x128xbf16, #tpu.memory_space<vmem_shared>>
      tpu.enqueue_dma source(%dma_start3A_219 : memref<640x2x128xbf16, #tpu.memory_space<vmem_shared>>) target(%dma_start3A_216 : memref<640x2x128xbf16, #tpu.memory_space<hbm>>) target_semaphore(%run_scoped3A : memref<!tpu.dma_semaphore, #tpu.memory_space<semaphore_mem>>)
      %dma_wait3A = arith.constant 0 : i32
      %dma_wait3A_220 = arith.constant 0 : i32
      %dma_wait3A_221 = tpu.memref_slice %arg5[%arg0, %mul3A_0, %dma_wait3A, %dma_wait3A_220] : memref<2x10240x2x128xbf16, #tpu.memory_space<hbm>> -> memref<1x640x2x128xbf16, #tpu.memory_space<hbm>>
      %dma_wait3A_222 = tpu.memref_squeeze %dma_wait3A_221 : memref<1x640x2x128xbf16, #tpu.memory_space<hbm>> -> memref<640x2x128xbf16, #tpu.memory_space<hbm>>
      %dma_wait3A_223 = arith.constant 0 : i32
      %dma_wait3A_224 = arith.constant 0 : i32
      %dma_wait3A_225 = tpu.memref_slice %arg12[%mul3A_0, %dma_wait3A_223, %dma_wait3A_224] : memref<10240x2x128xbf16, #tpu.memory_space<vmem_shared>> -> memref<640x2x128xbf16, #tpu.memory_space<vmem_shared>>
      tpu.wait_dma2 semaphore(%run_scoped3A : memref<!tpu.dma_semaphore, #tpu.memory_space<semaphore_mem>>) src(%dma_wait3A_225 : memref<640x2x128xbf16, #tpu.memory_space<vmem_shared>>) dst(%dma_wait3A_222 : memref<640x2x128xbf16, #tpu.memory_space<hbm>>)
      tpu.yield
    }) : () -> ()
    return
  }
}

module attributes {stable_mosaic.version = 14 : i64} {
  func.func @body(%arg0: i32, %arg1: memref<2x256x2x128xbf16, #tpu.memory_space<vmem>>, %arg2: memref<2x256x128xf32, #tpu.memory_space<vmem>>, %arg3: memref<256x256xf32, #tpu.memory_space<vmem>>, %arg4: memref<256x512xf32, #tpu.memory_space<vmem>>, %arg5: memref<1x512xf32, #tpu.memory_space<vmem>>, %arg6: memref<256x512xf32, #tpu.memory_space<vmem>>, %arg7: memref<1x512xf32, #tpu.memory_space<vmem>>, %arg8: memref<256x512xf32, #tpu.memory_space<vmem>>, %arg9: memref<2x256x2x128xbf16, #tpu.memory_space<vmem>>) attributes {dimension_semantics = [#tpu.dimension_semantics<arbitrary>], iteration_bounds = array<i64: 40>, scalar_prefetch = 0 : i64, scratch_operands = 0 : i64, tpu.core_type = #tpu.core_type<tc>, window_params = [{transform_indices = @transform_0, window_bounds = array<i64: 2, 256, 2, 128>}, {transform_indices = @transform_1, window_bounds = array<i64: 2, 256, 128>}, {transform_indices = @transform_2, window_bounds = array<i64: 256, 256>}, {pipeline_mode = #tpu.pipeline_mode<synchronous>, transform_indices = @transform_3, window_bounds = array<i64: 256, 512>}, {pipeline_mode = #tpu.pipeline_mode<synchronous>, transform_indices = @transform_4, window_bounds = array<i64: 1, 512>}, {pipeline_mode = #tpu.pipeline_mode<synchronous>, transform_indices = @transform_5, window_bounds = array<i64: 256, 512>}, {pipeline_mode = #tpu.pipeline_mode<synchronous>, transform_indices = @transform_6, window_bounds = array<i64: 1, 512>}, {transform_indices = @transform_7, window_bounds = array<i64: 256, 512>}, {transform_indices = @transform_8, window_bounds = array<i64: 2, 256, 2, 128>}]} {
    %get3A = arith.constant 0 : index
    %get3A_0 = arith.constant 0 : index
    %get3A_1 = arith.constant 0 : index
    %get3A_2 = arith.constant 0 : index
    %get3A_3 = vector.load %arg1[%get3A, %get3A_0, %get3A_1, %get3A_2] : memref<2x256x2x128xbf16, #tpu.memory_space<vmem>>, vector<1x256x2x128xbf16>
    %get3A_4 = vector.shape_cast %get3A_3 : vector<1x256x2x128xbf16> to vector<256x2x128xbf16>
    %convert_element_type3A = arith.extf %get3A_4 : vector<256x2x128xbf16> to vector<256x2x128xf32>
    %get3A_5 = arith.constant 1 : index
    %get3A_6 = arith.constant 0 : index
    %get3A_7 = arith.constant 0 : index
    %get3A_8 = arith.constant 0 : index
    %get3A_9 = vector.load %arg1[%get3A_5, %get3A_6, %get3A_7, %get3A_8] : memref<2x256x2x128xbf16, #tpu.memory_space<vmem>>, vector<1x256x2x128xbf16>
    %get3A_10 = vector.shape_cast %get3A_9 : vector<1x256x2x128xbf16> to vector<256x2x128xbf16>
    %convert_element_type3A_11 = arith.extf %get3A_10 : vector<256x2x128xbf16> to vector<256x2x128xf32>
    %add3A = arith.addf %convert_element_type3A, %convert_element_type3A_11 : vector<256x2x128xf32>
    %reshape3A = vector.shape_cast %add3A : vector<256x2x128xf32> to vector<256x256xf32>
    %get3A_12 = arith.constant 0 : index
    %get3A_13 = arith.constant 0 : index
    %get3A_14 = arith.constant 0 : index
    %get3A_15 = vector.load %arg2[%get3A_12, %get3A_13, %get3A_14] : memref<2x256x128xf32, #tpu.memory_space<vmem>>, vector<1x256x1xf32>
    %get3A_16 = vector.shape_cast %get3A_15 : vector<1x256x1xf32> to vector<256x1xf32>
    %get3A_17 = arith.constant 1 : index
    %get3A_18 = arith.constant 0 : index
    %get3A_19 = arith.constant 0 : index
    %get3A_20 = vector.load %arg2[%get3A_17, %get3A_18, %get3A_19] : memref<2x256x128xf32, #tpu.memory_space<vmem>>, vector<1x256x1xf32>
    %get3A_21 = vector.shape_cast %get3A_20 : vector<1x256x1xf32> to vector<256x1xf32>
    %add3A_22 = arith.addf %get3A_16, %get3A_21 : vector<256x1xf32>
    %max3A = arith.constant 1.000000e+00 : f32
    %max3A_23 = vector.broadcast %max3A : f32 to vector<256x1xf32>
    %max3A_24 = arith.maximumf %add3A_22, %max3A_23 : vector<256x1xf32>
    %div3A = arith.constant 1.000000e+00 : f32
    %div3A_25 = vector.broadcast %div3A : f32 to vector<256x1xf32>
    %div3A_26 = arith.divf %div3A_25, %max3A_24 : vector<256x1xf32>
    %mul3A = vector.broadcast %div3A_26 : vector<256x1xf32> to vector<256x256xf32>
    %mul3A_27 = arith.mulf %reshape3A, %mul3A : vector<256x256xf32>
    %get3A_28 = arith.constant 0 : index
    %get3A_29 = arith.constant 0 : index
    %get3A_30 = vector.load %arg4[%get3A_28, %get3A_29] : memref<256x512xf32, #tpu.memory_space<vmem>>, vector<256x512xf32>
    %dot_general3A = arith.constant dense<0.000000e+00> : vector<256x512xf32>
    %dot_general3A_31 = tpu.matmul %mul3A_27, %get3A_30, %dot_general3A {dimension_numbers = #tpu.dot_dimension_numbers<[1], [0], [0], [1], [0, 0, 1, 1], [], []>, transpose_lhs_hint = false} : vector<256x256xf32>, vector<256x512xf32>, vector<256x512xf32> -> vector<256x512xf32>
    %get3A_32 = arith.constant 0 : index
    %get3A_33 = arith.constant 0 : index
    %get3A_34 = vector.load %arg5[%get3A_32, %get3A_33] : memref<1x512xf32, #tpu.memory_space<vmem>>, vector<1x512xf32>
    %add3A_35 = vector.broadcast %get3A_34 : vector<1x512xf32> to vector<256x512xf32>
    %add3A_36 = arith.addf %dot_general3A_31, %add3A_35 : vector<256x512xf32>
    %get3A_37 = arith.constant 0 : index
    %get3A_38 = arith.constant 0 : index
    %get3A_39 = vector.load %arg3[%get3A_37, %get3A_38] : memref<256x256xf32, #tpu.memory_space<vmem>>, vector<256x256xf32>
    %get3A_40 = arith.constant 0 : index
    %get3A_41 = arith.constant 0 : index
    %get3A_42 = vector.load %arg6[%get3A_40, %get3A_41] : memref<256x512xf32, #tpu.memory_space<vmem>>, vector<256x512xf32>
    %dot_general3A_43 = arith.constant dense<0.000000e+00> : vector<256x512xf32>
    %dot_general3A_44 = tpu.matmul %get3A_39, %get3A_42, %dot_general3A_43 {dimension_numbers = #tpu.dot_dimension_numbers<[1], [0], [0], [1], [0, 0, 1, 1], [], []>, transpose_lhs_hint = false} : vector<256x256xf32>, vector<256x512xf32>, vector<256x512xf32> -> vector<256x512xf32>
    %add3A_45 = arith.addf %add3A_36, %dot_general3A_44 : vector<256x512xf32>
    %get3A_46 = arith.constant 0 : index
    %get3A_47 = arith.constant 0 : index
    %get3A_48 = vector.load %arg7[%get3A_46, %get3A_47] : memref<1x512xf32, #tpu.memory_space<vmem>>, vector<1x512xf32>
    %ge3A = arith.constant 0.000000e+00 : f32
    %ge3A_49 = vector.broadcast %ge3A : f32 to vector<256x512xf32>
    %ge3A_50 = arith.cmpf oge, %add3A_45, %ge3A_49 : vector<256x512xf32>
    %mul3A_51 = vector.broadcast %get3A_48 : vector<1x512xf32> to vector<256x512xf32>
    %mul3A_52 = arith.mulf %mul3A_51, %add3A_45 : vector<256x512xf32>
    %select_n3A = arith.select %ge3A_50, %add3A_45, %mul3A_52 : vector<256x512xi1>, vector<256x512xf32>
    %swap3A = arith.constant 0 : index
    %swap3A_53 = arith.constant 0 : index
    %swap3A_54 = vector.load %arg8[%swap3A, %swap3A_53] : memref<256x512xf32, #tpu.memory_space<vmem>>, vector<256x512xf32>
    tpu.vector_store %arg8[%swap3A, %swap3A_53], %select_n3A {strides = array<i32>} : memref<256x512xf32, #tpu.memory_space<vmem>>, vector<256x512xf32>,
    %slice3A = vector.extract_strided_slice %select_n3A {offsets = [0, 0], sizes = [256, 256], strides = [1, 1]} : vector<256x512xf32> to vector<256x256xf32>
    %reshape3A_55 = vector.shape_cast %slice3A : vector<256x256xf32> to vector<256x2x128xf32>
    %convert_element_type3A_56 = arith.truncf %reshape3A_55 : vector<256x2x128xf32> to vector<256x2x128xbf16>
    %swap3A_57 = arith.constant 0 : index
    %swap3A_58 = arith.constant 0 : index
    %swap3A_59 = arith.constant 0 : index
    %swap3A_60 = arith.constant 0 : index
    %swap3A_61 = vector.load %arg9[%swap3A_57, %swap3A_58, %swap3A_59, %swap3A_60] : memref<2x256x2x128xbf16, #tpu.memory_space<vmem>>, vector<1x256x2x128xbf16>
    %swap3A_62 = vector.shape_cast %swap3A_61 : vector<1x256x2x128xbf16> to vector<256x2x128xbf16>
    %swap3A_63 = vector.shape_cast %convert_element_type3A_56 : vector<256x2x128xbf16> to vector<1x256x2x128xbf16>
    tpu.vector_store %arg9[%swap3A_57, %swap3A_58, %swap3A_59, %swap3A_60], %swap3A_63 {strides = array<i32>} : memref<2x256x2x128xbf16, #tpu.memory_space<vmem>>, vector<1x256x2x128xbf16>,
    %slice3A_64 = vector.extract_strided_slice %select_n3A {offsets = [0, 256], sizes = [256, 256], strides = [1, 1]} : vector<256x512xf32> to vector<256x256xf32>
    %reshape3A_65 = vector.shape_cast %slice3A_64 : vector<256x256xf32> to vector<256x2x128xf32>
    %convert_element_type3A_66 = arith.truncf %reshape3A_65 : vector<256x2x128xf32> to vector<256x2x128xbf16>
    %swap3A_67 = arith.constant 1 : index
    %swap3A_68 = arith.constant 0 : index
    %swap3A_69 = arith.constant 0 : index
    %swap3A_70 = arith.constant 0 : index
    %swap3A_71 = vector.load %arg9[%swap3A_67, %swap3A_68, %swap3A_69, %swap3A_70] : memref<2x256x2x128xbf16, #tpu.memory_space<vmem>>, vector<1x256x2x128xbf16>
    %swap3A_72 = vector.shape_cast %swap3A_71 : vector<1x256x2x128xbf16> to vector<256x2x128xbf16>
    %swap3A_73 = vector.shape_cast %convert_element_type3A_66 : vector<256x2x128xbf16> to vector<1x256x2x128xbf16>
    tpu.vector_store %arg9[%swap3A_67, %swap3A_68, %swap3A_69, %swap3A_70], %swap3A_73 {strides = array<i32>} : memref<2x256x2x128xbf16, #tpu.memory_space<vmem>>, vector<1x256x2x128xbf16>,
    return
  }
  func.func @transform_0(%arg0: i32) -> (i32, i32, i32, i32) {
    %c0_i32 = arith.constant 0 : i32
    %c0_i32_0 = arith.constant 0 : i32
    %c0_i32_1 = arith.constant 0 : i32
    %c0_i32_2 = arith.constant 0 : i32
    return %c0_i32, %arg0, %c0_i32_0, %c0_i32_1 : i32, i32, i32, i32
  }
  func.func @transform_1(%arg0: i32) -> (i32, i32, i32) {
    %c0_i32 = arith.constant 0 : i32
    %c0_i32_0 = arith.constant 0 : i32
    %c0_i32_1 = arith.constant 0 : i32
    return %c0_i32, %arg0, %c0_i32_0 : i32, i32, i32
  }
  func.func @transform_2(%arg0: i32) -> (i32, i32) {
    %c0_i32 = arith.constant 0 : i32
    %c0_i32_0 = arith.constant 0 : i32
    return %arg0, %c0_i32 : i32, i32
  }
  func.func @transform_3(%arg0: i32) -> (i32, i32) {
    %c0_i32 = arith.constant 0 : i32
    %c0_i32_0 = arith.constant 0 : i32
    %c0_i32_1 = arith.constant 0 : i32
    return %c0_i32, %c0_i32_0 : i32, i32
  }
  func.func @transform_4(%arg0: i32) -> (i32, i32) {
    %c0_i32 = arith.constant 0 : i32
    %c0_i32_0 = arith.constant 0 : i32
    %c0_i32_1 = arith.constant 0 : i32
    return %c0_i32, %c0_i32_0 : i32, i32
  }
  func.func @transform_5(%arg0: i32) -> (i32, i32) {
    %c0_i32 = arith.constant 0 : i32
    %c0_i32_0 = arith.constant 0 : i32
    %c0_i32_1 = arith.constant 0 : i32
    return %c0_i32, %c0_i32_0 : i32, i32
  }
  func.func @transform_6(%arg0: i32) -> (i32, i32) {
    %c0_i32 = arith.constant 0 : i32
    %c0_i32_0 = arith.constant 0 : i32
    %c0_i32_1 = arith.constant 0 : i32
    return %c0_i32, %c0_i32_0 : i32, i32
  }
  func.func @transform_7(%arg0: i32) -> (i32, i32) {
    %c0_i32 = arith.constant 0 : i32
    %c0_i32_0 = arith.constant 0 : i32
    return %arg0, %c0_i32 : i32, i32
  }
  func.func @transform_8(%arg0: i32) -> (i32, i32, i32, i32) {
    %c0_i32 = arith.constant 0 : i32
    %c0_i32_0 = arith.constant 0 : i32
    %c0_i32_1 = arith.constant 0 : i32
    %c0_i32_2 = arith.constant 0 : i32
    return %c0_i32, %arg0, %c0_i32_0, %c0_i32_1 : i32, i32, i32, i32
  }
}

module attributes {stable_mosaic.version = 14 : i64} {
  func.func @body(%arg0: i32, %arg1: memref<2x256x2x128xbf16, #tpu.memory_space<vmem>>, %arg2: memref<2x256x128xf32, #tpu.memory_space<vmem>>, %arg3: memref<256x512xf32, #tpu.memory_space<vmem>>, %arg4: memref<512x512xf32, #tpu.memory_space<vmem>>, %arg5: memref<1x512xf32, #tpu.memory_space<vmem>>, %arg6: memref<512x512xf32, #tpu.memory_space<vmem>>, %arg7: memref<1x512xf32, #tpu.memory_space<vmem>>, %arg8: memref<256x512xf32, #tpu.memory_space<vmem>>, %arg9: memref<2x256x2x128xbf16, #tpu.memory_space<vmem>>) attributes {dimension_semantics = [#tpu.dimension_semantics<arbitrary>], iteration_bounds = array<i64: 40>, scalar_prefetch = 0 : i64, scratch_operands = 0 : i64, tpu.core_type = #tpu.core_type<tc>, window_params = [{transform_indices = @transform_0, window_bounds = array<i64: 2, 256, 2, 128>}, {transform_indices = @transform_1, window_bounds = array<i64: 2, 256, 128>}, {transform_indices = @transform_2, window_bounds = array<i64: 256, 512>}, {pipeline_mode = #tpu.pipeline_mode<synchronous>, transform_indices = @transform_3, window_bounds = array<i64: 512, 512>}, {pipeline_mode = #tpu.pipeline_mode<synchronous>, transform_indices = @transform_4, window_bounds = array<i64: 1, 512>}, {pipeline_mode = #tpu.pipeline_mode<synchronous>, transform_indices = @transform_5, window_bounds = array<i64: 512, 512>}, {pipeline_mode = #tpu.pipeline_mode<synchronous>, transform_indices = @transform_6, window_bounds = array<i64: 1, 512>}, {transform_indices = @transform_7, window_bounds = array<i64: 256, 512>}, {transform_indices = @transform_8, window_bounds = array<i64: 2, 256, 2, 128>}]} {
    %get3A = arith.constant 0 : index
    %get3A_0 = arith.constant 0 : index
    %get3A_1 = arith.constant 0 : index
    %get3A_2 = arith.constant 0 : index
    %get3A_3 = vector.load %arg1[%get3A, %get3A_0, %get3A_1, %get3A_2] : memref<2x256x2x128xbf16, #tpu.memory_space<vmem>>, vector<1x256x2x128xbf16>
    %get3A_4 = vector.shape_cast %get3A_3 : vector<1x256x2x128xbf16> to vector<256x2x128xbf16>
    %reshape3A = vector.shape_cast %get3A_4 : vector<256x2x128xbf16> to vector<256x256xbf16>
    %get3A_5 = arith.constant 1 : index
    %get3A_6 = arith.constant 0 : index
    %get3A_7 = arith.constant 0 : index
    %get3A_8 = arith.constant 0 : index
    %get3A_9 = vector.load %arg1[%get3A_5, %get3A_6, %get3A_7, %get3A_8] : memref<2x256x2x128xbf16, #tpu.memory_space<vmem>>, vector<1x256x2x128xbf16>
    %get3A_10 = vector.shape_cast %get3A_9 : vector<1x256x2x128xbf16> to vector<256x2x128xbf16>
    %reshape3A_11 = vector.shape_cast %get3A_10 : vector<256x2x128xbf16> to vector<256x256xbf16>
    %concatenate3A = tpu.concatenate %reshape3A, %reshape3A_11 in 1 : vector<256x256xbf16>, vector<256x256xbf16> -> vector<256x512xbf16>
    %convert_element_type3A = arith.extf %concatenate3A : vector<256x512xbf16> to vector<256x512xf32>
    %get3A_12 = arith.constant 0 : index
    %get3A_13 = arith.constant 0 : index
    %get3A_14 = arith.constant 0 : index
    %get3A_15 = vector.load %arg2[%get3A_12, %get3A_13, %get3A_14] : memref<2x256x128xf32, #tpu.memory_space<vmem>>, vector<1x256x1xf32>
    %get3A_16 = vector.shape_cast %get3A_15 : vector<1x256x1xf32> to vector<256x1xf32>
    %get3A_17 = arith.constant 1 : index
    %get3A_18 = arith.constant 0 : index
    %get3A_19 = arith.constant 0 : index
    %get3A_20 = vector.load %arg2[%get3A_17, %get3A_18, %get3A_19] : memref<2x256x128xf32, #tpu.memory_space<vmem>>, vector<1x256x1xf32>
    %get3A_21 = vector.shape_cast %get3A_20 : vector<1x256x1xf32> to vector<256x1xf32>
    %add3A = arith.addf %get3A_16, %get3A_21 : vector<256x1xf32>
    %max3A = arith.constant 1.000000e+00 : f32
    %max3A_22 = vector.broadcast %max3A : f32 to vector<256x1xf32>
    %max3A_23 = arith.maximumf %add3A, %max3A_22 : vector<256x1xf32>
    %div3A = arith.constant 1.000000e+00 : f32
    %div3A_24 = vector.broadcast %div3A : f32 to vector<256x1xf32>
    %div3A_25 = arith.divf %div3A_24, %max3A_23 : vector<256x1xf32>
    %mul3A = vector.broadcast %div3A_25 : vector<256x1xf32> to vector<256x512xf32>
    %mul3A_26 = arith.mulf %convert_element_type3A, %mul3A : vector<256x512xf32>
    %get3A_27 = arith.constant 0 : index
    %get3A_28 = arith.constant 0 : index
    %get3A_29 = vector.load %arg4[%get3A_27, %get3A_28] : memref<512x512xf32, #tpu.memory_space<vmem>>, vector<512x512xf32>
    %dot_general3A = arith.constant dense<0.000000e+00> : vector<256x512xf32>
    %dot_general3A_30 = tpu.matmul %mul3A_26, %get3A_29, %dot_general3A {dimension_numbers = #tpu.dot_dimension_numbers<[1], [0], [0], [1], [0, 0, 1, 1], [], []>, transpose_lhs_hint = false} : vector<256x512xf32>, vector<512x512xf32>, vector<256x512xf32> -> vector<256x512xf32>
    %get3A_31 = arith.constant 0 : index
    %get3A_32 = arith.constant 0 : index
    %get3A_33 = vector.load %arg5[%get3A_31, %get3A_32] : memref<1x512xf32, #tpu.memory_space<vmem>>, vector<1x512xf32>
    %add3A_34 = vector.broadcast %get3A_33 : vector<1x512xf32> to vector<256x512xf32>
    %add3A_35 = arith.addf %dot_general3A_30, %add3A_34 : vector<256x512xf32>
    %get3A_36 = arith.constant 0 : index
    %get3A_37 = arith.constant 0 : index
    %get3A_38 = vector.load %arg3[%get3A_36, %get3A_37] : memref<256x512xf32, #tpu.memory_space<vmem>>, vector<256x512xf32>
    %get3A_39 = arith.constant 0 : index
    %get3A_40 = arith.constant 0 : index
    %get3A_41 = vector.load %arg6[%get3A_39, %get3A_40] : memref<512x512xf32, #tpu.memory_space<vmem>>, vector<512x512xf32>
    %dot_general3A_42 = arith.constant dense<0.000000e+00> : vector<256x512xf32>
    %dot_general3A_43 = tpu.matmul %get3A_38, %get3A_41, %dot_general3A_42 {dimension_numbers = #tpu.dot_dimension_numbers<[1], [0], [0], [1], [0, 0, 1, 1], [], []>, transpose_lhs_hint = false} : vector<256x512xf32>, vector<512x512xf32>, vector<256x512xf32> -> vector<256x512xf32>
    %add3A_44 = arith.addf %add3A_35, %dot_general3A_43 : vector<256x512xf32>
    %get3A_45 = arith.constant 0 : index
    %get3A_46 = arith.constant 0 : index
    %get3A_47 = vector.load %arg7[%get3A_45, %get3A_46] : memref<1x512xf32, #tpu.memory_space<vmem>>, vector<1x512xf32>
    %ge3A = arith.constant 0.000000e+00 : f32
    %ge3A_48 = vector.broadcast %ge3A : f32 to vector<256x512xf32>
    %ge3A_49 = arith.cmpf oge, %add3A_44, %ge3A_48 : vector<256x512xf32>
    %mul3A_50 = vector.broadcast %get3A_47 : vector<1x512xf32> to vector<256x512xf32>
    %mul3A_51 = arith.mulf %mul3A_50, %add3A_44 : vector<256x512xf32>
    %select_n3A = arith.select %ge3A_49, %add3A_44, %mul3A_51 : vector<256x512xi1>, vector<256x512xf32>
    %swap3A = arith.constant 0 : index
    %swap3A_52 = arith.constant 0 : index
    %swap3A_53 = vector.load %arg8[%swap3A, %swap3A_52] : memref<256x512xf32, #tpu.memory_space<vmem>>, vector<256x512xf32>
    tpu.vector_store %arg8[%swap3A, %swap3A_52], %select_n3A {strides = array<i32>} : memref<256x512xf32, #tpu.memory_space<vmem>>, vector<256x512xf32>,
    %slice3A = vector.extract_strided_slice %select_n3A {offsets = [0, 0], sizes = [256, 256], strides = [1, 1]} : vector<256x512xf32> to vector<256x256xf32>
    %reshape3A_54 = vector.shape_cast %slice3A : vector<256x256xf32> to vector<256x2x128xf32>
    %convert_element_type3A_55 = arith.truncf %reshape3A_54 : vector<256x2x128xf32> to vector<256x2x128xbf16>
    %swap3A_56 = arith.constant 0 : index
    %swap3A_57 = arith.constant 0 : index
    %swap3A_58 = arith.constant 0 : index
    %swap3A_59 = arith.constant 0 : index
    %swap3A_60 = vector.load %arg9[%swap3A_56, %swap3A_57, %swap3A_58, %swap3A_59] : memref<2x256x2x128xbf16, #tpu.memory_space<vmem>>, vector<1x256x2x128xbf16>
    %swap3A_61 = vector.shape_cast %swap3A_60 : vector<1x256x2x128xbf16> to vector<256x2x128xbf16>
    %swap3A_62 = vector.shape_cast %convert_element_type3A_55 : vector<256x2x128xbf16> to vector<1x256x2x128xbf16>
    tpu.vector_store %arg9[%swap3A_56, %swap3A_57, %swap3A_58, %swap3A_59], %swap3A_62 {strides = array<i32>} : memref<2x256x2x128xbf16, #tpu.memory_space<vmem>>, vector<1x256x2x128xbf16>,
    %slice3A_63 = vector.extract_strided_slice %select_n3A {offsets = [0, 256], sizes = [256, 256], strides = [1, 1]} : vector<256x512xf32> to vector<256x256xf32>
    %reshape3A_64 = vector.shape_cast %slice3A_63 : vector<256x256xf32> to vector<256x2x128xf32>
    %convert_element_type3A_65 = arith.truncf %reshape3A_64 : vector<256x2x128xf32> to vector<256x2x128xbf16>
    %swap3A_66 = arith.constant 1 : index
    %swap3A_67 = arith.constant 0 : index
    %swap3A_68 = arith.constant 0 : index
    %swap3A_69 = arith.constant 0 : index
    %swap3A_70 = vector.load %arg9[%swap3A_66, %swap3A_67, %swap3A_68, %swap3A_69] : memref<2x256x2x128xbf16, #tpu.memory_space<vmem>>, vector<1x256x2x128xbf16>
    %swap3A_71 = vector.shape_cast %swap3A_70 : vector<1x256x2x128xbf16> to vector<256x2x128xbf16>
    %swap3A_72 = vector.shape_cast %convert_element_type3A_65 : vector<256x2x128xbf16> to vector<1x256x2x128xbf16>
    tpu.vector_store %arg9[%swap3A_66, %swap3A_67, %swap3A_68, %swap3A_69], %swap3A_72 {strides = array<i32>} : memref<2x256x2x128xbf16, #tpu.memory_space<vmem>>, vector<1x256x2x128xbf16>,
    return
  }
  func.func @transform_0(%arg0: i32) -> (i32, i32, i32, i32) {
    %c0_i32 = arith.constant 0 : i32
    %c0_i32_0 = arith.constant 0 : i32
    %c0_i32_1 = arith.constant 0 : i32
    %c0_i32_2 = arith.constant 0 : i32
    return %c0_i32, %arg0, %c0_i32_0, %c0_i32_1 : i32, i32, i32, i32
  }
  func.func @transform_1(%arg0: i32) -> (i32, i32, i32) {
    %c0_i32 = arith.constant 0 : i32
    %c0_i32_0 = arith.constant 0 : i32
    %c0_i32_1 = arith.constant 0 : i32
    return %c0_i32, %arg0, %c0_i32_0 : i32, i32, i32
  }
  func.func @transform_2(%arg0: i32) -> (i32, i32) {
    %c0_i32 = arith.constant 0 : i32
    %c0_i32_0 = arith.constant 0 : i32
    return %arg0, %c0_i32 : i32, i32
  }
  func.func @transform_3(%arg0: i32) -> (i32, i32) {
    %c0_i32 = arith.constant 0 : i32
    %c0_i32_0 = arith.constant 0 : i32
    %c0_i32_1 = arith.constant 0 : i32
    return %c0_i32, %c0_i32_0 : i32, i32
  }
  func.func @transform_4(%arg0: i32) -> (i32, i32) {
    %c0_i32 = arith.constant 0 : i32
    %c0_i32_0 = arith.constant 0 : i32
    %c0_i32_1 = arith.constant 0 : i32
    return %c0_i32, %c0_i32_0 : i32, i32
  }
  func.func @transform_5(%arg0: i32) -> (i32, i32) {
    %c0_i32 = arith.constant 0 : i32
    %c0_i32_0 = arith.constant 0 : i32
    %c0_i32_1 = arith.constant 0 : i32
    return %c0_i32, %c0_i32_0 : i32, i32
  }
  func.func @transform_6(%arg0: i32) -> (i32, i32) {
    %c0_i32 = arith.constant 0 : i32
    %c0_i32_0 = arith.constant 0 : i32
    %c0_i32_1 = arith.constant 0 : i32
    return %c0_i32, %c0_i32_0 : i32, i32
  }
  func.func @transform_7(%arg0: i32) -> (i32, i32) {
    %c0_i32 = arith.constant 0 : i32
    %c0_i32_0 = arith.constant 0 : i32
    return %arg0, %c0_i32 : i32, i32
  }
  func.func @transform_8(%arg0: i32) -> (i32, i32, i32, i32) {
    %c0_i32 = arith.constant 0 : i32
    %c0_i32_0 = arith.constant 0 : i32
    %c0_i32_1 = arith.constant 0 : i32
    %c0_i32_2 = arith.constant 0 : i32
    return %c0_i32, %arg0, %c0_i32_0, %c0_i32_1 : i32, i32, i32, i32
  }
}

module attributes {stable_mosaic.version = 14 : i64} {
  func.func @body(%arg0: i32, %arg1: memref<2x256x2x128xbf16, #tpu.memory_space<vmem>>, %arg2: memref<2x256x128xf32, #tpu.memory_space<vmem>>, %arg3: memref<256x512xf32, #tpu.memory_space<vmem>>, %arg4: memref<512x512xf32, #tpu.memory_space<vmem>>, %arg5: memref<1x512xf32, #tpu.memory_space<vmem>>, %arg6: memref<512x512xf32, #tpu.memory_space<vmem>>, %arg7: memref<256x1xi32, #tpu.memory_space<vmem>>, %arg8: memref<256x512xf32, #tpu.memory_space<vmem>>, %arg9: memref<16x512xf32, #tpu.memory_space<vmem>>) attributes {dimension_semantics = [#tpu.dimension_semantics<arbitrary>], iteration_bounds = array<i64: 40>, scalar_prefetch = 0 : i64, scratch_operands = 0 : i64, tpu.core_type = #tpu.core_type<tc>, window_params = [{transform_indices = @transform_0, window_bounds = array<i64: 2, 256, 2, 128>}, {transform_indices = @transform_1, window_bounds = array<i64: 2, 256, 128>}, {transform_indices = @transform_2, window_bounds = array<i64: 256, 512>}, {pipeline_mode = #tpu.pipeline_mode<synchronous>, transform_indices = @transform_3, window_bounds = array<i64: 512, 512>}, {pipeline_mode = #tpu.pipeline_mode<synchronous>, transform_indices = @transform_4, window_bounds = array<i64: 1, 512>}, {pipeline_mode = #tpu.pipeline_mode<synchronous>, transform_indices = @transform_5, window_bounds = array<i64: 512, 512>}, {transform_indices = @transform_6, window_bounds = array<i64: 256, 1>}, {transform_indices = @transform_7, window_bounds = array<i64: 256, 512>}, {pipeline_mode = #tpu.pipeline_mode<synchronous>, transform_indices = @transform_8, window_bounds = array<i64: 16, 512>}]} {
    %get3A = arith.constant 0 : index
    %get3A_0 = arith.constant 0 : index
    %get3A_1 = arith.constant 0 : index
    %get3A_2 = arith.constant 0 : index
    %get3A_3 = vector.load %arg1[%get3A, %get3A_0, %get3A_1, %get3A_2] : memref<2x256x2x128xbf16, #tpu.memory_space<vmem>>, vector<1x256x2x128xbf16>
    %get3A_4 = vector.shape_cast %get3A_3 : vector<1x256x2x128xbf16> to vector<256x2x128xbf16>
    %reshape3A = vector.shape_cast %get3A_4 : vector<256x2x128xbf16> to vector<256x256xbf16>
    %get3A_5 = arith.constant 1 : index
    %get3A_6 = arith.constant 0 : index
    %get3A_7 = arith.constant 0 : index
    %get3A_8 = arith.constant 0 : index
    %get3A_9 = vector.load %arg1[%get3A_5, %get3A_6, %get3A_7, %get3A_8] : memref<2x256x2x128xbf16, #tpu.memory_space<vmem>>, vector<1x256x2x128xbf16>
    %get3A_10 = vector.shape_cast %get3A_9 : vector<1x256x2x128xbf16> to vector<256x2x128xbf16>
    %reshape3A_11 = vector.shape_cast %get3A_10 : vector<256x2x128xbf16> to vector<256x256xbf16>
    %concatenate3A = tpu.concatenate %reshape3A, %reshape3A_11 in 1 : vector<256x256xbf16>, vector<256x256xbf16> -> vector<256x512xbf16>
    %convert_element_type3A = arith.extf %concatenate3A : vector<256x512xbf16> to vector<256x512xf32>
    %get3A_12 = arith.constant 0 : index
    %get3A_13 = arith.constant 0 : index
    %get3A_14 = arith.constant 0 : index
    %get3A_15 = vector.load %arg2[%get3A_12, %get3A_13, %get3A_14] : memref<2x256x128xf32, #tpu.memory_space<vmem>>, vector<1x256x1xf32>
    %get3A_16 = vector.shape_cast %get3A_15 : vector<1x256x1xf32> to vector<256x1xf32>
    %get3A_17 = arith.constant 1 : index
    %get3A_18 = arith.constant 0 : index
    %get3A_19 = arith.constant 0 : index
    %get3A_20 = vector.load %arg2[%get3A_17, %get3A_18, %get3A_19] : memref<2x256x128xf32, #tpu.memory_space<vmem>>, vector<1x256x1xf32>
    %get3A_21 = vector.shape_cast %get3A_20 : vector<1x256x1xf32> to vector<256x1xf32>
    %add3A = arith.addf %get3A_16, %get3A_21 : vector<256x1xf32>
    %max3A = arith.constant 1.000000e+00 : f32
    %max3A_22 = vector.broadcast %max3A : f32 to vector<256x1xf32>
    %max3A_23 = arith.maximumf %add3A, %max3A_22 : vector<256x1xf32>
    %div3A = arith.constant 1.000000e+00 : f32
    %div3A_24 = vector.broadcast %div3A : f32 to vector<256x1xf32>
    %div3A_25 = arith.divf %div3A_24, %max3A_23 : vector<256x1xf32>
    %mul3A = vector.broadcast %div3A_25 : vector<256x1xf32> to vector<256x512xf32>
    %mul3A_26 = arith.mulf %convert_element_type3A, %mul3A : vector<256x512xf32>
    %get3A_27 = arith.constant 0 : index
    %get3A_28 = arith.constant 0 : index
    %get3A_29 = vector.load %arg4[%get3A_27, %get3A_28] : memref<512x512xf32, #tpu.memory_space<vmem>>, vector<512x512xf32>
    %dot_general3A = arith.constant dense<0.000000e+00> : vector<256x512xf32>
    %dot_general3A_30 = tpu.matmul %mul3A_26, %get3A_29, %dot_general3A {dimension_numbers = #tpu.dot_dimension_numbers<[1], [0], [0], [1], [0, 0, 1, 1], [], []>, transpose_lhs_hint = false} : vector<256x512xf32>, vector<512x512xf32>, vector<256x512xf32> -> vector<256x512xf32>
    %get3A_31 = arith.constant 0 : index
    %get3A_32 = arith.constant 0 : index
    %get3A_33 = vector.load %arg5[%get3A_31, %get3A_32] : memref<1x512xf32, #tpu.memory_space<vmem>>, vector<1x512xf32>
    %add3A_34 = vector.broadcast %get3A_33 : vector<1x512xf32> to vector<256x512xf32>
    %add3A_35 = arith.addf %dot_general3A_30, %add3A_34 : vector<256x512xf32>
    %get3A_36 = arith.constant 0 : index
    %get3A_37 = arith.constant 0 : index
    %get3A_38 = vector.load %arg3[%get3A_36, %get3A_37] : memref<256x512xf32, #tpu.memory_space<vmem>>, vector<256x512xf32>
    %get3A_39 = arith.constant 0 : index
    %get3A_40 = arith.constant 0 : index
    %get3A_41 = vector.load %arg6[%get3A_39, %get3A_40] : memref<512x512xf32, #tpu.memory_space<vmem>>, vector<512x512xf32>
    %dot_general3A_42 = arith.constant dense<0.000000e+00> : vector<256x512xf32>
    %dot_general3A_43 = tpu.matmul %get3A_38, %get3A_41, %dot_general3A_42 {dimension_numbers = #tpu.dot_dimension_numbers<[1], [0], [0], [1], [0, 0, 1, 1], [], []>, transpose_lhs_hint = false} : vector<256x512xf32>, vector<512x512xf32>, vector<256x512xf32> -> vector<256x512xf32>
    %add3A_44 = arith.addf %add3A_35, %dot_general3A_43 : vector<256x512xf32>
    %swap3A = arith.constant 0 : index
    %swap3A_45 = arith.constant 0 : index
    %swap3A_46 = vector.load %arg8[%swap3A, %swap3A_45] : memref<256x512xf32, #tpu.memory_space<vmem>>, vector<256x512xf32>
    tpu.vector_store %arg8[%swap3A, %swap3A_45], %add3A_44 {strides = array<i32>} : memref<256x512xf32, #tpu.memory_space<vmem>>, vector<256x512xf32>,
    %eq3A = arith.constant 0 : i32
    %eq3A_47 = arith.cmpi eq, %arg0, %eq3A : i32
    %convert_element_type3A_48 = arith.extui %eq3A_47 : i1 to i32
    %cond3A = arith.constant 0 : i32
    %cond3A_49 = arith.cmpi ne, %convert_element_type3A_48, %cond3A : i32
    scf.if %cond3A_49 {
      %broadcast_in_dim3A_232 = arith.constant 0xFF800000 : f32
      %broadcast_in_dim3A_233 = vector.broadcast %broadcast_in_dim3A_232 : f32 to vector<16x512xf32>
      %swap3A_234 = arith.constant 0 : index
      %swap3A_235 = arith.constant 0 : index
      %swap3A_236 = vector.load %arg9[%swap3A_234, %swap3A_235] : memref<16x512xf32, #tpu.memory_space<vmem>>, vector<16x512xf32>
      tpu.vector_store %arg9[%swap3A_234, %swap3A_235], %broadcast_in_dim3A_233 {strides = array<i32>} : memref<16x512xf32, #tpu.memory_space<vmem>>, vector<16x512xf32>,
    } else {
    }
    %get3A_50 = arith.constant 0 : index
    %get3A_51 = arith.constant 0 : index
    %get3A_52 = vector.load %arg7[%get3A_50, %get3A_51] : memref<256x1xi32, #tpu.memory_space<vmem>>, vector<256x1xi32>
    %eq3A_53 = arith.constant 0 : i32
    %eq3A_54 = vector.broadcast %eq3A_53 : i32 to vector<256x1xi32>
    %eq3A_55 = arith.cmpi eq, %get3A_52, %eq3A_54 : vector<256x1xi32>
    %jit3A = arith.constant 0xFF800000 : f32
    %broadcast_in_dim3A = vector.shape_cast %eq3A_55 : vector<256x1xi1> to vector<256x1xi1>
    %broadcast_in_dim3A_56 = vector.broadcast %broadcast_in_dim3A : vector<256x1xi1> to vector<256x512xi1>
    %broadcast_in_dim3A_57 = vector.broadcast %jit3A : f32 to vector<256x512xf32>
    %select_n3A = arith.select %broadcast_in_dim3A_56, %add3A_44, %broadcast_in_dim3A_57 : vector<256x512xi1>, vector<256x512xf32>
    %reduce_max3A = arith.constant dense<0xFF800000> : vector<512xf32>
    %reduce_max3A_58 = vector.multi_reduction <maximumf>, %select_n3A, %reduce_max3A [0] : vector<256x512xf32> to vector<512xf32>
    %eq3A_59 = arith.constant 1 : i32
    %eq3A_60 = vector.broadcast %eq3A_59 : i32 to vector<256x1xi32>
    %eq3A_61 = arith.cmpi eq, %get3A_52, %eq3A_60 : vector<256x1xi32>
    %jit3A_62 = arith.constant 0xFF800000 : f32
    %broadcast_in_dim3A_63 = vector.shape_cast %eq3A_61 : vector<256x1xi1> to vector<256x1xi1>
    %broadcast_in_dim3A_64 = vector.broadcast %broadcast_in_dim3A_63 : vector<256x1xi1> to vector<256x512xi1>
    %broadcast_in_dim3A_65 = vector.broadcast %jit3A_62 : f32 to vector<256x512xf32>
    %select_n3A_66 = arith.select %broadcast_in_dim3A_64, %add3A_44, %broadcast_in_dim3A_65 : vector<256x512xi1>, vector<256x512xf32>
    %reduce_max3A_67 = arith.constant dense<0xFF800000> : vector<512xf32>
    %reduce_max3A_68 = vector.multi_reduction <maximumf>, %select_n3A_66, %reduce_max3A_67 [0] : vector<256x512xf32> to vector<512xf32>
    %eq3A_69 = arith.constant 2 : i32
    %eq3A_70 = vector.broadcast %eq3A_69 : i32 to vector<256x1xi32>
    %eq3A_71 = arith.cmpi eq, %get3A_52, %eq3A_70 : vector<256x1xi32>
    %jit3A_72 = arith.constant 0xFF800000 : f32
    %broadcast_in_dim3A_73 = vector.shape_cast %eq3A_71 : vector<256x1xi1> to vector<256x1xi1>
    %broadcast_in_dim3A_74 = vector.broadcast %broadcast_in_dim3A_73 : vector<256x1xi1> to vector<256x512xi1>
    %broadcast_in_dim3A_75 = vector.broadcast %jit3A_72 : f32 to vector<256x512xf32>
    %select_n3A_76 = arith.select %broadcast_in_dim3A_74, %add3A_44, %broadcast_in_dim3A_75 : vector<256x512xi1>, vector<256x512xf32>
    %reduce_max3A_77 = arith.constant dense<0xFF800000> : vector<512xf32>
    %reduce_max3A_78 = vector.multi_reduction <maximumf>, %select_n3A_76, %reduce_max3A_77 [0] : vector<256x512xf32> to vector<512xf32>
    %eq3A_79 = arith.constant 3 : i32
    %eq3A_80 = vector.broadcast %eq3A_79 : i32 to vector<256x1xi32>
    %eq3A_81 = arith.cmpi eq, %get3A_52, %eq3A_80 : vector<256x1xi32>
    %jit3A_82 = arith.constant 0xFF800000 : f32
    %broadcast_in_dim3A_83 = vector.shape_cast %eq3A_81 : vector<256x1xi1> to vector<256x1xi1>
    %broadcast_in_dim3A_84 = vector.broadcast %broadcast_in_dim3A_83 : vector<256x1xi1> to vector<256x512xi1>
    %broadcast_in_dim3A_85 = vector.broadcast %jit3A_82 : f32 to vector<256x512xf32>
    %select_n3A_86 = arith.select %broadcast_in_dim3A_84, %add3A_44, %broadcast_in_dim3A_85 : vector<256x512xi1>, vector<256x512xf32>
    %reduce_max3A_87 = arith.constant dense<0xFF800000> : vector<512xf32>
    %reduce_max3A_88 = vector.multi_reduction <maximumf>, %select_n3A_86, %reduce_max3A_87 [0] : vector<256x512xf32> to vector<512xf32>
    %eq3A_89 = arith.constant 4 : i32
    %eq3A_90 = vector.broadcast %eq3A_89 : i32 to vector<256x1xi32>
    %eq3A_91 = arith.cmpi eq, %get3A_52, %eq3A_90 : vector<256x1xi32>
    %jit3A_92 = arith.constant 0xFF800000 : f32
    %broadcast_in_dim3A_93 = vector.shape_cast %eq3A_91 : vector<256x1xi1> to vector<256x1xi1>
    %broadcast_in_dim3A_94 = vector.broadcast %broadcast_in_dim3A_93 : vector<256x1xi1> to vector<256x512xi1>
    %broadcast_in_dim3A_95 = vector.broadcast %jit3A_92 : f32 to vector<256x512xf32>
    %select_n3A_96 = arith.select %broadcast_in_dim3A_94, %add3A_44, %broadcast_in_dim3A_95 : vector<256x512xi1>, vector<256x512xf32>
    %reduce_max3A_97 = arith.constant dense<0xFF800000> : vector<512xf32>
    %reduce_max3A_98 = vector.multi_reduction <maximumf>, %select_n3A_96, %reduce_max3A_97 [0] : vector<256x512xf32> to vector<512xf32>
    %eq3A_99 = arith.constant 5 : i32
    %eq3A_100 = vector.broadcast %eq3A_99 : i32 to vector<256x1xi32>
    %eq3A_101 = arith.cmpi eq, %get3A_52, %eq3A_100 : vector<256x1xi32>
    %jit3A_102 = arith.constant 0xFF800000 : f32
    %broadcast_in_dim3A_103 = vector.shape_cast %eq3A_101 : vector<256x1xi1> to vector<256x1xi1>
    %broadcast_in_dim3A_104 = vector.broadcast %broadcast_in_dim3A_103 : vector<256x1xi1> to vector<256x512xi1>
    %broadcast_in_dim3A_105 = vector.broadcast %jit3A_102 : f32 to vector<256x512xf32>
    %select_n3A_106 = arith.select %broadcast_in_dim3A_104, %add3A_44, %broadcast_in_dim3A_105 : vector<256x512xi1>, vector<256x512xf32>
    %reduce_max3A_107 = arith.constant dense<0xFF800000> : vector<512xf32>
    %reduce_max3A_108 = vector.multi_reduction <maximumf>, %select_n3A_106, %reduce_max3A_107 [0] : vector<256x512xf32> to vector<512xf32>
    %eq3A_109 = arith.constant 6 : i32
    %eq3A_110 = vector.broadcast %eq3A_109 : i32 to vector<256x1xi32>
    %eq3A_111 = arith.cmpi eq, %get3A_52, %eq3A_110 : vector<256x1xi32>
    %jit3A_112 = arith.constant 0xFF800000 : f32
    %broadcast_in_dim3A_113 = vector.shape_cast %eq3A_111 : vector<256x1xi1> to vector<256x1xi1>
    %broadcast_in_dim3A_114 = vector.broadcast %broadcast_in_dim3A_113 : vector<256x1xi1> to vector<256x512xi1>
    %broadcast_in_dim3A_115 = vector.broadcast %jit3A_112 : f32 to vector<256x512xf32>
    %select_n3A_116 = arith.select %broadcast_in_dim3A_114, %add3A_44, %broadcast_in_dim3A_115 : vector<256x512xi1>, vector<256x512xf32>
    %reduce_max3A_117 = arith.constant dense<0xFF800000> : vector<512xf32>
    %reduce_max3A_118 = vector.multi_reduction <maximumf>, %select_n3A_116, %reduce_max3A_117 [0] : vector<256x512xf32> to vector<512xf32>
    %eq3A_119 = arith.constant 7 : i32
    %eq3A_120 = vector.broadcast %eq3A_119 : i32 to vector<256x1xi32>
    %eq3A_121 = arith.cmpi eq, %get3A_52, %eq3A_120 : vector<256x1xi32>
    %jit3A_122 = arith.constant 0xFF800000 : f32
    %broadcast_in_dim3A_123 = vector.shape_cast %eq3A_121 : vector<256x1xi1> to vector<256x1xi1>
    %broadcast_in_dim3A_124 = vector.broadcast %broadcast_in_dim3A_123 : vector<256x1xi1> to vector<256x512xi1>
    %broadcast_in_dim3A_125 = vector.broadcast %jit3A_122 : f32 to vector<256x512xf32>
    %select_n3A_126 = arith.select %broadcast_in_dim3A_124, %add3A_44, %broadcast_in_dim3A_125 : vector<256x512xi1>, vector<256x512xf32>
    %reduce_max3A_127 = arith.constant dense<0xFF800000> : vector<512xf32>
    %reduce_max3A_128 = vector.multi_reduction <maximumf>, %select_n3A_126, %reduce_max3A_127 [0] : vector<256x512xf32> to vector<512xf32>
    %eq3A_129 = arith.constant 8 : i32
    %eq3A_130 = vector.broadcast %eq3A_129 : i32 to vector<256x1xi32>
    %eq3A_131 = arith.cmpi eq, %get3A_52, %eq3A_130 : vector<256x1xi32>
    %jit3A_132 = arith.constant 0xFF800000 : f32
    %broadcast_in_dim3A_133 = vector.shape_cast %eq3A_131 : vector<256x1xi1> to vector<256x1xi1>
    %broadcast_in_dim3A_134 = vector.broadcast %broadcast_in_dim3A_133 : vector<256x1xi1> to vector<256x512xi1>
    %broadcast_in_dim3A_135 = vector.broadcast %jit3A_132 : f32 to vector<256x512xf32>
    %select_n3A_136 = arith.select %broadcast_in_dim3A_134, %add3A_44, %broadcast_in_dim3A_135 : vector<256x512xi1>, vector<256x512xf32>
    %reduce_max3A_137 = arith.constant dense<0xFF800000> : vector<512xf32>
    %reduce_max3A_138 = vector.multi_reduction <maximumf>, %select_n3A_136, %reduce_max3A_137 [0] : vector<256x512xf32> to vector<512xf32>
    %eq3A_139 = arith.constant 9 : i32
    %eq3A_140 = vector.broadcast %eq3A_139 : i32 to vector<256x1xi32>
    %eq3A_141 = arith.cmpi eq, %get3A_52, %eq3A_140 : vector<256x1xi32>
    %jit3A_142 = arith.constant 0xFF800000 : f32
    %broadcast_in_dim3A_143 = vector.shape_cast %eq3A_141 : vector<256x1xi1> to vector<256x1xi1>
    %broadcast_in_dim3A_144 = vector.broadcast %broadcast_in_dim3A_143 : vector<256x1xi1> to vector<256x512xi1>
    %broadcast_in_dim3A_145 = vector.broadcast %jit3A_142 : f32 to vector<256x512xf32>
    %select_n3A_146 = arith.select %broadcast_in_dim3A_144, %add3A_44, %broadcast_in_dim3A_145 : vector<256x512xi1>, vector<256x512xf32>
    %reduce_max3A_147 = arith.constant dense<0xFF800000> : vector<512xf32>
    %reduce_max3A_148 = vector.multi_reduction <maximumf>, %select_n3A_146, %reduce_max3A_147 [0] : vector<256x512xf32> to vector<512xf32>
    %eq3A_149 = arith.constant 10 : i32
    %eq3A_150 = vector.broadcast %eq3A_149 : i32 to vector<256x1xi32>
    %eq3A_151 = arith.cmpi eq, %get3A_52, %eq3A_150 : vector<256x1xi32>
    %jit3A_152 = arith.constant 0xFF800000 : f32
    %broadcast_in_dim3A_153 = vector.shape_cast %eq3A_151 : vector<256x1xi1> to vector<256x1xi1>
    %broadcast_in_dim3A_154 = vector.broadcast %broadcast_in_dim3A_153 : vector<256x1xi1> to vector<256x512xi1>
    %broadcast_in_dim3A_155 = vector.broadcast %jit3A_152 : f32 to vector<256x512xf32>
    %select_n3A_156 = arith.select %broadcast_in_dim3A_154, %add3A_44, %broadcast_in_dim3A_155 : vector<256x512xi1>, vector<256x512xf32>
    %reduce_max3A_157 = arith.constant dense<0xFF800000> : vector<512xf32>
    %reduce_max3A_158 = vector.multi_reduction <maximumf>, %select_n3A_156, %reduce_max3A_157 [0] : vector<256x512xf32> to vector<512xf32>
    %eq3A_159 = arith.constant 11 : i32
    %eq3A_160 = vector.broadcast %eq3A_159 : i32 to vector<256x1xi32>
    %eq3A_161 = arith.cmpi eq, %get3A_52, %eq3A_160 : vector<256x1xi32>
    %jit3A_162 = arith.constant 0xFF800000 : f32
    %broadcast_in_dim3A_163 = vector.shape_cast %eq3A_161 : vector<256x1xi1> to vector<256x1xi1>
    %broadcast_in_dim3A_164 = vector.broadcast %broadcast_in_dim3A_163 : vector<256x1xi1> to vector<256x512xi1>
    %broadcast_in_dim3A_165 = vector.broadcast %jit3A_162 : f32 to vector<256x512xf32>
    %select_n3A_166 = arith.select %broadcast_in_dim3A_164, %add3A_44, %broadcast_in_dim3A_165 : vector<256x512xi1>, vector<256x512xf32>
    %reduce_max3A_167 = arith.constant dense<0xFF800000> : vector<512xf32>
    %reduce_max3A_168 = vector.multi_reduction <maximumf>, %select_n3A_166, %reduce_max3A_167 [0] : vector<256x512xf32> to vector<512xf32>
    %eq3A_169 = arith.constant 12 : i32
    %eq3A_170 = vector.broadcast %eq3A_169 : i32 to vector<256x1xi32>
    %eq3A_171 = arith.cmpi eq, %get3A_52, %eq3A_170 : vector<256x1xi32>
    %jit3A_172 = arith.constant 0xFF800000 : f32
    %broadcast_in_dim3A_173 = vector.shape_cast %eq3A_171 : vector<256x1xi1> to vector<256x1xi1>
    %broadcast_in_dim3A_174 = vector.broadcast %broadcast_in_dim3A_173 : vector<256x1xi1> to vector<256x512xi1>
    %broadcast_in_dim3A_175 = vector.broadcast %jit3A_172 : f32 to vector<256x512xf32>
    %select_n3A_176 = arith.select %broadcast_in_dim3A_174, %add3A_44, %broadcast_in_dim3A_175 : vector<256x512xi1>, vector<256x512xf32>
    %reduce_max3A_177 = arith.constant dense<0xFF800000> : vector<512xf32>
    %reduce_max3A_178 = vector.multi_reduction <maximumf>, %select_n3A_176, %reduce_max3A_177 [0] : vector<256x512xf32> to vector<512xf32>
    %eq3A_179 = arith.constant 13 : i32
    %eq3A_180 = vector.broadcast %eq3A_179 : i32 to vector<256x1xi32>
    %eq3A_181 = arith.cmpi eq, %get3A_52, %eq3A_180 : vector<256x1xi32>
    %jit3A_182 = arith.constant 0xFF800000 : f32
    %broadcast_in_dim3A_183 = vector.shape_cast %eq3A_181 : vector<256x1xi1> to vector<256x1xi1>
    %broadcast_in_dim3A_184 = vector.broadcast %broadcast_in_dim3A_183 : vector<256x1xi1> to vector<256x512xi1>
    %broadcast_in_dim3A_185 = vector.broadcast %jit3A_182 : f32 to vector<256x512xf32>
    %select_n3A_186 = arith.select %broadcast_in_dim3A_184, %add3A_44, %broadcast_in_dim3A_185 : vector<256x512xi1>, vector<256x512xf32>
    %reduce_max3A_187 = arith.constant dense<0xFF800000> : vector<512xf32>
    %reduce_max3A_188 = vector.multi_reduction <maximumf>, %select_n3A_186, %reduce_max3A_187 [0] : vector<256x512xf32> to vector<512xf32>
    %eq3A_189 = arith.constant 14 : i32
    %eq3A_190 = vector.broadcast %eq3A_189 : i32 to vector<256x1xi32>
    %eq3A_191 = arith.cmpi eq, %get3A_52, %eq3A_190 : vector<256x1xi32>
    %jit3A_192 = arith.constant 0xFF800000 : f32
    %broadcast_in_dim3A_193 = vector.shape_cast %eq3A_191 : vector<256x1xi1> to vector<256x1xi1>
    %broadcast_in_dim3A_194 = vector.broadcast %broadcast_in_dim3A_193 : vector<256x1xi1> to vector<256x512xi1>
    %broadcast_in_dim3A_195 = vector.broadcast %jit3A_192 : f32 to vector<256x512xf32>
    %select_n3A_196 = arith.select %broadcast_in_dim3A_194, %add3A_44, %broadcast_in_dim3A_195 : vector<256x512xi1>, vector<256x512xf32>
    %reduce_max3A_197 = arith.constant dense<0xFF800000> : vector<512xf32>
    %reduce_max3A_198 = vector.multi_reduction <maximumf>, %select_n3A_196, %reduce_max3A_197 [0] : vector<256x512xf32> to vector<512xf32>
    %eq3A_199 = arith.constant 15 : i32
    %eq3A_200 = vector.broadcast %eq3A_199 : i32 to vector<256x1xi32>
    %eq3A_201 = arith.cmpi eq, %get3A_52, %eq3A_200 : vector<256x1xi32>
    %jit3A_202 = arith.constant 0xFF800000 : f32
    %broadcast_in_dim3A_203 = vector.shape_cast %eq3A_201 : vector<256x1xi1> to vector<256x1xi1>
    %broadcast_in_dim3A_204 = vector.broadcast %broadcast_in_dim3A_203 : vector<256x1xi1> to vector<256x512xi1>
    %broadcast_in_dim3A_205 = vector.broadcast %jit3A_202 : f32 to vector<256x512xf32>
    %select_n3A_206 = arith.select %broadcast_in_dim3A_204, %add3A_44, %broadcast_in_dim3A_205 : vector<256x512xi1>, vector<256x512xf32>
    %reduce_max3A_207 = arith.constant dense<0xFF800000> : vector<512xf32>
    %reduce_max3A_208 = vector.multi_reduction <maximumf>, %select_n3A_206, %reduce_max3A_207 [0] : vector<256x512xf32> to vector<512xf32>
    %stack3A = vector.shape_cast %reduce_max3A_58 : vector<512xf32> to vector<1x512xf32>
    %stack3A_209 = vector.shape_cast %reduce_max3A_68 : vector<512xf32> to vector<1x512xf32>
    %stack3A_210 = vector.shape_cast %reduce_max3A_78 : vector<512xf32> to vector<1x512xf32>
    %stack3A_211 = vector.shape_cast %reduce_max3A_88 : vector<512xf32> to vector<1x512xf32>
    %stack3A_212 = vector.shape_cast %reduce_max3A_98 : vector<512xf32> to vector<1x512xf32>
    %stack3A_213 = vector.shape_cast %reduce_max3A_108 : vector<512xf32> to vector<1x512xf32>
    %stack3A_214 = vector.shape_cast %reduce_max3A_118 : vector<512xf32> to vector<1x512xf32>
    %stack3A_215 = vector.shape_cast %reduce_max3A_128 : vector<512xf32> to vector<1x512xf32>
    %stack3A_216 = vector.shape_cast %reduce_max3A_138 : vector<512xf32> to vector<1x512xf32>
    %stack3A_217 = vector.shape_cast %reduce_max3A_148 : vector<512xf32> to vector<1x512xf32>
    %stack3A_218 = vector.shape_cast %reduce_max3A_158 : vector<512xf32> to vector<1x512xf32>
    %stack3A_219 = vector.shape_cast %reduce_max3A_168 : vector<512xf32> to vector<1x512xf32>
    %stack3A_220 = vector.shape_cast %reduce_max3A_178 : vector<512xf32> to vector<1x512xf32>
    %stack3A_221 = vector.shape_cast %reduce_max3A_188 : vector<512xf32> to vector<1x512xf32>
    %stack3A_222 = vector.shape_cast %reduce_max3A_198 : vector<512xf32> to vector<1x512xf32>
    %stack3A_223 = vector.shape_cast %reduce_max3A_208 : vector<512xf32> to vector<1x512xf32>
    %stack3A_224 = tpu.concatenate %stack3A, %stack3A_209, %stack3A_210, %stack3A_211, %stack3A_212, %stack3A_213, %stack3A_214, %stack3A_215, %stack3A_216, %stack3A_217, %stack3A_218, %stack3A_219, %stack3A_220, %stack3A_221, %stack3A_222, %stack3A_223 in 0 : vector<1x512xf32>, vector<1x512xf32>, vector<1x512xf32>, vector<1x512xf32>, vector<1x512xf32>, vector<1x512xf32>, vector<1x512xf32>, vector<1x512xf32>, vector<1x512xf32>, vector<1x512xf32>, vector<1x512xf32>, vector<1x512xf32>, vector<1x512xf32>, vector<1x512xf32>, vector<1x512xf32>, vector<1x512xf32> -> vector<16x512xf32>
    %get3A_225 = arith.constant 0 : index
    %get3A_226 = arith.constant 0 : index
    %get3A_227 = vector.load %arg9[%get3A_225, %get3A_226] : memref<16x512xf32, #tpu.memory_space<vmem>>, vector<16x512xf32>
    %max3A_228 = arith.maximumf %get3A_227, %stack3A_224 : vector<16x512xf32>
    %swap3A_229 = arith.constant 0 : index
    %swap3A_230 = arith.constant 0 : index
    %swap3A_231 = vector.load %arg9[%swap3A_229, %swap3A_230] : memref<16x512xf32, #tpu.memory_space<vmem>>, vector<16x512xf32>
    tpu.vector_store %arg9[%swap3A_229, %swap3A_230], %max3A_228 {strides = array<i32>} : memref<16x512xf32, #tpu.memory_space<vmem>>, vector<16x512xf32>,
    return
  }
  func.func @transform_0(%arg0: i32) -> (i32, i32, i32, i32) {
    %c0_i32 = arith.constant 0 : i32
    %c0_i32_0 = arith.constant 0 : i32
    %c0_i32_1 = arith.constant 0 : i32
    %c0_i32_2 = arith.constant 0 : i32
    return %c0_i32, %arg0, %c0_i32_0, %c0_i32_1 : i32, i32, i32, i32
  }
  func.func @transform_1(%arg0: i32) -> (i32, i32, i32) {
    %c0_i32 = arith.constant 0 : i32
    %c0_i32_0 = arith.constant 0 : i32
    %c0_i32_1 = arith.constant 0 : i32
    return %c0_i32, %arg0, %c0_i32_0 : i32, i32, i32
  }
  func.func @transform_2(%arg0: i32) -> (i32, i32) {
    %c0_i32 = arith.constant 0 : i32
    %c0_i32_0 = arith.constant 0 : i32
    return %arg0, %c0_i32 : i32, i32
  }
  func.func @transform_3(%arg0: i32) -> (i32, i32) {
    %c0_i32 = arith.constant 0 : i32
    %c0_i32_0 = arith.constant 0 : i32
    %c0_i32_1 = arith.constant 0 : i32
    return %c0_i32, %c0_i32_0 : i32, i32
  }
  func.func @transform_4(%arg0: i32) -> (i32, i32) {
    %c0_i32 = arith.constant 0 : i32
    %c0_i32_0 = arith.constant 0 : i32
    %c0_i32_1 = arith.constant 0 : i32
    return %c0_i32, %c0_i32_0 : i32, i32
  }
  func.func @transform_5(%arg0: i32) -> (i32, i32) {
    %c0_i32 = arith.constant 0 : i32
    %c0_i32_0 = arith.constant 0 : i32
    %c0_i32_1 = arith.constant 0 : i32
    return %c0_i32, %c0_i32_0 : i32, i32
  }
  func.func @transform_6(%arg0: i32) -> (i32, i32) {
    %c0_i32 = arith.constant 0 : i32
    %c0_i32_0 = arith.constant 0 : i32
    return %arg0, %c0_i32 : i32, i32
  }
  func.func @transform_7(%arg0: i32) -> (i32, i32) {
    %c0_i32 = arith.constant 0 : i32
    %c0_i32_0 = arith.constant 0 : i32
    return %arg0, %c0_i32 : i32, i32
  }
  func.func @transform_8(%arg0: i32) -> (i32, i32) {
    %c0_i32 = arith.constant 0 : i32
    %c0_i32_0 = arith.constant 0 : i32
    %c0_i32_1 = arith.constant 0 : i32
    return %c0_i32, %c0_i32_0 : i32, i32
  }
}

</mosaic_0001>

<sc_bundles>
// kernel: kernel.12.cloned.1.call-start
scs
__scs_entry_jumppad:
0x0: {  	(pc) =	sbr.rel $0x88, $3  }
0x1: {  	(tag) =	ssettag $0x0;
	lr =	simm.s32 $0x1  }
0x2: {  	[smem:$0x3F94] =	sst lr;
	_ =	strace $0xD0000000  }
0x3: {  	_ = 	snop  }
0x4: {  	_ = 	snop  }
0x5: {  	_ = 	snop  }
0x6: {  	_ = 	snop  }
0x7: {  	_ = 	snop  }
__scs_overlays_trampoline_lowered:
0x8: {  	[smem:$0x3FA3] =	sst s0  }
0x9: {  	[smem:$0x3FA4] =	sst s1  }
0xa: {  	[smem:$0x3FA5] =	sst s2  }
0xb: {  	[smem:$0x3FA6] =	sst s3  }
0xc: {  	[smem:$0x3FA7] =	sst s4  }
0xd: {  	[smem:$0x3FA8] =	sst s5  }
0xe: {  	[smem:$0x3FA9] =	sst s6  }
0xf: {  	[smem:$0x3FAA] =	sst s7  }
0x10: {  	[smem:$0x3FAB] =	sst s8  }
0x11: {  	[smem:$0x3FAC] =	sst s9;
	s0 =	simm.s32 @!p0 $0x0  }
0x12: {  	s1 =	sld [smem:$0x3F92];
	s0 =	simm.s32 @p0 $0x1  }
0x13: {  	[smem:$0x3FAD] =	sst s0;
	s0 =	simm.s32 @!p1 $0x0  }
0x14: {  	s2 =	sld [smem:$0x3F91];
	s0 =	simm.s32 @p1 $0x1  }
0x15: {  	[smem:$0x3FAE] =	sst s0;
	s0 =	simm.s32 @!p2 $0x0  }
0x16: {  	s3 =	sld [smem:$0x3FDB];
	s0 =	simm.s32 @p2 $0x1  }
0x17: {  	s4 =	simm.s32 $0x1BF5;
	[smem:$0x3FB0] =	sst s0  }
0x18: {  	s0 =	sld [smem:$0x3F93];
	_ =	swait.ge [sflag:s4], $0x0  }
0x19: {  	s7 =	sld [smem:$0x3F94]  }
0x1a: {  	s8 =	sadd.s32 $0xFFFFE003, lr  }
0x1b: {  	s9 =	sadd.s32 $0xFFFFFEF7, lr;
	s5 =	simm.s32 $0xFFFFFFFF;
	p2 =	slt.u32 s8, $0xFFFFF086  }
0x1c: {  	p1 =	slt.u32 s9, $0xF7A;
	s5 =	simm.s32 @!p2 $0x0  }
0x1d: {  	s5 =	simm.s32 @p1 $0x1;
	p0 =	seq.s32 s7, s2  }
0x1e: {  	s7 =	smul.u32 @!p0 $0xF7A, s2;
	p2 =	seq.s32 @!p0 s5, $0x0  }
0x1f: {  	s9 =	smul.u32 $0xF7A, s1;
	s8 =	simm.s32 @!p0 $0x1BF5;
	p2 =	por !p2, p0  }
0x20: {  	[sflag:s8] =	ssyncset.s32 @!p0 $0xFFFFF086;
	s6 =	sadd.s32 @!p0 s3, s7;
	s7 =	simm.s32 @!p0 $0x108  }
0x21: {  	s3 =	sadd.s32 s3, s9;
	s6 =	sadd.s32 @!p0 $0x88, s6;
	s7 =	simm.s32 @p2 $0x1082  }
0x22: {  	[simem:s7], [sflag:s8] =	dma.local @!p0 [hbm:s6], $0xF7A  }
0x23: {  	s9 =	sor.u32 $0xD0000000, s2;
	s6 =	simm.s32 $0x108;
	_ =	swait.ge @!p0 [sflag:s8], $0x0  }
0x24: {  	s3 =	sadd.s32 $0x88, s3;
	s6 =	simm.s32 @!p1 $0x1082;
	[sflag:s4] =	ssyncset.s32 $0xFFFFF086  }
0x25: {  	[simem:s6], [sflag:s4] =	dma.local [hbm:s3], $0xF7A  }
0x26: {  	[smem:$0x3F94] =	sst s1;
	(tag) =	ssettag s2;
	_ =	strace s9  }
0x27: {  	s1 =	sld [smem:$0x3FA4]  }
0x28: {  	s2 =	sld [smem:$0x3FA5]  }
0x29: {  	s4 =	sld [smem:$0x3FA7]  }
0x2a: {  	p0 =	seq.s32 s5, $0x0;
	s5 =	sld [smem:$0x3FA8]  }
0x2b: {  	s6 =	sld [smem:$0x3FA9]  }
0x2c: {  	s7 =	sld [smem:$0x3FAA]  }
0x2d: {  	s3 =	simm.s32 $0x108;
	s8 =	sld [smem:$0x3FAB]  }
0x2e: {  	s3 =	simm.s32 @!p0 $0x1082;
	s9 =	sld [smem:$0x3FAC]  }
0x2f: {  	lr =	sadd.s32 s0, s3;
	s0 =	sld [smem:$0x3FA3]  }
0x30: {  	s3 =	sld [smem:$0x3FA6]  }
0x31: {  	[smem:$0x3FAF] =	sst s10  }
0x32: {  	s10 =	sld [smem:$0x3FAD];
	_ =	sdelay $0x3  }
0x33: {  	p0 =	seq.s32 s10, $0x1;
	s10 =	sld [smem:$0x3FAF];
	_ =	sdelay $0x3  }
0x34: {  	[smem:$0x3FAF] =	sst s10  }
0x35: {  	s10 =	sld [smem:$0x3FAE];
	_ =	sdelay $0x3  }
0x36: {  	p1 =	seq.s32 s10, $0x1;
	s10 =	sld [smem:$0x3FAF];
	_ =	sdelay $0x3  }
0x37: {  	[smem:$0x3FAF] =	sst s10  }
0x38: {  	s10 =	sld [smem:$0x3FB0]  }
0x39: {  	_ = 	snop;
	(pc) =	sbr.ind lr, $3  }
0x3a: {  	_ = 	snop  }
0x3b: {  	_ = 	snop  }
0x3c: {  	p2 =	seq.s32 s10, $0x1;
	s10 =	sld [smem:$0x3FAF]  }
0x3d: {  	_ =	shalt  }
0x3e: {  	_ =	shalt  }
0x3f: {  	_ =	shalt  }
0x40: {  	_ =	shalt  }
0x41: {  	_ =	shalt  }
0x42: {  	_ =	shalt  }
0x43: {  	_ =	shalt  }
0x44: {  	_ =	shalt  }
0x45: {  	_ =	shalt  }
0x46: {  	_ =	shalt  }
0x47: {  	_ =	shalt  }
0x48: {  	_ =	shalt  }
0x49: {  	_ =	shalt  }
0x4a: {  	_ =	shalt  }
0x4b: {  	_ =	shalt  }
0x4c: {  	_ =	shalt  }
0x4d: {  	_ =	shalt  }
0x4e: {  	_ =	shalt  }
0x4f: {  	_ =	shalt  }
0x50: {  	_ =	shalt  }
0x51: {  	_ =	shalt  }
0x52: {  	_ =	shalt  }
0x53: {  	_ =	shalt  }
0x54: {  	_ =	shalt  }
0x55: {  	_ =	shalt  }
0x56: {  	_ =	shalt  }
0x57: {  	_ =	shalt  }
0x58: {  	_ =	shalt  }
0x59: {  	_ =	shalt  }
0x5a: {  	_ =	shalt  }
0x5b: {  	_ =	shalt  }
0x5c: {  	_ =	shalt  }
0x5d: {  	_ =	shalt  }
0x5e: {  	_ =	shalt  }
0x5f: {  	_ =	shalt  }
0x60: {  	_ =	shalt  }
0x61: {  	_ =	shalt  }
0x62: {  	_ =	shalt  }
0x63: {  	_ =	shalt  }
0x64: {  	_ =	shalt  }
0x65: {  	_ =	shalt  }
0x66: {  	_ =	shalt  }
0x67: {  	_ =	shalt  }
0x68: {  	_ =	shalt  }
0x69: {  	_ =	shalt  }
0x6a: {  	_ =	shalt  }
0x6b: {  	_ =	shalt  }
0x6c: {  	_ =	shalt  }
0x6d: {  	_ =	shalt  }
0x6e: {  	_ =	shalt  }
0x6f: {  	_ =	shalt  }
0x70: {  	_ =	shalt  }
0x71: {  	_ =	shalt  }
0x72: {  	_ =	shalt  }
0x73: {  	_ =	shalt  }
0x74: {  	_ =	shalt  }
0x75: {  	_ =	shalt  }
0x76: {  	_ =	shalt  }
0x77: {  	_ =	shalt  }
0x78: {  	_ =	shalt  }
0x79: {  	_ =	shalt  }
0x7a: {  	_ =	shalt  }
0x7b: {  	_ =	shalt  }
0x7c: {  	_ =	shalt  }
0x7d: {  	_ =	shalt  }
0x7e: {  	_ =	shalt  }
0x7f: {  	_ =	shalt  }
0x80: {  	_ =	shalt  }
0x81: {  	_ =	shalt  }
0x82: {  	_ =	shalt  }
0x83: {  	_ =	shalt  }
0x84: {  	_ =	shalt  }
0x85: {  	_ =	shalt  }
0x86: {  	_ =	shalt  }
0x87: {  	_ =	shalt  }
.Lfunc_end0:
.L_simem_size_0:
called_computation.1_lowered:
.L_overlay_start_0:
0x88: {  	s2 =	sld [smem:$0x3FD9]  }
0x89: {  	s3 =	sld [smem:$0x3FFE];
	_ =	sdelay $0x1  }
0x8a: {  	s1 =	srdreg.scid  }
0x8b: {  	s0 =	sand.u32 $0x1, s1  }
0x8c: {  	s16 =	sshll.u32 s0, $0xA;
	s2 =	sadd.s32 s3, s2  }
0x8d: {  	s2 =	sadd.s32 s2, s16  }
0x8e: {  	[smem:$0x3FBB] =	sst s2  }
0x8f: {  	_ = 	snop  }
0x90: {  	(tm) =	ssettm $0x1  }
0x91: {  	s17 =	sld [smem:$0x3FFB];
	_ =	sdelay $0x3  }
0x92: {  	_ =	strace s17  }
0x93: {  	s2 =	sld [smem:$0x3FFC];
	_ =	sdelay $0x3  }
0x94: {  	_ =	strace s2  }
0x95: {  	s2 =	sld [smem:$0x3FFD];
	_ =	sdelay $0x3  }
0x96: {  	_ =	strace s2  }
0x97: {  	_ =	strace $0x8FFFFFFF  }
0x98: {  	s18 =	sld [smem:$0x3FDB];
	_ =	sdelay $0x1  }
0x99: {  	s19 =	simm.s32 $_scs_section_size  }
0x9a: {  	s4 =	simm.s32 $_size__tile_overlayer_lowered;
	s5 =	simm.s32 $_tile_overlayer_lowered  }
0x9b: {  	s22 =	simm.s32 $0x1BFF;
	s21 =	sshll.u32 s5, $0x1;
	s2 =	sadd.s32 s19, s18  }
0x9c: {  	s6 =	simm.s32 $0x0;
	s20 =	sshll.u32 s4, $0x1;
	s4 =	sadd.s32 s21, s2  }
0x9d: {  	[timem:s6], [sflag:s22] =	dma.local [hbm:s4], s20  }
0x9e: {  	_ =	swait.ge [sflag:s22], s20  }
0x9f: {  	s3 =	ssub.s32 $0x0, s20;
	[sflag:s22] =	ssyncset.done $0x0  }
0xa0: {  	[sflag:s22] =	ssyncadd.s32 s3;
	_ =	sdelay $0x1  }
0xa1: {  	s23 =	simm.s32 $0x1B8B  }
0xa2: {  	_ =	swait.ge [sflag:s23], $0x1  }
0xa3: {  	[sflag:s23] =	ssyncset.done $0x0  }
0xa4: {  	s25 =	simm.s32 $0x1B8E;
	s24 =	sld [smem:$0x3FFE];
	[sflag:s23] =	ssyncadd.s32 $0xFFFFFFFF  }
0xa5: {  	s26 =	simm.s32 $execute0_lowered;
	[smem:$0x3FD2] =	sst s25  }
0xa6: {  	s4 =	sshll.u32 s26, $0x1;
	_ =	strace $0x80000046;
	[dreg:$0x1] =	wrdreg $0xFFFFFFFF  }
0xa7: {  	s28 =	simm.s32 $_size_execute0_lowered;
	s2 =	sadd.s32 s2, s4;
	[dreg:$0x0] =	wrdreg $0x0  }
0xa8: {  	s4 =	sshll.u32 s28, $0x1;
	[dreg:$0x2] =	wrdreg s2  }
0xa9: {  	[dreg:$0x3] =	wrdreg s4  }
0xaa: {  	[dreg:$0x4] =	wrdreg $0xC0  }
0xab: {  	_ =	task [dreg:s6], $0x5FFFF  }
0xac: {  	[dreg:$0x1] =	wrdreg $0xFFFFFFFF  }
0xad: {  	[dreg:$0x0] =	wrdreg $0x60  }
0xae: {  	[dreg:$0x2] =	wrdreg s24  }
0xaf: {  	[dreg:$0x3] =	wrdreg $0x95800  }
0xb0: {  	[dreg:$0x4] =	wrdreg $0xA  }
0xb1: {  	_ =	task.clear_ibuf [dreg:s6], $0x5FFFF;
	_ =	strace $0x90000046  }
0xb2: {  	s29 =	simm.s32 $0xA;
	_ =	strace $0x80000048  }
0xb3: {  	_ =	swait.ge [sflag:s29], $0x1  }
0xb4: {  	[sflag:s29] =	ssyncadd.s32 $0xFFFFFFFF  }
0xb5: {  	_ =	strace $0x90000048  }
0xb6: {  	_ =	sfence  }
0xb7: {  	s30 =	sld [smem:$0x0];
	_ =	sdelay $0x2  }
0xb8: {  	s31 =	sshll.u32 s1, $0xD;
	s1 =	sshrl.u32 s1, $0x2  }
0xb9: {  	s3 =	sand.u32 $0x4000, s31;
	s1 =	sadd.s32 s1, s30  }
0xba: {  	s0 =	sor.u32 s3, s0;
	s1 =	sshll.u32 s1, $0x11  }
0xbb: {  	s0 =	sor.u32 s1, s0  }
0xbc: {  	s0 =	sadd.s32 $0x8F2B, s0  }
0xbd: {  	[sflag:s0] =	ssyncadd.remote.s32 $0x1  }
0xbe: {  	_ =	sfence.sel $0xFFFF  }
0xbf: {  	[dreg:$0x0] =	wrdreg $0xFFFFFFFF;
	(pc) =	sbr.abs _section_cstart, $3  }
0xc0: {  	[dreg:$0x1] =	wrdreg $0xFFFFFFFF  }
0xc1: {  	_ =	task.clear_ibuf [dreg:s6], $0x2FFFF;
	_ =	strace $0x9FFFFFFF  }
0xc2: {  	(tm) =	ssettm $0x7FFFFFFF  }
0xc3: {  	_ =	shalt  }
tec
execute0_lowered:
.L_overlay_start_1:
0x0: {  	(tag) =	ssettag $0x1  }
0x1: {  	s6 =	rddreg [dreg:$0x0]  }
0x2: {  	s0 =	srdreg.scid;
	s2 =	rddreg [dreg:$0x1];
	s3 =	simm.s32 $0x0  }
0x3: {  	s13 =	simm.s32 $0x1400;
	s14 =	simm.s32 $0x1580;
	s15 =	simm.s32 $0x1480  }
0x4: {  	s16 =	simm.s32 $0x5580;
	s17 =	simm.s32 $0x1;
	s18 =	simm.s32 $0x1500  }
0x5: {  	s19 =	simm.s32 $0x2;
	s5 =	sand.u32 $0x1, s0;
	s0 =	stileid.u32  }
0x6: {  	s20 =	simm.s32 $0x0;
	[smem:$0x7FF] =	sst s3;
	s8 =	smul.u32 $0x28000, s0  }
0x7: {  	s4 =	sadd.s32 $0x30200, s6;
	s1 =	sshll.u32 s5, $0x4;
	s9 =	smul.u32 $0x280000, s5  }
0x8: {  	s5 =	ssub.s32 $0x2, s5;
	s31 =	sshll.u32 s0, $0x6;
	s1 =	sor.u32 s0, s1  }
0x9: {  	s11 =	sshrl.u32 s5, $0x1;
	s7 =	smul.u32 $0x280, s1;
	s1 =	rddreg [dreg:$0x2]  }
0xa: {  	_ =	strace $0x80000047;
	s10 =	sshrl.u32 s8, $0x4;
	s9 =	sadd.s32 s8, s9  }
0xb: {  	s11 =	ssub.s32 s5, s11;
	s30 =	sshrl.u32 s8, $0x1;
	s10 =	sadd.s32 s10, s6  }
0xc: {  	s9 =	sshrl.u32 s9, $0x4;
	s12 =	sadd.s32 s30, s2;
	s8 =	smax.u32 s11, $0x1  }
0xd: {  	s7 =	sadd.s32 s7, s6;
	s9 =	sadd.s32 s9, s6;
	s6 =	sadd.s32 $0x8200, s10  }
0xe: {  	s10 =	sor.u32 $0x1C03, s31;
	s11 =	sshrl.u32 s12, $0x3;
	s12 =	simm.s32 $0x80  }
0xf: {  	s5 =	sadd.s32 $0x3200, s7;
	s7 =	sadd.s32 $0x58200, s9;
	s9 =	simm.s32 $0x3  }
.LBB2_1:
0x10: {  	[tilespmem:s3], [sflag:$0x3] =	stream.linear.gather [hbm4b:s5+s3], $0x1400, $0x38;
	[tilespmem:$0x1D580] =	vst v63  }
0x11: {  	_ =	swait.ge [sflag:s9], $0x1400  }
0x12: {  	[sflag:s9] =	ssyncset.done $0x0  }
0x13: {  	[sflag:s9] =	ssyncadd.s32 $0xFFFFEC00  }
0x14: {  	[spmem:s11], [sflag:s10] =	dma.local [hbm:s6], $0x2800  }
0x15: {  	_ =	swait.ge [sflag:s9], $0x2800  }
0x16: {  	[sflag:s9] =	ssyncset.done $0x0  }
0x17: {  	[sflag:s9] =	ssyncadd.s32 $0xFFFFD800  }
0x18: {  	[bflag:$0x0] =	sbarrier.arrive $0xFFFF  }
0x19: {  	v0 =	vld [tilespmem:$0x0]  }
0x1a: {  	v1 =	vld [tilespmem:$0x10]  }
0x1b: {  	v2 =	vld [tilespmem:$0x20]  }
0x1c: {  	v3 =	vld [tilespmem:$0x30]  }
0x1d: {  	v4 =	vld [tilespmem:$0x40]  }
0x1e: {  	v5 =	vld [tilespmem:$0x50];
	v0 =	vand.u32 $0xFFFF, v0  }
0x1f: {  	v41 =	vld [tilespmem:$0x60];
	v40 =	vand.u32 $0xFFFF, v1;
	[tilespmem:$0x1400] =	vst v0  }
0x20: {  	v43 =	vld [tilespmem:$0x70];
	v42 =	vand.u32 $0xFFFF, v2;
	[tilespmem:$0x1410] =	vst v40  }
0x21: {  	v44 =	vand.u32 $0xFFFF, v3;
	[tilespmem:$0x1420] =	vst v42  }
0x22: {  	v45 =	vand.u32 $0xFFFF, v4;
	[tilespmem:$0x1430] =	vst v44  }
0x23: {  	v46 =	vand.u32 $0xFFFF, v5;
	[tilespmem:$0x1440] =	vst v45  }
0x24: {  	v47 =	vand.u32 $0xFFFF, v41;
	[tilespmem:$0x1450] =	vst v46  }
0x25: {  	v48 =	vand.u32 $0xFFFF, v43;
	[tilespmem:$0x1460] =	vst v47  }
0x26: {  	[tilespmem:$0x1470] =	vst v48  }
0x27: {  	[tilespmem:s14], [sflag:$0x1] =	stream.indirect.gather [hbm4b:s4+s12], $0x80, s13, s12, $0xb8;
	[tilespmem:$0x1D580] =	vst v63  }
0x28: {  	v49 =	vld [tilespmem:$0x80]  }
0x29: {  	v50 =	vld [tilespmem:$0x90]  }
0x2a: {  	v51 =	vld [tilespmem:$0xA0]  }
0x2b: {  	v52 =	vld [tilespmem:$0xB0]  }
0x2c: {  	v53 =	vld [tilespmem:$0xC0]  }
0x2d: {  	v54 =	vld [tilespmem:$0xD0];
	v0 =	vand.u32 $0xFFFF, v49  }
0x2e: {  	v56 =	vld [tilespmem:$0xE0];
	v55 =	vand.u32 $0xFFFF, v50;
	[tilespmem:$0x1480] =	vst v0  }
0x2f: {  	v58 =	vld [tilespmem:$0xF0];
	v57 =	vand.u32 $0xFFFF, v51;
	[tilespmem:$0x1490] =	vst v55  }
0x30: {  	v59 =	vand.u32 $0xFFFF, v52;
	[tilespmem:$0x14A0] =	vst v57  }
0x31: {  	v60 =	vand.u32 $0xFFFF, v53;
	[tilespmem:$0x14B0] =	vst v59  }
0x32: {  	v61 =	vand.u32 $0xFFFF, v54;
	[tilespmem:$0x14C0] =	vst v60  }
0x33: {  	v62 =	vand.u32 $0xFFFF, v56;
	[tilespmem:$0x14D0] =	vst v61  }
0x34: {  	v63 =	vand.u32 $0xFFFF, v58;
	[tilespmem:$0x14E0] =	vst v62  }
0x35: {  	s21 =	simm.s32 $0x0;
	[tilespmem:$0x14F0] =	vst v63  }
0x36: {  	[tilespmem:s16], [sflag:$0x2] =	stream.indirect.gather [hbm4b:s4+s12], $0x80, s15, s12, $0xb8;
	[tilespmem:$0x1D580] =	vst v63  }
.LBB2_2:
0x37: {  	s22 =	sshra.s32 s21, $0x2  }
0x38: {  	v0 =	vld [tilespmem:s22+$0x0];
	_ =	sdelay $0x4  }
0x39: {  	v0 =	vshrl.u32 v0, $0x10  }
0x3a: {  	[tilespmem:$0x1500] =	vst v0  }
0x3b: {  	v0 =	vld [tilespmem:s22+$0x10];
	_ =	sdelay $0x4  }
0x3c: {  	v0 =	vshrl.u32 v0, $0x10  }
0x3d: {  	[tilespmem:$0x1510] =	vst v0  }
0x3e: {  	v0 =	vld [tilespmem:s22+$0x20];
	_ =	sdelay $0x4  }
0x3f: {  	v0 =	vshrl.u32 v0, $0x10  }
0x40: {  	[tilespmem:$0x1520] =	vst v0  }
0x41: {  	v0 =	vld [tilespmem:s22+$0x30];
	_ =	sdelay $0x4  }
0x42: {  	v0 =	vshrl.u32 v0, $0x10  }
0x43: {  	[tilespmem:$0x1530] =	vst v0  }
0x44: {  	v0 =	vld [tilespmem:s22+$0x40];
	_ =	sdelay $0x4  }
0x45: {  	v0 =	vshrl.u32 v0, $0x10  }
0x46: {  	[tilespmem:$0x1540] =	vst v0  }
0x47: {  	v0 =	vld [tilespmem:s22+$0x50];
	_ =	sdelay $0x4  }
0x48: {  	v0 =	vshrl.u32 v0, $0x10  }
0x49: {  	[tilespmem:$0x1550] =	vst v0  }
0x4a: {  	v0 =	vld [tilespmem:s22+$0x60];
	_ =	sdelay $0x4  }
0x4b: {  	v0 =	vshrl.u32 v0, $0x10  }
0x4c: {  	[tilespmem:$0x1560] =	vst v0  }
0x4d: {  	v0 =	vld [tilespmem:s22+$0x70];
	_ =	sdelay $0x4  }
0x4e: {  	v0 =	vshrl.u32 v0, $0x10  }
0x4f: {  	[tilespmem:$0x1570] =	vst v0  }
0x50: {  	_ =	swait.ge [sflag:s17], $0x4000  }
0x51: {  	[sflag:s17] =	ssyncset.done $0x0  }
0x52: {  	[sflag:s17] =	ssyncadd.s32 $0xFFFFC000  }
0x53: {  	[spmem:s2] =	stream.indirect.scatter.add.bf16 [tilespmem:s14], [sflag:$0x3], $0x80, s18, s12, $0xb8;
	[tilespmem:$0x1D580] =	vst v63  }
0x54: {  	_ =	swait.ge [sflag:s9], $0x4000  }
0x55: {  	p0 =	seq.s32 s21, $0x4C00;
	[sflag:s9] =	ssyncset.done $0x0  }
0x56: {  	s23 =	sshra.s32 @!p0 s21, $0x2;
	[sflag:s9] =	ssyncadd.s32 $0xFFFFC000  }
0x57: {  	v0 =	vld @!p0 [tilespmem:s23+$0x100];
	_ =	sdelay $0x4  }
0x58: {  	v0 =	vand.u32 @!p0 $0xFFFF, v0  }
0x59: {  	[tilespmem:$0x1400] =	vst @!p0 v0  }
0x5a: {  	v0 =	vld @!p0 [tilespmem:s23+$0x110];
	_ =	sdelay $0x4  }
0x5b: {  	v0 =	vand.u32 @!p0 $0xFFFF, v0  }
0x5c: {  	[tilespmem:$0x1410] =	vst @!p0 v0  }
0x5d: {  	v0 =	vld @!p0 [tilespmem:s23+$0x120];
	_ =	sdelay $0x4  }
0x5e: {  	v0 =	vand.u32 @!p0 $0xFFFF, v0  }
0x5f: {  	[tilespmem:$0x1420] =	vst @!p0 v0  }
0x60: {  	v0 =	vld @!p0 [tilespmem:s23+$0x130];
	_ =	sdelay $0x4  }
0x61: {  	v0 =	vand.u32 @!p0 $0xFFFF, v0  }
0x62: {  	[tilespmem:$0x1430] =	vst @!p0 v0  }
0x63: {  	v0 =	vld @!p0 [tilespmem:s23+$0x140];
	_ =	sdelay $0x4  }
0x64: {  	v0 =	vand.u32 @!p0 $0xFFFF, v0  }
0x65: {  	[tilespmem:$0x1440] =	vst @!p0 v0  }
0x66: {  	v0 =	vld @!p0 [tilespmem:s23+$0x150];
	_ =	sdelay $0x4  }
0x67: {  	v0 =	vand.u32 @!p0 $0xFFFF, v0  }
0x68: {  	[tilespmem:$0x1450] =	vst @!p0 v0  }
0x69: {  	v0 =	vld @!p0 [tilespmem:s23+$0x160];
	_ =	sdelay $0x4  }
0x6a: {  	v0 =	vand.u32 @!p0 $0xFFFF, v0  }
0x6b: {  	[tilespmem:$0x1460] =	vst @!p0 v0  }
0x6c: {  	v0 =	vld @!p0 [tilespmem:s23+$0x170];
	_ =	sdelay $0x4  }
0x6d: {  	v0 =	vand.u32 @!p0 $0xFFFF, v0  }
0x6e: {  	s24 =	simm.s32 @!p0 $0x80;
	s25 =	simm.s32 @!p0 $0x1400;
	s26 =	simm.s32 @!p0 $0x1580;
	[tilespmem:$0x1470] =	vst @!p0 v0  }
0x6f: {  	[tilespmem:s26], [sflag:$0x1] =	stream.indirect.gather @!p0 [hbm4b:s4+s24], $0x80, s25, s24, $0xb8;
	[tilespmem:$0x1D580] =	vst v63  }
0x70: {  	v0 =	vld [tilespmem:s22+$0x80];
	_ =	sdelay $0x4  }
0x71: {  	v0 =	vshrl.u32 v0, $0x10  }
0x72: {  	[tilespmem:$0x1500] =	vst v0  }
0x73: {  	v0 =	vld [tilespmem:s22+$0x90];
	_ =	sdelay $0x4  }
0x74: {  	v0 =	vshrl.u32 v0, $0x10  }
0x75: {  	[tilespmem:$0x1510] =	vst v0  }
0x76: {  	v0 =	vld [tilespmem:s22+$0xA0];
	_ =	sdelay $0x4  }
0x77: {  	v0 =	vshrl.u32 v0, $0x10  }
0x78: {  	[tilespmem:$0x1520] =	vst v0  }
0x79: {  	v0 =	vld [tilespmem:s22+$0xB0];
	_ =	sdelay $0x4  }
0x7a: {  	v0 =	vshrl.u32 v0, $0x10  }
0x7b: {  	[tilespmem:$0x1530] =	vst v0  }
0x7c: {  	v0 =	vld [tilespmem:s22+$0xC0];
	_ =	sdelay $0x4  }
0x7d: {  	v0 =	vshrl.u32 v0, $0x10  }
0x7e: {  	[tilespmem:$0x1540] =	vst v0  }
0x7f: {  	v0 =	vld [tilespmem:s22+$0xD0];
	_ =	sdelay $0x4  }
0x80: {  	v0 =	vshrl.u32 v0, $0x10  }
0x81: {  	[tilespmem:$0x1550] =	vst v0  }
0x82: {  	v0 =	vld [tilespmem:s22+$0xE0];
	_ =	sdelay $0x4  }
0x83: {  	v0 =	vshrl.u32 v0, $0x10  }
0x84: {  	[tilespmem:$0x1560] =	vst v0  }
0x85: {  	v0 =	vld [tilespmem:s22+$0xF0];
	_ =	sdelay $0x4  }
0x86: {  	v0 =	vshrl.u32 v0, $0x10  }
0x87: {  	[tilespmem:$0x1570] =	vst v0  }
0x88: {  	_ =	swait.ge [sflag:s19], $0x4000  }
0x89: {  	[sflag:s19] =	ssyncset.done $0x0  }
0x8a: {  	[sflag:s19] =	ssyncadd.s32 $0xFFFFC000  }
0x8b: {  	[spmem:s2] =	stream.indirect.scatter.add.bf16 [tilespmem:s16], [sflag:$0x3], $0x80, s18, s12, $0xb8;
	[tilespmem:$0x1D580] =	vst v63  }
0x8c: {  	_ =	swait.ge [sflag:s9], $0x4000  }
0x8d: {  	[sflag:s9] =	ssyncset.done $0x0  }
0x8e: {  	[sflag:s9] =	ssyncadd.s32 $0xFFFFC000  }
0x8f: {  	v0 =	vld @!p0 [tilespmem:s23+$0x180];
	_ =	sdelay $0x4  }
0x90: {  	v0 =	vand.u32 @!p0 $0xFFFF, v0  }
0x91: {  	[tilespmem:$0x1480] =	vst @!p0 v0  }
0x92: {  	v0 =	vld @!p0 [tilespmem:s23+$0x190];
	_ =	sdelay $0x4  }
0x93: {  	v0 =	vand.u32 @!p0 $0xFFFF, v0  }
0x94: {  	[tilespmem:$0x1490] =	vst @!p0 v0  }
0x95: {  	v0 =	vld @!p0 [tilespmem:s23+$0x1A0];
	_ =	sdelay $0x4  }
0x96: {  	v0 =	vand.u32 @!p0 $0xFFFF, v0  }
0x97: {  	[tilespmem:$0x14A0] =	vst @!p0 v0  }
0x98: {  	v0 =	vld @!p0 [tilespmem:s23+$0x1B0];
	_ =	sdelay $0x4  }
0x99: {  	v0 =	vand.u32 @!p0 $0xFFFF, v0  }
0x9a: {  	[tilespmem:$0x14B0] =	vst @!p0 v0  }
0x9b: {  	v0 =	vld @!p0 [tilespmem:s23+$0x1C0];
	_ =	sdelay $0x4  }
0x9c: {  	v0 =	vand.u32 @!p0 $0xFFFF, v0  }
0x9d: {  	[tilespmem:$0x14C0] =	vst @!p0 v0  }
0x9e: {  	v0 =	vld @!p0 [tilespmem:s23+$0x1D0];
	_ =	sdelay $0x4  }
0x9f: {  	v0 =	vand.u32 @!p0 $0xFFFF, v0  }
0xa0: {  	[tilespmem:$0x14D0] =	vst @!p0 v0  }
0xa1: {  	v0 =	vld @!p0 [tilespmem:s23+$0x1E0];
	_ =	sdelay $0x4  }
0xa2: {  	v0 =	vand.u32 @!p0 $0xFFFF, v0  }
0xa3: {  	[tilespmem:$0x14E0] =	vst @!p0 v0  }
0xa4: {  	v0 =	vld @!p0 [tilespmem:s23+$0x1F0];
	_ =	sdelay $0x4  }
0xa5: {  	s21 =	sadd.s32 @!p0 $0x400, s21;
	v0 =	vand.u32 @!p0 $0xFFFF, v0  }
0xa6: {  	p1 =	sne.s32 @!p0 s21, $0x5000;
	s22 =	simm.s32 @!p0 $0x1480;
	s23 =	simm.s32 @!p0 $0x5580;
	[tilespmem:$0x14F0] =	vst @!p0 v0  }
0xa7: {  	[tilespmem:s23], [sflag:$0x2] =	stream.indirect.gather @!p0 [hbm4b:s4+s24], $0x80, s22, s24, $0xb8;
	[tilespmem:$0x1D580] =	vst v63  }
0xa8: {  	p0 =	por p0, !p1  }
.Ltmp0:
0xa9: {  	_ = 	snop;
	(pc) =	sbr.rel @!p0 .LBB2_2-.Ltmp0, $1  }
0xaa: {  	_ =	sdelay $0x3  }
0xab: {  	s20 =	sadd.s32 $0x1, s20  }
0xac: {  	p0 =	sne.s32 s20, s8  }
.Ltmp1:
0xad: {  	[bflag:$0x0] =	sbarrier.arrive $0xFFFF;
	(pc) =	sbr.rel @p0 .LBB2_1-.Ltmp1, $4  }
0xae: {  	[hbm:s7], [sflag:s10] =	dma.local [spmem:s11], $0x2800  }
0xaf: {  	_ =	swait.ge [sflag:s9], $0x2800  }
0xb0: {  	[sflag:s9] =	ssyncset.done $0x0  }
0xb1: {  	[sflag:s9] =	ssyncadd.s32 $0xFFFFD800  }
0xb2: {  	_ =	sfence.sel $0x180000  }
0xb3: {  	[bflag:$0x0] =	sbarrier.arrive $0xFFFF  }
0xb4: {  	p0 =	sne.s32 s0, $0x0;
	_ =	strace $0x90000047  }
0xb5: {  	s0 =	sadd.s32 @!p0 $0x100000, s1;
	[bflag:$0x2] =	sbarrier.arrive $0xFFFF  }
0xb6: {  	[sflag:s0] =	ssyncadd.tile.s32 @!p0 $0x1;
	_ =	shalt  }
.Lfunc_end2:
_tile_overlayer_lowered:
.L_overlay_start_2:
0xb7: {  	(tag) =	ssettag $0x2  }
0xb8: {  	s0 =	rddreg [dreg:$0x0];
	s2 =	stileid.u32  }
0xb9: {  	s1 =	rddreg [dreg:$0x1];
	p0 =	sne.s32 s2, $0x0  }
0xba: {  	s3 =	rddreg [dreg:$0x2];
	[bflag:$0x3] =	sbarrier.arrive $0xFFFF;
	s2 =	simm.s32 @!p0 $0x1C03  }
0xbb: {  	[timem:s3], [sflag:s2] =	dma.local @!p0 [hbm:s0], s1  }
0xbc: {  	s0 =	simm.s32 @!p0 $0x3  }
0xbd: {  	_ =	swait.ge @!p0 [sflag:s0], s1  }
0xbe: {  	s1 =	ssub.s32 @!p0 $0x0, s1;
	[sflag:s0] =	ssyncset.done @!p0 $0x0  }
0xbf: {  	[sflag:s0] =	ssyncadd.s32 @!p0 s1  }
0xc0: {  	[bflag:$0x3] =	sbarrier.arrive $0xFFFF  }
0xc1: {  	_ =	shalt  }

// kernel: kernel.15.cloned.1.call-start
scs
__scs_entry_jumppad:
0x0: {  	(pc) =	sbr.rel $0x88, $3  }
0x1: {  	(tag) =	ssettag $0x0;
	lr =	simm.s32 $0x1  }
0x2: {  	[smem:$0x3F94] =	sst lr;
	_ =	strace $0xD0000000  }
0x3: {  	_ = 	snop  }
0x4: {  	_ = 	snop  }
0x5: {  	_ = 	snop  }
0x6: {  	_ = 	snop  }
0x7: {  	_ = 	snop  }
__scs_overlays_trampoline_lowered:
0x8: {  	[smem:$0x3FA3] =	sst s0  }
0x9: {  	[smem:$0x3FA4] =	sst s1  }
0xa: {  	[smem:$0x3FA5] =	sst s2  }
0xb: {  	[smem:$0x3FA6] =	sst s3  }
0xc: {  	[smem:$0x3FA7] =	sst s4  }
0xd: {  	[smem:$0x3FA8] =	sst s5  }
0xe: {  	[smem:$0x3FA9] =	sst s6  }
0xf: {  	[smem:$0x3FAA] =	sst s7  }
0x10: {  	[smem:$0x3FAB] =	sst s8  }
0x11: {  	[smem:$0x3FAC] =	sst s9;
	s0 =	simm.s32 @!p0 $0x0  }
0x12: {  	s1 =	sld [smem:$0x3F92];
	s0 =	simm.s32 @p0 $0x1  }
0x13: {  	[smem:$0x3FAD] =	sst s0;
	s0 =	simm.s32 @!p1 $0x0  }
0x14: {  	s2 =	sld [smem:$0x3F91];
	s0 =	simm.s32 @p1 $0x1  }
0x15: {  	[smem:$0x3FAE] =	sst s0;
	s0 =	simm.s32 @!p2 $0x0  }
0x16: {  	s3 =	sld [smem:$0x3FDB];
	s0 =	simm.s32 @p2 $0x1  }
0x17: {  	s4 =	simm.s32 $0x1BF5;
	[smem:$0x3FB0] =	sst s0  }
0x18: {  	s0 =	sld [smem:$0x3F93];
	_ =	swait.ge [sflag:s4], $0x0  }
0x19: {  	s7 =	sld [smem:$0x3F94]  }
0x1a: {  	s8 =	sadd.s32 $0xFFFFE003, lr  }
0x1b: {  	s9 =	sadd.s32 $0xFFFFFEF7, lr;
	s5 =	simm.s32 $0xFFFFFFFF;
	p2 =	slt.u32 s8, $0xFFFFF086  }
0x1c: {  	p1 =	slt.u32 s9, $0xF7A;
	s5 =	simm.s32 @!p2 $0x0  }
0x1d: {  	s5 =	simm.s32 @p1 $0x1;
	p0 =	seq.s32 s7, s2  }
0x1e: {  	s7 =	smul.u32 @!p0 $0xF7A, s2;
	p2 =	seq.s32 @!p0 s5, $0x0  }
0x1f: {  	s9 =	smul.u32 $0xF7A, s1;
	s8 =	simm.s32 @!p0 $0x1BF5;
	p2 =	por !p2, p0  }
0x20: {  	[sflag:s8] =	ssyncset.s32 @!p0 $0xFFFFF086;
	s6 =	sadd.s32 @!p0 s3, s7;
	s7 =	simm.s32 @!p0 $0x108  }
0x21: {  	s3 =	sadd.s32 s3, s9;
	s6 =	sadd.s32 @!p0 $0x88, s6;
	s7 =	simm.s32 @p2 $0x1082  }
0x22: {  	[simem:s7], [sflag:s8] =	dma.local @!p0 [hbm:s6], $0xF7A  }
0x23: {  	s9 =	sor.u32 $0xD0000000, s2;
	s6 =	simm.s32 $0x108;
	_ =	swait.ge @!p0 [sflag:s8], $0x0  }
0x24: {  	s3 =	sadd.s32 $0x88, s3;
	s6 =	simm.s32 @!p1 $0x1082;
	[sflag:s4] =	ssyncset.s32 $0xFFFFF086  }
0x25: {  	[simem:s6], [sflag:s4] =	dma.local [hbm:s3], $0xF7A  }
0x26: {  	[smem:$0x3F94] =	sst s1;
	(tag) =	ssettag s2;
	_ =	strace s9  }
0x27: {  	s1 =	sld [smem:$0x3FA4]  }
0x28: {  	s2 =	sld [smem:$0x3FA5]  }
0x29: {  	s4 =	sld [smem:$0x3FA7]  }
0x2a: {  	p0 =	seq.s32 s5, $0x0;
	s5 =	sld [smem:$0x3FA8]  }
0x2b: {  	s6 =	sld [smem:$0x3FA9]  }
0x2c: {  	s7 =	sld [smem:$0x3FAA]  }
0x2d: {  	s3 =	simm.s32 $0x108;
	s8 =	sld [smem:$0x3FAB]  }
0x2e: {  	s3 =	simm.s32 @!p0 $0x1082;
	s9 =	sld [smem:$0x3FAC]  }
0x2f: {  	lr =	sadd.s32 s0, s3;
	s0 =	sld [smem:$0x3FA3]  }
0x30: {  	s3 =	sld [smem:$0x3FA6]  }
0x31: {  	[smem:$0x3FAF] =	sst s10  }
0x32: {  	s10 =	sld [smem:$0x3FAD];
	_ =	sdelay $0x3  }
0x33: {  	p0 =	seq.s32 s10, $0x1;
	s10 =	sld [smem:$0x3FAF];
	_ =	sdelay $0x3  }
0x34: {  	[smem:$0x3FAF] =	sst s10  }
0x35: {  	s10 =	sld [smem:$0x3FAE];
	_ =	sdelay $0x3  }
0x36: {  	p1 =	seq.s32 s10, $0x1;
	s10 =	sld [smem:$0x3FAF];
	_ =	sdelay $0x3  }
0x37: {  	[smem:$0x3FAF] =	sst s10  }
0x38: {  	s10 =	sld [smem:$0x3FB0]  }
0x39: {  	_ = 	snop;
	(pc) =	sbr.ind lr, $3  }
0x3a: {  	_ = 	snop  }
0x3b: {  	_ = 	snop  }
0x3c: {  	p2 =	seq.s32 s10, $0x1;
	s10 =	sld [smem:$0x3FAF]  }
0x3d: {  	_ =	shalt  }
0x3e: {  	_ =	shalt  }
0x3f: {  	_ =	shalt  }
0x40: {  	_ =	shalt  }
0x41: {  	_ =	shalt  }
0x42: {  	_ =	shalt  }
0x43: {  	_ =	shalt  }
0x44: {  	_ =	shalt  }
0x45: {  	_ =	shalt  }
0x46: {  	_ =	shalt  }
0x47: {  	_ =	shalt  }
0x48: {  	_ =	shalt  }
0x49: {  	_ =	shalt  }
0x4a: {  	_ =	shalt  }
0x4b: {  	_ =	shalt  }
0x4c: {  	_ =	shalt  }
0x4d: {  	_ =	shalt  }
0x4e: {  	_ =	shalt  }
0x4f: {  	_ =	shalt  }
0x50: {  	_ =	shalt  }
0x51: {  	_ =	shalt  }
0x52: {  	_ =	shalt  }
0x53: {  	_ =	shalt  }
0x54: {  	_ =	shalt  }
0x55: {  	_ =	shalt  }
0x56: {  	_ =	shalt  }
0x57: {  	_ =	shalt  }
0x58: {  	_ =	shalt  }
0x59: {  	_ =	shalt  }
0x5a: {  	_ =	shalt  }
0x5b: {  	_ =	shalt  }
0x5c: {  	_ =	shalt  }
0x5d: {  	_ =	shalt  }
0x5e: {  	_ =	shalt  }
0x5f: {  	_ =	shalt  }
0x60: {  	_ =	shalt  }
0x61: {  	_ =	shalt  }
0x62: {  	_ =	shalt  }
0x63: {  	_ =	shalt  }
0x64: {  	_ =	shalt  }
0x65: {  	_ =	shalt  }
0x66: {  	_ =	shalt  }
0x67: {  	_ =	shalt  }
0x68: {  	_ =	shalt  }
0x69: {  	_ =	shalt  }
0x6a: {  	_ =	shalt  }
0x6b: {  	_ =	shalt  }
0x6c: {  	_ =	shalt  }
0x6d: {  	_ =	shalt  }
0x6e: {  	_ =	shalt  }
0x6f: {  	_ =	shalt  }
0x70: {  	_ =	shalt  }
0x71: {  	_ =	shalt  }
0x72: {  	_ =	shalt  }
0x73: {  	_ =	shalt  }
0x74: {  	_ =	shalt  }
0x75: {  	_ =	shalt  }
0x76: {  	_ =	shalt  }
0x77: {  	_ =	shalt  }
0x78: {  	_ =	shalt  }
0x79: {  	_ =	shalt  }
0x7a: {  	_ =	shalt  }
0x7b: {  	_ =	shalt  }
0x7c: {  	_ =	shalt  }
0x7d: {  	_ =	shalt  }
0x7e: {  	_ =	shalt  }
0x7f: {  	_ =	shalt  }
0x80: {  	_ =	shalt  }
0x81: {  	_ =	shalt  }
0x82: {  	_ =	shalt  }
0x83: {  	_ =	shalt  }
0x84: {  	_ =	shalt  }
0x85: {  	_ =	shalt  }
0x86: {  	_ =	shalt  }
0x87: {  	_ =	shalt  }
.Lfunc_end0:
.L_simem_size_0:
called_computation.2_lowered:
.L_overlay_start_0:
0x88: {  	s2 =	sld [smem:$0x3FD9]  }
0x89: {  	s3 =	sld [smem:$0x3FFE];
	_ =	sdelay $0x1  }
0x8a: {  	s1 =	srdreg.scid  }
0x8b: {  	s0 =	sand.u32 $0x1, s1  }
0x8c: {  	s14 =	sshll.u32 s0, $0xA;
	s2 =	sadd.s32 s3, s2  }
0x8d: {  	s2 =	sadd.s32 s2, s14  }
0x8e: {  	[smem:$0x3FBB] =	sst s2  }
0x8f: {  	_ = 	snop  }
0x90: {  	s2 =	sld [smem:$0x3FD0];
	_ =	sdelay $0x2  }
0x91: {  	s15 =	simm.s32 $0xB;
	s4 =	simm.s32 $0x10  }
0x92: {  	[smem:s4], [sflag:s15] =	dma.local [hbm:s2], $0x1  }
0x93: {  	_ =	swait.eq [sflag:s15], $0x1  }
0x94: {  	[sflag:s15] =	ssyncset.done $0x0  }
0x95: {  	[sflag:s15] =	ssyncadd.s32 $0xFFFFFFFF  }
0x96: {  	s16 =	sld [smem:$0x10];
	(tm) =	ssettm $0x1  }
0x97: {  	s17 =	sld [smem:$0x3FFB];
	_ =	sdelay $0x3  }
0x98: {  	_ =	strace s17  }
0x99: {  	s3 =	sld [smem:$0x3FFC];
	_ =	sdelay $0x3  }
0x9a: {  	_ =	strace s3  }
0x9b: {  	s3 =	sld [smem:$0x3FFD];
	_ =	sdelay $0x3  }
0x9c: {  	_ =	strace s3  }
0x9d: {  	_ =	strace $0x8FFFFFFF  }
0x9e: {  	s18 =	sld [smem:$0x3FDB];
	_ =	sdelay $0x1  }
0x9f: {  	s19 =	simm.s32 $_scs_section_size  }
0xa0: {  	s5 =	simm.s32 $_size__tile_overlayer_lowered;
	s6 =	simm.s32 $_tile_overlayer_lowered  }
0xa1: {  	s22 =	simm.s32 $0x1BFF;
	s21 =	sshll.u32 s6, $0x1;
	s3 =	sadd.s32 s19, s18  }
0xa2: {  	s7 =	simm.s32 $0x0;
	s20 =	sshll.u32 s5, $0x1;
	s5 =	sadd.s32 s21, s3  }
0xa3: {  	[timem:s7], [sflag:s22] =	dma.local [hbm:s5], s20  }
0xa4: {  	_ =	swait.ge [sflag:s22], s20  }
0xa5: {  	s4 =	ssub.s32 $0x0, s20;
	[sflag:s22] =	ssyncset.done $0x0  }
0xa6: {  	[sflag:s22] =	ssyncadd.s32 s4;
	_ =	sdelay $0x1  }
0xa7: {  	s23 =	simm.s32 $0x1B8B  }
0xa8: {  	_ =	swait.ge [sflag:s23], $0x1  }
0xa9: {  	[sflag:s23] =	ssyncset.done $0x0  }
0xaa: {  	s25 =	simm.s32 $0x1B8E;
	s24 =	sld [smem:$0x3FFE];
	[sflag:s23] =	ssyncadd.s32 $0xFFFFFFFF  }
0xab: {  	s26 =	simm.s32 $execute0_lowered;
	[smem:$0x3FD2] =	sst s25  }
0xac: {  	s5 =	sshll.u32 s26, $0x1;
	_ =	strace $0x8000004C;
	[dreg:$0x1] =	wrdreg $0xFFFFFFFF  }
0xad: {  	s28 =	simm.s32 $_size_execute0_lowered;
	s3 =	sadd.s32 s3, s5;
	[dreg:$0x0] =	wrdreg $0x0  }
0xae: {  	s5 =	sshll.u32 s28, $0x1;
	[dreg:$0x2] =	wrdreg s3  }
0xaf: {  	[dreg:$0x3] =	wrdreg s5  }
0xb0: {  	[dreg:$0x4] =	wrdreg $0xC0  }
0xb1: {  	_ =	task [dreg:s7], $0x5FFFF  }
0xb2: {  	[dreg:$0x1] =	wrdreg $0xFFFFFFFF  }
0xb3: {  	[dreg:$0x0] =	wrdreg $0x60  }
0xb4: {  	[dreg:$0x2] =	wrdreg s16  }
0xb5: {  	[dreg:$0x3] =	wrdreg s24  }
0xb6: {  	[dreg:$0x4] =	wrdreg $0xA9800  }
0xb7: {  	[dreg:$0x5] =	wrdreg $0x9  }
0xb8: {  	_ =	task.clear_ibuf [dreg:s7], $0x6FFFF;
	_ =	strace $0x9000004C  }
0xb9: {  	s29 =	simm.s32 $0x9;
	_ =	strace $0x8000004E  }
0xba: {  	_ =	swait.ge [sflag:s29], $0x1  }
0xbb: {  	[sflag:s29] =	ssyncadd.s32 $0xFFFFFFFF  }
0xbc: {  	_ =	strace $0x9000004E  }
0xbd: {  	_ =	sfence  }
0xbe: {  	s30 =	sld [smem:$0x0];
	_ =	sdelay $0x2  }
0xbf: {  	s31 =	sshll.u32 s1, $0xD;
	s1 =	sshrl.u32 s1, $0x2  }
0xc0: {  	s3 =	sand.u32 $0x4000, s31;
	s1 =	sadd.s32 s1, s30  }
0xc1: {  	s0 =	sor.u32 s3, s0;
	s1 =	sshll.u32 s1, $0x11  }
0xc2: {  	s0 =	sor.u32 s1, s0  }
0xc3: {  	s0 =	sadd.s32 $0x8F2B, s0  }
0xc4: {  	[sflag:s0] =	ssyncadd.remote.s32 $0x1  }
0xc5: {  	_ =	sfence.sel $0xFFFF  }
0xc6: {  	[dreg:$0x0] =	wrdreg $0xFFFFFFFF;
	(pc) =	sbr.abs _section_cstart, $3  }
0xc7: {  	[dreg:$0x1] =	wrdreg $0xFFFFFFFF  }
0xc8: {  	_ =	task.clear_ibuf [dreg:s7], $0x2FFFF;
	_ =	strace $0x9FFFFFFF  }
0xc9: {  	(tm) =	ssettm $0x7FFFFFFF  }
tec
execute0_lowered:
.L_overlay_start_1:
0x0: {  	(tag) =	ssettag $0x1  }
0x1: {  	s6 =	rddreg [dreg:$0x0]  }
0x2: {  	s4 =	rddreg [dreg:$0x1]  }
0x3: {  	s2 =	rddreg [dreg:$0x2]  }
0x4: {  	s0 =	rddreg [dreg:$0x3]  }
0x5: {  	s1 =	stileid.u32;
	s7 =	srdreg.scid;
	s3 =	simm.s32 $0x0  }
0x6: {  	s14 =	simm.s32 $0x2980;
	s15 =	simm.s32 $0x2880;
	s16 =	simm.s32 $0x6980  }
0x7: {  	s17 =	simm.s32 $0x1;
	s18 =	simm.s32 $0x2900;
	s5 =	smul.u32 $0x500, s1  }
0x8: {  	s19 =	simm.s32 $0x2;
	s20 =	simm.s32 $0x0;
	s8 =	smul.u32 $0x28000, s1  }
0x9: {  	s7 =	sand.u32 $0x1, s7;
	[smem:$0x7FF] =	sst s3;
	s31 =	sshll.u32 s1, $0x6  }
0xa: {  	s9 =	smul.u32 $0x280000, s7;
	_ =	strace $0x8000004D;
	s7 =	ssub.s32 $0x2, s7  }
0xb: {  	s5 =	sadd.s32 s5, s4;
	s11 =	sshrl.u32 s8, $0x4;
	s12 =	sshrl.u32 s7, $0x1  }
0xc: {  	s29 =	sshrl.u32 s8, $0x1;
	s10 =	sadd.s32 s8, s9;
	s11 =	sadd.s32 s11, s4  }
0xd: {  	s12 =	ssub.s32 s7, s12;
	s30 =	sshrl.u32 s9, $0x4;
	s13 =	sadd.s32 s29, s2  }
0xe: {  	s9 =	simm.s32 $0x3;
	s10 =	sshrl.u32 s10, $0x4;
	s6 =	sadd.s32 s6, s30  }
0xf: {  	s8 =	smax.u32 s12, $0x1;
	s12 =	simm.s32 $0x80;
	s10 =	sadd.s32 s10, s4  }
0x10: {  	s4 =	sadd.s32 $0x125A00, s5;
	s5 =	sadd.s32 $0x8200, s11;
	s11 =	sshrl.u32 s13, $0x3  }
0x11: {  	s13 =	simm.s32 $0x2800;
	s7 =	sadd.s32 $0x12AA00, s10;
	s10 =	sor.u32 $0x1C03, s31  }
.LBB2_1:
0x12: {  	[tilespmem:s3], [sflag:$0x3] =	stream.linear.gather [hbm4b:s4+s3], $0x2800, $0x38;
	[tilespmem:$0x1E980] =	vst v63  }
0x13: {  	_ =	swait.ge [sflag:s9], $0x2800  }
0x14: {  	[sflag:s9] =	ssyncset.done $0x0  }
0x15: {  	[sflag:s9] =	ssyncadd.s32 $0xFFFFD800  }
0x16: {  	[spmem:s11], [sflag:s10] =	dma.local [hbm:s5], $0x2800  }
0x17: {  	_ =	swait.ge [sflag:s9], $0x2800  }
0x18: {  	[sflag:s9] =	ssyncset.done $0x0  }
0x19: {  	[sflag:s9] =	ssyncadd.s32 $0xFFFFD800  }
0x1a: {  	[bflag:$0x0] =	sbarrier.arrive $0xFFFF  }
0x1b: {  	v0 =	vld [tilespmem:$0x0]  }
0x1c: {  	v1 =	vld [tilespmem:$0x10]  }
0x1d: {  	v2 =	vld [tilespmem:$0x20]  }
0x1e: {  	v3 =	vld [tilespmem:$0x30]  }
0x1f: {  	v4 =	vld [tilespmem:$0x40]  }
0x20: {  	v5 =	vld [tilespmem:$0x50];
	v0 =	vand.u32 $0xFFFF, v0  }
0x21: {  	v41 =	vld [tilespmem:$0x60];
	v40 =	vand.u32 $0xFFFF, v1;
	[tilespmem:$0x2800] =	vst v0  }
0x22: {  	v43 =	vld [tilespmem:$0x70];
	v42 =	vand.u32 $0xFFFF, v2;
	[tilespmem:$0x2810] =	vst v40  }
0x23: {  	v44 =	vand.u32 $0xFFFF, v3;
	[tilespmem:$0x2820] =	vst v42  }
0x24: {  	v45 =	vand.u32 $0xFFFF, v4;
	[tilespmem:$0x2830] =	vst v44  }
0x25: {  	v46 =	vand.u32 $0xFFFF, v5;
	[tilespmem:$0x2840] =	vst v45  }
0x26: {  	v47 =	vand.u32 $0xFFFF, v41;
	[tilespmem:$0x2850] =	vst v46  }
0x27: {  	v48 =	vand.u32 $0xFFFF, v43;
	[tilespmem:$0x2860] =	vst v47  }
0x28: {  	[tilespmem:$0x2870] =	vst v48  }
0x29: {  	[tilespmem:s14], [sflag:$0x1] =	stream.indirect.gather [hbm4b:s6+s12], $0x80, s13, s12, $0xb8;
	[tilespmem:$0x1E980] =	vst v63  }
0x2a: {  	v49 =	vld [tilespmem:$0x80]  }
0x2b: {  	v50 =	vld [tilespmem:$0x90]  }
0x2c: {  	v51 =	vld [tilespmem:$0xA0]  }
0x2d: {  	v52 =	vld [tilespmem:$0xB0]  }
0x2e: {  	v53 =	vld [tilespmem:$0xC0]  }
0x2f: {  	v54 =	vld [tilespmem:$0xD0];
	v0 =	vand.u32 $0xFFFF, v49  }
0x30: {  	v56 =	vld [tilespmem:$0xE0];
	v55 =	vand.u32 $0xFFFF, v50;
	[tilespmem:$0x2880] =	vst v0  }
0x31: {  	v58 =	vld [tilespmem:$0xF0];
	v57 =	vand.u32 $0xFFFF, v51;
	[tilespmem:$0x2890] =	vst v55  }
0x32: {  	v59 =	vand.u32 $0xFFFF, v52;
	[tilespmem:$0x28A0] =	vst v57  }
0x33: {  	v60 =	vand.u32 $0xFFFF, v53;
	[tilespmem:$0x28B0] =	vst v59  }
0x34: {  	v61 =	vand.u32 $0xFFFF, v54;
	[tilespmem:$0x28C0] =	vst v60  }
0x35: {  	v62 =	vand.u32 $0xFFFF, v56;
	[tilespmem:$0x28D0] =	vst v61  }
0x36: {  	v63 =	vand.u32 $0xFFFF, v58;
	[tilespmem:$0x28E0] =	vst v62  }
0x37: {  	s21 =	simm.s32 $0x0;
	[tilespmem:$0x28F0] =	vst v63  }
0x38: {  	[tilespmem:s16], [sflag:$0x2] =	stream.indirect.gather [hbm4b:s6+s12], $0x80, s15, s12, $0xb8;
	[tilespmem:$0x1E980] =	vst v63  }
.LBB2_2:
0x39: {  	s22 =	sshra.s32 s21, $0x2  }
0x3a: {  	v0 =	vld [tilespmem:s22+$0x0];
	_ =	sdelay $0x4  }
0x3b: {  	v0 =	vshrl.u32 v0, $0x10  }
0x3c: {  	[tilespmem:$0x2900] =	vst v0  }
0x3d: {  	v0 =	vld [tilespmem:s22+$0x10];
	_ =	sdelay $0x4  }
0x3e: {  	v0 =	vshrl.u32 v0, $0x10  }
0x3f: {  	[tilespmem:$0x2910] =	vst v0  }
0x40: {  	v0 =	vld [tilespmem:s22+$0x20];
	_ =	sdelay $0x4  }
0x41: {  	v0 =	vshrl.u32 v0, $0x10  }
0x42: {  	[tilespmem:$0x2920] =	vst v0  }
0x43: {  	v0 =	vld [tilespmem:s22+$0x30];
	_ =	sdelay $0x4  }
0x44: {  	v0 =	vshrl.u32 v0, $0x10  }
0x45: {  	[tilespmem:$0x2930] =	vst v0  }
0x46: {  	v0 =	vld [tilespmem:s22+$0x40];
	_ =	sdelay $0x4  }
0x47: {  	v0 =	vshrl.u32 v0, $0x10  }
0x48: {  	[tilespmem:$0x2940] =	vst v0  }
0x49: {  	v0 =	vld [tilespmem:s22+$0x50];
	_ =	sdelay $0x4  }
0x4a: {  	v0 =	vshrl.u32 v0, $0x10  }
0x4b: {  	[tilespmem:$0x2950] =	vst v0  }
0x4c: {  	v0 =	vld [tilespmem:s22+$0x60];
	_ =	sdelay $0x4  }
0x4d: {  	v0 =	vshrl.u32 v0, $0x10  }
0x4e: {  	[tilespmem:$0x2960] =	vst v0  }
0x4f: {  	v0 =	vld [tilespmem:s22+$0x70];
	_ =	sdelay $0x4  }
0x50: {  	v0 =	vshrl.u32 v0, $0x10  }
0x51: {  	[tilespmem:$0x2970] =	vst v0  }
0x52: {  	_ =	swait.ge [sflag:s17], $0x4000  }
0x53: {  	[sflag:s17] =	ssyncset.done $0x0  }
0x54: {  	[sflag:s17] =	ssyncadd.s32 $0xFFFFC000  }
0x55: {  	[spmem:s2] =	stream.indirect.scatter.add.bf16 [tilespmem:s14], [sflag:$0x3], $0x80, s18, s12, $0xb8;
	[tilespmem:$0x1E980] =	vst v63  }
0x56: {  	_ =	swait.ge [sflag:s9], $0x4000  }
0x57: {  	p0 =	seq.s32 s21, $0x9C00;
	[sflag:s9] =	ssyncset.done $0x0  }
0x58: {  	s23 =	sshra.s32 @!p0 s21, $0x2;
	[sflag:s9] =	ssyncadd.s32 $0xFFFFC000  }
0x59: {  	v0 =	vld @!p0 [tilespmem:s23+$0x100];
	_ =	sdelay $0x4  }
0x5a: {  	v0 =	vand.u32 @!p0 $0xFFFF, v0  }
0x5b: {  	[tilespmem:$0x2800] =	vst @!p0 v0  }
0x5c: {  	v0 =	vld @!p0 [tilespmem:s23+$0x110];
	_ =	sdelay $0x4  }
0x5d: {  	v0 =	vand.u32 @!p0 $0xFFFF, v0  }
0x5e: {  	[tilespmem:$0x2810] =	vst @!p0 v0  }
0x5f: {  	v0 =	vld @!p0 [tilespmem:s23+$0x120];
	_ =	sdelay $0x4  }
0x60: {  	v0 =	vand.u32 @!p0 $0xFFFF, v0  }
0x61: {  	[tilespmem:$0x2820] =	vst @!p0 v0  }
0x62: {  	v0 =	vld @!p0 [tilespmem:s23+$0x130];
	_ =	sdelay $0x4  }
0x63: {  	v0 =	vand.u32 @!p0 $0xFFFF, v0  }
0x64: {  	[tilespmem:$0x2830] =	vst @!p0 v0  }
0x65: {  	v0 =	vld @!p0 [tilespmem:s23+$0x140];
	_ =	sdelay $0x4  }
0x66: {  	v0 =	vand.u32 @!p0 $0xFFFF, v0  }
0x67: {  	[tilespmem:$0x2840] =	vst @!p0 v0  }
0x68: {  	v0 =	vld @!p0 [tilespmem:s23+$0x150];
	_ =	sdelay $0x4  }
0x69: {  	v0 =	vand.u32 @!p0 $0xFFFF, v0  }
0x6a: {  	[tilespmem:$0x2850] =	vst @!p0 v0  }
0x6b: {  	v0 =	vld @!p0 [tilespmem:s23+$0x160];
	_ =	sdelay $0x4  }
0x6c: {  	v0 =	vand.u32 @!p0 $0xFFFF, v0  }
0x6d: {  	[tilespmem:$0x2860] =	vst @!p0 v0  }
0x6e: {  	v0 =	vld @!p0 [tilespmem:s23+$0x170];
	_ =	sdelay $0x4  }
0x6f: {  	v0 =	vand.u32 @!p0 $0xFFFF, v0  }
0x70: {  	s24 =	simm.s32 @!p0 $0x80;
	s25 =	simm.s32 @!p0 $0x2800;
	s26 =	simm.s32 @!p0 $0x2980;
	[tilespmem:$0x2870] =	vst @!p0 v0  }
0x71: {  	[tilespmem:s26], [sflag:$0x1] =	stream.indirect.gather @!p0 [hbm4b:s6+s24], $0x80, s25, s24, $0xb8;
	[tilespmem:$0x1E980] =	vst v63  }
0x72: {  	v0 =	vld [tilespmem:s22+$0x80];
	_ =	sdelay $0x4  }
0x73: {  	v0 =	vshrl.u32 v0, $0x10  }
0x74: {  	[tilespmem:$0x2900] =	vst v0  }
0x75: {  	v0 =	vld [tilespmem:s22+$0x90];
	_ =	sdelay $0x4  }
0x76: {  	v0 =	vshrl.u32 v0, $0x10  }
0x77: {  	[tilespmem:$0x2910] =	vst v0  }
0x78: {  	v0 =	vld [tilespmem:s22+$0xA0];
	_ =	sdelay $0x4  }
0x79: {  	v0 =	vshrl.u32 v0, $0x10  }
0x7a: {  	[tilespmem:$0x2920] =	vst v0  }
0x7b: {  	v0 =	vld [tilespmem:s22+$0xB0];
	_ =	sdelay $0x4  }
0x7c: {  	v0 =	vshrl.u32 v0, $0x10  }
0x7d: {  	[tilespmem:$0x2930] =	vst v0  }
0x7e: {  	v0 =	vld [tilespmem:s22+$0xC0];
	_ =	sdelay $0x4  }
0x7f: {  	v0 =	vshrl.u32 v0, $0x10  }
0x80: {  	[tilespmem:$0x2940] =	vst v0  }
0x81: {  	v0 =	vld [tilespmem:s22+$0xD0];
	_ =	sdelay $0x4  }
0x82: {  	v0 =	vshrl.u32 v0, $0x10  }
0x83: {  	[tilespmem:$0x2950] =	vst v0  }
0x84: {  	v0 =	vld [tilespmem:s22+$0xE0];
	_ =	sdelay $0x4  }
0x85: {  	v0 =	vshrl.u32 v0, $0x10  }
0x86: {  	[tilespmem:$0x2960] =	vst v0  }
0x87: {  	v0 =	vld [tilespmem:s22+$0xF0];
	_ =	sdelay $0x4  }
0x88: {  	v0 =	vshrl.u32 v0, $0x10  }
0x89: {  	[tilespmem:$0x2970] =	vst v0  }
0x8a: {  	_ =	swait.ge [sflag:s19], $0x4000  }
0x8b: {  	[sflag:s19] =	ssyncset.done $0x0  }
0x8c: {  	[sflag:s19] =	ssyncadd.s32 $0xFFFFC000  }
0x8d: {  	[spmem:s2] =	stream.indirect.scatter.add.bf16 [tilespmem:s16], [sflag:$0x3], $0x80, s18, s12, $0xb8;
	[tilespmem:$0x1E980] =	vst v63  }
0x8e: {  	_ =	swait.ge [sflag:s9], $0x4000  }
0x8f: {  	[sflag:s9] =	ssyncset.done $0x0  }
0x90: {  	[sflag:s9] =	ssyncadd.s32 $0xFFFFC000  }
0x91: {  	v0 =	vld @!p0 [tilespmem:s23+$0x180];
	_ =	sdelay $0x4  }
0x92: {  	v0 =	vand.u32 @!p0 $0xFFFF, v0  }
0x93: {  	[tilespmem:$0x2880] =	vst @!p0 v0  }
0x94: {  	v0 =	vld @!p0 [tilespmem:s23+$0x190];
	_ =	sdelay $0x4  }
0x95: {  	v0 =	vand.u32 @!p0 $0xFFFF, v0  }
0x96: {  	[tilespmem:$0x2890] =	vst @!p0 v0  }
0x97: {  	v0 =	vld @!p0 [tilespmem:s23+$0x1A0];
	_ =	sdelay $0x4  }
0x98: {  	v0 =	vand.u32 @!p0 $0xFFFF, v0  }
0x99: {  	[tilespmem:$0x28A0] =	vst @!p0 v0  }
0x9a: {  	v0 =	vld @!p0 [tilespmem:s23+$0x1B0];
	_ =	sdelay $0x4  }
0x9b: {  	v0 =	vand.u32 @!p0 $0xFFFF, v0  }
0x9c: {  	[tilespmem:$0x28B0] =	vst @!p0 v0  }
0x9d: {  	v0 =	vld @!p0 [tilespmem:s23+$0x1C0];
	_ =	sdelay $0x4  }
0x9e: {  	v0 =	vand.u32 @!p0 $0xFFFF, v0  }
0x9f: {  	[tilespmem:$0x28C0] =	vst @!p0 v0  }
0xa0: {  	v0 =	vld @!p0 [tilespmem:s23+$0x1D0];
	_ =	sdelay $0x4  }
0xa1: {  	v0 =	vand.u32 @!p0 $0xFFFF, v0  }
0xa2: {  	[tilespmem:$0x28D0] =	vst @!p0 v0  }
0xa3: {  	v0 =	vld @!p0 [tilespmem:s23+$0x1E0];
	_ =	sdelay $0x4  }
0xa4: {  	v0 =	vand.u32 @!p0 $0xFFFF, v0  }
0xa5: {  	[tilespmem:$0x28E0] =	vst @!p0 v0  }
0xa6: {  	v0 =	vld @!p0 [tilespmem:s23+$0x1F0];
	_ =	sdelay $0x4  }
0xa7: {  	s21 =	sadd.s32 @!p0 $0x400, s21;
	v0 =	vand.u32 @!p0 $0xFFFF, v0  }
0xa8: {  	p1 =	sne.s32 @!p0 s21, $0xA000;
	s22 =	simm.s32 @!p0 $0x2880;
	s23 =	simm.s32 @!p0 $0x6980;
	[tilespmem:$0x28F0] =	vst @!p0 v0  }
0xa9: {  	[tilespmem:s23], [sflag:$0x2] =	stream.indirect.gather @!p0 [hbm4b:s6+s24], $0x80, s22, s24, $0xb8;
	[tilespmem:$0x1E980] =	vst v63  }
0xaa: {  	p0 =	por p0, !p1  }
.Ltmp0:
0xab: {  	_ = 	snop;
	(pc) =	sbr.rel @!p0 .LBB2_2-.Ltmp0, $1  }
0xac: {  	_ =	sdelay $0x3  }
0xad: {  	s20 =	sadd.s32 $0x1, s20  }
0xae: {  	p0 =	sne.s32 s20, s8  }
.Ltmp1:
0xaf: {  	[bflag:$0x0] =	sbarrier.arrive $0xFFFF;
	(pc) =	sbr.rel @p0 .LBB2_1-.Ltmp1, $4  }
0xb0: {  	[hbm:s7], [sflag:s10] =	dma.local [spmem:s11], $0x2800  }
0xb1: {  	_ =	swait.ge [sflag:s9], $0x2800  }
0xb2: {  	[sflag:s9] =	ssyncset.done $0x0  }
0xb3: {  	[sflag:s9] =	ssyncadd.s32 $0xFFFFD800  }
0xb4: {  	_ =	sfence.sel $0x180000  }
0xb5: {  	[bflag:$0x0] =	sbarrier.arrive $0xFFFF  }
0xb6: {  	p0 =	sne.s32 s1, $0x0;
	_ =	strace $0x9000004D  }
0xb7: {  	s0 =	sadd.s32 @!p0 $0x100000, s0;
	[bflag:$0x2] =	sbarrier.arrive $0xFFFF  }
0xb8: {  	[sflag:s0] =	ssyncadd.tile.s32 @!p0 $0x1;
	_ =	shalt  }
.Lfunc_end2:
_tile_overlayer_lowered:
.L_overlay_start_2:
0xb9: {  	(tag) =	ssettag $0x2  }
0xba: {  	s0 =	rddreg [dreg:$0x0];
	s2 =	stileid.u32  }
0xbb: {  	s1 =	rddreg [dreg:$0x1];
	p0 =	sne.s32 s2, $0x0  }
0xbc: {  	s3 =	rddreg [dreg:$0x2];
	[bflag:$0x3] =	sbarrier.arrive $0xFFFF;
	s2 =	simm.s32 @!p0 $0x1C03  }
0xbd: {  	[timem:s3], [sflag:s2] =	dma.local @!p0 [hbm:s0], s1  }
0xbe: {  	s0 =	simm.s32 @!p0 $0x3  }
0xbf: {  	_ =	swait.ge @!p0 [sflag:s0], s1  }
0xc0: {  	s1 =	ssub.s32 @!p0 $0x0, s1;
	[sflag:s0] =	ssyncset.done @!p0 $0x0  }
0xc1: {  	[sflag:s0] =	ssyncadd.s32 @!p0 s1  }
0xc2: {  	[bflag:$0x3] =	sbarrier.arrive $0xFFFF  }
0xc3: {  	_ =	shalt  }

// kernel: kernel.18.cloned.1.call-start
scs
__scs_entry_jumppad:
0x0: {  	(pc) =	sbr.rel $0x88, $3  }
0x1: {  	(tag) =	ssettag $0x0;
	lr =	simm.s32 $0x1  }
0x2: {  	[smem:$0x3F94] =	sst lr;
	_ =	strace $0xD0000000  }
0x3: {  	_ = 	snop  }
0x4: {  	_ = 	snop  }
0x5: {  	_ = 	snop  }
0x6: {  	_ = 	snop  }
0x7: {  	_ = 	snop  }
__scs_overlays_trampoline_lowered:
0x8: {  	[smem:$0x3FA3] =	sst s0  }
0x9: {  	[smem:$0x3FA4] =	sst s1  }
0xa: {  	[smem:$0x3FA5] =	sst s2  }
0xb: {  	[smem:$0x3FA6] =	sst s3  }
0xc: {  	[smem:$0x3FA7] =	sst s4  }
0xd: {  	[smem:$0x3FA8] =	sst s5  }
0xe: {  	[smem:$0x3FA9] =	sst s6  }
0xf: {  	[smem:$0x3FAA] =	sst s7  }
0x10: {  	[smem:$0x3FAB] =	sst s8  }
0x11: {  	[smem:$0x3FAC] =	sst s9;
	s0 =	simm.s32 @!p0 $0x0  }
0x12: {  	s1 =	sld [smem:$0x3F92];
	s0 =	simm.s32 @p0 $0x1  }
0x13: {  	[smem:$0x3FAD] =	sst s0;
	s0 =	simm.s32 @!p1 $0x0  }
0x14: {  	s2 =	sld [smem:$0x3F91];
	s0 =	simm.s32 @p1 $0x1  }
0x15: {  	[smem:$0x3FAE] =	sst s0;
	s0 =	simm.s32 @!p2 $0x0  }
0x16: {  	s3 =	sld [smem:$0x3FDB];
	s0 =	simm.s32 @p2 $0x1  }
0x17: {  	s4 =	simm.s32 $0x1BF5;
	[smem:$0x3FB0] =	sst s0  }
0x18: {  	s0 =	sld [smem:$0x3F93];
	_ =	swait.ge [sflag:s4], $0x0  }
0x19: {  	s7 =	sld [smem:$0x3F94]  }
0x1a: {  	s8 =	sadd.s32 $0xFFFFE003, lr  }
0x1b: {  	s9 =	sadd.s32 $0xFFFFFEF7, lr;
	s5 =	simm.s32 $0xFFFFFFFF;
	p2 =	slt.u32 s8, $0xFFFFF086  }
0x1c: {  	p1 =	slt.u32 s9, $0xF7A;
	s5 =	simm.s32 @!p2 $0x0  }
0x1d: {  	s5 =	simm.s32 @p1 $0x1;
	p0 =	seq.s32 s7, s2  }
0x1e: {  	s7 =	smul.u32 @!p0 $0xF7A, s2;
	p2 =	seq.s32 @!p0 s5, $0x0  }
0x1f: {  	s9 =	smul.u32 $0xF7A, s1;
	s8 =	simm.s32 @!p0 $0x1BF5;
	p2 =	por !p2, p0  }
0x20: {  	[sflag:s8] =	ssyncset.s32 @!p0 $0xFFFFF086;
	s6 =	sadd.s32 @!p0 s3, s7;
	s7 =	simm.s32 @!p0 $0x108  }
0x21: {  	s3 =	sadd.s32 s3, s9;
	s6 =	sadd.s32 @!p0 $0x88, s6;
	s7 =	simm.s32 @p2 $0x1082  }
0x22: {  	[simem:s7], [sflag:s8] =	dma.local @!p0 [hbm:s6], $0xF7A  }
0x23: {  	s9 =	sor.u32 $0xD0000000, s2;
	s6 =	simm.s32 $0x108;
	_ =	swait.ge @!p0 [sflag:s8], $0x0  }
0x24: {  	s3 =	sadd.s32 $0x88, s3;
	s6 =	simm.s32 @!p1 $0x1082;
	[sflag:s4] =	ssyncset.s32 $0xFFFFF086  }
0x25: {  	[simem:s6], [sflag:s4] =	dma.local [hbm:s3], $0xF7A  }
0x26: {  	[smem:$0x3F94] =	sst s1;
	(tag) =	ssettag s2;
	_ =	strace s9  }
0x27: {  	s1 =	sld [smem:$0x3FA4]  }
0x28: {  	s2 =	sld [smem:$0x3FA5]  }
0x29: {  	s4 =	sld [smem:$0x3FA7]  }
0x2a: {  	p0 =	seq.s32 s5, $0x0;
	s5 =	sld [smem:$0x3FA8]  }
0x2b: {  	s6 =	sld [smem:$0x3FA9]  }
0x2c: {  	s7 =	sld [smem:$0x3FAA]  }
0x2d: {  	s3 =	simm.s32 $0x108;
	s8 =	sld [smem:$0x3FAB]  }
0x2e: {  	s3 =	simm.s32 @!p0 $0x1082;
	s9 =	sld [smem:$0x3FAC]  }
0x2f: {  	lr =	sadd.s32 s0, s3;
	s0 =	sld [smem:$0x3FA3]  }
0x30: {  	s3 =	sld [smem:$0x3FA6]  }
0x31: {  	[smem:$0x3FAF] =	sst s10  }
0x32: {  	s10 =	sld [smem:$0x3FAD];
	_ =	sdelay $0x3  }
0x33: {  	p0 =	seq.s32 s10, $0x1;
	s10 =	sld [smem:$0x3FAF];
	_ =	sdelay $0x3  }
0x34: {  	[smem:$0x3FAF] =	sst s10  }
0x35: {  	s10 =	sld [smem:$0x3FAE];
	_ =	sdelay $0x3  }
0x36: {  	p1 =	seq.s32 s10, $0x1;
	s10 =	sld [smem:$0x3FAF];
	_ =	sdelay $0x3  }
0x37: {  	[smem:$0x3FAF] =	sst s10  }
0x38: {  	s10 =	sld [smem:$0x3FB0]  }
0x39: {  	_ = 	snop;
	(pc) =	sbr.ind lr, $3  }
0x3a: {  	_ = 	snop  }
0x3b: {  	_ = 	snop  }
0x3c: {  	p2 =	seq.s32 s10, $0x1;
	s10 =	sld [smem:$0x3FAF]  }
0x3d: {  	_ =	shalt  }
0x3e: {  	_ =	shalt  }
0x3f: {  	_ =	shalt  }
0x40: {  	_ =	shalt  }
0x41: {  	_ =	shalt  }
0x42: {  	_ =	shalt  }
0x43: {  	_ =	shalt  }
0x44: {  	_ =	shalt  }
0x45: {  	_ =	shalt  }
0x46: {  	_ =	shalt  }
0x47: {  	_ =	shalt  }
0x48: {  	_ =	shalt  }
0x49: {  	_ =	shalt  }
0x4a: {  	_ =	shalt  }
0x4b: {  	_ =	shalt  }
0x4c: {  	_ =	shalt  }
0x4d: {  	_ =	shalt  }
0x4e: {  	_ =	shalt  }
0x4f: {  	_ =	shalt  }
0x50: {  	_ =	shalt  }
0x51: {  	_ =	shalt  }
0x52: {  	_ =	shalt  }
0x53: {  	_ =	shalt  }
0x54: {  	_ =	shalt  }
0x55: {  	_ =	shalt  }
0x56: {  	_ =	shalt  }
0x57: {  	_ =	shalt  }
0x58: {  	_ =	shalt  }
0x59: {  	_ =	shalt  }
0x5a: {  	_ =	shalt  }
0x5b: {  	_ =	shalt  }
0x5c: {  	_ =	shalt  }
0x5d: {  	_ =	shalt  }
0x5e: {  	_ =	shalt  }
0x5f: {  	_ =	shalt  }
0x60: {  	_ =	shalt  }
0x61: {  	_ =	shalt  }
0x62: {  	_ =	shalt  }
0x63: {  	_ =	shalt  }
0x64: {  	_ =	shalt  }
0x65: {  	_ =	shalt  }
0x66: {  	_ =	shalt  }
0x67: {  	_ =	shalt  }
0x68: {  	_ =	shalt  }
0x69: {  	_ =	shalt  }
0x6a: {  	_ =	shalt  }
0x6b: {  	_ =	shalt  }
0x6c: {  	_ =	shalt  }
0x6d: {  	_ =	shalt  }
0x6e: {  	_ =	shalt  }
0x6f: {  	_ =	shalt  }
0x70: {  	_ =	shalt  }
0x71: {  	_ =	shalt  }
0x72: {  	_ =	shalt  }
0x73: {  	_ =	shalt  }
0x74: {  	_ =	shalt  }
0x75: {  	_ =	shalt  }
0x76: {  	_ =	shalt  }
0x77: {  	_ =	shalt  }
0x78: {  	_ =	shalt  }
0x79: {  	_ =	shalt  }
0x7a: {  	_ =	shalt  }
0x7b: {  	_ =	shalt  }
0x7c: {  	_ =	shalt  }
0x7d: {  	_ =	shalt  }
0x7e: {  	_ =	shalt  }
0x7f: {  	_ =	shalt  }
0x80: {  	_ =	shalt  }
0x81: {  	_ =	shalt  }
0x82: {  	_ =	shalt  }
0x83: {  	_ =	shalt  }
0x84: {  	_ =	shalt  }
0x85: {  	_ =	shalt  }
0x86: {  	_ =	shalt  }
0x87: {  	_ =	shalt  }
.Lfunc_end0:
.L_simem_size_0:
called_computation.3_lowered:
.L_overlay_start_0:
0x88: {  	s2 =	sld [smem:$0x3FD9]  }
0x89: {  	s3 =	sld [smem:$0x3FFE];
	_ =	sdelay $0x1  }
0x8a: {  	s1 =	srdreg.scid  }
0x8b: {  	s0 =	sand.u32 $0x1, s1  }
0x8c: {  	s14 =	sshll.u32 s0, $0xA;
	s2 =	sadd.s32 s3, s2  }
0x8d: {  	s2 =	sadd.s32 s2, s14  }
0x8e: {  	[smem:$0x3FBB] =	sst s2  }
0x8f: {  	_ = 	snop  }
0x90: {  	s2 =	sld [smem:$0x3FD0];
	_ =	sdelay $0x2  }
0x91: {  	s15 =	simm.s32 $0xB;
	s4 =	simm.s32 $0x10  }
0x92: {  	[smem:s4], [sflag:s15] =	dma.local [hbm:s2], $0x1  }
0x93: {  	_ =	swait.eq [sflag:s15], $0x1  }
0x94: {  	[sflag:s15] =	ssyncset.done $0x0  }
0x95: {  	[sflag:s15] =	ssyncadd.s32 $0xFFFFFFFF  }
0x96: {  	s16 =	sld [smem:$0x10];
	(tm) =	ssettm $0x1  }
0x97: {  	s17 =	sld [smem:$0x3FFB];
	_ =	sdelay $0x3  }
0x98: {  	_ =	strace s17  }
0x99: {  	s3 =	sld [smem:$0x3FFC];
	_ =	sdelay $0x3  }
0x9a: {  	_ =	strace s3  }
0x9b: {  	s3 =	sld [smem:$0x3FFD];
	_ =	sdelay $0x3  }
0x9c: {  	_ =	strace s3  }
0x9d: {  	_ =	strace $0x8FFFFFFF  }
0x9e: {  	s18 =	sld [smem:$0x3FDB];
	_ =	sdelay $0x1  }
0x9f: {  	s19 =	simm.s32 $_scs_section_size  }
0xa0: {  	s5 =	simm.s32 $_size__tile_overlayer_lowered;
	s6 =	simm.s32 $_tile_overlayer_lowered  }
0xa1: {  	s22 =	simm.s32 $0x1BFF;
	s21 =	sshll.u32 s6, $0x1;
	s3 =	sadd.s32 s19, s18  }
0xa2: {  	s7 =	simm.s32 $0x0;
	s20 =	sshll.u32 s5, $0x1;
	s5 =	sadd.s32 s21, s3  }
0xa3: {  	[timem:s7], [sflag:s22] =	dma.local [hbm:s5], s20  }
0xa4: {  	_ =	swait.ge [sflag:s22], s20  }
0xa5: {  	s4 =	ssub.s32 $0x0, s20;
	[sflag:s22] =	ssyncset.done $0x0  }
0xa6: {  	[sflag:s22] =	ssyncadd.s32 s4;
	_ =	sdelay $0x1  }
0xa7: {  	s23 =	simm.s32 $0x1B8B  }
0xa8: {  	_ =	swait.ge [sflag:s23], $0x1  }
0xa9: {  	[sflag:s23] =	ssyncset.done $0x0  }
0xaa: {  	s25 =	simm.s32 $0x1B8E;
	s24 =	sld [smem:$0x3FFE];
	[sflag:s23] =	ssyncadd.s32 $0xFFFFFFFF  }
0xab: {  	s26 =	simm.s32 $execute0_lowered;
	[smem:$0x3FD2] =	sst s25  }
0xac: {  	s5 =	sshll.u32 s26, $0x1;
	_ =	strace $0x8000004F;
	[dreg:$0x1] =	wrdreg $0xFFFFFFFF  }
0xad: {  	s28 =	simm.s32 $_size_execute0_lowered;
	s3 =	sadd.s32 s3, s5;
	[dreg:$0x0] =	wrdreg $0x0  }
0xae: {  	s5 =	sshll.u32 s28, $0x1;
	[dreg:$0x2] =	wrdreg s3  }
0xaf: {  	[dreg:$0x3] =	wrdreg s5  }
0xb0: {  	[dreg:$0x4] =	wrdreg $0xC0  }
0xb1: {  	_ =	task [dreg:s7], $0x5FFFF  }
0xb2: {  	[dreg:$0x1] =	wrdreg $0xFFFFFFFF  }
0xb3: {  	[dreg:$0x0] =	wrdreg $0x60  }
0xb4: {  	[dreg:$0x2] =	wrdreg s16  }
0xb5: {  	[dreg:$0x3] =	wrdreg s24  }
0xb6: {  	[dreg:$0x4] =	wrdreg $0xA9800  }
0xb7: {  	[dreg:$0x5] =	wrdreg $0x9  }
0xb8: {  	_ =	task.clear_ibuf [dreg:s7], $0x6FFFF;
	_ =	strace $0x9000004F  }
0xb9: {  	s29 =	simm.s32 $0x9;
	_ =	strace $0x80000051  }
0xba: {  	_ =	swait.ge [sflag:s29], $0x1  }
0xbb: {  	[sflag:s29] =	ssyncadd.s32 $0xFFFFFFFF  }
0xbc: {  	_ =	strace $0x90000051  }
0xbd: {  	_ =	sfence  }
0xbe: {  	s30 =	sld [smem:$0x0];
	_ =	sdelay $0x2  }
0xbf: {  	s31 =	sshll.u32 s1, $0xD;
	s1 =	sshrl.u32 s1, $0x2  }
0xc0: {  	s3 =	sand.u32 $0x4000, s31;
	s1 =	sadd.s32 s1, s30  }
0xc1: {  	s0 =	sor.u32 s3, s0;
	s1 =	sshll.u32 s1, $0x11  }
0xc2: {  	s0 =	sor.u32 s1, s0  }
0xc3: {  	s0 =	sadd.s32 $0x8F2B, s0  }
0xc4: {  	[sflag:s0] =	ssyncadd.remote.s32 $0x1  }
0xc5: {  	_ =	sfence.sel $0xFFFF  }
0xc6: {  	[dreg:$0x0] =	wrdreg $0xFFFFFFFF;
	(pc) =	sbr.abs _section_cstart, $3  }
0xc7: {  	[dreg:$0x1] =	wrdreg $0xFFFFFFFF  }
0xc8: {  	_ =	task.clear_ibuf [dreg:s7], $0x2FFFF;
	_ =	strace $0x9FFFFFFF  }
0xc9: {  	(tm) =	ssettm $0x7FFFFFFF  }
tec
execute0_lowered:
.L_overlay_start_1:
0x0: {  	(tag) =	ssettag $0x1  }
0x1: {  	s6 =	rddreg [dreg:$0x0]  }
0x2: {  	s4 =	rddreg [dreg:$0x1]  }
0x3: {  	s2 =	rddreg [dreg:$0x2]  }
0x4: {  	s0 =	rddreg [dreg:$0x3]  }
0x5: {  	s1 =	stileid.u32;
	s7 =	srdreg.scid;
	s3 =	simm.s32 $0x0  }
0x6: {  	s14 =	simm.s32 $0x2980;
	s15 =	simm.s32 $0x2880;
	s16 =	simm.s32 $0x6980  }
0x7: {  	s17 =	simm.s32 $0x1;
	s18 =	simm.s32 $0x2900;
	s5 =	smul.u32 $0x500, s1  }
0x8: {  	s19 =	simm.s32 $0x2;
	s20 =	simm.s32 $0x0;
	s8 =	smul.u32 $0x28000, s1  }
0x9: {  	s7 =	sand.u32 $0x1, s7;
	[smem:$0x7FF] =	sst s3;
	s31 =	sshll.u32 s1, $0x6  }
0xa: {  	s9 =	smul.u32 $0x280000, s7;
	_ =	strace $0x80000050;
	s7 =	ssub.s32 $0x2, s7  }
0xb: {  	s5 =	sadd.s32 s5, s4;
	s11 =	sshrl.u32 s8, $0x4;
	s12 =	sshrl.u32 s7, $0x1  }
0xc: {  	s29 =	sshrl.u32 s8, $0x1;
	s10 =	sadd.s32 s8, s9;
	s11 =	sadd.s32 s11, s4  }
0xd: {  	s12 =	ssub.s32 s7, s12;
	s30 =	sshrl.u32 s9, $0x4;
	s13 =	sadd.s32 s29, s2  }
0xe: {  	s9 =	simm.s32 $0x3;
	s10 =	sshrl.u32 s10, $0x4;
	s6 =	sadd.s32 s6, s30  }
0xf: {  	s8 =	smax.u32 s12, $0x1;
	s12 =	simm.s32 $0x80;
	s10 =	sadd.s32 s10, s4  }
0x10: {  	s4 =	sadd.s32 $0x125A00, s5;
	s5 =	sadd.s32 $0x8200, s11;
	s11 =	sshrl.u32 s13, $0x3  }
0x11: {  	s13 =	simm.s32 $0x2800;
	s7 =	sadd.s32 $0x30200, s10;
	s10 =	sor.u32 $0x1C03, s31  }
.LBB2_1:
0x12: {  	[tilespmem:s3], [sflag:$0x3] =	stream.linear.gather [hbm4b:s4+s3], $0x2800, $0x38;
	[tilespmem:$0x1E980] =	vst v63  }
0x13: {  	_ =	swait.ge [sflag:s9], $0x2800  }
0x14: {  	[sflag:s9] =	ssyncset.done $0x0  }
0x15: {  	[sflag:s9] =	ssyncadd.s32 $0xFFFFD800  }
0x16: {  	[spmem:s11], [sflag:s10] =	dma.local [hbm:s5], $0x2800  }
0x17: {  	_ =	swait.ge [sflag:s9], $0x2800  }
0x18: {  	[sflag:s9] =	ssyncset.done $0x0  }
0x19: {  	[sflag:s9] =	ssyncadd.s32 $0xFFFFD800  }
0x1a: {  	[bflag:$0x0] =	sbarrier.arrive $0xFFFF  }
0x1b: {  	v0 =	vld [tilespmem:$0x0]  }
0x1c: {  	v1 =	vld [tilespmem:$0x10]  }
0x1d: {  	v2 =	vld [tilespmem:$0x20]  }
0x1e: {  	v3 =	vld [tilespmem:$0x30]  }
0x1f: {  	v4 =	vld [tilespmem:$0x40]  }
0x20: {  	v5 =	vld [tilespmem:$0x50];
	v0 =	vand.u32 $0xFFFF, v0  }
0x21: {  	v41 =	vld [tilespmem:$0x60];
	v40 =	vand.u32 $0xFFFF, v1;
	[tilespmem:$0x2800] =	vst v0  }
0x22: {  	v43 =	vld [tilespmem:$0x70];
	v42 =	vand.u32 $0xFFFF, v2;
	[tilespmem:$0x2810] =	vst v40  }
0x23: {  	v44 =	vand.u32 $0xFFFF, v3;
	[tilespmem:$0x2820] =	vst v42  }
0x24: {  	v45 =	vand.u32 $0xFFFF, v4;
	[tilespmem:$0x2830] =	vst v44  }
0x25: {  	v46 =	vand.u32 $0xFFFF, v5;
	[tilespmem:$0x2840] =	vst v45  }
0x26: {  	v47 =	vand.u32 $0xFFFF, v41;
	[tilespmem:$0x2850] =	vst v46  }
0x27: {  	v48 =	vand.u32 $0xFFFF, v43;
	[tilespmem:$0x2860] =	vst v47  }
0x28: {  	[tilespmem:$0x2870] =	vst v48  }
0x29: {  	[tilespmem:s14], [sflag:$0x1] =	stream.indirect.gather [hbm4b:s6+s12], $0x80, s13, s12, $0xb8;
	[tilespmem:$0x1E980] =	vst v63  }
0x2a: {  	v49 =	vld [tilespmem:$0x80]  }
0x2b: {  	v50 =	vld [tilespmem:$0x90]  }
0x2c: {  	v51 =	vld [tilespmem:$0xA0]  }
0x2d: {  	v52 =	vld [tilespmem:$0xB0]  }
0x2e: {  	v53 =	vld [tilespmem:$0xC0]  }
0x2f: {  	v54 =	vld [tilespmem:$0xD0];
	v0 =	vand.u32 $0xFFFF, v49  }
0x30: {  	v56 =	vld [tilespmem:$0xE0];
	v55 =	vand.u32 $0xFFFF, v50;
	[tilespmem:$0x2880] =	vst v0  }
0x31: {  	v58 =	vld [tilespmem:$0xF0];
	v57 =	vand.u32 $0xFFFF, v51;
	[tilespmem:$0x2890] =	vst v55  }
0x32: {  	v59 =	vand.u32 $0xFFFF, v52;
	[tilespmem:$0x28A0] =	vst v57  }
0x33: {  	v60 =	vand.u32 $0xFFFF, v53;
	[tilespmem:$0x28B0] =	vst v59  }
0x34: {  	v61 =	vand.u32 $0xFFFF, v54;
	[tilespmem:$0x28C0] =	vst v60  }
0x35: {  	v62 =	vand.u32 $0xFFFF, v56;
	[tilespmem:$0x28D0] =	vst v61  }
0x36: {  	v63 =	vand.u32 $0xFFFF, v58;
	[tilespmem:$0x28E0] =	vst v62  }
0x37: {  	s21 =	simm.s32 $0x0;
	[tilespmem:$0x28F0] =	vst v63  }
0x38: {  	[tilespmem:s16], [sflag:$0x2] =	stream.indirect.gather [hbm4b:s6+s12], $0x80, s15, s12, $0xb8;
	[tilespmem:$0x1E980] =	vst v63  }
.LBB2_2:
0x39: {  	s22 =	sshra.s32 s21, $0x2  }
0x3a: {  	v0 =	vld [tilespmem:s22+$0x0];
	_ =	sdelay $0x4  }
0x3b: {  	v0 =	vshrl.u32 v0, $0x10  }
0x3c: {  	[tilespmem:$0x2900] =	vst v0  }
0x3d: {  	v0 =	vld [tilespmem:s22+$0x10];
	_ =	sdelay $0x4  }
0x3e: {  	v0 =	vshrl.u32 v0, $0x10  }
0x3f: {  	[tilespmem:$0x2910] =	vst v0  }
0x40: {  	v0 =	vld [tilespmem:s22+$0x20];
	_ =	sdelay $0x4  }
0x41: {  	v0 =	vshrl.u32 v0, $0x10  }
0x42: {  	[tilespmem:$0x2920] =	vst v0  }
0x43: {  	v0 =	vld [tilespmem:s22+$0x30];
	_ =	sdelay $0x4  }
0x44: {  	v0 =	vshrl.u32 v0, $0x10  }
0x45: {  	[tilespmem:$0x2930] =	vst v0  }
0x46: {  	v0 =	vld [tilespmem:s22+$0x40];
	_ =	sdelay $0x4  }
0x47: {  	v0 =	vshrl.u32 v0, $0x10  }
0x48: {  	[tilespmem:$0x2940] =	vst v0  }
0x49: {  	v0 =	vld [tilespmem:s22+$0x50];
	_ =	sdelay $0x4  }
0x4a: {  	v0 =	vshrl.u32 v0, $0x10  }
0x4b: {  	[tilespmem:$0x2950] =	vst v0  }
0x4c: {  	v0 =	vld [tilespmem:s22+$0x60];
	_ =	sdelay $0x4  }
0x4d: {  	v0 =	vshrl.u32 v0, $0x10  }
0x4e: {  	[tilespmem:$0x2960] =	vst v0  }
0x4f: {  	v0 =	vld [tilespmem:s22+$0x70];
	_ =	sdelay $0x4  }
0x50: {  	v0 =	vshrl.u32 v0, $0x10  }
0x51: {  	[tilespmem:$0x2970] =	vst v0  }
0x52: {  	_ =	swait.ge [sflag:s17], $0x4000  }
0x53: {  	[sflag:s17] =	ssyncset.done $0x0  }
0x54: {  	[sflag:s17] =	ssyncadd.s32 $0xFFFFC000  }
0x55: {  	[spmem:s2] =	stream.indirect.scatter.add.bf16 [tilespmem:s14], [sflag:$0x3], $0x80, s18, s12, $0xb8;
	[tilespmem:$0x1E980] =	vst v63  }
0x56: {  	_ =	swait.ge [sflag:s9], $0x4000  }
0x57: {  	p0 =	seq.s32 s21, $0x9C00;
	[sflag:s9] =	ssyncset.done $0x0  }
0x58: {  	s23 =	sshra.s32 @!p0 s21, $0x2;
	[sflag:s9] =	ssyncadd.s32 $0xFFFFC000  }
0x59: {  	v0 =	vld @!p0 [tilespmem:s23+$0x100];
	_ =	sdelay $0x4  }
0x5a: {  	v0 =	vand.u32 @!p0 $0xFFFF, v0  }
0x5b: {  	[tilespmem:$0x2800] =	vst @!p0 v0  }
0x5c: {  	v0 =	vld @!p0 [tilespmem:s23+$0x110];
	_ =	sdelay $0x4  }
0x5d: {  	v0 =	vand.u32 @!p0 $0xFFFF, v0  }
0x5e: {  	[tilespmem:$0x2810] =	vst @!p0 v0  }
0x5f: {  	v0 =	vld @!p0 [tilespmem:s23+$0x120];
	_ =	sdelay $0x4  }
0x60: {  	v0 =	vand.u32 @!p0 $0xFFFF, v0  }
0x61: {  	[tilespmem:$0x2820] =	vst @!p0 v0  }
0x62: {  	v0 =	vld @!p0 [tilespmem:s23+$0x130];
	_ =	sdelay $0x4  }
0x63: {  	v0 =	vand.u32 @!p0 $0xFFFF, v0  }
0x64: {  	[tilespmem:$0x2830] =	vst @!p0 v0  }
0x65: {  	v0 =	vld @!p0 [tilespmem:s23+$0x140];
	_ =	sdelay $0x4  }
0x66: {  	v0 =	vand.u32 @!p0 $0xFFFF, v0  }
0x67: {  	[tilespmem:$0x2840] =	vst @!p0 v0  }
0x68: {  	v0 =	vld @!p0 [tilespmem:s23+$0x150];
	_ =	sdelay $0x4  }
0x69: {  	v0 =	vand.u32 @!p0 $0xFFFF, v0  }
0x6a: {  	[tilespmem:$0x2850] =	vst @!p0 v0  }
0x6b: {  	v0 =	vld @!p0 [tilespmem:s23+$0x160];
	_ =	sdelay $0x4  }
0x6c: {  	v0 =	vand.u32 @!p0 $0xFFFF, v0  }
0x6d: {  	[tilespmem:$0x2860] =	vst @!p0 v0  }
0x6e: {  	v0 =	vld @!p0 [tilespmem:s23+$0x170];
	_ =	sdelay $0x4  }
0x6f: {  	v0 =	vand.u32 @!p0 $0xFFFF, v0  }
0x70: {  	s24 =	simm.s32 @!p0 $0x80;
	s25 =	simm.s32 @!p0 $0x2800;
	s26 =	simm.s32 @!p0 $0x2980;
	[tilespmem:$0x2870] =	vst @!p0 v0  }
0x71: {  	[tilespmem:s26], [sflag:$0x1] =	stream.indirect.gather @!p0 [hbm4b:s6+s24], $0x80, s25, s24, $0xb8;
	[tilespmem:$0x1E980] =	vst v63  }
0x72: {  	v0 =	vld [tilespmem:s22+$0x80];
	_ =	sdelay $0x4  }
0x73: {  	v0 =	vshrl.u32 v0, $0x10  }
0x74: {  	[tilespmem:$0x2900] =	vst v0  }
0x75: {  	v0 =	vld [tilespmem:s22+$0x90];
	_ =	sdelay $0x4  }
0x76: {  	v0 =	vshrl.u32 v0, $0x10  }
0x77: {  	[tilespmem:$0x2910] =	vst v0  }
0x78: {  	v0 =	vld [tilespmem:s22+$0xA0];
	_ =	sdelay $0x4  }
0x79: {  	v0 =	vshrl.u32 v0, $0x10  }
0x7a: {  	[tilespmem:$0x2920] =	vst v0  }
0x7b: {  	v0 =	vld [tilespmem:s22+$0xB0];
	_ =	sdelay $0x4  }
0x7c: {  	v0 =	vshrl.u32 v0, $0x10  }
0x7d: {  	[tilespmem:$0x2930] =	vst v0  }
0x7e: {  	v0 =	vld [tilespmem:s22+$0xC0];
	_ =	sdelay $0x4  }
0x7f: {  	v0 =	vshrl.u32 v0, $0x10  }
0x80: {  	[tilespmem:$0x2940] =	vst v0  }
0x81: {  	v0 =	vld [tilespmem:s22+$0xD0];
	_ =	sdelay $0x4  }
0x82: {  	v0 =	vshrl.u32 v0, $0x10  }
0x83: {  	[tilespmem:$0x2950] =	vst v0  }
0x84: {  	v0 =	vld [tilespmem:s22+$0xE0];
	_ =	sdelay $0x4  }
0x85: {  	v0 =	vshrl.u32 v0, $0x10  }
0x86: {  	[tilespmem:$0x2960] =	vst v0  }
0x87: {  	v0 =	vld [tilespmem:s22+$0xF0];
	_ =	sdelay $0x4  }
0x88: {  	v0 =	vshrl.u32 v0, $0x10  }
0x89: {  	[tilespmem:$0x2970] =	vst v0  }
0x8a: {  	_ =	swait.ge [sflag:s19], $0x4000  }
0x8b: {  	[sflag:s19] =	ssyncset.done $0x0  }
0x8c: {  	[sflag:s19] =	ssyncadd.s32 $0xFFFFC000  }
0x8d: {  	[spmem:s2] =	stream.indirect.scatter.add.bf16 [tilespmem:s16], [sflag:$0x3], $0x80, s18, s12, $0xb8;
	[tilespmem:$0x1E980] =	vst v63  }
0x8e: {  	_ =	swait.ge [sflag:s9], $0x4000  }
0x8f: {  	[sflag:s9] =	ssyncset.done $0x0  }
0x90: {  	[sflag:s9] =	ssyncadd.s32 $0xFFFFC000  }
0x91: {  	v0 =	vld @!p0 [tilespmem:s23+$0x180];
	_ =	sdelay $0x4  }
0x92: {  	v0 =	vand.u32 @!p0 $0xFFFF, v0  }
0x93: {  	[tilespmem:$0x2880] =	vst @!p0 v0  }
0x94: {  	v0 =	vld @!p0 [tilespmem:s23+$0x190];
	_ =	sdelay $0x4  }
0x95: {  	v0 =	vand.u32 @!p0 $0xFFFF, v0  }
0x96: {  	[tilespmem:$0x2890] =	vst @!p0 v0  }
0x97: {  	v0 =	vld @!p0 [tilespmem:s23+$0x1A0];
	_ =	sdelay $0x4  }
0x98: {  	v0 =	vand.u32 @!p0 $0xFFFF, v0  }
0x99: {  	[tilespmem:$0x28A0] =	vst @!p0 v0  }
0x9a: {  	v0 =	vld @!p0 [tilespmem:s23+$0x1B0];
	_ =	sdelay $0x4  }
0x9b: {  	v0 =	vand.u32 @!p0 $0xFFFF, v0  }
0x9c: {  	[tilespmem:$0x28B0] =	vst @!p0 v0  }
0x9d: {  	v0 =	vld @!p0 [tilespmem:s23+$0x1C0];
	_ =	sdelay $0x4  }
0x9e: {  	v0 =	vand.u32 @!p0 $0xFFFF, v0  }
0x9f: {  	[tilespmem:$0x28C0] =	vst @!p0 v0  }
0xa0: {  	v0 =	vld @!p0 [tilespmem:s23+$0x1D0];
	_ =	sdelay $0x4  }
0xa1: {  	v0 =	vand.u32 @!p0 $0xFFFF, v0  }
0xa2: {  	[tilespmem:$0x28D0] =	vst @!p0 v0  }
0xa3: {  	v0 =	vld @!p0 [tilespmem:s23+$0x1E0];
	_ =	sdelay $0x4  }
0xa4: {  	v0 =	vand.u32 @!p0 $0xFFFF, v0  }
0xa5: {  	[tilespmem:$0x28E0] =	vst @!p0 v0  }
0xa6: {  	v0 =	vld @!p0 [tilespmem:s23+$0x1F0];
	_ =	sdelay $0x4  }
0xa7: {  	s21 =	sadd.s32 @!p0 $0x400, s21;
	v0 =	vand.u32 @!p0 $0xFFFF, v0  }
0xa8: {  	p1 =	sne.s32 @!p0 s21, $0xA000;
	s22 =	simm.s32 @!p0 $0x2880;
	s23 =	simm.s32 @!p0 $0x6980;
	[tilespmem:$0x28F0] =	vst @!p0 v0  }
0xa9: {  	[tilespmem:s23], [sflag:$0x2] =	stream.indirect.gather @!p0 [hbm4b:s6+s24], $0x80, s22, s24, $0xb8;
	[tilespmem:$0x1E980] =	vst v63  }
0xaa: {  	p0 =	por p0, !p1  }
.Ltmp0:
0xab: {  	_ = 	snop;
	(pc) =	sbr.rel @!p0 .LBB2_2-.Ltmp0, $1  }
0xac: {  	_ =	sdelay $0x3  }
0xad: {  	s20 =	sadd.s32 $0x1, s20  }
0xae: {  	p0 =	sne.s32 s20, s8  }
.Ltmp1:
0xaf: {  	[bflag:$0x0] =	sbarrier.arrive $0xFFFF;
	(pc) =	sbr.rel @p0 .LBB2_1-.Ltmp1, $4  }
0xb0: {  	[hbm:s7], [sflag:s10] =	dma.local [spmem:s11], $0x2800  }
0xb1: {  	_ =	swait.ge [sflag:s9], $0x2800  }
0xb2: {  	[sflag:s9] =	ssyncset.done $0x0  }
0xb3: {  	[sflag:s9] =	ssyncadd.s32 $0xFFFFD800  }
0xb4: {  	_ =	sfence.sel $0x180000  }
0xb5: {  	[bflag:$0x0] =	sbarrier.arrive $0xFFFF  }
0xb6: {  	p0 =	sne.s32 s1, $0x0;
	_ =	strace $0x90000050  }
0xb7: {  	s0 =	sadd.s32 @!p0 $0x100000, s0;
	[bflag:$0x2] =	sbarrier.arrive $0xFFFF  }
0xb8: {  	[sflag:s0] =	ssyncadd.tile.s32 @!p0 $0x1;
	_ =	shalt  }
.Lfunc_end2:
_tile_overlayer_lowered:
.L_overlay_start_2:
0xb9: {  	(tag) =	ssettag $0x2  }
0xba: {  	s0 =	rddreg [dreg:$0x0];
	s2 =	stileid.u32  }
0xbb: {  	s1 =	rddreg [dreg:$0x1];
	p0 =	sne.s32 s2, $0x0  }
0xbc: {  	s3 =	rddreg [dreg:$0x2];
	[bflag:$0x3] =	sbarrier.arrive $0xFFFF;
	s2 =	simm.s32 @!p0 $0x1C03  }
0xbd: {  	[timem:s3], [sflag:s2] =	dma.local @!p0 [hbm:s0], s1  }
0xbe: {  	s0 =	simm.s32 @!p0 $0x3  }
0xbf: {  	_ =	swait.ge @!p0 [sflag:s0], s1  }
0xc0: {  	s1 =	ssub.s32 @!p0 $0x0, s1;
	[sflag:s0] =	ssyncset.done @!p0 $0x0  }
0xc1: {  	[sflag:s0] =	ssyncadd.s32 @!p0 s1  }
0xc2: {  	[bflag:$0x3] =	sbarrier.arrive $0xFFFF  }
0xc3: {  	_ =	shalt  }

// kernel: kernel.9.cloned.1.call-start
scs
__scs_entry_jumppad:
0x0: {  	(pc) =	sbr.rel $0x88, $3  }
0x1: {  	(tag) =	ssettag $0x0;
	lr =	simm.s32 $0x1  }
0x2: {  	[smem:$0x3F94] =	sst lr;
	_ =	strace $0xD0000000  }
0x3: {  	_ = 	snop  }
0x4: {  	_ = 	snop  }
0x5: {  	_ = 	snop  }
0x6: {  	_ = 	snop  }
0x7: {  	_ = 	snop  }
__scs_overlays_trampoline_lowered:
0x8: {  	[smem:$0x3FA3] =	sst s0  }
0x9: {  	[smem:$0x3FA4] =	sst s1  }
0xa: {  	[smem:$0x3FA5] =	sst s2  }
0xb: {  	[smem:$0x3FA6] =	sst s3  }
0xc: {  	[smem:$0x3FA7] =	sst s4  }
0xd: {  	[smem:$0x3FA8] =	sst s5  }
0xe: {  	[smem:$0x3FA9] =	sst s6  }
0xf: {  	[smem:$0x3FAA] =	sst s7  }
0x10: {  	[smem:$0x3FAB] =	sst s8  }
0x11: {  	[smem:$0x3FAC] =	sst s9;
	s0 =	simm.s32 @!p0 $0x0  }
0x12: {  	s1 =	sld [smem:$0x3F92];
	s0 =	simm.s32 @p0 $0x1  }
0x13: {  	[smem:$0x3FAD] =	sst s0;
	s0 =	simm.s32 @!p1 $0x0  }
0x14: {  	s2 =	sld [smem:$0x3F91];
	s0 =	simm.s32 @p1 $0x1  }
0x15: {  	[smem:$0x3FAE] =	sst s0;
	s0 =	simm.s32 @!p2 $0x0  }
0x16: {  	s3 =	sld [smem:$0x3FDB];
	s0 =	simm.s32 @p2 $0x1  }
0x17: {  	s4 =	simm.s32 $0x1BF5;
	[smem:$0x3FB0] =	sst s0  }
0x18: {  	s0 =	sld [smem:$0x3F93];
	_ =	swait.ge [sflag:s4], $0x0  }
0x19: {  	s7 =	sld [smem:$0x3F94]  }
0x1a: {  	s8 =	sadd.s32 $0xFFFFE003, lr  }
0x1b: {  	s9 =	sadd.s32 $0xFFFFFEF7, lr;
	s5 =	simm.s32 $0xFFFFFFFF;
	p2 =	slt.u32 s8, $0xFFFFF086  }
0x1c: {  	p1 =	slt.u32 s9, $0xF7A;
	s5 =	simm.s32 @!p2 $0x0  }
0x1d: {  	s5 =	simm.s32 @p1 $0x1;
	p0 =	seq.s32 s7, s2  }
0x1e: {  	s7 =	smul.u32 @!p0 $0xF7A, s2;
	p2 =	seq.s32 @!p0 s5, $0x0  }
0x1f: {  	s9 =	smul.u32 $0xF7A, s1;
	s8 =	simm.s32 @!p0 $0x1BF5;
	p2 =	por !p2, p0  }
0x20: {  	[sflag:s8] =	ssyncset.s32 @!p0 $0xFFFFF086;
	s6 =	sadd.s32 @!p0 s3, s7;
	s7 =	simm.s32 @!p0 $0x108  }
0x21: {  	s3 =	sadd.s32 s3, s9;
	s6 =	sadd.s32 @!p0 $0x88, s6;
	s7 =	simm.s32 @p2 $0x1082  }
0x22: {  	[simem:s7], [sflag:s8] =	dma.local @!p0 [hbm:s6], $0xF7A  }
0x23: {  	s9 =	sor.u32 $0xD0000000, s2;
	s6 =	simm.s32 $0x108;
	_ =	swait.ge @!p0 [sflag:s8], $0x0  }
0x24: {  	s3 =	sadd.s32 $0x88, s3;
	s6 =	simm.s32 @!p1 $0x1082;
	[sflag:s4] =	ssyncset.s32 $0xFFFFF086  }
0x25: {  	[simem:s6], [sflag:s4] =	dma.local [hbm:s3], $0xF7A  }
0x26: {  	[smem:$0x3F94] =	sst s1;
	(tag) =	ssettag s2;
	_ =	strace s9  }
0x27: {  	s1 =	sld [smem:$0x3FA4]  }
0x28: {  	s2 =	sld [smem:$0x3FA5]  }
0x29: {  	s4 =	sld [smem:$0x3FA7]  }
0x2a: {  	p0 =	seq.s32 s5, $0x0;
	s5 =	sld [smem:$0x3FA8]  }
0x2b: {  	s6 =	sld [smem:$0x3FA9]  }
0x2c: {  	s7 =	sld [smem:$0x3FAA]  }
0x2d: {  	s3 =	simm.s32 $0x108;
	s8 =	sld [smem:$0x3FAB]  }
0x2e: {  	s3 =	simm.s32 @!p0 $0x1082;
	s9 =	sld [smem:$0x3FAC]  }
0x2f: {  	lr =	sadd.s32 s0, s3;
	s0 =	sld [smem:$0x3FA3]  }
0x30: {  	s3 =	sld [smem:$0x3FA6]  }
0x31: {  	[smem:$0x3FAF] =	sst s10  }
0x32: {  	s10 =	sld [smem:$0x3FAD];
	_ =	sdelay $0x3  }
0x33: {  	p0 =	seq.s32 s10, $0x1;
	s10 =	sld [smem:$0x3FAF];
	_ =	sdelay $0x3  }
0x34: {  	[smem:$0x3FAF] =	sst s10  }
0x35: {  	s10 =	sld [smem:$0x3FAE];
	_ =	sdelay $0x3  }
0x36: {  	p1 =	seq.s32 s10, $0x1;
	s10 =	sld [smem:$0x3FAF];
	_ =	sdelay $0x3  }
0x37: {  	[smem:$0x3FAF] =	sst s10  }
0x38: {  	s10 =	sld [smem:$0x3FB0]  }
0x39: {  	_ = 	snop;
	(pc) =	sbr.ind lr, $3  }
0x3a: {  	_ = 	snop  }
0x3b: {  	_ = 	snop  }
0x3c: {  	p2 =	seq.s32 s10, $0x1;
	s10 =	sld [smem:$0x3FAF]  }
0x3d: {  	_ =	shalt  }
0x3e: {  	_ =	shalt  }
0x3f: {  	_ =	shalt  }
0x40: {  	_ =	shalt  }
0x41: {  	_ =	shalt  }
0x42: {  	_ =	shalt  }
0x43: {  	_ =	shalt  }
0x44: {  	_ =	shalt  }
0x45: {  	_ =	shalt  }
0x46: {  	_ =	shalt  }
0x47: {  	_ =	shalt  }
0x48: {  	_ =	shalt  }
0x49: {  	_ =	shalt  }
0x4a: {  	_ =	shalt  }
0x4b: {  	_ =	shalt  }
0x4c: {  	_ =	shalt  }
0x4d: {  	_ =	shalt  }
0x4e: {  	_ =	shalt  }
0x4f: {  	_ =	shalt  }
0x50: {  	_ =	shalt  }
0x51: {  	_ =	shalt  }
0x52: {  	_ =	shalt  }
0x53: {  	_ =	shalt  }
0x54: {  	_ =	shalt  }
0x55: {  	_ =	shalt  }
0x56: {  	_ =	shalt  }
0x57: {  	_ =	shalt  }
0x58: {  	_ =	shalt  }
0x59: {  	_ =	shalt  }
0x5a: {  	_ =	shalt  }
0x5b: {  	_ =	shalt  }
0x5c: {  	_ =	shalt  }
0x5d: {  	_ =	shalt  }
0x5e: {  	_ =	shalt  }
0x5f: {  	_ =	shalt  }
0x60: {  	_ =	shalt  }
0x61: {  	_ =	shalt  }
0x62: {  	_ =	shalt  }
0x63: {  	_ =	shalt  }
0x64: {  	_ =	shalt  }
0x65: {  	_ =	shalt  }
0x66: {  	_ =	shalt  }
0x67: {  	_ =	shalt  }
0x68: {  	_ =	shalt  }
0x69: {  	_ =	shalt  }
0x6a: {  	_ =	shalt  }
0x6b: {  	_ =	shalt  }
0x6c: {  	_ =	shalt  }
0x6d: {  	_ =	shalt  }
0x6e: {  	_ =	shalt  }
0x6f: {  	_ =	shalt  }
0x70: {  	_ =	shalt  }
0x71: {  	_ =	shalt  }
0x72: {  	_ =	shalt  }
0x73: {  	_ =	shalt  }
0x74: {  	_ =	shalt  }
0x75: {  	_ =	shalt  }
0x76: {  	_ =	shalt  }
0x77: {  	_ =	shalt  }
0x78: {  	_ =	shalt  }
0x79: {  	_ =	shalt  }
0x7a: {  	_ =	shalt  }
0x7b: {  	_ =	shalt  }
0x7c: {  	_ =	shalt  }
0x7d: {  	_ =	shalt  }
0x7e: {  	_ =	shalt  }
0x7f: {  	_ =	shalt  }
0x80: {  	_ =	shalt  }
0x81: {  	_ =	shalt  }
0x82: {  	_ =	shalt  }
0x83: {  	_ =	shalt  }
0x84: {  	_ =	shalt  }
0x85: {  	_ =	shalt  }
0x86: {  	_ =	shalt  }
0x87: {  	_ =	shalt  }
.Lfunc_end0:
.L_simem_size_0:
called_computation_lowered:
.L_overlay_start_0:
0x88: {  	s2 =	sld [smem:$0x3FD9]  }
0x89: {  	s3 =	sld [smem:$0x3FFE];
	_ =	sdelay $0x1  }
0x8a: {  	s1 =	srdreg.scid  }
0x8b: {  	s0 =	sand.u32 $0x1, s1  }
0x8c: {  	s17 =	sshll.u32 s0, $0xA;
	s2 =	sadd.s32 s3, s2  }
0x8d: {  	s2 =	sadd.s32 s2, s17  }
0x8e: {  	[smem:$0x3FBB] =	sst s2  }
0x8f: {  	_ = 	snop  }
0x90: {  	(tm) =	ssettm $0x1  }
0x91: {  	s18 =	sld [smem:$0x3FFB];
	_ =	sdelay $0x3  }
0x92: {  	_ =	strace s18  }
0x93: {  	s2 =	sld [smem:$0x3FFC];
	_ =	sdelay $0x3  }
0x94: {  	_ =	strace s2  }
0x95: {  	s2 =	sld [smem:$0x3FFD];
	_ =	sdelay $0x3  }
0x96: {  	_ =	strace s2  }
0x97: {  	_ =	strace $0x8FFFFFFF  }
0x98: {  	s19 =	sld [smem:$0x3FDB];
	_ =	sdelay $0x1  }
0x99: {  	s20 =	simm.s32 $_scs_section_size  }
0x9a: {  	s4 =	simm.s32 $_size__tile_overlayer_lowered;
	s5 =	simm.s32 $_tile_overlayer_lowered  }
0x9b: {  	s6 =	simm.s32 $0x1BFF;
	s21 =	sshll.u32 s5, $0x1;
	s3 =	sadd.s32 s20, s19  }
0x9c: {  	s22 =	simm.s32 $0x0;
	s4 =	sshll.u32 s4, $0x1;
	s5 =	sadd.s32 s21, s3  }
0x9d: {  	[timem:s22], [sflag:s6] =	dma.local [hbm:s5], s4  }
0x9e: {  	_ =	swait.ge [sflag:s6], s4  }
0x9f: {  	s4 =	ssub.s32 $0x0, s4;
	[sflag:s6] =	ssyncset.done $0x0  }
0xa0: {  	[sflag:s6] =	ssyncadd.s32 s4;
	_ =	sdelay $0x1  }
0xa1: {  	s23 =	simm.s32 $0x1B8B  }
0xa2: {  	_ =	swait.ge [sflag:s23], $0x1  }
0xa3: {  	[sflag:s23] =	ssyncset.done $0x0  }
0xa4: {  	[sflag:s23] =	ssyncadd.s32 $0xFFFFFFFF  }
0xa5: {  	s4 =	sld [smem:$0x0]  }
0xa6: {  	s5 =	sand.u32 $0xFFFFFFFE, s1  }
0xa7: {  	p0 =	sne.s32 s1, s5  }
0xa8: {  	s5 =	sshll.u32 @p0 s5, $0xE  }
0xa9: {  	s5 =	sadd.s32 @p0 $0x11B8D, s5;
	s6 =	sshll.u32 @p0 s4, $0x11  }
0xaa: {  	s5 =	sor.u32 @p0 s6, s5  }
0xab: {  	[sflag:s5] =	ssyncadd.remote.s32 @p0 $0x1;
	_ =	sdelay $0x1  }
0xac: {  	s5 =	simm.s32 @p0 $0x1B8D  }
0xad: {  	_ =	swait.eq @p0 [sflag:s5], $0x1  }
0xae: {  	[sflag:s5] =	ssyncadd.s32 @p0 $0xFFFFFFFF  }
0xaf: {  	s6 =	sshll.u32 @!p0 s1, $0xE  }
0xb0: {  	s6 =	sor.u32 @!p0 $0x4000, s6;
	s5 =	simm.s32 @!p0 $0x1B8D  }
0xb1: {  	s4 =	sshll.u32 @!p0 s4, $0x11;
	s6 =	sadd.s32 @!p0 $0x11B8D, s6;
	_ =	swait.eq @!p0 [sflag:s5], $0x1  }
0xb2: {  	s4 =	sor.u32 @!p0 s4, s6;
	[sflag:s5] =	ssyncadd.s32 @!p0 $0xFFFFFFFF  }
0xb3: {  	s25 =	simm.s32 $0x1B8E;
	s24 =	sld [smem:$0x3FFE];
	[sflag:s4] =	ssyncadd.remote.s32 @!p0 $0x1  }
0xb4: {  	s26 =	simm.s32 $execute0_lowered;
	[smem:$0x3FD2] =	sst s25  }
0xb5: {  	s5 =	sshll.u32 s26, $0x1;
	_ =	strace $0x80000049;
	[dreg:$0x1] =	wrdreg $0xFFFFFFFF  }
0xb6: {  	s28 =	simm.s32 $_size_execute0_lowered;
	s3 =	sadd.s32 s3, s5;
	[dreg:$0x0] =	wrdreg $0x0  }
0xb7: {  	s5 =	sshll.u32 s28, $0x1;
	[dreg:$0x2] =	wrdreg s3  }
0xb8: {  	[dreg:$0x3] =	wrdreg s5  }
0xb9: {  	[dreg:$0x4] =	wrdreg $0xC0  }
0xba: {  	_ =	task [dreg:s22], $0x5FFFF  }
0xbb: {  	[dreg:$0x1] =	wrdreg $0xFFFFFFFF  }
0xbc: {  	[dreg:$0x0] =	wrdreg $0x60  }
0xbd: {  	[dreg:$0x2] =	wrdreg s24  }
0xbe: {  	[dreg:$0x3] =	wrdreg $0x54000  }
0xbf: {  	[dreg:$0x4] =	wrdreg $0x9  }
0xc0: {  	_ =	task.clear_ibuf [dreg:s22], $0x5FFFF;
	_ =	strace $0x90000049  }
0xc1: {  	s29 =	simm.s32 $0x9;
	_ =	strace $0x8000004B  }
0xc2: {  	_ =	swait.ge [sflag:s29], $0x1  }
0xc3: {  	[sflag:s29] =	ssyncadd.s32 $0xFFFFFFFF  }
0xc4: {  	_ =	strace $0x9000004B  }
0xc5: {  	_ =	sfence  }
0xc6: {  	s30 =	sld [smem:$0x0];
	_ =	sdelay $0x2  }
0xc7: {  	s31 =	sshll.u32 s1, $0xD;
	s1 =	sshrl.u32 s1, $0x2  }
0xc8: {  	s4 =	sand.u32 $0x4000, s31;
	s1 =	sadd.s32 s1, s30  }
0xc9: {  	s0 =	sor.u32 s4, s0;
	s1 =	sshll.u32 s1, $0x11  }
0xca: {  	s0 =	sor.u32 s1, s0  }
0xcb: {  	s0 =	sadd.s32 $0x8F2B, s0  }
0xcc: {  	[sflag:s0] =	ssyncadd.remote.s32 $0x1  }
0xcd: {  	_ =	sfence.sel $0xFFFF  }
0xce: {  	[dreg:$0x0] =	wrdreg $0xFFFFFFFF;
	(pc) =	sbr.abs _section_cstart, $3  }
0xcf: {  	[dreg:$0x1] =	wrdreg $0xFFFFFFFF  }
0xd0: {  	_ =	task.clear_ibuf [dreg:s22], $0x2FFFF;
	_ =	strace $0x9FFFFFFF  }
0xd1: {  	(tm) =	ssettm $0x7FFFFFFF  }
tec
execute0_lowered:
.L_overlay_start_1:
0x0: {  	(tag) =	ssettag $0x1  }
0x1: {  	s0 =	srdreg.scid  }
0x2: {  	s1 =	rddreg [dreg:$0x0];
	s10 =	stileid.u32  }
0x3: {  	s2 =	rddreg [dreg:$0x1];
	s13 =	simm.s32 $0x80;
	s17 =	simm.s32 $0xC00  }
0x4: {  	s18 =	simm.s32 $0xC80;
	s19 =	simm.s32 $0xD00;
	s20 =	simm.s32 $0xD80  }
0x5: {  	s21 =	simm.s32 $0xE00;
	s22 =	simm.s32 $0xE80;
	s23 =	simm.s32 $0xF00  }
0x6: {  	s24 =	simm.s32 $0xF80;
	s28 =	simm.s32 $0x1100;
	s29 =	simm.s32 $0x1180  }
0x7: {  	s30 =	simm.s32 $0x1200;
	s31 =	simm.s32 $0x1280;
	s14 =	simm.s32 $0x1  }
0x8: {  	s15 =	simm.s32 $0x0;
	s0 =	sand.u32 $0x1, s0;
	s5 =	smul.u32 $0x14000, s10  }
0x9: {  	s25 =	smul.u32 $0x50000, s10;
	s26 =	sshll.u32 s10, $0x6;
	s3 =	sshll.u32 s0, $0x4  }
0xa: {  	s7 =	smul.u32 $0x140000, s0;
	s0 =	ssub.s32 $0x2, s0;
	s11 =	sor.u32 $0x1C02, s26  }
0xb: {  	s26 =	simm.s32 $0x1080;
	s4 =	sor.u32 s10, s3;
	s3 =	simm.s32 $0x0  }
0xc: {  	s6 =	sshrl.u32 s5, $0x3;
	s9 =	sshrl.u32 s0, $0x1;
	s10 =	simm.s32 $0x1400  }
0xd: {  	s4 =	smul.u32 $0x280, s4;
	[smem:$0x7FF] =	sst s3;
	s6 =	sadd.s32 s6, s1  }
0xe: {  	s5 =	sadd.s32 s5, s7;
	s0 =	ssub.s32 s0, s9;
	s7 =	sshrl.u32 s25, $0x2  }
0xf: {  	s9 =	simm.s32 $0x2;
	s25 =	simm.s32 $0x1000;
	_ =	strace $0x8000004A  }
0x10: {  	s5 =	sshrl.u32 s5, $0x3;
	s12 =	sadd.s32 s7, s2;
	s6 =	sadd.s32 $0xAD200, s6  }
0x11: {  	s8 =	sadd.s32 s4, s1;
	s4 =	sadd.s32 $0xD5200, s1;
	s1 =	sadd.s32 s5, s1  }
0x12: {  	s12 =	sshrl.u32 s12, $0x3;
	s5 =	sadd.s32 $0xA8200, s8;
	s7 =	sadd.s32 $0xD5A00, s1  }
0x13: {  	s8 =	smax.u32 s0, $0x1;
	s1 =	simm.s32 $0x1300;
	s0 =	simm.s32 $0x1380  }
.LBB2_1:
0x14: {  	[tilespmem:s3], [sflag:$0x2] =	stream.linear.gather [hbm4b:s5+s3], $0x1400, $0x38;
	[tilespmem:$0x19400] =	vst v63  }
0x15: {  	_ =	swait.ge [sflag:s9], $0x1400  }
0x16: {  	[sflag:s9] =	ssyncset.done $0x0  }
0x17: {  	[sflag:s9] =	ssyncadd.s32 $0xFFFFEC00  }
0x18: {  	[tilespmem:s10], [sflag:$0x2] =	stream.linear.gather [hbm4b:s4+s3], $0x4000, $0x38;
	[tilespmem:$0x19400] =	vst v63  }
0x19: {  	_ =	swait.ge [sflag:s9], $0x4000  }
0x1a: {  	[sflag:s9] =	ssyncset.done $0x0  }
0x1b: {  	[sflag:s9] =	ssyncadd.s32 $0xFFFFC000  }
0x1c: {  	[spmem:s12], [sflag:s11] =	dma.local [hbm:s6], $0x2800  }
0x1d: {  	_ =	swait.ge [sflag:s9], $0x2800  }
0x1e: {  	[sflag:s9] =	ssyncset.done $0x0  }
0x1f: {  	[sflag:s9] =	ssyncadd.s32 $0xFFFFD800  }
0x20: {  	[bflag:$0x0] =	sbarrier.arrive $0xFFFF  }
0x21: {  	[spmem:s2] =	stream.indirect.scatter.add.f32 [tilespmem:s10], [sflag:$0x1], $0x80, s3, s13, $0xb8;
	[tilespmem:$0x19400] =	vst v63  }
0x22: {  	_ = 	snop  }
0x23: {  	[spmem:s2] =	stream.indirect.scatter.add.f32 [tilespmem:s10], [sflag:$0x1], $0x80, s13, s13, $0xb8;
	[tilespmem:$0x19400] =	vst v63  }
0x24: {  	s16 =	simm.s32 $0x100  }
0x25: {  	[spmem:s2] =	stream.indirect.scatter.add.f32 [tilespmem:s10], [sflag:$0x1], $0x80, s16, s13, $0xb8;
	[tilespmem:$0x19400] =	vst v63  }
0x26: {  	s16 =	simm.s32 $0x180  }
0x27: {  	[spmem:s2] =	stream.indirect.scatter.add.f32 [tilespmem:s10], [sflag:$0x1], $0x80, s16, s13, $0xb8;
	[tilespmem:$0x19400] =	vst v63  }
0x28: {  	s16 =	simm.s32 $0x200  }
0x29: {  	[spmem:s2] =	stream.indirect.scatter.add.f32 [tilespmem:s10], [sflag:$0x1], $0x80, s16, s13, $0xb8;
	[tilespmem:$0x19400] =	vst v63  }
0x2a: {  	s16 =	simm.s32 $0x280  }
0x2b: {  	[spmem:s2] =	stream.indirect.scatter.add.f32 [tilespmem:s10], [sflag:$0x1], $0x80, s16, s13, $0xb8;
	[tilespmem:$0x19400] =	vst v63  }
0x2c: {  	s16 =	simm.s32 $0x300  }
0x2d: {  	[spmem:s2] =	stream.indirect.scatter.add.f32 [tilespmem:s10], [sflag:$0x1], $0x80, s16, s13, $0xb8;
	[tilespmem:$0x19400] =	vst v63  }
0x2e: {  	s16 =	simm.s32 $0x380  }
0x2f: {  	[spmem:s2] =	stream.indirect.scatter.add.f32 [tilespmem:s10], [sflag:$0x1], $0x80, s16, s13, $0xb8;
	[tilespmem:$0x19400] =	vst v63  }
0x30: {  	s16 =	simm.s32 $0x400  }
0x31: {  	[spmem:s2] =	stream.indirect.scatter.add.f32 [tilespmem:s10], [sflag:$0x1], $0x80, s16, s13, $0xb8;
	[tilespmem:$0x19400] =	vst v63  }
0x32: {  	s16 =	simm.s32 $0x480  }
0x33: {  	[spmem:s2] =	stream.indirect.scatter.add.f32 [tilespmem:s10], [sflag:$0x1], $0x80, s16, s13, $0xb8;
	[tilespmem:$0x19400] =	vst v63  }
0x34: {  	s16 =	simm.s32 $0x500  }
0x35: {  	[spmem:s2] =	stream.indirect.scatter.add.f32 [tilespmem:s10], [sflag:$0x1], $0x80, s16, s13, $0xb8;
	[tilespmem:$0x19400] =	vst v63  }
0x36: {  	s16 =	simm.s32 $0x580  }
0x37: {  	[spmem:s2] =	stream.indirect.scatter.add.f32 [tilespmem:s10], [sflag:$0x1], $0x80, s16, s13, $0xb8;
	[tilespmem:$0x19400] =	vst v63  }
0x38: {  	s16 =	simm.s32 $0x600  }
0x39: {  	[spmem:s2] =	stream.indirect.scatter.add.f32 [tilespmem:s10], [sflag:$0x1], $0x80, s16, s13, $0xb8;
	[tilespmem:$0x19400] =	vst v63  }
0x3a: {  	s16 =	simm.s32 $0x680  }
0x3b: {  	[spmem:s2] =	stream.indirect.scatter.add.f32 [tilespmem:s10], [sflag:$0x1], $0x80, s16, s13, $0xb8;
	[tilespmem:$0x19400] =	vst v63  }
0x3c: {  	s16 =	simm.s32 $0x700  }
0x3d: {  	[spmem:s2] =	stream.indirect.scatter.add.f32 [tilespmem:s10], [sflag:$0x1], $0x80, s16, s13, $0xb8;
	[tilespmem:$0x19400] =	vst v63  }
0x3e: {  	s16 =	simm.s32 $0x780  }
0x3f: {  	[spmem:s2] =	stream.indirect.scatter.add.f32 [tilespmem:s10], [sflag:$0x1], $0x80, s16, s13, $0xb8;
	[tilespmem:$0x19400] =	vst v63  }
0x40: {  	s16 =	simm.s32 $0x800  }
0x41: {  	[spmem:s2] =	stream.indirect.scatter.add.f32 [tilespmem:s10], [sflag:$0x1], $0x80, s16, s13, $0xb8;
	[tilespmem:$0x19400] =	vst v63  }
0x42: {  	s16 =	simm.s32 $0x880  }
0x43: {  	[spmem:s2] =	stream.indirect.scatter.add.f32 [tilespmem:s10], [sflag:$0x1], $0x80, s16, s13, $0xb8;
	[tilespmem:$0x19400] =	vst v63  }
0x44: {  	s16 =	simm.s32 $0x900  }
0x45: {  	[spmem:s2] =	stream.indirect.scatter.add.f32 [tilespmem:s10], [sflag:$0x1], $0x80, s16, s13, $0xb8;
	[tilespmem:$0x19400] =	vst v63  }
0x46: {  	s16 =	simm.s32 $0x980  }
0x47: {  	[spmem:s2] =	stream.indirect.scatter.add.f32 [tilespmem:s10], [sflag:$0x1], $0x80, s16, s13, $0xb8;
	[tilespmem:$0x19400] =	vst v63  }
0x48: {  	s16 =	simm.s32 $0xA00  }
0x49: {  	[spmem:s2] =	stream.indirect.scatter.add.f32 [tilespmem:s10], [sflag:$0x1], $0x80, s16, s13, $0xb8;
	[tilespmem:$0x19400] =	vst v63  }
0x4a: {  	s16 =	simm.s32 $0xA80  }
0x4b: {  	[spmem:s2] =	stream.indirect.scatter.add.f32 [tilespmem:s10], [sflag:$0x1], $0x80, s16, s13, $0xb8;
	[tilespmem:$0x19400] =	vst v63  }
0x4c: {  	s16 =	simm.s32 $0xB00  }
0x4d: {  	[spmem:s2] =	stream.indirect.scatter.add.f32 [tilespmem:s10], [sflag:$0x1], $0x80, s16, s13, $0xb8;
	[tilespmem:$0x19400] =	vst v63  }
0x4e: {  	s16 =	simm.s32 $0xB80  }
0x4f: {  	[spmem:s2] =	stream.indirect.scatter.add.f32 [tilespmem:s10], [sflag:$0x1], $0x80, s16, s13, $0xb8;
	[tilespmem:$0x19400] =	vst v63  }
0x50: {  	_ = 	snop  }
0x51: {  	[spmem:s2] =	stream.indirect.scatter.add.f32 [tilespmem:s10], [sflag:$0x1], $0x80, s17, s13, $0xb8;
	[tilespmem:$0x19400] =	vst v63  }
0x52: {  	_ = 	snop  }
0x53: {  	[spmem:s2] =	stream.indirect.scatter.add.f32 [tilespmem:s10], [sflag:$0x1], $0x80, s18, s13, $0xb8;
	[tilespmem:$0x19400] =	vst v63  }
0x54: {  	_ = 	snop  }
0x55: {  	[spmem:s2] =	stream.indirect.scatter.add.f32 [tilespmem:s10], [sflag:$0x1], $0x80, s19, s13, $0xb8;
	[tilespmem:$0x19400] =	vst v63  }
0x56: {  	_ = 	snop  }
0x57: {  	[spmem:s2] =	stream.indirect.scatter.add.f32 [tilespmem:s10], [sflag:$0x1], $0x80, s20, s13, $0xb8;
	[tilespmem:$0x19400] =	vst v63  }
0x58: {  	_ = 	snop  }
0x59: {  	[spmem:s2] =	stream.indirect.scatter.add.f32 [tilespmem:s10], [sflag:$0x1], $0x80, s21, s13, $0xb8;
	[tilespmem:$0x19400] =	vst v63  }
0x5a: {  	_ = 	snop  }
0x5b: {  	[spmem:s2] =	stream.indirect.scatter.add.f32 [tilespmem:s10], [sflag:$0x1], $0x80, s22, s13, $0xb8;
	[tilespmem:$0x19400] =	vst v63  }
0x5c: {  	_ = 	snop  }
0x5d: {  	[spmem:s2] =	stream.indirect.scatter.add.f32 [tilespmem:s10], [sflag:$0x1], $0x80, s23, s13, $0xb8;
	[tilespmem:$0x19400] =	vst v63  }
0x5e: {  	_ = 	snop  }
0x5f: {  	[spmem:s2] =	stream.indirect.scatter.add.f32 [tilespmem:s10], [sflag:$0x1], $0x80, s24, s13, $0xb8;
	[tilespmem:$0x19400] =	vst v63  }
0x60: {  	_ = 	snop  }
0x61: {  	[spmem:s2] =	stream.indirect.scatter.add.f32 [tilespmem:s10], [sflag:$0x1], $0x80, s25, s13, $0xb8;
	[tilespmem:$0x19400] =	vst v63  }
0x62: {  	_ = 	snop  }
0x63: {  	[spmem:s2] =	stream.indirect.scatter.add.f32 [tilespmem:s10], [sflag:$0x1], $0x80, s26, s13, $0xb8;
	[tilespmem:$0x19400] =	vst v63  }
0x64: {  	_ = 	snop  }
0x65: {  	[spmem:s2] =	stream.indirect.scatter.add.f32 [tilespmem:s10], [sflag:$0x1], $0x80, s28, s13, $0xb8;
	[tilespmem:$0x19400] =	vst v63  }
0x66: {  	_ = 	snop  }
0x67: {  	[spmem:s2] =	stream.indirect.scatter.add.f32 [tilespmem:s10], [sflag:$0x1], $0x80, s29, s13, $0xb8;
	[tilespmem:$0x19400] =	vst v63  }
0x68: {  	_ = 	snop  }
0x69: {  	[spmem:s2] =	stream.indirect.scatter.add.f32 [tilespmem:s10], [sflag:$0x1], $0x80, s30, s13, $0xb8;
	[tilespmem:$0x19400] =	vst v63  }
0x6a: {  	_ = 	snop  }
0x6b: {  	[spmem:s2] =	stream.indirect.scatter.add.f32 [tilespmem:s10], [sflag:$0x1], $0x80, s31, s13, $0xb8;
	[tilespmem:$0x19400] =	vst v63  }
0x6c: {  	_ = 	snop  }
0x6d: {  	[spmem:s2] =	stream.indirect.scatter.add.f32 [tilespmem:s10], [sflag:$0x1], $0x80, s1, s13, $0xb8;
	[tilespmem:$0x19400] =	vst v63  }
0x6e: {  	_ = 	snop  }
0x6f: {  	[spmem:s2] =	stream.indirect.scatter.add.f32 [tilespmem:s10], [sflag:$0x1], $0x80, s0, s13, $0xb8;
	[tilespmem:$0x19400] =	vst v63  }
0x70: {  	_ =	swait.ge [sflag:s14], $0x4000  }
0x71: {  	s16 =	simm.s32 $0x27;
	[sflag:s14] =	ssyncset.done $0x0  }
.LBB2_2:
0x72: {  	p0 =	sne.s32 s16, $0x1;
	s16 =	sadd.s32 $0xFFFFFFFF, s16;
	[sflag:s14] =	ssyncadd.s32 $0xFFFFC000  }
.Ltmp0:
0x73: {  	(pc) =	sbr.rel @p0 .LBB2_2-.Ltmp0, $3  }
0x74: {  	_ =	sdelay $0x1  }
0x75: {  	_ =	swait.ge [sflag:s14], $0x4000  }
0x76: {  	[sflag:s14] =	ssyncset.done $0x0  }
0x77: {  	s15 =	sadd.s32 $0x1, s15  }
0x78: {  	[sflag:s14] =	ssyncadd.s32 $0xFFFFC000;
	p0 =	sne.s32 s15, s8  }
.Ltmp1:
0x79: {  	[bflag:$0x0] =	sbarrier.arrive $0xFFFF;
	(pc) =	sbr.rel @p0 .LBB2_1-.Ltmp1, $4  }
0x7a: {  	[hbm:s7], [sflag:s11] =	dma.local [spmem:s12], $0x2800  }
0x7b: {  	_ =	swait.ge [sflag:s9], $0x2800  }
0x7c: {  	[sflag:s9] =	ssyncset.done $0x0  }
0x7d: {  	[sflag:s9] =	ssyncadd.s32 $0xFFFFD800  }
0x7e: {  	_ =	sfence.sel $0x180000  }
0x7f: {  	[bflag:$0x0] =	sbarrier.arrive $0xFFFF  }
0x80: {  	_ =	strace $0x9000004A  }
0x81: {  	s0 =	stileid.u32;
	[bflag:$0x2] =	sbarrier.arrive $0xFFFF  }
0x82: {  	p0 =	sne.s32 s0, $0x0;
	s0 =	rddreg [dreg:$0x2]  }
0x83: {  	s0 =	sadd.s32 @!p0 $0x100000, s0  }
0x84: {  	[sflag:s0] =	ssyncadd.tile.s32 @!p0 $0x1;
	_ =	shalt  }
.Lfunc_end2:
_tile_overlayer_lowered:
.L_overlay_start_2:
0x85: {  	(tag) =	ssettag $0x2  }
0x86: {  	s0 =	rddreg [dreg:$0x0];
	s2 =	stileid.u32  }
0x87: {  	s1 =	rddreg [dreg:$0x1];
	p0 =	sne.s32 s2, $0x0  }
0x88: {  	s3 =	rddreg [dreg:$0x2];
	[bflag:$0x3] =	sbarrier.arrive $0xFFFF;
	s2 =	simm.s32 @!p0 $0x1C02  }
0x89: {  	[timem:s3], [sflag:s2] =	dma.local @!p0 [hbm:s0], s1  }
0x8a: {  	s0 =	simm.s32 @!p0 $0x2  }
0x8b: {  	_ =	swait.ge @!p0 [sflag:s0], s1  }
0x8c: {  	s1 =	ssub.s32 @!p0 $0x0, s1;
	[sflag:s0] =	ssyncset.done @!p0 $0x0  }
0x8d: {  	[sflag:s0] =	ssyncadd.s32 @!p0 s1  }
0x8e: {  	[bflag:$0x3] =	sbarrier.arrive $0xFFFF  }
0x8f: {  	_ =	shalt  }

</sc_bundles>
